<compile_context>
chip_gen: v7x
topology: tpu7x:2x2x1
jax: 0.10.2.dev20260603
libtpu: 0.0.44.dev20260713+nightly
codegen_flags: <defaults>
</compile_context>

<pallas_src>
import jax
import jax.numpy as jnp
from jax import lax
from jax.experimental import pallas as pl
from jax.experimental.pallas import tpu as pltpu
from jax.experimental.pallas import tpu_sc as plsc

L1, L2, N, C = 2048, 4096, 8, 3

QTC = 3584
QSC = L2 - QTC
L2_BLK = 896
NSC = 32
PARTS = NSC // N
QS = QSC // PARTS
RCH = L1 // 16
QU = 4
BIG = 3.0e38



def _nn_tc_kernel(c1m2_ref, c2_ref, iota_ref, out_ref):
    c1m2 = c1m2_ref[0]
    c2b = c2_ref[0]
    dots2 = jax.lax.dot_general(
        c1m2.astype(jnp.bfloat16), c2b.astype(jnp.bfloat16),
        (((1,), (0,)), ((), ())),
        preferred_element_type=jnp.float32)
    sq1 = 0.25 * jnp.sum(c1m2 * c1m2, axis=1, keepdims=True)
    sq2 = jnp.sum(c2b * c2b, axis=0, keepdims=True)
    d = (sq2 + sq1) + dots2
    dmin = jnp.min(d, axis=0, keepdims=True)
    iota = iota_ref[0]
    idx = jnp.min(jnp.where(d <= dmin, iota, float(L1)), axis=0)
    out_ref[0, 0, :] = idx.astype(jnp.int32)


def _nn_tc(c1t, c2t):
    iota = jnp.arange(L1, dtype=jnp.float32).reshape(1, L1, 1)
    return pl.pallas_call(
        _nn_tc_kernel,
        grid=(N, QTC // L2_BLK),
        in_specs=[
            pl.BlockSpec((1, L1, C), lambda i, j: (i, 0, 0)),
            pl.BlockSpec((1, C, L2_BLK), lambda i, j: (i, 0, j)),
            pl.BlockSpec((1, L1, 1), lambda i, j: (0, 0, 0)),
        ],
        out_specs=pl.BlockSpec((1, 1, L2_BLK), lambda i, j: (i, 0, j)),
        out_shape=jax.ShapeDtypeStruct((N, 1, QTC), jnp.int32),
    )(c1t, c2t, iota)



def _rne_bf16(v):
    t = lax.bitcast_convert_type(v, jnp.int32)
    t = (t + 0x7FFF + (jnp.right_shift(t, 16) & 1)) & jnp.int32(-65536)
    return lax.bitcast_convert_type(t, jnp.float32)


def _sc_body(refs_hbm, qrys_hbm, out_hbm, refraw, qryraw, refv, qryv,
             sq1v, sq2v, outv, sem):
    del sem
    w = lax.axis_index("c") * 16 + lax.axis_index("s")
    n = w // PARTS
    part = w % PARTS
    pltpu.sync_copy(refs_hbm.at[n], refraw)
    pltpu.sync_copy(qrys_hbm.at[n, :, pl.ds(QTC + part * QS, QS)], qryraw)

    def sq1_body(cc, _):
        x = refraw[0, pl.ds(cc * 16, 16)]
        y = refraw[1, pl.ds(cc * 16, 16)]
        z = refraw[2, pl.ds(cc * 16, 16)]
        refv[0, pl.ds(cc * 16, 16)] = _rne_bf16(x) * (-2.0)
        refv[1, pl.ds(cc * 16, 16)] = _rne_bf16(y) * (-2.0)
        refv[2, pl.ds(cc * 16, 16)] = _rne_bf16(z) * (-2.0)
        sq1v[pl.ds(cc * 16, 16)] = (x * x + y * y) + z * z
        return 0
    lax.fori_loop(0, RCH, sq1_body, 0)

    def sq2_body(cc, _):
        x = qryraw[0, pl.ds(cc * 16, 16)]
        y = qryraw[1, pl.ds(cc * 16, 16)]
        z = qryraw[2, pl.ds(cc * 16, 16)]
        qryv[0, pl.ds(cc * 16, 16)] = _rne_bf16(x)
        qryv[1, pl.ds(cc * 16, 16)] = _rne_bf16(y)
        qryv[2, pl.ds(cc * 16, 16)] = _rne_bf16(z)
        sq2v[pl.ds(cc * 16, 16)] = (x * x + y * y) + z * z
        return 0
    lax.fori_loop(0, QS // 16, sq2_body, 0)

    iota16 = lax.iota(jnp.int32, 16)

    def lane_min(v):
        for kk in (8, 4, 2, 1):
            v = jnp.minimum(v, v.at[iota16 ^ kk].get(mode="promise_in_bounds"))
        return v

    def group_body(g, _):
        q0 = g * 16
        xqv = qryv[0, pl.ds(q0, 16)]
        yqv = qryv[1, pl.ds(q0, 16)]
        zqv = qryv[2, pl.ds(q0, 16)]
        s2v = sq2v[pl.ds(q0, 16)]
        res = jnp.zeros((16,), jnp.int32)
        for sb in range(16 // QU):
            xq = [xqv[sb * QU + j] for j in range(QU)]
            yq = [yqv[sb * QU + j] for j in range(QU)]
            zq = [zqv[sb * QU + j] for j in range(QU)]
            s2 = [s2v[sb * QU + j] for j in range(QU)]

            def chunk_body(cc, carry):
                rv = list(carry[:QU])
                ri = list(carry[QU:2 * QU])
                idxv = carry[2 * QU]
                xm = refv[0, pl.ds(cc * 16, 16)]
                ym = refv[1, pl.ds(cc * 16, 16)]
                zm = refv[2, pl.ds(cc * 16, 16)]
                s1 = sq1v[pl.ds(cc * 16, 16)]
                for j in range(QU):
                    dots = (xm * xq[j] + ym * yq[j]) + zm * zq[j]
                    d = (s2[j] + s1) + dots
                    cond = d < rv[j]
                    rv[j] = jnp.where(cond, d, rv[j])
                    ri[j] = jnp.where(cond, idxv, ri[j])
                return tuple(rv) + tuple(ri) + (idxv + 16,)

            init = (tuple(jnp.full((16,), BIG, jnp.float32)
                          for _ in range(QU))
                    + tuple(jnp.zeros((16,), jnp.int32) for _ in range(QU))
                    + (iota16,))
            fin = lax.fori_loop(0, RCH, chunk_body, init, unroll=2)
            for j in range(QU):
                rv, ri = fin[j], fin[QU + j]
                mv = lane_min(rv)
                miv = lane_min(jnp.where(rv == mv, ri, jnp.int32(L1)))
                res = jnp.where(iota16 == sb * QU + j, miv, res)
        outv[pl.ds(q0, 16)] = res
        return 0

    lax.fori_loop(0, QS // 16, group_body, 0)
    pltpu.sync_copy(outv, out_hbm.at[w])


def _nn_sc(refs, qrys):
    mesh = plsc.VectorSubcoreMesh(core_axis_name="c", subcore_axis_name="s")
    f = pl.kernel(
        _sc_body, mesh=mesh,
        out_type=jax.ShapeDtypeStruct((NSC, QS), jnp.int32),
        scratch_types=[
            pltpu.VMEM((3, L1), jnp.float32),
            pltpu.VMEM((3, QS), jnp.float32),
            pltpu.VMEM((3, L1), jnp.float32),
            pltpu.VMEM((3, QS), jnp.float32),
            pltpu.VMEM((L1,), jnp.float32),
            pltpu.VMEM((QS,), jnp.float32),
            pltpu.VMEM((QS,), jnp.int32),
            pltpu.SemaphoreType.DMA,
        ],
    )
    return f(refs, qrys)


def kernel(coords1, coords2):
    l1, n, c = coords1.shape
    l2 = coords2.shape[0]
    c1r = jnp.transpose(coords1, (1, 0, 2))
    c2t = jnp.transpose(coords2, (1, 2, 0))

    c1m2 = -2.0 * c1r
    tc_out = _nn_tc(c1m2, c2t[:, :, :QTC])

    refs = jnp.transpose(coords1, (1, 2, 0))
    sc_out = _nn_sc(refs, c2t)

    full = jnp.concatenate(
        [tc_out.reshape(n, QTC), sc_out.reshape(n, QSC)], axis=1)
    idx0 = full.T.reshape(-1).astype(jnp.int64)
    idx1 = jnp.tile(jnp.arange(n, dtype=jnp.int64), l2)
    return idx0, idx1

# --- scband reference (transcript-rebuilt; emitter-appended) ---
"""Pipeline reference for scband-nearest-cluster-29472065585602 (READ-ONLY COPY).

The authoritative reference and input builder live on the scoring server;
editing this copy changes nothing except your own understanding.
"""

import jax, jax.numpy as jnp
import numpy as np

L1, L2, N, C = 2048, 4096, 8, 3


def setup_inputs(seed: int = 0) -> dict:
    key = jax.random.key(seed)
    k1, k2 = jax.random.split(key)
    coords1 = jax.random.normal(k1, (L1, N, C), dtype=jnp.float32)
    coords2 = jax.random.normal(k2, (L2, N, C), dtype=jnp.float32)
    return {"coords1": coords1, "coords2": coords2}


def reference(coords1, coords2):
    # coords1: [L1, N, C] reference points; coords2: [L2, N, C] query points
    l1, n, c = coords1.shape
    l2 = coords2.shape[0]
    # swapdims(0,1) + flatten_batch is equivalent to per-batch-element nearest search
    c1 = jnp.swapaxes(coords1, 0, 1)  # [N, L1, C]
    c2 = jnp.swapaxes(coords2, 0, 1)  # [N, L2, C]
    # squared pairwise distances per batch element: [N, L2, L1]
    sq1 = jnp.sum(c1 * c1, axis=-1)  # [N, L1]
    sq2 = jnp.sum(c2 * c2, axis=-1)  # [N, L2]
    dots = jnp.einsum('nlc,nmc->nlm', c2, c1)  # [N, L2, L1]
    d = sq2[:, :, None] + sq1[:, None, :] - 2.0 * dots
    # for each query point, index of nearest reference point within its batch element
    clusters = jnp.argmin(d, axis=-1).astype(jnp.int64)  # [N, L2], values in [0, L1)
    # torch code: clusters.view(N, L2).T.fmod_(L1) -> [L2, N]; local argmin already < L1
    clusters_t = clusters.T  # [L2, N]
    idx0 = clusters_t.reshape(-1)  # [L2*N] nearest reference index
    # meshgrid(arange(L2), arange(N)) default 'ij'; indices[-1][i, j] = j
    idx1 = jnp.tile(jnp.arange(n, dtype=jnp.int64), l2)  # [L2*N] batch index
    return idx0, idx1

if __name__ == "__main__":
    import jax
    _d = setup_inputs()
    print(jax.jit(kernel)(*tuple(_d.values())))

</pallas_src>

<mosaic_0001>
#map = affine_map<(d0, d1) -> (0, 0, 0)>
#map1 = affine_map<(d0, d1) -> (0, 0)>
module attributes {stable_mosaic.version = 14 : i64} {
  func.func @_sc_body(%arg0: i32, %arg1: i32, %arg2: memref<8x3x2048xf32, #tpu.memory_space<hbm>>, %arg3: memref<8x3x4096xf32, #tpu.memory_space<hbm>>, %arg4: memref<32x128xi32, #tpu.memory_space<hbm>>, %arg5: memref<3x2048xf32, #tpu.memory_space<vmem>>, %arg6: memref<3x128xf32, #tpu.memory_space<vmem>>, %arg7: memref<3x2048xf32, #tpu.memory_space<vmem>>, %arg8: memref<3x128xf32, #tpu.memory_space<vmem>>, %arg9: memref<2048xf32, #tpu.memory_space<vmem>>, %arg10: memref<128xf32, #tpu.memory_space<vmem>>, %arg11: memref<128xi32, #tpu.memory_space<vmem>>, %arg12: memref<!tpu.dma_semaphore, #tpu.memory_space<semaphore_mem>>) attributes {dimension_semantics = [#tpu.dimension_semantics<core_parallel>, #tpu.dimension_semantics<subcore_parallel>], iteration_bounds = array<i64: 2, 16>, scalar_prefetch = 0 : i64, scratch_operands = 8 : i64, tpu.core_type = #tpu.core_type<sc_vector_subcore>, window_params = [{transform_indices = #map}, {transform_indices = #map}, {transform_indices = #map1}]} {
    %mul3A = arith.constant 16 : i32
    %mul3A_0 = arith.muli %arg0, %mul3A : i32
    %add3A = arith.addi %mul3A_0, %arg1 : i32
    %jit3A = arith.constant 4 : i32
    %div3A = arith.divsi %add3A, %jit3A : i32
    %sign3A = arith.constant 0 : i32
    %sign3A_1 = arith.cmpi sgt, %add3A, %sign3A : i32
    %sign3A_2 = arith.extui %sign3A_1 : i1 to i32
    %sign3A_3 = arith.constant 0 : i32
    %sign3A_4 = arith.cmpi slt, %add3A, %sign3A_3 : i32
    %sign3A_5 = arith.extui %sign3A_4 : i1 to i32
    %sign3A_6 = arith.subi %sign3A_2, %sign3A_5 : i32
    %sign3A_7 = arith.constant 0 : i32
    %sign3A_8 = arith.cmpi sgt, %jit3A, %sign3A_7 : i32
    %sign3A_9 = arith.extui %sign3A_8 : i1 to i32
    %sign3A_10 = arith.constant 0 : i32
    %sign3A_11 = arith.cmpi slt, %jit3A, %sign3A_10 : i32
    %sign3A_12 = arith.extui %sign3A_11 : i1 to i32
    %sign3A_13 = arith.subi %sign3A_9, %sign3A_12 : i32
    %ne3A = arith.cmpi ne, %sign3A_6, %sign3A_13 : i32
    %rem3A = arith.remsi %add3A, %jit3A : i32
    %ne3A_14 = arith.constant 0 : i32
    %ne3A_15 = arith.cmpi ne, %rem3A, %ne3A_14 : i32
    %and3A = arith.andi %ne3A, %ne3A_15 : i1
    %sub3A = arith.constant 1 : i32
    %sub3A_16 = arith.subi %div3A, %sub3A : i32
    %select_n3A = arith.select %and3A, %sub3A_16, %div3A : i32
    %jit3A_17 = arith.constant 4 : i32
    %eq3A = arith.constant 0 : i32
    %eq3A_18 = arith.cmpi eq, %jit3A_17, %eq3A : i32
    %jit3A_19 = arith.constant 1 : i32
    %select_n3A_20 = arith.select %eq3A_18, %jit3A_19, %jit3A_17 : i32
    %rem3A_21 = arith.remsi %add3A, %select_n3A_20 : i32
    %ne3A_22 = arith.constant 0 : i32
    %ne3A_23 = arith.cmpi ne, %rem3A_21, %ne3A_22 : i32
    %lt3A = arith.constant 0 : i32
    %lt3A_24 = arith.cmpi slt, %rem3A_21, %lt3A : i32
    %lt3A_25 = arith.constant 0 : i32
    %lt3A_26 = arith.cmpi slt, %select_n3A_20, %lt3A_25 : i32
    %ne3A_27 = arith.xori %lt3A_24, %lt3A_26 : i1
    %and3A_28 = arith.andi %ne3A_27, %ne3A_23 : i1
    %add3A_29 = arith.addi %rem3A_21, %select_n3A_20 : i32
    %select_n3A_30 = arith.select %and3A_28, %add3A_29, %rem3A_21 : i32
    "tpu.region"() ({
      %run_scoped3A = tpu.sem_alloc : memref<!tpu.dma_semaphore, #tpu.memory_space<semaphore_mem>>
      %dma_start3A = arith.constant 0 : i32
      %dma_start3A_55 = arith.constant 0 : i32
      %dma_start3A_56 = tpu.memref_slice %arg2[%select_n3A, %dma_start3A, %dma_start3A_55] : memref<8x3x2048xf32, #tpu.memory_space<hbm>> -> memref<1x3x2048xf32, #tpu.memory_space<hbm>>
      %dma_start3A_57 = tpu.memref_squeeze %dma_start3A_56 : memref<1x3x2048xf32, #tpu.memory_space<hbm>> -> memref<3x2048xf32, #tpu.memory_space<hbm>>
      %dma_start3A_58 = arith.constant 0 : i32
      %dma_start3A_59 = arith.constant 0 : i32
      %dma_start3A_60 = tpu.memref_slice %arg2[%select_n3A, %dma_start3A_58, %dma_start3A_59] : memref<8x3x2048xf32, #tpu.memory_space<hbm>> -> memref<1x3x2048xf32, #tpu.memory_space<hbm>>
      %dma_start3A_61 = tpu.memref_squeeze %dma_start3A_60 : memref<1x3x2048xf32, #tpu.memory_space<hbm>> -> memref<3x2048xf32, #tpu.memory_space<hbm>>
      tpu.enqueue_dma source(%dma_start3A_61 : memref<3x2048xf32, #tpu.memory_space<hbm>>) target(%arg5 : memref<3x2048xf32, #tpu.memory_space<vmem>>) target_semaphore(%run_scoped3A : memref<!tpu.dma_semaphore, #tpu.memory_space<semaphore_mem>>)
      %dma_wait3A = arith.constant 0 : i32
      %dma_wait3A_62 = arith.constant 0 : i32
      %dma_wait3A_63 = tpu.memref_slice %arg2[%select_n3A, %dma_wait3A, %dma_wait3A_62] : memref<8x3x2048xf32, #tpu.memory_space<hbm>> -> memref<1x3x2048xf32, #tpu.memory_space<hbm>>
      %dma_wait3A_64 = tpu.memref_squeeze %dma_wait3A_63 : memref<1x3x2048xf32, #tpu.memory_space<hbm>> -> memref<3x2048xf32, #tpu.memory_space<hbm>>
      %dma_wait3A_65 = arith.constant 0 : i32
      %dma_wait3A_66 = arith.constant 0 : i32
      %dma_wait3A_67 = tpu.memref_slice %arg2[%select_n3A, %dma_wait3A_65, %dma_wait3A_66] : memref<8x3x2048xf32, #tpu.memory_space<hbm>> -> memref<1x3x2048xf32, #tpu.memory_space<hbm>>
      %dma_wait3A_68 = tpu.memref_squeeze %dma_wait3A_67 : memref<1x3x2048xf32, #tpu.memory_space<hbm>> -> memref<3x2048xf32, #tpu.memory_space<hbm>>
      tpu.wait_dma2 semaphore(%run_scoped3A : memref<!tpu.dma_semaphore, #tpu.memory_space<semaphore_mem>>) src(%dma_wait3A_68 : memref<3x2048xf32, #tpu.memory_space<hbm>>) dst(%arg5 : memref<3x2048xf32, #tpu.memory_space<vmem>>)
      tpu.yield
    }) : () -> ()
    %mul3A_31 = arith.constant 128 : i32
    %mul3A_32 = arith.muli %select_n3A_30, %mul3A_31 : i32
    %add3A_33 = arith.constant 3584 : i32
    %add3A_34 = arith.addi %add3A_33, %mul3A_32 : i32
    "tpu.region"() ({
      %run_scoped3A = tpu.sem_alloc : memref<!tpu.dma_semaphore, #tpu.memory_space<semaphore_mem>>
      %dma_start3A = arith.constant 0 : i32
      %dma_start3A_55 = tpu.memref_slice %arg3[%select_n3A, %dma_start3A, %add3A_34] : memref<8x3x4096xf32, #tpu.memory_space<hbm>> -> memref<1x3x128xf32, #tpu.memory_space<hbm>>
      %dma_start3A_56 = tpu.memref_squeeze %dma_start3A_55 : memref<1x3x128xf32, #tpu.memory_space<hbm>> -> memref<3x128xf32, #tpu.memory_space<hbm>>
      %dma_start3A_57 = arith.constant 0 : i32
      %dma_start3A_58 = tpu.memref_slice %arg3[%select_n3A, %dma_start3A_57, %add3A_34] : memref<8x3x4096xf32, #tpu.memory_space<hbm>> -> memref<1x3x128xf32, #tpu.memory_space<hbm>>
      %dma_start3A_59 = tpu.memref_squeeze %dma_start3A_58 : memref<1x3x128xf32, #tpu.memory_space<hbm>> -> memref<3x128xf32, #tpu.memory_space<hbm>>
      tpu.enqueue_dma source(%dma_start3A_59 : memref<3x128xf32, #tpu.memory_space<hbm>>) target(%arg6 : memref<3x128xf32, #tpu.memory_space<vmem>>) target_semaphore(%run_scoped3A : memref<!tpu.dma_semaphore, #tpu.memory_space<semaphore_mem>>)
      %dma_wait3A = arith.constant 0 : i32
      %dma_wait3A_60 = tpu.memref_slice %arg3[%select_n3A, %dma_wait3A, %add3A_34] : memref<8x3x4096xf32, #tpu.memory_space<hbm>> -> memref<1x3x128xf32, #tpu.memory_space<hbm>>
      %dma_wait3A_61 = tpu.memref_squeeze %dma_wait3A_60 : memref<1x3x128xf32, #tpu.memory_space<hbm>> -> memref<3x128xf32, #tpu.memory_space<hbm>>
      %dma_wait3A_62 = arith.constant 0 : i32
      %dma_wait3A_63 = tpu.memref_slice %arg3[%select_n3A, %dma_wait3A_62, %add3A_34] : memref<8x3x4096xf32, #tpu.memory_space<hbm>> -> memref<1x3x128xf32, #tpu.memory_space<hbm>>
      %dma_wait3A_64 = tpu.memref_squeeze %dma_wait3A_63 : memref<1x3x128xf32, #tpu.memory_space<hbm>> -> memref<3x128xf32, #tpu.memory_space<hbm>>
      tpu.wait_dma2 semaphore(%run_scoped3A : memref<!tpu.dma_semaphore, #tpu.memory_space<semaphore_mem>>) src(%dma_wait3A_64 : memref<3x128xf32, #tpu.memory_space<hbm>>) dst(%arg6 : memref<3x128xf32, #tpu.memory_space<vmem>>)
      tpu.yield
    }) : () -> ()
    %scan3A = arith.constant 0 : i32
    %scan3A_35 = arith.constant 0 : i32
    %scan3A_36 = arith.constant 128 : i32
    %scan3A_37 = arith.addi %scan3A_35, %scan3A_36 : i32
    %scan3A_38 = arith.constant 1 : i32
    %scan3A_39 = scf.for %scan3A_55 = %scan3A_35 to %scan3A_37 step %scan3A_38 iter_args(%scan3A_56 = %scan3A) -> (i32)  : i32 {
      %mul3A_57 = arith.constant 16 : i32
      %mul3A_58 = arith.muli %scan3A_55, %mul3A_57 : i32
      %get3A = arith.constant 0 : i32
      %get3A_59 = arith.index_cast %get3A : i32 to index
      %get3A_60 = arith.index_cast %mul3A_58 : i32 to index
      %get3A_61 = tpu.vector_load %arg5[%get3A_59, %get3A_60] {strides = array<i32>} : memref<3x2048xf32, #tpu.memory_space<vmem>>, vector<1x16xf32>,
      %get3A_62 = vector.shape_cast %get3A_61 : vector<1x16xf32> to vector<16xf32>
      %mul3A_63 = arith.constant 16 : i32
      %mul3A_64 = arith.muli %scan3A_55, %mul3A_63 : i32
      %get3A_65 = arith.constant 1 : i32
      %get3A_66 = arith.index_cast %get3A_65 : i32 to index
      %get3A_67 = arith.index_cast %mul3A_64 : i32 to index
      %get3A_68 = tpu.vector_load %arg5[%get3A_66, %get3A_67] {strides = array<i32>} : memref<3x2048xf32, #tpu.memory_space<vmem>>, vector<1x16xf32>,
      %get3A_69 = vector.shape_cast %get3A_68 : vector<1x16xf32> to vector<16xf32>
      %mul3A_70 = arith.constant 16 : i32
      %mul3A_71 = arith.muli %scan3A_55, %mul3A_70 : i32
      %get3A_72 = arith.constant 2 : i32
      %get3A_73 = arith.index_cast %get3A_72 : i32 to index
      %get3A_74 = arith.index_cast %mul3A_71 : i32 to index
      %get3A_75 = tpu.vector_load %arg5[%get3A_73, %get3A_74] {strides = array<i32>} : memref<3x2048xf32, #tpu.memory_space<vmem>>, vector<1x16xf32>,
      %get3A_76 = vector.shape_cast %get3A_75 : vector<1x16xf32> to vector<16xf32>
      %bitcast_convert_type3A = tpu.bitcast %get3A_62 : vector<16xf32> -> vector<16xi32>
      %add3A_77 = arith.constant 32767 : i32
      %add3A_78 = vector.broadcast %add3A_77 : i32 to vector<16xi32>
      %add3A_79 = arith.addi %bitcast_convert_type3A, %add3A_78 : vector<16xi32>
      %shift_right_arithmetic3A = arith.constant 16 : i32
      %shift_right_arithmetic3A_80 = vector.broadcast %shift_right_arithmetic3A : i32 to vector<16xi32>
      %shift_right_arithmetic3A_81 = arith.shrsi %bitcast_convert_type3A, %shift_right_arithmetic3A_80 : vector<16xi32>
      %and3A_82 = arith.constant 1 : i32
      %and3A_83 = vector.broadcast %and3A_82 : i32 to vector<16xi32>
      %and3A_84 = arith.andi %shift_right_arithmetic3A_81, %and3A_83 : vector<16xi32>
      %add3A_85 = arith.addi %add3A_79, %and3A_84 : vector<16xi32>
      %and3A_86 = arith.constant -65536 : i32
      %and3A_87 = vector.broadcast %and3A_86 : i32 to vector<16xi32>
      %and3A_88 = arith.andi %add3A_85, %and3A_87 : vector<16xi32>
      %bitcast_convert_type3A_89 = tpu.bitcast %and3A_88 : vector<16xi32> -> vector<16xf32>
      %mul3A_90 = arith.constant -2.000000e+00 : f32
      %mul3A_91 = vector.broadcast %mul3A_90 : f32 to vector<16xf32>
      %mul3A_92 = arith.mulf %bitcast_convert_type3A_89, %mul3A_91 : vector<16xf32>
      %mul3A_93 = arith.constant 16 : i32
      %mul3A_94 = arith.muli %scan3A_55, %mul3A_93 : i32
      %swap3A = arith.constant 0 : i32
      %swap3A_95 = arith.index_cast %swap3A : i32 to index
      %swap3A_96 = arith.index_cast %mul3A_94 : i32 to index
      %swap3A_97 = tpu.vector_load %arg7[%swap3A_95, %swap3A_96] {strides = array<i32>} : memref<3x2048xf32, #tpu.memory_space<vmem>>, vector<1x16xf32>,
      %swap3A_98 = vector.shape_cast %swap3A_97 : vector<1x16xf32> to vector<16xf32>
      %swap3A_99 = vector.shape_cast %mul3A_92 : vector<16xf32> to vector<1x16xf32>
      tpu.vector_store %arg7[%swap3A_95, %swap3A_96], %swap3A_99 {strides = array<i32>} : memref<3x2048xf32, #tpu.memory_space<vmem>>, vector<1x16xf32>,
      %bitcast_convert_type3A_100 = tpu.bitcast %get3A_69 : vector<16xf32> -> vector<16xi32>
      %add3A_101 = arith.constant 32767 : i32
      %add3A_102 = vector.broadcast %add3A_101 : i32 to vector<16xi32>
      %add3A_103 = arith.addi %bitcast_convert_type3A_100, %add3A_102 : vector<16xi32>
      %shift_right_arithmetic3A_104 = arith.constant 16 : i32
      %shift_right_arithmetic3A_105 = vector.broadcast %shift_right_arithmetic3A_104 : i32 to vector<16xi32>
      %shift_right_arithmetic3A_106 = arith.shrsi %bitcast_convert_type3A_100, %shift_right_arithmetic3A_105 : vector<16xi32>
      %and3A_107 = arith.constant 1 : i32
      %and3A_108 = vector.broadcast %and3A_107 : i32 to vector<16xi32>
      %and3A_109 = arith.andi %shift_right_arithmetic3A_106, %and3A_108 : vector<16xi32>
      %add3A_110 = arith.addi %add3A_103, %and3A_109 : vector<16xi32>
      %and3A_111 = arith.constant -65536 : i32
      %and3A_112 = vector.broadcast %and3A_111 : i32 to vector<16xi32>
      %and3A_113 = arith.andi %add3A_110, %and3A_112 : vector<16xi32>
      %bitcast_convert_type3A_114 = tpu.bitcast %and3A_113 : vector<16xi32> -> vector<16xf32>
      %mul3A_115 = arith.constant -2.000000e+00 : f32
      %mul3A_116 = vector.broadcast %mul3A_115 : f32 to vector<16xf32>
      %mul3A_117 = arith.mulf %bitcast_convert_type3A_114, %mul3A_116 : vector<16xf32>
      %mul3A_118 = arith.constant 16 : i32
      %mul3A_119 = arith.muli %scan3A_55, %mul3A_118 : i32
      %swap3A_120 = arith.constant 1 : i32
      %swap3A_121 = arith.index_cast %swap3A_120 : i32 to index
      %swap3A_122 = arith.index_cast %mul3A_119 : i32 to index
      %swap3A_123 = tpu.vector_load %arg7[%swap3A_121, %swap3A_122] {strides = array<i32>} : memref<3x2048xf32, #tpu.memory_space<vmem>>, vector<1x16xf32>,
      %swap3A_124 = vector.shape_cast %swap3A_123 : vector<1x16xf32> to vector<16xf32>
      %swap3A_125 = vector.shape_cast %mul3A_117 : vector<16xf32> to vector<1x16xf32>
      tpu.vector_store %arg7[%swap3A_121, %swap3A_122], %swap3A_125 {strides = array<i32>} : memref<3x2048xf32, #tpu.memory_space<vmem>>, vector<1x16xf32>,
      %bitcast_convert_type3A_126 = tpu.bitcast %get3A_76 : vector<16xf32> -> vector<16xi32>
      %add3A_127 = arith.constant 32767 : i32
      %add3A_128 = vector.broadcast %add3A_127 : i32 to vector<16xi32>
      %add3A_129 = arith.addi %bitcast_convert_type3A_126, %add3A_128 : vector<16xi32>
      %shift_right_arithmetic3A_130 = arith.constant 16 : i32
      %shift_right_arithmetic3A_131 = vector.broadcast %shift_right_arithmetic3A_130 : i32 to vector<16xi32>
      %shift_right_arithmetic3A_132 = arith.shrsi %bitcast_convert_type3A_126, %shift_right_arithmetic3A_131 : vector<16xi32>
      %and3A_133 = arith.constant 1 : i32
      %and3A_134 = vector.broadcast %and3A_133 : i32 to vector<16xi32>
      %and3A_135 = arith.andi %shift_right_arithmetic3A_132, %and3A_134 : vector<16xi32>
      %add3A_136 = arith.addi %add3A_129, %and3A_135 : vector<16xi32>
      %and3A_137 = arith.constant -65536 : i32
      %and3A_138 = vector.broadcast %and3A_137 : i32 to vector<16xi32>
      %and3A_139 = arith.andi %add3A_136, %and3A_138 : vector<16xi32>
      %bitcast_convert_type3A_140 = tpu.bitcast %and3A_139 : vector<16xi32> -> vector<16xf32>
      %mul3A_141 = arith.constant -2.000000e+00 : f32
      %mul3A_142 = vector.broadcast %mul3A_141 : f32 to vector<16xf32>
      %mul3A_143 = arith.mulf %bitcast_convert_type3A_140, %mul3A_142 : vector<16xf32>
      %mul3A_144 = arith.constant 16 : i32
      %mul3A_145 = arith.muli %scan3A_55, %mul3A_144 : i32
      %swap3A_146 = arith.constant 2 : i32
      %swap3A_147 = arith.index_cast %swap3A_146 : i32 to index
      %swap3A_148 = arith.index_cast %mul3A_145 : i32 to index
      %swap3A_149 = tpu.vector_load %arg7[%swap3A_147, %swap3A_148] {strides = array<i32>} : memref<3x2048xf32, #tpu.memory_space<vmem>>, vector<1x16xf32>,
      %swap3A_150 = vector.shape_cast %swap3A_149 : vector<1x16xf32> to vector<16xf32>
      %swap3A_151 = vector.shape_cast %mul3A_143 : vector<16xf32> to vector<1x16xf32>
      tpu.vector_store %arg7[%swap3A_147, %swap3A_148], %swap3A_151 {strides = array<i32>} : memref<3x2048xf32, #tpu.memory_space<vmem>>, vector<1x16xf32>,
      %mul3A_152 = arith.mulf %get3A_62, %get3A_62 : vector<16xf32>
      %mul3A_153 = arith.mulf %get3A_69, %get3A_69 : vector<16xf32>
      %add3A_154 = arith.addf %mul3A_152, %mul3A_153 : vector<16xf32>
      %mul3A_155 = arith.mulf %get3A_76, %get3A_76 : vector<16xf32>
      %add3A_156 = arith.addf %add3A_154, %mul3A_155 : vector<16xf32>
      %mul3A_157 = arith.constant 16 : i32
      %mul3A_158 = arith.muli %scan3A_55, %mul3A_157 : i32
      %swap3A_159 = arith.index_cast %mul3A_158 : i32 to index
      %swap3A_160 = tpu.vector_load %arg9[%swap3A_159] {strides = array<i32>} : memref<2048xf32, #tpu.memory_space<vmem>>, vector<16xf32>,
      %swap3A_161 = vector.shape_cast %swap3A_160 : vector<16xf32> to vector<16xf32>
      %swap3A_162 = vector.shape_cast %add3A_156 : vector<16xf32> to vector<16xf32>
      tpu.vector_store %arg9[%swap3A_159], %swap3A_162 {strides = array<i32>} : memref<2048xf32, #tpu.memory_space<vmem>>, vector<16xf32>,
      %scan3A_163 = arith.constant 0 : i32
      scf.yield %scan3A_163 : i32
    }
    %scan3A_40 = arith.constant 128 : i32
    %scan3A_41 = arith.constant 0 : i32
    %scan3A_42 = arith.constant 0 : i32
    %scan3A_43 = arith.constant 8 : i32
    %scan3A_44 = arith.addi %scan3A_42, %scan3A_43 : i32
    %scan3A_45 = arith.constant 1 : i32
    %scan3A_46 = scf.for %scan3A_55 = %scan3A_42 to %scan3A_44 step %scan3A_45 iter_args(%scan3A_56 = %scan3A_41) -> (i32)  : i32 {
      %mul3A_57 = arith.constant 16 : i32
      %mul3A_58 = arith.muli %scan3A_55, %mul3A_57 : i32
      %get3A = arith.constant 0 : i32
      %get3A_59 = arith.index_cast %get3A : i32 to index
      %get3A_60 = arith.index_cast %mul3A_58 : i32 to index
      %get3A_61 = tpu.vector_load %arg6[%get3A_59, %get3A_60] {strides = array<i32>} : memref<3x128xf32, #tpu.memory_space<vmem>>, vector<1x16xf32>,
      %get3A_62 = vector.shape_cast %get3A_61 : vector<1x16xf32> to vector<16xf32>
      %mul3A_63 = arith.constant 16 : i32
      %mul3A_64 = arith.muli %scan3A_55, %mul3A_63 : i32
      %get3A_65 = arith.constant 1 : i32
      %get3A_66 = arith.index_cast %get3A_65 : i32 to index
      %get3A_67 = arith.index_cast %mul3A_64 : i32 to index
      %get3A_68 = tpu.vector_load %arg6[%get3A_66, %get3A_67] {strides = array<i32>} : memref<3x128xf32, #tpu.memory_space<vmem>>, vector<1x16xf32>,
      %get3A_69 = vector.shape_cast %get3A_68 : vector<1x16xf32> to vector<16xf32>
      %mul3A_70 = arith.constant 16 : i32
      %mul3A_71 = arith.muli %scan3A_55, %mul3A_70 : i32
      %get3A_72 = arith.constant 2 : i32
      %get3A_73 = arith.index_cast %get3A_72 : i32 to index
      %get3A_74 = arith.index_cast %mul3A_71 : i32 to index
      %get3A_75 = tpu.vector_load %arg6[%get3A_73, %get3A_74] {strides = array<i32>} : memref<3x128xf32, #tpu.memory_space<vmem>>, vector<1x16xf32>,
      %get3A_76 = vector.shape_cast %get3A_75 : vector<1x16xf32> to vector<16xf32>
      %bitcast_convert_type3A = tpu.bitcast %get3A_62 : vector<16xf32> -> vector<16xi32>
      %add3A_77 = arith.constant 32767 : i32
      %add3A_78 = vector.broadcast %add3A_77 : i32 to vector<16xi32>
      %add3A_79 = arith.addi %bitcast_convert_type3A, %add3A_78 : vector<16xi32>
      %shift_right_arithmetic3A = arith.constant 16 : i32
      %shift_right_arithmetic3A_80 = vector.broadcast %shift_right_arithmetic3A : i32 to vector<16xi32>
      %shift_right_arithmetic3A_81 = arith.shrsi %bitcast_convert_type3A, %shift_right_arithmetic3A_80 : vector<16xi32>
      %and3A_82 = arith.constant 1 : i32
      %and3A_83 = vector.broadcast %and3A_82 : i32 to vector<16xi32>
      %and3A_84 = arith.andi %shift_right_arithmetic3A_81, %and3A_83 : vector<16xi32>
      %add3A_85 = arith.addi %add3A_79, %and3A_84 : vector<16xi32>
      %and3A_86 = arith.constant -65536 : i32
      %and3A_87 = vector.broadcast %and3A_86 : i32 to vector<16xi32>
      %and3A_88 = arith.andi %add3A_85, %and3A_87 : vector<16xi32>
      %bitcast_convert_type3A_89 = tpu.bitcast %and3A_88 : vector<16xi32> -> vector<16xf32>
      %mul3A_90 = arith.constant 16 : i32
      %mul3A_91 = arith.muli %scan3A_55, %mul3A_90 : i32
      %swap3A = arith.constant 0 : i32
      %swap3A_92 = arith.index_cast %swap3A : i32 to index
      %swap3A_93 = arith.index_cast %mul3A_91 : i32 to index
      %swap3A_94 = tpu.vector_load %arg8[%swap3A_92, %swap3A_93] {strides = array<i32>} : memref<3x128xf32, #tpu.memory_space<vmem>>, vector<1x16xf32>,
      %swap3A_95 = vector.shape_cast %swap3A_94 : vector<1x16xf32> to vector<16xf32>
      %swap3A_96 = vector.shape_cast %bitcast_convert_type3A_89 : vector<16xf32> to vector<1x16xf32>
      tpu.vector_store %arg8[%swap3A_92, %swap3A_93], %swap3A_96 {strides = array<i32>} : memref<3x128xf32, #tpu.memory_space<vmem>>, vector<1x16xf32>,
      %bitcast_convert_type3A_97 = tpu.bitcast %get3A_69 : vector<16xf32> -> vector<16xi32>
      %add3A_98 = arith.constant 32767 : i32
      %add3A_99 = vector.broadcast %add3A_98 : i32 to vector<16xi32>
      %add3A_100 = arith.addi %bitcast_convert_type3A_97, %add3A_99 : vector<16xi32>
      %shift_right_arithmetic3A_101 = arith.constant 16 : i32
      %shift_right_arithmetic3A_102 = vector.broadcast %shift_right_arithmetic3A_101 : i32 to vector<16xi32>
      %shift_right_arithmetic3A_103 = arith.shrsi %bitcast_convert_type3A_97, %shift_right_arithmetic3A_102 : vector<16xi32>
      %and3A_104 = arith.constant 1 : i32
      %and3A_105 = vector.broadcast %and3A_104 : i32 to vector<16xi32>
      %and3A_106 = arith.andi %shift_right_arithmetic3A_103, %and3A_105 : vector<16xi32>
      %add3A_107 = arith.addi %add3A_100, %and3A_106 : vector<16xi32>
      %and3A_108 = arith.constant -65536 : i32
      %and3A_109 = vector.broadcast %and3A_108 : i32 to vector<16xi32>
      %and3A_110 = arith.andi %add3A_107, %and3A_109 : vector<16xi32>
      %bitcast_convert_type3A_111 = tpu.bitcast %and3A_110 : vector<16xi32> -> vector<16xf32>
      %mul3A_112 = arith.constant 16 : i32
      %mul3A_113 = arith.muli %scan3A_55, %mul3A_112 : i32
      %swap3A_114 = arith.constant 1 : i32
      %swap3A_115 = arith.index_cast %swap3A_114 : i32 to index
      %swap3A_116 = arith.index_cast %mul3A_113 : i32 to index
      %swap3A_117 = tpu.vector_load %arg8[%swap3A_115, %swap3A_116] {strides = array<i32>} : memref<3x128xf32, #tpu.memory_space<vmem>>, vector<1x16xf32>,
      %swap3A_118 = vector.shape_cast %swap3A_117 : vector<1x16xf32> to vector<16xf32>
      %swap3A_119 = vector.shape_cast %bitcast_convert_type3A_111 : vector<16xf32> to vector<1x16xf32>
      tpu.vector_store %arg8[%swap3A_115, %swap3A_116], %swap3A_119 {strides = array<i32>} : memref<3x128xf32, #tpu.memory_space<vmem>>, vector<1x16xf32>,
      %bitcast_convert_type3A_120 = tpu.bitcast %get3A_76 : vector<16xf32> -> vector<16xi32>
      %add3A_121 = arith.constant 32767 : i32
      %add3A_122 = vector.broadcast %add3A_121 : i32 to vector<16xi32>
      %add3A_123 = arith.addi %bitcast_convert_type3A_120, %add3A_122 : vector<16xi32>
      %shift_right_arithmetic3A_124 = arith.constant 16 : i32
      %shift_right_arithmetic3A_125 = vector.broadcast %shift_right_arithmetic3A_124 : i32 to vector<16xi32>
      %shift_right_arithmetic3A_126 = arith.shrsi %bitcast_convert_type3A_120, %shift_right_arithmetic3A_125 : vector<16xi32>
      %and3A_127 = arith.constant 1 : i32
      %and3A_128 = vector.broadcast %and3A_127 : i32 to vector<16xi32>
      %and3A_129 = arith.andi %shift_right_arithmetic3A_126, %and3A_128 : vector<16xi32>
      %add3A_130 = arith.addi %add3A_123, %and3A_129 : vector<16xi32>
      %and3A_131 = arith.constant -65536 : i32
      %and3A_132 = vector.broadcast %and3A_131 : i32 to vector<16xi32>
      %and3A_133 = arith.andi %add3A_130, %and3A_132 : vector<16xi32>
      %bitcast_convert_type3A_134 = tpu.bitcast %and3A_133 : vector<16xi32> -> vector<16xf32>
      %mul3A_135 = arith.constant 16 : i32
      %mul3A_136 = arith.muli %scan3A_55, %mul3A_135 : i32
      %swap3A_137 = arith.constant 2 : i32
      %swap3A_138 = arith.index_cast %swap3A_137 : i32 to index
      %swap3A_139 = arith.index_cast %mul3A_136 : i32 to index
      %swap3A_140 = tpu.vector_load %arg8[%swap3A_138, %swap3A_139] {strides = array<i32>} : memref<3x128xf32, #tpu.memory_space<vmem>>, vector<1x16xf32>,
      %swap3A_141 = vector.shape_cast %swap3A_140 : vector<1x16xf32> to vector<16xf32>
      %swap3A_142 = vector.shape_cast %bitcast_convert_type3A_134 : vector<16xf32> to vector<1x16xf32>
      tpu.vector_store %arg8[%swap3A_138, %swap3A_139], %swap3A_142 {strides = array<i32>} : memref<3x128xf32, #tpu.memory_space<vmem>>, vector<1x16xf32>,
      %mul3A_143 = arith.mulf %get3A_62, %get3A_62 : vector<16xf32>
      %mul3A_144 = arith.mulf %get3A_69, %get3A_69 : vector<16xf32>
      %add3A_145 = arith.addf %mul3A_143, %mul3A_144 : vector<16xf32>
      %mul3A_146 = arith.mulf %get3A_76, %get3A_76 : vector<16xf32>
      %add3A_147 = arith.addf %add3A_145, %mul3A_146 : vector<16xf32>
      %mul3A_148 = arith.constant 16 : i32
      %mul3A_149 = arith.muli %scan3A_55, %mul3A_148 : i32
      %swap3A_150 = arith.index_cast %mul3A_149 : i32 to index
      %swap3A_151 = tpu.vector_load %arg10[%swap3A_150] {strides = array<i32>} : memref<128xf32, #tpu.memory_space<vmem>>, vector<16xf32>,
      %swap3A_152 = vector.shape_cast %swap3A_151 : vector<16xf32> to vector<16xf32>
      %swap3A_153 = vector.shape_cast %add3A_147 : vector<16xf32> to vector<16xf32>
      tpu.vector_store %arg10[%swap3A_150], %swap3A_153 {strides = array<i32>} : memref<128xf32, #tpu.memory_space<vmem>>, vector<16xf32>,
      %scan3A_154 = arith.constant 0 : i32
      scf.yield %scan3A_154 : i32
    }
    %scan3A_47 = arith.constant 8 : i32
    %iota3A = tpu.iota {dimensions = array<i32: 0>} : vector<16xi32>
    %scan3A_48 = arith.constant 0 : i32
    %scan3A_49 = arith.constant 0 : i32
    %scan3A_50 = arith.constant 8 : i32
    %scan3A_51 = arith.addi %scan3A_49, %scan3A_50 : i32
    %scan3A_52 = arith.constant 1 : i32
    %scan3A_53 = scf.for %scan3A_55 = %scan3A_49 to %scan3A_51 step %scan3A_52 iter_args(%scan3A_56 = %scan3A_48) -> (i32)  : i32 {
      %mul3A_57 = arith.constant 16 : i32
      %mul3A_58 = arith.muli %scan3A_55, %mul3A_57 : i32
      %get3A = arith.constant 0 : i32
      %get3A_59 = arith.index_cast %get3A : i32 to index
      %get3A_60 = arith.index_cast %mul3A_58 : i32 to index
      %get3A_61 = tpu.vector_load %arg8[%get3A_59, %get3A_60] {strides = array<i32>} : memref<3x128xf32, #tpu.memory_space<vmem>>, vector<1x16xf32>,
      %get3A_62 = vector.shape_cast %get3A_61 : vector<1x16xf32> to vector<16xf32>
      %get3A_63 = arith.constant 1 : i32
      %get3A_64 = arith.index_cast %get3A_63 : i32 to index
      %get3A_65 = arith.index_cast %mul3A_58 : i32 to index
      %get3A_66 = tpu.vector_load %arg8[%get3A_64, %get3A_65] {strides = array<i32>} : memref<3x128xf32, #tpu.memory_space<vmem>>, vector<1x16xf32>,
      %get3A_67 = vector.shape_cast %get3A_66 : vector<1x16xf32> to vector<16xf32>
      %get3A_68 = arith.constant 2 : i32
      %get3A_69 = arith.index_cast %get3A_68 : i32 to index
      %get3A_70 = arith.index_cast %mul3A_58 : i32 to index
      %get3A_71 = tpu.vector_load %arg8[%get3A_69, %get3A_70] {strides = array<i32>} : memref<3x128xf32, #tpu.memory_space<vmem>>, vector<1x16xf32>,
      %get3A_72 = vector.shape_cast %get3A_71 : vector<1x16xf32> to vector<16xf32>
      %get3A_73 = arith.index_cast %mul3A_58 : i32 to index
      %get3A_74 = tpu.vector_load %arg10[%get3A_73] {strides = array<i32>} : memref<128xf32, #tpu.memory_space<vmem>>, vector<16xf32>,
      %get3A_75 = vector.shape_cast %get3A_74 : vector<16xf32> to vector<16xf32>
      %broadcast_in_dim3A = arith.constant 0 : i32
      %broadcast_in_dim3A_76 = vector.broadcast %broadcast_in_dim3A : i32 to vector<16xi32>
      %slice3A = vector.extract_strided_slice %get3A_62 {offsets = [0], sizes = [1], strides = [1]} : vector<16xf32> to vector<1xf32>
      %squeeze3A = vector.extract %slice3A[0] : f32 from vector<1xf32>
      %slice3A_77 = vector.extract_strided_slice %get3A_62 {offsets = [1], sizes = [1], strides = [1]} : vector<16xf32> to vector<1xf32>
      %squeeze3A_78 = vector.extract %slice3A_77[0] : f32 from vector<1xf32>
      %slice3A_79 = vector.extract_strided_slice %get3A_62 {offsets = [2], sizes = [1], strides = [1]} : vector<16xf32> to vector<1xf32>
      %squeeze3A_80 = vector.extract %slice3A_79[0] : f32 from vector<1xf32>
      %slice3A_81 = vector.extract_strided_slice %get3A_62 {offsets = [3], sizes = [1], strides = [1]} : vector<16xf32> to vector<1xf32>
      %squeeze3A_82 = vector.extract %slice3A_81[0] : f32 from vector<1xf32>
      %slice3A_83 = vector.extract_strided_slice %get3A_67 {offsets = [0], sizes = [1], strides = [1]} : vector<16xf32> to vector<1xf32>
      %squeeze3A_84 = vector.extract %slice3A_83[0] : f32 from vector<1xf32>
      %slice3A_85 = vector.extract_strided_slice %get3A_67 {offsets = [1], sizes = [1], strides = [1]} : vector<16xf32> to vector<1xf32>
      %squeeze3A_86 = vector.extract %slice3A_85[0] : f32 from vector<1xf32>
      %slice3A_87 = vector.extract_strided_slice %get3A_67 {offsets = [2], sizes = [1], strides = [1]} : vector<16xf32> to vector<1xf32>
      %squeeze3A_88 = vector.extract %slice3A_87[0] : f32 from vector<1xf32>
      %slice3A_89 = vector.extract_strided_slice %get3A_67 {offsets = [3], sizes = [1], strides = [1]} : vector<16xf32> to vector<1xf32>
      %squeeze3A_90 = vector.extract %slice3A_89[0] : f32 from vector<1xf32>
      %slice3A_91 = vector.extract_strided_slice %get3A_72 {offsets = [0], sizes = [1], strides = [1]} : vector<16xf32> to vector<1xf32>
      %squeeze3A_92 = vector.extract %slice3A_91[0] : f32 from vector<1xf32>
      %slice3A_93 = vector.extract_strided_slice %get3A_72 {offsets = [1], sizes = [1], strides = [1]} : vector<16xf32> to vector<1xf32>
      %squeeze3A_94 = vector.extract %slice3A_93[0] : f32 from vector<1xf32>
      %slice3A_95 = vector.extract_strided_slice %get3A_72 {offsets = [2], sizes = [1], strides = [1]} : vector<16xf32> to vector<1xf32>
      %squeeze3A_96 = vector.extract %slice3A_95[0] : f32 from vector<1xf32>
      %slice3A_97 = vector.extract_strided_slice %get3A_72 {offsets = [3], sizes = [1], strides = [1]} : vector<16xf32> to vector<1xf32>
      %squeeze3A_98 = vector.extract %slice3A_97[0] : f32 from vector<1xf32>
      %slice3A_99 = vector.extract_strided_slice %get3A_75 {offsets = [0], sizes = [1], strides = [1]} : vector<16xf32> to vector<1xf32>
      %squeeze3A_100 = vector.extract %slice3A_99[0] : f32 from vector<1xf32>
      %slice3A_101 = vector.extract_strided_slice %get3A_75 {offsets = [1], sizes = [1], strides = [1]} : vector<16xf32> to vector<1xf32>
      %squeeze3A_102 = vector.extract %slice3A_101[0] : f32 from vector<1xf32>
      %slice3A_103 = vector.extract_strided_slice %get3A_75 {offsets = [2], sizes = [1], strides = [1]} : vector<16xf32> to vector<1xf32>
      %squeeze3A_104 = vector.extract %slice3A_103[0] : f32 from vector<1xf32>
      %slice3A_105 = vector.extract_strided_slice %get3A_75 {offsets = [3], sizes = [1], strides = [1]} : vector<16xf32> to vector<1xf32>
      %squeeze3A_106 = vector.extract %slice3A_105[0] : f32 from vector<1xf32>
      %broadcast_in_dim3A_107 = arith.constant 3.000000e+38 : f32
      %broadcast_in_dim3A_108 = vector.broadcast %broadcast_in_dim3A_107 : f32 to vector<16xf32>
      %broadcast_in_dim3A_109 = arith.constant 3.000000e+38 : f32
      %broadcast_in_dim3A_110 = vector.broadcast %broadcast_in_dim3A_109 : f32 to vector<16xf32>
      %broadcast_in_dim3A_111 = arith.constant 3.000000e+38 : f32
      %broadcast_in_dim3A_112 = vector.broadcast %broadcast_in_dim3A_111 : f32 to vector<16xf32>
      %broadcast_in_dim3A_113 = arith.constant 3.000000e+38 : f32
      %broadcast_in_dim3A_114 = vector.broadcast %broadcast_in_dim3A_113 : f32 to vector<16xf32>
      %broadcast_in_dim3A_115 = arith.constant 0 : i32
      %broadcast_in_dim3A_116 = vector.broadcast %broadcast_in_dim3A_115 : i32 to vector<16xi32>
      %broadcast_in_dim3A_117 = arith.constant 0 : i32
      %broadcast_in_dim3A_118 = vector.broadcast %broadcast_in_dim3A_117 : i32 to vector<16xi32>
      %broadcast_in_dim3A_119 = arith.constant 0 : i32
      %broadcast_in_dim3A_120 = vector.broadcast %broadcast_in_dim3A_119 : i32 to vector<16xi32>
      %broadcast_in_dim3A_121 = arith.constant 0 : i32
      %broadcast_in_dim3A_122 = vector.broadcast %broadcast_in_dim3A_121 : i32 to vector<16xi32>
      %scan3A_123 = arith.constant 0 : i32
      %scan3A_124 = arith.constant 128 : i32
      %scan3A_125 = arith.addi %scan3A_123, %scan3A_124 : i32
      %scan3A_126 = arith.constant 2 : i32
      %scan3A_127:9 = scf.for %scan3A_2212 = %scan3A_123 to %scan3A_125 step %scan3A_126 iter_args(%scan3A_2213 = %broadcast_in_dim3A_108, %scan3A_2214 = %broadcast_in_dim3A_110, %scan3A_2215 = %broadcast_in_dim3A_112, %scan3A_2216 = %broadcast_in_dim3A_114, %scan3A_2217 = %broadcast_in_dim3A_116, %scan3A_2218 = %broadcast_in_dim3A_118, %scan3A_2219 = %broadcast_in_dim3A_120, %scan3A_2220 = %broadcast_in_dim3A_122, %scan3A_2221 = %iota3A) -> (vector<16xf32>, vector<16xf32>, vector<16xf32>, vector<16xf32>, vector<16xi32>, vector<16xi32>, vector<16xi32>, vector<16xi32>, vector<16xi32>)  : i32 {
        %mul3A_2222 = arith.constant 16 : i32
        %mul3A_2223 = arith.muli %scan3A_2212, %mul3A_2222 : i32
        %get3A_2224 = arith.constant 0 : i32
        %get3A_2225 = arith.index_cast %get3A_2224 : i32 to index
        %get3A_2226 = arith.index_cast %mul3A_2223 : i32 to index
        %get3A_2227 = tpu.vector_load %arg7[%get3A_2225, %get3A_2226] {strides = array<i32>} : memref<3x2048xf32, #tpu.memory_space<vmem>>, vector<1x16xf32>,
        %get3A_2228 = vector.shape_cast %get3A_2227 : vector<1x16xf32> to vector<16xf32>
        %mul3A_2229 = arith.constant 16 : i32
        %mul3A_2230 = arith.muli %scan3A_2212, %mul3A_2229 : i32
        %get3A_2231 = arith.constant 1 : i32
        %get3A_2232 = arith.index_cast %get3A_2231 : i32 to index
        %get3A_2233 = arith.index_cast %mul3A_2230 : i32 to index
        %get3A_2234 = tpu.vector_load %arg7[%get3A_2232, %get3A_2233] {strides = array<i32>} : memref<3x2048xf32, #tpu.memory_space<vmem>>, vector<1x16xf32>,
        %get3A_2235 = vector.shape_cast %get3A_2234 : vector<1x16xf32> to vector<16xf32>
        %mul3A_2236 = arith.constant 16 : i32
        %mul3A_2237 = arith.muli %scan3A_2212, %mul3A_2236 : i32
        %get3A_2238 = arith.constant 2 : i32
        %get3A_2239 = arith.index_cast %get3A_2238 : i32 to index
        %get3A_2240 = arith.index_cast %mul3A_2237 : i32 to index
        %get3A_2241 = tpu.vector_load %arg7[%get3A_2239, %get3A_2240] {strides = array<i32>} : memref<3x2048xf32, #tpu.memory_space<vmem>>, vector<1x16xf32>,
        %get3A_2242 = vector.shape_cast %get3A_2241 : vector<1x16xf32> to vector<16xf32>
        %mul3A_2243 = arith.constant 16 : i32
        %mul3A_2244 = arith.muli %scan3A_2212, %mul3A_2243 : i32
        %get3A_2245 = arith.index_cast %mul3A_2244 : i32 to index
        %get3A_2246 = tpu.vector_load %arg9[%get3A_2245] {strides = array<i32>} : memref<2048xf32, #tpu.memory_space<vmem>>, vector<16xf32>,
        %get3A_2247 = vector.shape_cast %get3A_2246 : vector<16xf32> to vector<16xf32>
        %mul3A_2248 = vector.broadcast %squeeze3A : f32 to vector<16xf32>
        %mul3A_2249 = arith.mulf %get3A_2228, %mul3A_2248 : vector<16xf32>
        %mul3A_2250 = vector.broadcast %squeeze3A_84 : f32 to vector<16xf32>
        %mul3A_2251 = arith.mulf %get3A_2235, %mul3A_2250 : vector<16xf32>
        %add3A_2252 = arith.addf %mul3A_2249, %mul3A_2251 : vector<16xf32>
        %mul3A_2253 = vector.broadcast %squeeze3A_92 : f32 to vector<16xf32>
        %mul3A_2254 = arith.mulf %get3A_2242, %mul3A_2253 : vector<16xf32>
        %add3A_2255 = arith.addf %add3A_2252, %mul3A_2254 : vector<16xf32>
        %add3A_2256 = vector.broadcast %squeeze3A_100 : f32 to vector<16xf32>
        %add3A_2257 = arith.addf %add3A_2256, %get3A_2247 : vector<16xf32>
        %add3A_2258 = arith.addf %add3A_2257, %add3A_2255 : vector<16xf32>
        %lt3A_2259 = arith.cmpf olt, %add3A_2258, %scan3A_2213 : vector<16xf32>
        %select_n3A_2260 = arith.select %lt3A_2259, %add3A_2258, %scan3A_2213 : vector<16xi1>, vector<16xf32>
        %select_n3A_2261 = arith.select %lt3A_2259, %scan3A_2221, %scan3A_2217 : vector<16xi1>, vector<16xi32>
        %mul3A_2262 = vector.broadcast %squeeze3A_78 : f32 to vector<16xf32>
        %mul3A_2263 = arith.mulf %get3A_2228, %mul3A_2262 : vector<16xf32>
        %mul3A_2264 = vector.broadcast %squeeze3A_86 : f32 to vector<16xf32>
        %mul3A_2265 = arith.mulf %get3A_2235, %mul3A_2264 : vector<16xf32>
        %add3A_2266 = arith.addf %mul3A_2263, %mul3A_2265 : vector<16xf32>
        %mul3A_2267 = vector.broadcast %squeeze3A_94 : f32 to vector<16xf32>
        %mul3A_2268 = arith.mulf %get3A_2242, %mul3A_2267 : vector<16xf32>
        %add3A_2269 = arith.addf %add3A_2266, %mul3A_2268 : vector<16xf32>
        %add3A_2270 = vector.broadcast %squeeze3A_102 : f32 to vector<16xf32>
        %add3A_2271 = arith.addf %add3A_2270, %get3A_2247 : vector<16xf32>
        %add3A_2272 = arith.addf %add3A_2271, %add3A_2269 : vector<16xf32>
        %lt3A_2273 = arith.cmpf olt, %add3A_2272, %scan3A_2214 : vector<16xf32>
        %select_n3A_2274 = arith.select %lt3A_2273, %add3A_2272, %scan3A_2214 : vector<16xi1>, vector<16xf32>
        %select_n3A_2275 = arith.select %lt3A_2273, %scan3A_2221, %scan3A_2218 : vector<16xi1>, vector<16xi32>
        %mul3A_2276 = vector.broadcast %squeeze3A_80 : f32 to vector<16xf32>
        %mul3A_2277 = arith.mulf %get3A_2228, %mul3A_2276 : vector<16xf32>
        %mul3A_2278 = vector.broadcast %squeeze3A_88 : f32 to vector<16xf32>
        %mul3A_2279 = arith.mulf %get3A_2235, %mul3A_2278 : vector<16xf32>
        %add3A_2280 = arith.addf %mul3A_2277, %mul3A_2279 : vector<16xf32>
        %mul3A_2281 = vector.broadcast %squeeze3A_96 : f32 to vector<16xf32>
        %mul3A_2282 = arith.mulf %get3A_2242, %mul3A_2281 : vector<16xf32>
        %add3A_2283 = arith.addf %add3A_2280, %mul3A_2282 : vector<16xf32>
        %add3A_2284 = vector.broadcast %squeeze3A_104 : f32 to vector<16xf32>
        %add3A_2285 = arith.addf %add3A_2284, %get3A_2247 : vector<16xf32>
        %add3A_2286 = arith.addf %add3A_2285, %add3A_2283 : vector<16xf32>
        %lt3A_2287 = arith.cmpf olt, %add3A_2286, %scan3A_2215 : vector<16xf32>
        %select_n3A_2288 = arith.select %lt3A_2287, %add3A_2286, %scan3A_2215 : vector<16xi1>, vector<16xf32>
        %select_n3A_2289 = arith.select %lt3A_2287, %scan3A_2221, %scan3A_2219 : vector<16xi1>, vector<16xi32>
        %mul3A_2290 = vector.broadcast %squeeze3A_82 : f32 to vector<16xf32>
        %mul3A_2291 = arith.mulf %get3A_2228, %mul3A_2290 : vector<16xf32>
        %mul3A_2292 = vector.broadcast %squeeze3A_90 : f32 to vector<16xf32>
        %mul3A_2293 = arith.mulf %get3A_2235, %mul3A_2292 : vector<16xf32>
        %add3A_2294 = arith.addf %mul3A_2291, %mul3A_2293 : vector<16xf32>
        %mul3A_2295 = vector.broadcast %squeeze3A_98 : f32 to vector<16xf32>
        %mul3A_2296 = arith.mulf %get3A_2242, %mul3A_2295 : vector<16xf32>
        %add3A_2297 = arith.addf %add3A_2294, %mul3A_2296 : vector<16xf32>
        %add3A_2298 = vector.broadcast %squeeze3A_106 : f32 to vector<16xf32>
        %add3A_2299 = arith.addf %add3A_2298, %get3A_2247 : vector<16xf32>
        %add3A_2300 = arith.addf %add3A_2299, %add3A_2297 : vector<16xf32>
        %lt3A_2301 = arith.cmpf olt, %add3A_2300, %scan3A_2216 : vector<16xf32>
        %select_n3A_2302 = arith.select %lt3A_2301, %add3A_2300, %scan3A_2216 : vector<16xi1>, vector<16xf32>
        %select_n3A_2303 = arith.select %lt3A_2301, %scan3A_2221, %scan3A_2220 : vector<16xi1>, vector<16xi32>
        %add3A_2304 = arith.constant 16 : i32
        %add3A_2305 = vector.broadcast %add3A_2304 : i32 to vector<16xi32>
        %add3A_2306 = arith.addi %scan3A_2221, %add3A_2305 : vector<16xi32>
        %scan3A_2307 = arith.constant 1 : i32
        %scan3A_2308 = arith.addi %scan3A_2212, %scan3A_2307 : i32
        %mul3A_2309 = arith.constant 16 : i32
        %mul3A_2310 = arith.muli %scan3A_2308, %mul3A_2309 : i32
        %get3A_2311 = arith.constant 0 : i32
        %get3A_2312 = arith.index_cast %get3A_2311 : i32 to index
        %get3A_2313 = arith.index_cast %mul3A_2310 : i32 to index
        %get3A_2314 = tpu.vector_load %arg7[%get3A_2312, %get3A_2313] {strides = array<i32>} : memref<3x2048xf32, #tpu.memory_space<vmem>>, vector<1x16xf32>,
        %get3A_2315 = vector.shape_cast %get3A_2314 : vector<1x16xf32> to vector<16xf32>
        %mul3A_2316 = arith.constant 16 : i32
        %mul3A_2317 = arith.muli %scan3A_2308, %mul3A_2316 : i32
        %get3A_2318 = arith.constant 1 : i32
        %get3A_2319 = arith.index_cast %get3A_2318 : i32 to index
        %get3A_2320 = arith.index_cast %mul3A_2317 : i32 to index
        %get3A_2321 = tpu.vector_load %arg7[%get3A_2319, %get3A_2320] {strides = array<i32>} : memref<3x2048xf32, #tpu.memory_space<vmem>>, vector<1x16xf32>,
        %get3A_2322 = vector.shape_cast %get3A_2321 : vector<1x16xf32> to vector<16xf32>
        %mul3A_2323 = arith.constant 16 : i32
        %mul3A_2324 = arith.muli %scan3A_2308, %mul3A_2323 : i32
        %get3A_2325 = arith.constant 2 : i32
        %get3A_2326 = arith.index_cast %get3A_2325 : i32 to index
        %get3A_2327 = arith.index_cast %mul3A_2324 : i32 to index
        %get3A_2328 = tpu.vector_load %arg7[%get3A_2326, %get3A_2327] {strides = array<i32>} : memref<3x2048xf32, #tpu.memory_space<vmem>>, vector<1x16xf32>,
        %get3A_2329 = vector.shape_cast %get3A_2328 : vector<1x16xf32> to vector<16xf32>
        %mul3A_2330 = arith.constant 16 : i32
        %mul3A_2331 = arith.muli %scan3A_2308, %mul3A_2330 : i32
        %get3A_2332 = arith.index_cast %mul3A_2331 : i32 to index
        %get3A_2333 = tpu.vector_load %arg9[%get3A_2332] {strides = array<i32>} : memref<2048xf32, #tpu.memory_space<vmem>>, vector<16xf32>,
        %get3A_2334 = vector.shape_cast %get3A_2333 : vector<16xf32> to vector<16xf32>
        %mul3A_2335 = vector.broadcast %squeeze3A : f32 to vector<16xf32>
        %mul3A_2336 = arith.mulf %get3A_2315, %mul3A_2335 : vector<16xf32>
        %mul3A_2337 = vector.broadcast %squeeze3A_84 : f32 to vector<16xf32>
        %mul3A_2338 = arith.mulf %get3A_2322, %mul3A_2337 : vector<16xf32>
        %add3A_2339 = arith.addf %mul3A_2336, %mul3A_2338 : vector<16xf32>
        %mul3A_2340 = vector.broadcast %squeeze3A_92 : f32 to vector<16xf32>
        %mul3A_2341 = arith.mulf %get3A_2329, %mul3A_2340 : vector<16xf32>
        %add3A_2342 = arith.addf %add3A_2339, %mul3A_2341 : vector<16xf32>
        %add3A_2343 = vector.broadcast %squeeze3A_100 : f32 to vector<16xf32>
        %add3A_2344 = arith.addf %add3A_2343, %get3A_2334 : vector<16xf32>
        %add3A_2345 = arith.addf %add3A_2344, %add3A_2342 : vector<16xf32>
        %lt3A_2346 = arith.cmpf olt, %add3A_2345, %select_n3A_2260 : vector<16xf32>
        %select_n3A_2347 = arith.select %lt3A_2346, %add3A_2345, %select_n3A_2260 : vector<16xi1>, vector<16xf32>
        %select_n3A_2348 = arith.select %lt3A_2346, %add3A_2306, %select_n3A_2261 : vector<16xi1>, vector<16xi32>
        %mul3A_2349 = vector.broadcast %squeeze3A_78 : f32 to vector<16xf32>
        %mul3A_2350 = arith.mulf %get3A_2315, %mul3A_2349 : vector<16xf32>
        %mul3A_2351 = vector.broadcast %squeeze3A_86 : f32 to vector<16xf32>
        %mul3A_2352 = arith.mulf %get3A_2322, %mul3A_2351 : vector<16xf32>
        %add3A_2353 = arith.addf %mul3A_2350, %mul3A_2352 : vector<16xf32>
        %mul3A_2354 = vector.broadcast %squeeze3A_94 : f32 to vector<16xf32>
        %mul3A_2355 = arith.mulf %get3A_2329, %mul3A_2354 : vector<16xf32>
        %add3A_2356 = arith.addf %add3A_2353, %mul3A_2355 : vector<16xf32>
        %add3A_2357 = vector.broadcast %squeeze3A_102 : f32 to vector<16xf32>
        %add3A_2358 = arith.addf %add3A_2357, %get3A_2334 : vector<16xf32>
        %add3A_2359 = arith.addf %add3A_2358, %add3A_2356 : vector<16xf32>
        %lt3A_2360 = arith.cmpf olt, %add3A_2359, %select_n3A_2274 : vector<16xf32>
        %select_n3A_2361 = arith.select %lt3A_2360, %add3A_2359, %select_n3A_2274 : vector<16xi1>, vector<16xf32>
        %select_n3A_2362 = arith.select %lt3A_2360, %add3A_2306, %select_n3A_2275 : vector<16xi1>, vector<16xi32>
        %mul3A_2363 = vector.broadcast %squeeze3A_80 : f32 to vector<16xf32>
        %mul3A_2364 = arith.mulf %get3A_2315, %mul3A_2363 : vector<16xf32>
        %mul3A_2365 = vector.broadcast %squeeze3A_88 : f32 to vector<16xf32>
        %mul3A_2366 = arith.mulf %get3A_2322, %mul3A_2365 : vector<16xf32>
        %add3A_2367 = arith.addf %mul3A_2364, %mul3A_2366 : vector<16xf32>
        %mul3A_2368 = vector.broadcast %squeeze3A_96 : f32 to vector<16xf32>
        %mul3A_2369 = arith.mulf %get3A_2329, %mul3A_2368 : vector<16xf32>
        %add3A_2370 = arith.addf %add3A_2367, %mul3A_2369 : vector<16xf32>
        %add3A_2371 = vector.broadcast %squeeze3A_104 : f32 to vector<16xf32>
        %add3A_2372 = arith.addf %add3A_2371, %get3A_2334 : vector<16xf32>
        %add3A_2373 = arith.addf %add3A_2372, %add3A_2370 : vector<16xf32>
        %lt3A_2374 = arith.cmpf olt, %add3A_2373, %select_n3A_2288 : vector<16xf32>
        %select_n3A_2375 = arith.select %lt3A_2374, %add3A_2373, %select_n3A_2288 : vector<16xi1>, vector<16xf32>
        %select_n3A_2376 = arith.select %lt3A_2374, %add3A_2306, %select_n3A_2289 : vector<16xi1>, vector<16xi32>
        %mul3A_2377 = vector.broadcast %squeeze3A_82 : f32 to vector<16xf32>
        %mul3A_2378 = arith.mulf %get3A_2315, %mul3A_2377 : vector<16xf32>
        %mul3A_2379 = vector.broadcast %squeeze3A_90 : f32 to vector<16xf32>
        %mul3A_2380 = arith.mulf %get3A_2322, %mul3A_2379 : vector<16xf32>
        %add3A_2381 = arith.addf %mul3A_2378, %mul3A_2380 : vector<16xf32>
        %mul3A_2382 = vector.broadcast %squeeze3A_98 : f32 to vector<16xf32>
        %mul3A_2383 = arith.mulf %get3A_2329, %mul3A_2382 : vector<16xf32>
        %add3A_2384 = arith.addf %add3A_2381, %mul3A_2383 : vector<16xf32>
        %add3A_2385 = vector.broadcast %squeeze3A_106 : f32 to vector<16xf32>
        %add3A_2386 = arith.addf %add3A_2385, %get3A_2334 : vector<16xf32>
        %add3A_2387 = arith.addf %add3A_2386, %add3A_2384 : vector<16xf32>
        %lt3A_2388 = arith.cmpf olt, %add3A_2387, %select_n3A_2302 : vector<16xf32>
        %select_n3A_2389 = arith.select %lt3A_2388, %add3A_2387, %select_n3A_2302 : vector<16xi1>, vector<16xf32>
        %select_n3A_2390 = arith.select %lt3A_2388, %add3A_2306, %select_n3A_2303 : vector<16xi1>, vector<16xi32>
        %add3A_2391 = arith.constant 16 : i32
        %add3A_2392 = vector.broadcast %add3A_2391 : i32 to vector<16xi32>
        %add3A_2393 = arith.addi %add3A_2306, %add3A_2392 : vector<16xi32>
        scf.yield %select_n3A_2347, %select_n3A_2361, %select_n3A_2375, %select_n3A_2389, %select_n3A_2348, %select_n3A_2362, %select_n3A_2376, %select_n3A_2390, %add3A_2393 : vector<16xf32>, vector<16xf32>, vector<16xf32>, vector<16xf32>, vector<16xi32>, vector<16xi32>, vector<16xi32>, vector<16xi32>, vector<16xi32>
      }
      %scan3A_128 = arith.constant 128 : i32
      %xor3A = arith.constant 8 : i32
      %xor3A_129 = vector.broadcast %xor3A : i32 to vector<16xi32>
      %xor3A_130 = arith.xori %iota3A, %xor3A_129 : vector<16xi32>
      %lt3A_131 = arith.constant 0 : i32
      %lt3A_132 = vector.broadcast %lt3A_131 : i32 to vector<16xi32>
      %lt3A_133 = arith.cmpi slt, %xor3A_130, %lt3A_132 : vector<16xi32>
      %add3A_134 = arith.constant 16 : i32
      %add3A_135 = vector.broadcast %add3A_134 : i32 to vector<16xi32>
      %add3A_136 = arith.addi %xor3A_130, %add3A_135 : vector<16xi32>
      %select_n3A_137 = arith.select %lt3A_133, %add3A_136, %xor3A_130 : vector<16xi1>, vector<16xi32>
      %broadcast_in_dim3A_138 = vector.shape_cast %select_n3A_137 : vector<16xi32> to vector<16x1xi32>
      %gather3A = vector.shape_cast %broadcast_in_dim3A_138 : vector<16x1xi32> to vector<16xi32>
      %gather3A_139 = tpu.dynamic_gather %scan3A_127#0[%gather3A] in [0] : vector<16xf32>, vector<16xi32> -> vector<16xf32>
      %min3A = arith.minimumf %scan3A_127#0, %gather3A_139 : vector<16xf32>
      %xor3A_140 = arith.constant 4 : i32
      %xor3A_141 = vector.broadcast %xor3A_140 : i32 to vector<16xi32>
      %xor3A_142 = arith.xori %iota3A, %xor3A_141 : vector<16xi32>
      %lt3A_143 = arith.constant 0 : i32
      %lt3A_144 = vector.broadcast %lt3A_143 : i32 to vector<16xi32>
      %lt3A_145 = arith.cmpi slt, %xor3A_142, %lt3A_144 : vector<16xi32>
      %add3A_146 = arith.constant 16 : i32
      %add3A_147 = vector.broadcast %add3A_146 : i32 to vector<16xi32>
      %add3A_148 = arith.addi %xor3A_142, %add3A_147 : vector<16xi32>
      %select_n3A_149 = arith.select %lt3A_145, %add3A_148, %xor3A_142 : vector<16xi1>, vector<16xi32>
      %broadcast_in_dim3A_150 = vector.shape_cast %select_n3A_149 : vector<16xi32> to vector<16x1xi32>
      %gather3A_151 = vector.shape_cast %broadcast_in_dim3A_150 : vector<16x1xi32> to vector<16xi32>
      %gather3A_152 = tpu.dynamic_gather %min3A[%gather3A_151] in [0] : vector<16xf32>, vector<16xi32> -> vector<16xf32>
      %min3A_153 = arith.minimumf %min3A, %gather3A_152 : vector<16xf32>
      %xor3A_154 = arith.constant 2 : i32
      %xor3A_155 = vector.broadcast %xor3A_154 : i32 to vector<16xi32>
      %xor3A_156 = arith.xori %iota3A, %xor3A_155 : vector<16xi32>
      %lt3A_157 = arith.constant 0 : i32
      %lt3A_158 = vector.broadcast %lt3A_157 : i32 to vector<16xi32>
      %lt3A_159 = arith.cmpi slt, %xor3A_156, %lt3A_158 : vector<16xi32>
      %add3A_160 = arith.constant 16 : i32
      %add3A_161 = vector.broadcast %add3A_160 : i32 to vector<16xi32>
      %add3A_162 = arith.addi %xor3A_156, %add3A_161 : vector<16xi32>
      %select_n3A_163 = arith.select %lt3A_159, %add3A_162, %xor3A_156 : vector<16xi1>, vector<16xi32>
      %broadcast_in_dim3A_164 = vector.shape_cast %select_n3A_163 : vector<16xi32> to vector<16x1xi32>
      %gather3A_165 = vector.shape_cast %broadcast_in_dim3A_164 : vector<16x1xi32> to vector<16xi32>
      %gather3A_166 = tpu.dynamic_gather %min3A_153[%gather3A_165] in [0] : vector<16xf32>, vector<16xi32> -> vector<16xf32>
      %min3A_167 = arith.minimumf %min3A_153, %gather3A_166 : vector<16xf32>
      %xor3A_168 = arith.constant 1 : i32
      %xor3A_169 = vector.broadcast %xor3A_168 : i32 to vector<16xi32>
      %xor3A_170 = arith.xori %iota3A, %xor3A_169 : vector<16xi32>
      %lt3A_171 = arith.constant 0 : i32
      %lt3A_172 = vector.broadcast %lt3A_171 : i32 to vector<16xi32>
      %lt3A_173 = arith.cmpi slt, %xor3A_170, %lt3A_172 : vector<16xi32>
      %add3A_174 = arith.constant 16 : i32
      %add3A_175 = vector.broadcast %add3A_174 : i32 to vector<16xi32>
      %add3A_176 = arith.addi %xor3A_170, %add3A_175 : vector<16xi32>
      %select_n3A_177 = arith.select %lt3A_173, %add3A_176, %xor3A_170 : vector<16xi1>, vector<16xi32>
      %broadcast_in_dim3A_178 = vector.shape_cast %select_n3A_177 : vector<16xi32> to vector<16x1xi32>
      %gather3A_179 = vector.shape_cast %broadcast_in_dim3A_178 : vector<16x1xi32> to vector<16xi32>
      %gather3A_180 = tpu.dynamic_gather %min3A_167[%gather3A_179] in [0] : vector<16xf32>, vector<16xi32> -> vector<16xf32>
      %min3A_181 = arith.minimumf %min3A_167, %gather3A_180 : vector<16xf32>
      %eq3A_182 = arith.cmpf oeq, %scan3A_127#0, %min3A_181 : vector<16xf32>
      %jit3A_183 = arith.constant 2048 : i32
      %broadcast_in_dim3A_184 = vector.broadcast %jit3A_183 : i32 to vector<16xi32>
      %select_n3A_185 = arith.select %eq3A_182, %scan3A_127#4, %broadcast_in_dim3A_184 : vector<16xi1>, vector<16xi32>
      %xor3A_186 = arith.constant 8 : i32
      %xor3A_187 = vector.broadcast %xor3A_186 : i32 to vector<16xi32>
      %xor3A_188 = arith.xori %iota3A, %xor3A_187 : vector<16xi32>
      %lt3A_189 = arith.constant 0 : i32
      %lt3A_190 = vector.broadcast %lt3A_189 : i32 to vector<16xi32>
      %lt3A_191 = arith.cmpi slt, %xor3A_188, %lt3A_190 : vector<16xi32>
      %add3A_192 = arith.constant 16 : i32
      %add3A_193 = vector.broadcast %add3A_192 : i32 to vector<16xi32>
      %add3A_194 = arith.addi %xor3A_188, %add3A_193 : vector<16xi32>
      %select_n3A_195 = arith.select %lt3A_191, %add3A_194, %xor3A_188 : vector<16xi1>, vector<16xi32>
      %broadcast_in_dim3A_196 = vector.shape_cast %select_n3A_195 : vector<16xi32> to vector<16x1xi32>
      %gather3A_197 = vector.shape_cast %broadcast_in_dim3A_196 : vector<16x1xi32> to vector<16xi32>
      %gather3A_198 = tpu.dynamic_gather %select_n3A_185[%gather3A_197] in [0] : vector<16xi32>, vector<16xi32> -> vector<16xi32>
      %min3A_199 = arith.minsi %select_n3A_185, %gather3A_198 : vector<16xi32>
      %xor3A_200 = arith.constant 4 : i32
      %xor3A_201 = vector.broadcast %xor3A_200 : i32 to vector<16xi32>
      %xor3A_202 = arith.xori %iota3A, %xor3A_201 : vector<16xi32>
      %lt3A_203 = arith.constant 0 : i32
      %lt3A_204 = vector.broadcast %lt3A_203 : i32 to vector<16xi32>
      %lt3A_205 = arith.cmpi slt, %xor3A_202, %lt3A_204 : vector<16xi32>
      %add3A_206 = arith.constant 16 : i32
      %add3A_207 = vector.broadcast %add3A_206 : i32 to vector<16xi32>
      %add3A_208 = arith.addi %xor3A_202, %add3A_207 : vector<16xi32>
      %select_n3A_209 = arith.select %lt3A_205, %add3A_208, %xor3A_202 : vector<16xi1>, vector<16xi32>
      %broadcast_in_dim3A_210 = vector.shape_cast %select_n3A_209 : vector<16xi32> to vector<16x1xi32>
      %gather3A_211 = vector.shape_cast %broadcast_in_dim3A_210 : vector<16x1xi32> to vector<16xi32>
      %gather3A_212 = tpu.dynamic_gather %min3A_199[%gather3A_211] in [0] : vector<16xi32>, vector<16xi32> -> vector<16xi32>
      %min3A_213 = arith.minsi %min3A_199, %gather3A_212 : vector<16xi32>
      %xor3A_214 = arith.constant 2 : i32
      %xor3A_215 = vector.broadcast %xor3A_214 : i32 to vector<16xi32>
      %xor3A_216 = arith.xori %iota3A, %xor3A_215 : vector<16xi32>
      %lt3A_217 = arith.constant 0 : i32
      %lt3A_218 = vector.broadcast %lt3A_217 : i32 to vector<16xi32>
      %lt3A_219 = arith.cmpi slt, %xor3A_216, %lt3A_218 : vector<16xi32>
      %add3A_220 = arith.constant 16 : i32
      %add3A_221 = vector.broadcast %add3A_220 : i32 to vector<16xi32>
      %add3A_222 = arith.addi %xor3A_216, %add3A_221 : vector<16xi32>
      %select_n3A_223 = arith.select %lt3A_219, %add3A_222, %xor3A_216 : vector<16xi1>, vector<16xi32>
      %broadcast_in_dim3A_224 = vector.shape_cast %select_n3A_223 : vector<16xi32> to vector<16x1xi32>
      %gather3A_225 = vector.shape_cast %broadcast_in_dim3A_224 : vector<16x1xi32> to vector<16xi32>
      %gather3A_226 = tpu.dynamic_gather %min3A_213[%gather3A_225] in [0] : vector<16xi32>, vector<16xi32> -> vector<16xi32>
      %min3A_227 = arith.minsi %min3A_213, %gather3A_226 : vector<16xi32>
      %xor3A_228 = arith.constant 1 : i32
      %xor3A_229 = vector.broadcast %xor3A_228 : i32 to vector<16xi32>
      %xor3A_230 = arith.xori %iota3A, %xor3A_229 : vector<16xi32>
      %lt3A_231 = arith.constant 0 : i32
      %lt3A_232 = vector.broadcast %lt3A_231 : i32 to vector<16xi32>
      %lt3A_233 = arith.cmpi slt, %xor3A_230, %lt3A_232 : vector<16xi32>
      %add3A_234 = arith.constant 16 : i32
      %add3A_235 = vector.broadcast %add3A_234 : i32 to vector<16xi32>
      %add3A_236 = arith.addi %xor3A_230, %add3A_235 : vector<16xi32>
      %select_n3A_237 = arith.select %lt3A_233, %add3A_236, %xor3A_230 : vector<16xi1>, vector<16xi32>
      %broadcast_in_dim3A_238 = vector.shape_cast %select_n3A_237 : vector<16xi32> to vector<16x1xi32>
      %gather3A_239 = vector.shape_cast %broadcast_in_dim3A_238 : vector<16x1xi32> to vector<16xi32>
      %gather3A_240 = tpu.dynamic_gather %min3A_227[%gather3A_239] in [0] : vector<16xi32>, vector<16xi32> -> vector<16xi32>
      %min3A_241 = arith.minsi %min3A_227, %gather3A_240 : vector<16xi32>
      %eq3A_242 = arith.constant 0 : i32
      %eq3A_243 = vector.broadcast %eq3A_242 : i32 to vector<16xi32>
      %eq3A_244 = arith.cmpi eq, %iota3A, %eq3A_243 : vector<16xi32>
      %select_n3A_245 = arith.select %eq3A_244, %min3A_241, %broadcast_in_dim3A_76 : vector<16xi1>, vector<16xi32>
      %xor3A_246 = arith.constant 8 : i32
      %xor3A_247 = vector.broadcast %xor3A_246 : i32 to vector<16xi32>
      %xor3A_248 = arith.xori %iota3A, %xor3A_247 : vector<16xi32>
      %lt3A_249 = arith.constant 0 : i32
      %lt3A_250 = vector.broadcast %lt3A_249 : i32 to vector<16xi32>
      %lt3A_251 = arith.cmpi slt, %xor3A_248, %lt3A_250 : vector<16xi32>
      %add3A_252 = arith.constant 16 : i32
      %add3A_253 = vector.broadcast %add3A_252 : i32 to vector<16xi32>
      %add3A_254 = arith.addi %xor3A_248, %add3A_253 : vector<16xi32>
      %select_n3A_255 = arith.select %lt3A_251, %add3A_254, %xor3A_248 : vector<16xi1>, vector<16xi32>
      %broadcast_in_dim3A_256 = vector.shape_cast %select_n3A_255 : vector<16xi32> to vector<16x1xi32>
      %gather3A_257 = vector.shape_cast %broadcast_in_dim3A_256 : vector<16x1xi32> to vector<16xi32>
      %gather3A_258 = tpu.dynamic_gather %scan3A_127#1[%gather3A_257] in [0] : vector<16xf32>, vector<16xi32> -> vector<16xf32>
      %min3A_259 = arith.minimumf %scan3A_127#1, %gather3A_258 : vector<16xf32>
      %xor3A_260 = arith.constant 4 : i32
      %xor3A_261 = vector.broadcast %xor3A_260 : i32 to vector<16xi32>
      %xor3A_262 = arith.xori %iota3A, %xor3A_261 : vector<16xi32>
      %lt3A_263 = arith.constant 0 : i32
      %lt3A_264 = vector.broadcast %lt3A_263 : i32 to vector<16xi32>
      %lt3A_265 = arith.cmpi slt, %xor3A_262, %lt3A_264 : vector<16xi32>
      %add3A_266 = arith.constant 16 : i32
      %add3A_267 = vector.broadcast %add3A_266 : i32 to vector<16xi32>
      %add3A_268 = arith.addi %xor3A_262, %add3A_267 : vector<16xi32>
      %select_n3A_269 = arith.select %lt3A_265, %add3A_268, %xor3A_262 : vector<16xi1>, vector<16xi32>
      %broadcast_in_dim3A_270 = vector.shape_cast %select_n3A_269 : vector<16xi32> to vector<16x1xi32>
      %gather3A_271 = vector.shape_cast %broadcast_in_dim3A_270 : vector<16x1xi32> to vector<16xi32>
      %gather3A_272 = tpu.dynamic_gather %min3A_259[%gather3A_271] in [0] : vector<16xf32>, vector<16xi32> -> vector<16xf32>
      %min3A_273 = arith.minimumf %min3A_259, %gather3A_272 : vector<16xf32>
      %xor3A_274 = arith.constant 2 : i32
      %xor3A_275 = vector.broadcast %xor3A_274 : i32 to vector<16xi32>
      %xor3A_276 = arith.xori %iota3A, %xor3A_275 : vector<16xi32>
      %lt3A_277 = arith.constant 0 : i32
      %lt3A_278 = vector.broadcast %lt3A_277 : i32 to vector<16xi32>
      %lt3A_279 = arith.cmpi slt, %xor3A_276, %lt3A_278 : vector<16xi32>
      %add3A_280 = arith.constant 16 : i32
      %add3A_281 = vector.broadcast %add3A_280 : i32 to vector<16xi32>
      %add3A_282 = arith.addi %xor3A_276, %add3A_281 : vector<16xi32>
      %select_n3A_283 = arith.select %lt3A_279, %add3A_282, %xor3A_276 : vector<16xi1>, vector<16xi32>
      %broadcast_in_dim3A_284 = vector.shape_cast %select_n3A_283 : vector<16xi32> to vector<16x1xi32>
      %gather3A_285 = vector.shape_cast %broadcast_in_dim3A_284 : vector<16x1xi32> to vector<16xi32>
      %gather3A_286 = tpu.dynamic_gather %min3A_273[%gather3A_285] in [0] : vector<16xf32>, vector<16xi32> -> vector<16xf32>
      %min3A_287 = arith.minimumf %min3A_273, %gather3A_286 : vector<16xf32>
      %xor3A_288 = arith.constant 1 : i32
      %xor3A_289 = vector.broadcast %xor3A_288 : i32 to vector<16xi32>
      %xor3A_290 = arith.xori %iota3A, %xor3A_289 : vector<16xi32>
      %lt3A_291 = arith.constant 0 : i32
      %lt3A_292 = vector.broadcast %lt3A_291 : i32 to vector<16xi32>
      %lt3A_293 = arith.cmpi slt, %xor3A_290, %lt3A_292 : vector<16xi32>
      %add3A_294 = arith.constant 16 : i32
      %add3A_295 = vector.broadcast %add3A_294 : i32 to vector<16xi32>
      %add3A_296 = arith.addi %xor3A_290, %add3A_295 : vector<16xi32>
      %select_n3A_297 = arith.select %lt3A_293, %add3A_296, %xor3A_290 : vector<16xi1>, vector<16xi32>
      %broadcast_in_dim3A_298 = vector.shape_cast %select_n3A_297 : vector<16xi32> to vector<16x1xi32>
      %gather3A_299 = vector.shape_cast %broadcast_in_dim3A_298 : vector<16x1xi32> to vector<16xi32>
      %gather3A_300 = tpu.dynamic_gather %min3A_287[%gather3A_299] in [0] : vector<16xf32>, vector<16xi32> -> vector<16xf32>
      %min3A_301 = arith.minimumf %min3A_287, %gather3A_300 : vector<16xf32>
      %eq3A_302 = arith.cmpf oeq, %scan3A_127#1, %min3A_301 : vector<16xf32>
      %jit3A_303 = arith.constant 2048 : i32
      %broadcast_in_dim3A_304 = vector.broadcast %jit3A_303 : i32 to vector<16xi32>
      %select_n3A_305 = arith.select %eq3A_302, %scan3A_127#5, %broadcast_in_dim3A_304 : vector<16xi1>, vector<16xi32>
      %xor3A_306 = arith.constant 8 : i32
      %xor3A_307 = vector.broadcast %xor3A_306 : i32 to vector<16xi32>
      %xor3A_308 = arith.xori %iota3A, %xor3A_307 : vector<16xi32>
      %lt3A_309 = arith.constant 0 : i32
      %lt3A_310 = vector.broadcast %lt3A_309 : i32 to vector<16xi32>
      %lt3A_311 = arith.cmpi slt, %xor3A_308, %lt3A_310 : vector<16xi32>
      %add3A_312 = arith.constant 16 : i32
      %add3A_313 = vector.broadcast %add3A_312 : i32 to vector<16xi32>
      %add3A_314 = arith.addi %xor3A_308, %add3A_313 : vector<16xi32>
      %select_n3A_315 = arith.select %lt3A_311, %add3A_314, %xor3A_308 : vector<16xi1>, vector<16xi32>
      %broadcast_in_dim3A_316 = vector.shape_cast %select_n3A_315 : vector<16xi32> to vector<16x1xi32>
      %gather3A_317 = vector.shape_cast %broadcast_in_dim3A_316 : vector<16x1xi32> to vector<16xi32>
      %gather3A_318 = tpu.dynamic_gather %select_n3A_305[%gather3A_317] in [0] : vector<16xi32>, vector<16xi32> -> vector<16xi32>
      %min3A_319 = arith.minsi %select_n3A_305, %gather3A_318 : vector<16xi32>
      %xor3A_320 = arith.constant 4 : i32
      %xor3A_321 = vector.broadcast %xor3A_320 : i32 to vector<16xi32>
      %xor3A_322 = arith.xori %iota3A, %xor3A_321 : vector<16xi32>
      %lt3A_323 = arith.constant 0 : i32
      %lt3A_324 = vector.broadcast %lt3A_323 : i32 to vector<16xi32>
      %lt3A_325 = arith.cmpi slt, %xor3A_322, %lt3A_324 : vector<16xi32>
      %add3A_326 = arith.constant 16 : i32
      %add3A_327 = vector.broadcast %add3A_326 : i32 to vector<16xi32>
      %add3A_328 = arith.addi %xor3A_322, %add3A_327 : vector<16xi32>
      %select_n3A_329 = arith.select %lt3A_325, %add3A_328, %xor3A_322 : vector<16xi1>, vector<16xi32>
      %broadcast_in_dim3A_330 = vector.shape_cast %select_n3A_329 : vector<16xi32> to vector<16x1xi32>
      %gather3A_331 = vector.shape_cast %broadcast_in_dim3A_330 : vector<16x1xi32> to vector<16xi32>
      %gather3A_332 = tpu.dynamic_gather %min3A_319[%gather3A_331] in [0] : vector<16xi32>, vector<16xi32> -> vector<16xi32>
      %min3A_333 = arith.minsi %min3A_319, %gather3A_332 : vector<16xi32>
      %xor3A_334 = arith.constant 2 : i32
      %xor3A_335 = vector.broadcast %xor3A_334 : i32 to vector<16xi32>
      %xor3A_336 = arith.xori %iota3A, %xor3A_335 : vector<16xi32>
      %lt3A_337 = arith.constant 0 : i32
      %lt3A_338 = vector.broadcast %lt3A_337 : i32 to vector<16xi32>
      %lt3A_339 = arith.cmpi slt, %xor3A_336, %lt3A_338 : vector<16xi32>
      %add3A_340 = arith.constant 16 : i32
      %add3A_341 = vector.broadcast %add3A_340 : i32 to vector<16xi32>
      %add3A_342 = arith.addi %xor3A_336, %add3A_341 : vector<16xi32>
      %select_n3A_343 = arith.select %lt3A_339, %add3A_342, %xor3A_336 : vector<16xi1>, vector<16xi32>
      %broadcast_in_dim3A_344 = vector.shape_cast %select_n3A_343 : vector<16xi32> to vector<16x1xi32>
      %gather3A_345 = vector.shape_cast %broadcast_in_dim3A_344 : vector<16x1xi32> to vector<16xi32>
      %gather3A_346 = tpu.dynamic_gather %min3A_333[%gather3A_345] in [0] : vector<16xi32>, vector<16xi32> -> vector<16xi32>
      %min3A_347 = arith.minsi %min3A_333, %gather3A_346 : vector<16xi32>
      %xor3A_348 = arith.constant 1 : i32
      %xor3A_349 = vector.broadcast %xor3A_348 : i32 to vector<16xi32>
      %xor3A_350 = arith.xori %iota3A, %xor3A_349 : vector<16xi32>
      %lt3A_351 = arith.constant 0 : i32
      %lt3A_352 = vector.broadcast %lt3A_351 : i32 to vector<16xi32>
      %lt3A_353 = arith.cmpi slt, %xor3A_350, %lt3A_352 : vector<16xi32>
      %add3A_354 = arith.constant 16 : i32
      %add3A_355 = vector.broadcast %add3A_354 : i32 to vector<16xi32>
      %add3A_356 = arith.addi %xor3A_350, %add3A_355 : vector<16xi32>
      %select_n3A_357 = arith.select %lt3A_353, %add3A_356, %xor3A_350 : vector<16xi1>, vector<16xi32>
      %broadcast_in_dim3A_358 = vector.shape_cast %select_n3A_357 : vector<16xi32> to vector<16x1xi32>
      %gather3A_359 = vector.shape_cast %broadcast_in_dim3A_358 : vector<16x1xi32> to vector<16xi32>
      %gather3A_360 = tpu.dynamic_gather %min3A_347[%gather3A_359] in [0] : vector<16xi32>, vector<16xi32> -> vector<16xi32>
      %min3A_361 = arith.minsi %min3A_347, %gather3A_360 : vector<16xi32>
      %eq3A_362 = arith.constant 1 : i32
      %eq3A_363 = vector.broadcast %eq3A_362 : i32 to vector<16xi32>
      %eq3A_364 = arith.cmpi eq, %iota3A, %eq3A_363 : vector<16xi32>
      %select_n3A_365 = arith.select %eq3A_364, %min3A_361, %select_n3A_245 : vector<16xi1>, vector<16xi32>
      %xor3A_366 = arith.constant 8 : i32
      %xor3A_367 = vector.broadcast %xor3A_366 : i32 to vector<16xi32>
      %xor3A_368 = arith.xori %iota3A, %xor3A_367 : vector<16xi32>
      %lt3A_369 = arith.constant 0 : i32
      %lt3A_370 = vector.broadcast %lt3A_369 : i32 to vector<16xi32>
      %lt3A_371 = arith.cmpi slt, %xor3A_368, %lt3A_370 : vector<16xi32>
      %add3A_372 = arith.constant 16 : i32
      %add3A_373 = vector.broadcast %add3A_372 : i32 to vector<16xi32>
      %add3A_374 = arith.addi %xor3A_368, %add3A_373 : vector<16xi32>
      %select_n3A_375 = arith.select %lt3A_371, %add3A_374, %xor3A_368 : vector<16xi1>, vector<16xi32>
      %broadcast_in_dim3A_376 = vector.shape_cast %select_n3A_375 : vector<16xi32> to vector<16x1xi32>
      %gather3A_377 = vector.shape_cast %broadcast_in_dim3A_376 : vector<16x1xi32> to vector<16xi32>
      %gather3A_378 = tpu.dynamic_gather %scan3A_127#2[%gather3A_377] in [0] : vector<16xf32>, vector<16xi32> -> vector<16xf32>
      %min3A_379 = arith.minimumf %scan3A_127#2, %gather3A_378 : vector<16xf32>
      %xor3A_380 = arith.constant 4 : i32
      %xor3A_381 = vector.broadcast %xor3A_380 : i32 to vector<16xi32>
      %xor3A_382 = arith.xori %iota3A, %xor3A_381 : vector<16xi32>
      %lt3A_383 = arith.constant 0 : i32
      %lt3A_384 = vector.broadcast %lt3A_383 : i32 to vector<16xi32>
      %lt3A_385 = arith.cmpi slt, %xor3A_382, %lt3A_384 : vector<16xi32>
      %add3A_386 = arith.constant 16 : i32
      %add3A_387 = vector.broadcast %add3A_386 : i32 to vector<16xi32>
      %add3A_388 = arith.addi %xor3A_382, %add3A_387 : vector<16xi32>
      %select_n3A_389 = arith.select %lt3A_385, %add3A_388, %xor3A_382 : vector<16xi1>, vector<16xi32>
      %broadcast_in_dim3A_390 = vector.shape_cast %select_n3A_389 : vector<16xi32> to vector<16x1xi32>
      %gather3A_391 = vector.shape_cast %broadcast_in_dim3A_390 : vector<16x1xi32> to vector<16xi32>
      %gather3A_392 = tpu.dynamic_gather %min3A_379[%gather3A_391] in [0] : vector<16xf32>, vector<16xi32> -> vector<16xf32>
      %min3A_393 = arith.minimumf %min3A_379, %gather3A_392 : vector<16xf32>
      %xor3A_394 = arith.constant 2 : i32
      %xor3A_395 = vector.broadcast %xor3A_394 : i32 to vector<16xi32>
      %xor3A_396 = arith.xori %iota3A, %xor3A_395 : vector<16xi32>
      %lt3A_397 = arith.constant 0 : i32
      %lt3A_398 = vector.broadcast %lt3A_397 : i32 to vector<16xi32>
      %lt3A_399 = arith.cmpi slt, %xor3A_396, %lt3A_398 : vector<16xi32>
      %add3A_400 = arith.constant 16 : i32
      %add3A_401 = vector.broadcast %add3A_400 : i32 to vector<16xi32>
      %add3A_402 = arith.addi %xor3A_396, %add3A_401 : vector<16xi32>
      %select_n3A_403 = arith.select %lt3A_399, %add3A_402, %xor3A_396 : vector<16xi1>, vector<16xi32>
      %broadcast_in_dim3A_404 = vector.shape_cast %select_n3A_403 : vector<16xi32> to vector<16x1xi32>
      %gather3A_405 = vector.shape_cast %broadcast_in_dim3A_404 : vector<16x1xi32> to vector<16xi32>
      %gather3A_406 = tpu.dynamic_gather %min3A_393[%gather3A_405] in [0] : vector<16xf32>, vector<16xi32> -> vector<16xf32>
      %min3A_407 = arith.minimumf %min3A_393, %gather3A_406 : vector<16xf32>
      %xor3A_408 = arith.constant 1 : i32
      %xor3A_409 = vector.broadcast %xor3A_408 : i32 to vector<16xi32>
      %xor3A_410 = arith.xori %iota3A, %xor3A_409 : vector<16xi32>
      %lt3A_411 = arith.constant 0 : i32
      %lt3A_412 = vector.broadcast %lt3A_411 : i32 to vector<16xi32>
      %lt3A_413 = arith.cmpi slt, %xor3A_410, %lt3A_412 : vector<16xi32>
      %add3A_414 = arith.constant 16 : i32
      %add3A_415 = vector.broadcast %add3A_414 : i32 to vector<16xi32>
      %add3A_416 = arith.addi %xor3A_410, %add3A_415 : vector<16xi32>
      %select_n3A_417 = arith.select %lt3A_413, %add3A_416, %xor3A_410 : vector<16xi1>, vector<16xi32>
      %broadcast_in_dim3A_418 = vector.shape_cast %select_n3A_417 : vector<16xi32> to vector<16x1xi32>
      %gather3A_419 = vector.shape_cast %broadcast_in_dim3A_418 : vector<16x1xi32> to vector<16xi32>
      %gather3A_420 = tpu.dynamic_gather %min3A_407[%gather3A_419] in [0] : vector<16xf32>, vector<16xi32> -> vector<16xf32>
      %min3A_421 = arith.minimumf %min3A_407, %gather3A_420 : vector<16xf32>
      %eq3A_422 = arith.cmpf oeq, %scan3A_127#2, %min3A_421 : vector<16xf32>
      %jit3A_423 = arith.constant 2048 : i32
      %broadcast_in_dim3A_424 = vector.broadcast %jit3A_423 : i32 to vector<16xi32>
      %select_n3A_425 = arith.select %eq3A_422, %scan3A_127#6, %broadcast_in_dim3A_424 : vector<16xi1>, vector<16xi32>
      %xor3A_426 = arith.constant 8 : i32
      %xor3A_427 = vector.broadcast %xor3A_426 : i32 to vector<16xi32>
      %xor3A_428 = arith.xori %iota3A, %xor3A_427 : vector<16xi32>
      %lt3A_429 = arith.constant 0 : i32
      %lt3A_430 = vector.broadcast %lt3A_429 : i32 to vector<16xi32>
      %lt3A_431 = arith.cmpi slt, %xor3A_428, %lt3A_430 : vector<16xi32>
      %add3A_432 = arith.constant 16 : i32
      %add3A_433 = vector.broadcast %add3A_432 : i32 to vector<16xi32>
      %add3A_434 = arith.addi %xor3A_428, %add3A_433 : vector<16xi32>
      %select_n3A_435 = arith.select %lt3A_431, %add3A_434, %xor3A_428 : vector<16xi1>, vector<16xi32>
      %broadcast_in_dim3A_436 = vector.shape_cast %select_n3A_435 : vector<16xi32> to vector<16x1xi32>
      %gather3A_437 = vector.shape_cast %broadcast_in_dim3A_436 : vector<16x1xi32> to vector<16xi32>
      %gather3A_438 = tpu.dynamic_gather %select_n3A_425[%gather3A_437] in [0] : vector<16xi32>, vector<16xi32> -> vector<16xi32>
      %min3A_439 = arith.minsi %select_n3A_425, %gather3A_438 : vector<16xi32>
      %xor3A_440 = arith.constant 4 : i32
      %xor3A_441 = vector.broadcast %xor3A_440 : i32 to vector<16xi32>
      %xor3A_442 = arith.xori %iota3A, %xor3A_441 : vector<16xi32>
      %lt3A_443 = arith.constant 0 : i32
      %lt3A_444 = vector.broadcast %lt3A_443 : i32 to vector<16xi32>
      %lt3A_445 = arith.cmpi slt, %xor3A_442, %lt3A_444 : vector<16xi32>
      %add3A_446 = arith.constant 16 : i32
      %add3A_447 = vector.broadcast %add3A_446 : i32 to vector<16xi32>
      %add3A_448 = arith.addi %xor3A_442, %add3A_447 : vector<16xi32>
      %select_n3A_449 = arith.select %lt3A_445, %add3A_448, %xor3A_442 : vector<16xi1>, vector<16xi32>
      %broadcast_in_dim3A_450 = vector.shape_cast %select_n3A_449 : vector<16xi32> to vector<16x1xi32>
      %gather3A_451 = vector.shape_cast %broadcast_in_dim3A_450 : vector<16x1xi32> to vector<16xi32>
      %gather3A_452 = tpu.dynamic_gather %min3A_439[%gather3A_451] in [0] : vector<16xi32>, vector<16xi32> -> vector<16xi32>
      %min3A_453 = arith.minsi %min3A_439, %gather3A_452 : vector<16xi32>
      %xor3A_454 = arith.constant 2 : i32
      %xor3A_455 = vector.broadcast %xor3A_454 : i32 to vector<16xi32>
      %xor3A_456 = arith.xori %iota3A, %xor3A_455 : vector<16xi32>
      %lt3A_457 = arith.constant 0 : i32
      %lt3A_458 = vector.broadcast %lt3A_457 : i32 to vector<16xi32>
      %lt3A_459 = arith.cmpi slt, %xor3A_456, %lt3A_458 : vector<16xi32>
      %add3A_460 = arith.constant 16 : i32
      %add3A_461 = vector.broadcast %add3A_460 : i32 to vector<16xi32>
      %add3A_462 = arith.addi %xor3A_456, %add3A_461 : vector<16xi32>
      %select_n3A_463 = arith.select %lt3A_459, %add3A_462, %xor3A_456 : vector<16xi1>, vector<16xi32>
      %broadcast_in_dim3A_464 = vector.shape_cast %select_n3A_463 : vector<16xi32> to vector<16x1xi32>
      %gather3A_465 = vector.shape_cast %broadcast_in_dim3A_464 : vector<16x1xi32> to vector<16xi32>
      %gather3A_466 = tpu.dynamic_gather %min3A_453[%gather3A_465] in [0] : vector<16xi32>, vector<16xi32> -> vector<16xi32>
      %min3A_467 = arith.minsi %min3A_453, %gather3A_466 : vector<16xi32>
      %xor3A_468 = arith.constant 1 : i32
      %xor3A_469 = vector.broadcast %xor3A_468 : i32 to vector<16xi32>
      %xor3A_470 = arith.xori %iota3A, %xor3A_469 : vector<16xi32>
      %lt3A_471 = arith.constant 0 : i32
      %lt3A_472 = vector.broadcast %lt3A_471 : i32 to vector<16xi32>
      %lt3A_473 = arith.cmpi slt, %xor3A_470, %lt3A_472 : vector<16xi32>
      %add3A_474 = arith.constant 16 : i32
      %add3A_475 = vector.broadcast %add3A_474 : i32 to vector<16xi32>
      %add3A_476 = arith.addi %xor3A_470, %add3A_475 : vector<16xi32>
      %select_n3A_477 = arith.select %lt3A_473, %add3A_476, %xor3A_470 : vector<16xi1>, vector<16xi32>
      %broadcast_in_dim3A_478 = vector.shape_cast %select_n3A_477 : vector<16xi32> to vector<16x1xi32>
      %gather3A_479 = vector.shape_cast %broadcast_in_dim3A_478 : vector<16x1xi32> to vector<16xi32>
      %gather3A_480 = tpu.dynamic_gather %min3A_467[%gather3A_479] in [0] : vector<16xi32>, vector<16xi32> -> vector<16xi32>
      %min3A_481 = arith.minsi %min3A_467, %gather3A_480 : vector<16xi32>
      %eq3A_482 = arith.constant 2 : i32
      %eq3A_483 = vector.broadcast %eq3A_482 : i32 to vector<16xi32>
      %eq3A_484 = arith.cmpi eq, %iota3A, %eq3A_483 : vector<16xi32>
      %select_n3A_485 = arith.select %eq3A_484, %min3A_481, %select_n3A_365 : vector<16xi1>, vector<16xi32>
      %xor3A_486 = arith.constant 8 : i32
      %xor3A_487 = vector.broadcast %xor3A_486 : i32 to vector<16xi32>
      %xor3A_488 = arith.xori %iota3A, %xor3A_487 : vector<16xi32>
      %lt3A_489 = arith.constant 0 : i32
      %lt3A_490 = vector.broadcast %lt3A_489 : i32 to vector<16xi32>
      %lt3A_491 = arith.cmpi slt, %xor3A_488, %lt3A_490 : vector<16xi32>
      %add3A_492 = arith.constant 16 : i32
      %add3A_493 = vector.broadcast %add3A_492 : i32 to vector<16xi32>
      %add3A_494 = arith.addi %xor3A_488, %add3A_493 : vector<16xi32>
      %select_n3A_495 = arith.select %lt3A_491, %add3A_494, %xor3A_488 : vector<16xi1>, vector<16xi32>
      %broadcast_in_dim3A_496 = vector.shape_cast %select_n3A_495 : vector<16xi32> to vector<16x1xi32>
      %gather3A_497 = vector.shape_cast %broadcast_in_dim3A_496 : vector<16x1xi32> to vector<16xi32>
      %gather3A_498 = tpu.dynamic_gather %scan3A_127#3[%gather3A_497] in [0] : vector<16xf32>, vector<16xi32> -> vector<16xf32>
      %min3A_499 = arith.minimumf %scan3A_127#3, %gather3A_498 : vector<16xf32>
      %xor3A_500 = arith.constant 4 : i32
      %xor3A_501 = vector.broadcast %xor3A_500 : i32 to vector<16xi32>
      %xor3A_502 = arith.xori %iota3A, %xor3A_501 : vector<16xi32>
      %lt3A_503 = arith.constant 0 : i32
      %lt3A_504 = vector.broadcast %lt3A_503 : i32 to vector<16xi32>
      %lt3A_505 = arith.cmpi slt, %xor3A_502, %lt3A_504 : vector<16xi32>
      %add3A_506 = arith.constant 16 : i32
      %add3A_507 = vector.broadcast %add3A_506 : i32 to vector<16xi32>
      %add3A_508 = arith.addi %xor3A_502, %add3A_507 : vector<16xi32>
      %select_n3A_509 = arith.select %lt3A_505, %add3A_508, %xor3A_502 : vector<16xi1>, vector<16xi32>
      %broadcast_in_dim3A_510 = vector.shape_cast %select_n3A_509 : vector<16xi32> to vector<16x1xi32>
      %gather3A_511 = vector.shape_cast %broadcast_in_dim3A_510 : vector<16x1xi32> to vector<16xi32>
      %gather3A_512 = tpu.dynamic_gather %min3A_499[%gather3A_511] in [0] : vector<16xf32>, vector<16xi32> -> vector<16xf32>
      %min3A_513 = arith.minimumf %min3A_499, %gather3A_512 : vector<16xf32>
      %xor3A_514 = arith.constant 2 : i32
      %xor3A_515 = vector.broadcast %xor3A_514 : i32 to vector<16xi32>
      %xor3A_516 = arith.xori %iota3A, %xor3A_515 : vector<16xi32>
      %lt3A_517 = arith.constant 0 : i32
      %lt3A_518 = vector.broadcast %lt3A_517 : i32 to vector<16xi32>
      %lt3A_519 = arith.cmpi slt, %xor3A_516, %lt3A_518 : vector<16xi32>
      %add3A_520 = arith.constant 16 : i32
      %add3A_521 = vector.broadcast %add3A_520 : i32 to vector<16xi32>
      %add3A_522 = arith.addi %xor3A_516, %add3A_521 : vector<16xi32>
      %select_n3A_523 = arith.select %lt3A_519, %add3A_522, %xor3A_516 : vector<16xi1>, vector<16xi32>
      %broadcast_in_dim3A_524 = vector.shape_cast %select_n3A_523 : vector<16xi32> to vector<16x1xi32>
      %gather3A_525 = vector.shape_cast %broadcast_in_dim3A_524 : vector<16x1xi32> to vector<16xi32>
      %gather3A_526 = tpu.dynamic_gather %min3A_513[%gather3A_525] in [0] : vector<16xf32>, vector<16xi32> -> vector<16xf32>
      %min3A_527 = arith.minimumf %min3A_513, %gather3A_526 : vector<16xf32>
      %xor3A_528 = arith.constant 1 : i32
      %xor3A_529 = vector.broadcast %xor3A_528 : i32 to vector<16xi32>
      %xor3A_530 = arith.xori %iota3A, %xor3A_529 : vector<16xi32>
      %lt3A_531 = arith.constant 0 : i32
      %lt3A_532 = vector.broadcast %lt3A_531 : i32 to vector<16xi32>
      %lt3A_533 = arith.cmpi slt, %xor3A_530, %lt3A_532 : vector<16xi32>
      %add3A_534 = arith.constant 16 : i32
      %add3A_535 = vector.broadcast %add3A_534 : i32 to vector<16xi32>
      %add3A_536 = arith.addi %xor3A_530, %add3A_535 : vector<16xi32>
      %select_n3A_537 = arith.select %lt3A_533, %add3A_536, %xor3A_530 : vector<16xi1>, vector<16xi32>
      %broadcast_in_dim3A_538 = vector.shape_cast %select_n3A_537 : vector<16xi32> to vector<16x1xi32>
      %gather3A_539 = vector.shape_cast %broadcast_in_dim3A_538 : vector<16x1xi32> to vector<16xi32>
      %gather3A_540 = tpu.dynamic_gather %min3A_527[%gather3A_539] in [0] : vector<16xf32>, vector<16xi32> -> vector<16xf32>
      %min3A_541 = arith.minimumf %min3A_527, %gather3A_540 : vector<16xf32>
      %eq3A_542 = arith.cmpf oeq, %scan3A_127#3, %min3A_541 : vector<16xf32>
      %jit3A_543 = arith.constant 2048 : i32
      %broadcast_in_dim3A_544 = vector.broadcast %jit3A_543 : i32 to vector<16xi32>
      %select_n3A_545 = arith.select %eq3A_542, %scan3A_127#7, %broadcast_in_dim3A_544 : vector<16xi1>, vector<16xi32>
      %xor3A_546 = arith.constant 8 : i32
      %xor3A_547 = vector.broadcast %xor3A_546 : i32 to vector<16xi32>
      %xor3A_548 = arith.xori %iota3A, %xor3A_547 : vector<16xi32>
      %lt3A_549 = arith.constant 0 : i32
      %lt3A_550 = vector.broadcast %lt3A_549 : i32 to vector<16xi32>
      %lt3A_551 = arith.cmpi slt, %xor3A_548, %lt3A_550 : vector<16xi32>
      %add3A_552 = arith.constant 16 : i32
      %add3A_553 = vector.broadcast %add3A_552 : i32 to vector<16xi32>
      %add3A_554 = arith.addi %xor3A_548, %add3A_553 : vector<16xi32>
      %select_n3A_555 = arith.select %lt3A_551, %add3A_554, %xor3A_548 : vector<16xi1>, vector<16xi32>
      %broadcast_in_dim3A_556 = vector.shape_cast %select_n3A_555 : vector<16xi32> to vector<16x1xi32>
      %gather3A_557 = vector.shape_cast %broadcast_in_dim3A_556 : vector<16x1xi32> to vector<16xi32>
      %gather3A_558 = tpu.dynamic_gather %select_n3A_545[%gather3A_557] in [0] : vector<16xi32>, vector<16xi32> -> vector<16xi32>
      %min3A_559 = arith.minsi %select_n3A_545, %gather3A_558 : vector<16xi32>
      %xor3A_560 = arith.constant 4 : i32
      %xor3A_561 = vector.broadcast %xor3A_560 : i32 to vector<16xi32>
      %xor3A_562 = arith.xori %iota3A, %xor3A_561 : vector<16xi32>
      %lt3A_563 = arith.constant 0 : i32
      %lt3A_564 = vector.broadcast %lt3A_563 : i32 to vector<16xi32>
      %lt3A_565 = arith.cmpi slt, %xor3A_562, %lt3A_564 : vector<16xi32>
      %add3A_566 = arith.constant 16 : i32
      %add3A_567 = vector.broadcast %add3A_566 : i32 to vector<16xi32>
      %add3A_568 = arith.addi %xor3A_562, %add3A_567 : vector<16xi32>
      %select_n3A_569 = arith.select %lt3A_565, %add3A_568, %xor3A_562 : vector<16xi1>, vector<16xi32>
      %broadcast_in_dim3A_570 = vector.shape_cast %select_n3A_569 : vector<16xi32> to vector<16x1xi32>
      %gather3A_571 = vector.shape_cast %broadcast_in_dim3A_570 : vector<16x1xi32> to vector<16xi32>
      %gather3A_572 = tpu.dynamic_gather %min3A_559[%gather3A_571] in [0] : vector<16xi32>, vector<16xi32> -> vector<16xi32>
      %min3A_573 = arith.minsi %min3A_559, %gather3A_572 : vector<16xi32>
      %xor3A_574 = arith.constant 2 : i32
      %xor3A_575 = vector.broadcast %xor3A_574 : i32 to vector<16xi32>
      %xor3A_576 = arith.xori %iota3A, %xor3A_575 : vector<16xi32>
      %lt3A_577 = arith.constant 0 : i32
      %lt3A_578 = vector.broadcast %lt3A_577 : i32 to vector<16xi32>
      %lt3A_579 = arith.cmpi slt, %xor3A_576, %lt3A_578 : vector<16xi32>
      %add3A_580 = arith.constant 16 : i32
      %add3A_581 = vector.broadcast %add3A_580 : i32 to vector<16xi32>
      %add3A_582 = arith.addi %xor3A_576, %add3A_581 : vector<16xi32>
      %select_n3A_583 = arith.select %lt3A_579, %add3A_582, %xor3A_576 : vector<16xi1>, vector<16xi32>
      %broadcast_in_dim3A_584 = vector.shape_cast %select_n3A_583 : vector<16xi32> to vector<16x1xi32>
      %gather3A_585 = vector.shape_cast %broadcast_in_dim3A_584 : vector<16x1xi32> to vector<16xi32>
      %gather3A_586 = tpu.dynamic_gather %min3A_573[%gather3A_585] in [0] : vector<16xi32>, vector<16xi32> -> vector<16xi32>
      %min3A_587 = arith.minsi %min3A_573, %gather3A_586 : vector<16xi32>
      %xor3A_588 = arith.constant 1 : i32
      %xor3A_589 = vector.broadcast %xor3A_588 : i32 to vector<16xi32>
      %xor3A_590 = arith.xori %iota3A, %xor3A_589 : vector<16xi32>
      %lt3A_591 = arith.constant 0 : i32
      %lt3A_592 = vector.broadcast %lt3A_591 : i32 to vector<16xi32>
      %lt3A_593 = arith.cmpi slt, %xor3A_590, %lt3A_592 : vector<16xi32>
      %add3A_594 = arith.constant 16 : i32
      %add3A_595 = vector.broadcast %add3A_594 : i32 to vector<16xi32>
      %add3A_596 = arith.addi %xor3A_590, %add3A_595 : vector<16xi32>
      %select_n3A_597 = arith.select %lt3A_593, %add3A_596, %xor3A_590 : vector<16xi1>, vector<16xi32>
      %broadcast_in_dim3A_598 = vector.shape_cast %select_n3A_597 : vector<16xi32> to vector<16x1xi32>
      %gather3A_599 = vector.shape_cast %broadcast_in_dim3A_598 : vector<16x1xi32> to vector<16xi32>
      %gather3A_600 = tpu.dynamic_gather %min3A_587[%gather3A_599] in [0] : vector<16xi32>, vector<16xi32> -> vector<16xi32>
      %min3A_601 = arith.minsi %min3A_587, %gather3A_600 : vector<16xi32>
      %eq3A_602 = arith.constant 3 : i32
      %eq3A_603 = vector.broadcast %eq3A_602 : i32 to vector<16xi32>
      %eq3A_604 = arith.cmpi eq, %iota3A, %eq3A_603 : vector<16xi32>
      %select_n3A_605 = arith.select %eq3A_604, %min3A_601, %select_n3A_485 : vector<16xi1>, vector<16xi32>
      %slice3A_606 = vector.extract_strided_slice %get3A_62 {offsets = [4], sizes = [1], strides = [1]} : vector<16xf32> to vector<1xf32>
      %squeeze3A_607 = vector.extract %slice3A_606[0] : f32 from vector<1xf32>
      %slice3A_608 = vector.extract_strided_slice %get3A_62 {offsets = [5], sizes = [1], strides = [1]} : vector<16xf32> to vector<1xf32>
      %squeeze3A_609 = vector.extract %slice3A_608[0] : f32 from vector<1xf32>
      %slice3A_610 = vector.extract_strided_slice %get3A_62 {offsets = [6], sizes = [1], strides = [1]} : vector<16xf32> to vector<1xf32>
      %squeeze3A_611 = vector.extract %slice3A_610[0] : f32 from vector<1xf32>
      %slice3A_612 = vector.extract_strided_slice %get3A_62 {offsets = [7], sizes = [1], strides = [1]} : vector<16xf32> to vector<1xf32>
      %squeeze3A_613 = vector.extract %slice3A_612[0] : f32 from vector<1xf32>
      %slice3A_614 = vector.extract_strided_slice %get3A_67 {offsets = [4], sizes = [1], strides = [1]} : vector<16xf32> to vector<1xf32>
      %squeeze3A_615 = vector.extract %slice3A_614[0] : f32 from vector<1xf32>
      %slice3A_616 = vector.extract_strided_slice %get3A_67 {offsets = [5], sizes = [1], strides = [1]} : vector<16xf32> to vector<1xf32>
      %squeeze3A_617 = vector.extract %slice3A_616[0] : f32 from vector<1xf32>
      %slice3A_618 = vector.extract_strided_slice %get3A_67 {offsets = [6], sizes = [1], strides = [1]} : vector<16xf32> to vector<1xf32>
      %squeeze3A_619 = vector.extract %slice3A_618[0] : f32 from vector<1xf32>
      %slice3A_620 = vector.extract_strided_slice %get3A_67 {offsets = [7], sizes = [1], strides = [1]} : vector<16xf32> to vector<1xf32>
      %squeeze3A_621 = vector.extract %slice3A_620[0] : f32 from vector<1xf32>
      %slice3A_622 = vector.extract_strided_slice %get3A_72 {offsets = [4], sizes = [1], strides = [1]} : vector<16xf32> to vector<1xf32>
      %squeeze3A_623 = vector.extract %slice3A_622[0] : f32 from vector<1xf32>
      %slice3A_624 = vector.extract_strided_slice %get3A_72 {offsets = [5], sizes = [1], strides = [1]} : vector<16xf32> to vector<1xf32>
      %squeeze3A_625 = vector.extract %slice3A_624[0] : f32 from vector<1xf32>
      %slice3A_626 = vector.extract_strided_slice %get3A_72 {offsets = [6], sizes = [1], strides = [1]} : vector<16xf32> to vector<1xf32>
      %squeeze3A_627 = vector.extract %slice3A_626[0] : f32 from vector<1xf32>
      %slice3A_628 = vector.extract_strided_slice %get3A_72 {offsets = [7], sizes = [1], strides = [1]} : vector<16xf32> to vector<1xf32>
      %squeeze3A_629 = vector.extract %slice3A_628[0] : f32 from vector<1xf32>
      %slice3A_630 = vector.extract_strided_slice %get3A_75 {offsets = [4], sizes = [1], strides = [1]} : vector<16xf32> to vector<1xf32>
      %squeeze3A_631 = vector.extract %slice3A_630[0] : f32 from vector<1xf32>
      %slice3A_632 = vector.extract_strided_slice %get3A_75 {offsets = [5], sizes = [1], strides = [1]} : vector<16xf32> to vector<1xf32>
      %squeeze3A_633 = vector.extract %slice3A_632[0] : f32 from vector<1xf32>
      %slice3A_634 = vector.extract_strided_slice %get3A_75 {offsets = [6], sizes = [1], strides = [1]} : vector<16xf32> to vector<1xf32>
      %squeeze3A_635 = vector.extract %slice3A_634[0] : f32 from vector<1xf32>
      %slice3A_636 = vector.extract_strided_slice %get3A_75 {offsets = [7], sizes = [1], strides = [1]} : vector<16xf32> to vector<1xf32>
      %squeeze3A_637 = vector.extract %slice3A_636[0] : f32 from vector<1xf32>
      %broadcast_in_dim3A_638 = arith.constant 3.000000e+38 : f32
      %broadcast_in_dim3A_639 = vector.broadcast %broadcast_in_dim3A_638 : f32 to vector<16xf32>
      %broadcast_in_dim3A_640 = arith.constant 3.000000e+38 : f32
      %broadcast_in_dim3A_641 = vector.broadcast %broadcast_in_dim3A_640 : f32 to vector<16xf32>
      %broadcast_in_dim3A_642 = arith.constant 3.000000e+38 : f32
      %broadcast_in_dim3A_643 = vector.broadcast %broadcast_in_dim3A_642 : f32 to vector<16xf32>
      %broadcast_in_dim3A_644 = arith.constant 3.000000e+38 : f32
      %broadcast_in_dim3A_645 = vector.broadcast %broadcast_in_dim3A_644 : f32 to vector<16xf32>
      %broadcast_in_dim3A_646 = arith.constant 0 : i32
      %broadcast_in_dim3A_647 = vector.broadcast %broadcast_in_dim3A_646 : i32 to vector<16xi32>
      %broadcast_in_dim3A_648 = arith.constant 0 : i32
      %broadcast_in_dim3A_649 = vector.broadcast %broadcast_in_dim3A_648 : i32 to vector<16xi32>
      %broadcast_in_dim3A_650 = arith.constant 0 : i32
      %broadcast_in_dim3A_651 = vector.broadcast %broadcast_in_dim3A_650 : i32 to vector<16xi32>
      %broadcast_in_dim3A_652 = arith.constant 0 : i32
      %broadcast_in_dim3A_653 = vector.broadcast %broadcast_in_dim3A_652 : i32 to vector<16xi32>
      %scan3A_654 = arith.constant 0 : i32
      %scan3A_655 = arith.constant 128 : i32
      %scan3A_656 = arith.addi %scan3A_654, %scan3A_655 : i32
      %scan3A_657 = arith.constant 2 : i32
      %scan3A_658:9 = scf.for %scan3A_2212 = %scan3A_654 to %scan3A_656 step %scan3A_657 iter_args(%scan3A_2213 = %broadcast_in_dim3A_639, %scan3A_2214 = %broadcast_in_dim3A_641, %scan3A_2215 = %broadcast_in_dim3A_643, %scan3A_2216 = %broadcast_in_dim3A_645, %scan3A_2217 = %broadcast_in_dim3A_647, %scan3A_2218 = %broadcast_in_dim3A_649, %scan3A_2219 = %broadcast_in_dim3A_651, %scan3A_2220 = %broadcast_in_dim3A_653, %scan3A_2221 = %iota3A) -> (vector<16xf32>, vector<16xf32>, vector<16xf32>, vector<16xf32>, vector<16xi32>, vector<16xi32>, vector<16xi32>, vector<16xi32>, vector<16xi32>)  : i32 {
        %mul3A_2222 = arith.constant 16 : i32
        %mul3A_2223 = arith.muli %scan3A_2212, %mul3A_2222 : i32
        %get3A_2224 = arith.constant 0 : i32
        %get3A_2225 = arith.index_cast %get3A_2224 : i32 to index
        %get3A_2226 = arith.index_cast %mul3A_2223 : i32 to index
        %get3A_2227 = tpu.vector_load %arg7[%get3A_2225, %get3A_2226] {strides = array<i32>} : memref<3x2048xf32, #tpu.memory_space<vmem>>, vector<1x16xf32>,
        %get3A_2228 = vector.shape_cast %get3A_2227 : vector<1x16xf32> to vector<16xf32>
        %mul3A_2229 = arith.constant 16 : i32
        %mul3A_2230 = arith.muli %scan3A_2212, %mul3A_2229 : i32
        %get3A_2231 = arith.constant 1 : i32
        %get3A_2232 = arith.index_cast %get3A_2231 : i32 to index
        %get3A_2233 = arith.index_cast %mul3A_2230 : i32 to index
        %get3A_2234 = tpu.vector_load %arg7[%get3A_2232, %get3A_2233] {strides = array<i32>} : memref<3x2048xf32, #tpu.memory_space<vmem>>, vector<1x16xf32>,
        %get3A_2235 = vector.shape_cast %get3A_2234 : vector<1x16xf32> to vector<16xf32>
        %mul3A_2236 = arith.constant 16 : i32
        %mul3A_2237 = arith.muli %scan3A_2212, %mul3A_2236 : i32
        %get3A_2238 = arith.constant 2 : i32
        %get3A_2239 = arith.index_cast %get3A_2238 : i32 to index
        %get3A_2240 = arith.index_cast %mul3A_2237 : i32 to index
        %get3A_2241 = tpu.vector_load %arg7[%get3A_2239, %get3A_2240] {strides = array<i32>} : memref<3x2048xf32, #tpu.memory_space<vmem>>, vector<1x16xf32>,
        %get3A_2242 = vector.shape_cast %get3A_2241 : vector<1x16xf32> to vector<16xf32>
        %mul3A_2243 = arith.constant 16 : i32
        %mul3A_2244 = arith.muli %scan3A_2212, %mul3A_2243 : i32
        %get3A_2245 = arith.index_cast %mul3A_2244 : i32 to index
        %get3A_2246 = tpu.vector_load %arg9[%get3A_2245] {strides = array<i32>} : memref<2048xf32, #tpu.memory_space<vmem>>, vector<16xf32>,
        %get3A_2247 = vector.shape_cast %get3A_2246 : vector<16xf32> to vector<16xf32>
        %mul3A_2248 = vector.broadcast %squeeze3A_607 : f32 to vector<16xf32>
        %mul3A_2249 = arith.mulf %get3A_2228, %mul3A_2248 : vector<16xf32>
        %mul3A_2250 = vector.broadcast %squeeze3A_615 : f32 to vector<16xf32>
        %mul3A_2251 = arith.mulf %get3A_2235, %mul3A_2250 : vector<16xf32>
        %add3A_2252 = arith.addf %mul3A_2249, %mul3A_2251 : vector<16xf32>
        %mul3A_2253 = vector.broadcast %squeeze3A_623 : f32 to vector<16xf32>
        %mul3A_2254 = arith.mulf %get3A_2242, %mul3A_2253 : vector<16xf32>
        %add3A_2255 = arith.addf %add3A_2252, %mul3A_2254 : vector<16xf32>
        %add3A_2256 = vector.broadcast %squeeze3A_631 : f32 to vector<16xf32>
        %add3A_2257 = arith.addf %add3A_2256, %get3A_2247 : vector<16xf32>
        %add3A_2258 = arith.addf %add3A_2257, %add3A_2255 : vector<16xf32>
        %lt3A_2259 = arith.cmpf olt, %add3A_2258, %scan3A_2213 : vector<16xf32>
        %select_n3A_2260 = arith.select %lt3A_2259, %add3A_2258, %scan3A_2213 : vector<16xi1>, vector<16xf32>
        %select_n3A_2261 = arith.select %lt3A_2259, %scan3A_2221, %scan3A_2217 : vector<16xi1>, vector<16xi32>
        %mul3A_2262 = vector.broadcast %squeeze3A_609 : f32 to vector<16xf32>
        %mul3A_2263 = arith.mulf %get3A_2228, %mul3A_2262 : vector<16xf32>
        %mul3A_2264 = vector.broadcast %squeeze3A_617 : f32 to vector<16xf32>
        %mul3A_2265 = arith.mulf %get3A_2235, %mul3A_2264 : vector<16xf32>
        %add3A_2266 = arith.addf %mul3A_2263, %mul3A_2265 : vector<16xf32>
        %mul3A_2267 = vector.broadcast %squeeze3A_625 : f32 to vector<16xf32>
        %mul3A_2268 = arith.mulf %get3A_2242, %mul3A_2267 : vector<16xf32>
        %add3A_2269 = arith.addf %add3A_2266, %mul3A_2268 : vector<16xf32>
        %add3A_2270 = vector.broadcast %squeeze3A_633 : f32 to vector<16xf32>
        %add3A_2271 = arith.addf %add3A_2270, %get3A_2247 : vector<16xf32>
        %add3A_2272 = arith.addf %add3A_2271, %add3A_2269 : vector<16xf32>
        %lt3A_2273 = arith.cmpf olt, %add3A_2272, %scan3A_2214 : vector<16xf32>
        %select_n3A_2274 = arith.select %lt3A_2273, %add3A_2272, %scan3A_2214 : vector<16xi1>, vector<16xf32>
        %select_n3A_2275 = arith.select %lt3A_2273, %scan3A_2221, %scan3A_2218 : vector<16xi1>, vector<16xi32>
        %mul3A_2276 = vector.broadcast %squeeze3A_611 : f32 to vector<16xf32>
        %mul3A_2277 = arith.mulf %get3A_2228, %mul3A_2276 : vector<16xf32>
        %mul3A_2278 = vector.broadcast %squeeze3A_619 : f32 to vector<16xf32>
        %mul3A_2279 = arith.mulf %get3A_2235, %mul3A_2278 : vector<16xf32>
        %add3A_2280 = arith.addf %mul3A_2277, %mul3A_2279 : vector<16xf32>
        %mul3A_2281 = vector.broadcast %squeeze3A_627 : f32 to vector<16xf32>
        %mul3A_2282 = arith.mulf %get3A_2242, %mul3A_2281 : vector<16xf32>
        %add3A_2283 = arith.addf %add3A_2280, %mul3A_2282 : vector<16xf32>
        %add3A_2284 = vector.broadcast %squeeze3A_635 : f32 to vector<16xf32>
        %add3A_2285 = arith.addf %add3A_2284, %get3A_2247 : vector<16xf32>
        %add3A_2286 = arith.addf %add3A_2285, %add3A_2283 : vector<16xf32>
        %lt3A_2287 = arith.cmpf olt, %add3A_2286, %scan3A_2215 : vector<16xf32>
        %select_n3A_2288 = arith.select %lt3A_2287, %add3A_2286, %scan3A_2215 : vector<16xi1>, vector<16xf32>
        %select_n3A_2289 = arith.select %lt3A_2287, %scan3A_2221, %scan3A_2219 : vector<16xi1>, vector<16xi32>
        %mul3A_2290 = vector.broadcast %squeeze3A_613 : f32 to vector<16xf32>
        %mul3A_2291 = arith.mulf %get3A_2228, %mul3A_2290 : vector<16xf32>
        %mul3A_2292 = vector.broadcast %squeeze3A_621 : f32 to vector<16xf32>
        %mul3A_2293 = arith.mulf %get3A_2235, %mul3A_2292 : vector<16xf32>
        %add3A_2294 = arith.addf %mul3A_2291, %mul3A_2293 : vector<16xf32>
        %mul3A_2295 = vector.broadcast %squeeze3A_629 : f32 to vector<16xf32>
        %mul3A_2296 = arith.mulf %get3A_2242, %mul3A_2295 : vector<16xf32>
        %add3A_2297 = arith.addf %add3A_2294, %mul3A_2296 : vector<16xf32>
        %add3A_2298 = vector.broadcast %squeeze3A_637 : f32 to vector<16xf32>
        %add3A_2299 = arith.addf %add3A_2298, %get3A_2247 : vector<16xf32>
        %add3A_2300 = arith.addf %add3A_2299, %add3A_2297 : vector<16xf32>
        %lt3A_2301 = arith.cmpf olt, %add3A_2300, %scan3A_2216 : vector<16xf32>
        %select_n3A_2302 = arith.select %lt3A_2301, %add3A_2300, %scan3A_2216 : vector<16xi1>, vector<16xf32>
        %select_n3A_2303 = arith.select %lt3A_2301, %scan3A_2221, %scan3A_2220 : vector<16xi1>, vector<16xi32>
        %add3A_2304 = arith.constant 16 : i32
        %add3A_2305 = vector.broadcast %add3A_2304 : i32 to vector<16xi32>
        %add3A_2306 = arith.addi %scan3A_2221, %add3A_2305 : vector<16xi32>
        %scan3A_2307 = arith.constant 1 : i32
        %scan3A_2308 = arith.addi %scan3A_2212, %scan3A_2307 : i32
        %mul3A_2309 = arith.constant 16 : i32
        %mul3A_2310 = arith.muli %scan3A_2308, %mul3A_2309 : i32
        %get3A_2311 = arith.constant 0 : i32
        %get3A_2312 = arith.index_cast %get3A_2311 : i32 to index
        %get3A_2313 = arith.index_cast %mul3A_2310 : i32 to index
        %get3A_2314 = tpu.vector_load %arg7[%get3A_2312, %get3A_2313] {strides = array<i32>} : memref<3x2048xf32, #tpu.memory_space<vmem>>, vector<1x16xf32>,
        %get3A_2315 = vector.shape_cast %get3A_2314 : vector<1x16xf32> to vector<16xf32>
        %mul3A_2316 = arith.constant 16 : i32
        %mul3A_2317 = arith.muli %scan3A_2308, %mul3A_2316 : i32
        %get3A_2318 = arith.constant 1 : i32
        %get3A_2319 = arith.index_cast %get3A_2318 : i32 to index
        %get3A_2320 = arith.index_cast %mul3A_2317 : i32 to index
        %get3A_2321 = tpu.vector_load %arg7[%get3A_2319, %get3A_2320] {strides = array<i32>} : memref<3x2048xf32, #tpu.memory_space<vmem>>, vector<1x16xf32>,
        %get3A_2322 = vector.shape_cast %get3A_2321 : vector<1x16xf32> to vector<16xf32>
        %mul3A_2323 = arith.constant 16 : i32
        %mul3A_2324 = arith.muli %scan3A_2308, %mul3A_2323 : i32
        %get3A_2325 = arith.constant 2 : i32
        %get3A_2326 = arith.index_cast %get3A_2325 : i32 to index
        %get3A_2327 = arith.index_cast %mul3A_2324 : i32 to index
        %get3A_2328 = tpu.vector_load %arg7[%get3A_2326, %get3A_2327] {strides = array<i32>} : memref<3x2048xf32, #tpu.memory_space<vmem>>, vector<1x16xf32>,
        %get3A_2329 = vector.shape_cast %get3A_2328 : vector<1x16xf32> to vector<16xf32>
        %mul3A_2330 = arith.constant 16 : i32
        %mul3A_2331 = arith.muli %scan3A_2308, %mul3A_2330 : i32
        %get3A_2332 = arith.index_cast %mul3A_2331 : i32 to index
        %get3A_2333 = tpu.vector_load %arg9[%get3A_2332] {strides = array<i32>} : memref<2048xf32, #tpu.memory_space<vmem>>, vector<16xf32>,
        %get3A_2334 = vector.shape_cast %get3A_2333 : vector<16xf32> to vector<16xf32>
        %mul3A_2335 = vector.broadcast %squeeze3A_607 : f32 to vector<16xf32>
        %mul3A_2336 = arith.mulf %get3A_2315, %mul3A_2335 : vector<16xf32>
        %mul3A_2337 = vector.broadcast %squeeze3A_615 : f32 to vector<16xf32>
        %mul3A_2338 = arith.mulf %get3A_2322, %mul3A_2337 : vector<16xf32>
        %add3A_2339 = arith.addf %mul3A_2336, %mul3A_2338 : vector<16xf32>
        %mul3A_2340 = vector.broadcast %squeeze3A_623 : f32 to vector<16xf32>
        %mul3A_2341 = arith.mulf %get3A_2329, %mul3A_2340 : vector<16xf32>
        %add3A_2342 = arith.addf %add3A_2339, %mul3A_2341 : vector<16xf32>
        %add3A_2343 = vector.broadcast %squeeze3A_631 : f32 to vector<16xf32>
        %add3A_2344 = arith.addf %add3A_2343, %get3A_2334 : vector<16xf32>
        %add3A_2345 = arith.addf %add3A_2344, %add3A_2342 : vector<16xf32>
        %lt3A_2346 = arith.cmpf olt, %add3A_2345, %select_n3A_2260 : vector<16xf32>
        %select_n3A_2347 = arith.select %lt3A_2346, %add3A_2345, %select_n3A_2260 : vector<16xi1>, vector<16xf32>
        %select_n3A_2348 = arith.select %lt3A_2346, %add3A_2306, %select_n3A_2261 : vector<16xi1>, vector<16xi32>
        %mul3A_2349 = vector.broadcast %squeeze3A_609 : f32 to vector<16xf32>
        %mul3A_2350 = arith.mulf %get3A_2315, %mul3A_2349 : vector<16xf32>
        %mul3A_2351 = vector.broadcast %squeeze3A_617 : f32 to vector<16xf32>
        %mul3A_2352 = arith.mulf %get3A_2322, %mul3A_2351 : vector<16xf32>
        %add3A_2353 = arith.addf %mul3A_2350, %mul3A_2352 : vector<16xf32>
        %mul3A_2354 = vector.broadcast %squeeze3A_625 : f32 to vector<16xf32>
        %mul3A_2355 = arith.mulf %get3A_2329, %mul3A_2354 : vector<16xf32>
        %add3A_2356 = arith.addf %add3A_2353, %mul3A_2355 : vector<16xf32>
        %add3A_2357 = vector.broadcast %squeeze3A_633 : f32 to vector<16xf32>
        %add3A_2358 = arith.addf %add3A_2357, %get3A_2334 : vector<16xf32>
        %add3A_2359 = arith.addf %add3A_2358, %add3A_2356 : vector<16xf32>
        %lt3A_2360 = arith.cmpf olt, %add3A_2359, %select_n3A_2274 : vector<16xf32>
        %select_n3A_2361 = arith.select %lt3A_2360, %add3A_2359, %select_n3A_2274 : vector<16xi1>, vector<16xf32>
        %select_n3A_2362 = arith.select %lt3A_2360, %add3A_2306, %select_n3A_2275 : vector<16xi1>, vector<16xi32>
        %mul3A_2363 = vector.broadcast %squeeze3A_611 : f32 to vector<16xf32>
        %mul3A_2364 = arith.mulf %get3A_2315, %mul3A_2363 : vector<16xf32>
        %mul3A_2365 = vector.broadcast %squeeze3A_619 : f32 to vector<16xf32>
        %mul3A_2366 = arith.mulf %get3A_2322, %mul3A_2365 : vector<16xf32>
        %add3A_2367 = arith.addf %mul3A_2364, %mul3A_2366 : vector<16xf32>
        %mul3A_2368 = vector.broadcast %squeeze3A_627 : f32 to vector<16xf32>
        %mul3A_2369 = arith.mulf %get3A_2329, %mul3A_2368 : vector<16xf32>
        %add3A_2370 = arith.addf %add3A_2367, %mul3A_2369 : vector<16xf32>
        %add3A_2371 = vector.broadcast %squeeze3A_635 : f32 to vector<16xf32>
        %add3A_2372 = arith.addf %add3A_2371, %get3A_2334 : vector<16xf32>
        %add3A_2373 = arith.addf %add3A_2372, %add3A_2370 : vector<16xf32>
        %lt3A_2374 = arith.cmpf olt, %add3A_2373, %select_n3A_2288 : vector<16xf32>
        %select_n3A_2375 = arith.select %lt3A_2374, %add3A_2373, %select_n3A_2288 : vector<16xi1>, vector<16xf32>
        %select_n3A_2376 = arith.select %lt3A_2374, %add3A_2306, %select_n3A_2289 : vector<16xi1>, vector<16xi32>
        %mul3A_2377 = vector.broadcast %squeeze3A_613 : f32 to vector<16xf32>
        %mul3A_2378 = arith.mulf %get3A_2315, %mul3A_2377 : vector<16xf32>
        %mul3A_2379 = vector.broadcast %squeeze3A_621 : f32 to vector<16xf32>
        %mul3A_2380 = arith.mulf %get3A_2322, %mul3A_2379 : vector<16xf32>
        %add3A_2381 = arith.addf %mul3A_2378, %mul3A_2380 : vector<16xf32>
        %mul3A_2382 = vector.broadcast %squeeze3A_629 : f32 to vector<16xf32>
        %mul3A_2383 = arith.mulf %get3A_2329, %mul3A_2382 : vector<16xf32>
        %add3A_2384 = arith.addf %add3A_2381, %mul3A_2383 : vector<16xf32>
        %add3A_2385 = vector.broadcast %squeeze3A_637 : f32 to vector<16xf32>
        %add3A_2386 = arith.addf %add3A_2385, %get3A_2334 : vector<16xf32>
        %add3A_2387 = arith.addf %add3A_2386, %add3A_2384 : vector<16xf32>
        %lt3A_2388 = arith.cmpf olt, %add3A_2387, %select_n3A_2302 : vector<16xf32>
        %select_n3A_2389 = arith.select %lt3A_2388, %add3A_2387, %select_n3A_2302 : vector<16xi1>, vector<16xf32>
        %select_n3A_2390 = arith.select %lt3A_2388, %add3A_2306, %select_n3A_2303 : vector<16xi1>, vector<16xi32>
        %add3A_2391 = arith.constant 16 : i32
        %add3A_2392 = vector.broadcast %add3A_2391 : i32 to vector<16xi32>
        %add3A_2393 = arith.addi %add3A_2306, %add3A_2392 : vector<16xi32>
        scf.yield %select_n3A_2347, %select_n3A_2361, %select_n3A_2375, %select_n3A_2389, %select_n3A_2348, %select_n3A_2362, %select_n3A_2376, %select_n3A_2390, %add3A_2393 : vector<16xf32>, vector<16xf32>, vector<16xf32>, vector<16xf32>, vector<16xi32>, vector<16xi32>, vector<16xi32>, vector<16xi32>, vector<16xi32>
      }
      %scan3A_659 = arith.constant 128 : i32
      %xor3A_660 = arith.constant 8 : i32
      %xor3A_661 = vector.broadcast %xor3A_660 : i32 to vector<16xi32>
      %xor3A_662 = arith.xori %iota3A, %xor3A_661 : vector<16xi32>
      %lt3A_663 = arith.constant 0 : i32
      %lt3A_664 = vector.broadcast %lt3A_663 : i32 to vector<16xi32>
      %lt3A_665 = arith.cmpi slt, %xor3A_662, %lt3A_664 : vector<16xi32>
      %add3A_666 = arith.constant 16 : i32
      %add3A_667 = vector.broadcast %add3A_666 : i32 to vector<16xi32>
      %add3A_668 = arith.addi %xor3A_662, %add3A_667 : vector<16xi32>
      %select_n3A_669 = arith.select %lt3A_665, %add3A_668, %xor3A_662 : vector<16xi1>, vector<16xi32>
      %broadcast_in_dim3A_670 = vector.shape_cast %select_n3A_669 : vector<16xi32> to vector<16x1xi32>
      %gather3A_671 = vector.shape_cast %broadcast_in_dim3A_670 : vector<16x1xi32> to vector<16xi32>
      %gather3A_672 = tpu.dynamic_gather %scan3A_658#0[%gather3A_671] in [0] : vector<16xf32>, vector<16xi32> -> vector<16xf32>
      %min3A_673 = arith.minimumf %scan3A_658#0, %gather3A_672 : vector<16xf32>
      %xor3A_674 = arith.constant 4 : i32
      %xor3A_675 = vector.broadcast %xor3A_674 : i32 to vector<16xi32>
      %xor3A_676 = arith.xori %iota3A, %xor3A_675 : vector<16xi32>
      %lt3A_677 = arith.constant 0 : i32
      %lt3A_678 = vector.broadcast %lt3A_677 : i32 to vector<16xi32>
      %lt3A_679 = arith.cmpi slt, %xor3A_676, %lt3A_678 : vector<16xi32>
      %add3A_680 = arith.constant 16 : i32
      %add3A_681 = vector.broadcast %add3A_680 : i32 to vector<16xi32>
      %add3A_682 = arith.addi %xor3A_676, %add3A_681 : vector<16xi32>
      %select_n3A_683 = arith.select %lt3A_679, %add3A_682, %xor3A_676 : vector<16xi1>, vector<16xi32>
      %broadcast_in_dim3A_684 = vector.shape_cast %select_n3A_683 : vector<16xi32> to vector<16x1xi32>
      %gather3A_685 = vector.shape_cast %broadcast_in_dim3A_684 : vector<16x1xi32> to vector<16xi32>
      %gather3A_686 = tpu.dynamic_gather %min3A_673[%gather3A_685] in [0] : vector<16xf32>, vector<16xi32> -> vector<16xf32>
      %min3A_687 = arith.minimumf %min3A_673, %gather3A_686 : vector<16xf32>
      %xor3A_688 = arith.constant 2 : i32
      %xor3A_689 = vector.broadcast %xor3A_688 : i32 to vector<16xi32>
      %xor3A_690 = arith.xori %iota3A, %xor3A_689 : vector<16xi32>
      %lt3A_691 = arith.constant 0 : i32
      %lt3A_692 = vector.broadcast %lt3A_691 : i32 to vector<16xi32>
      %lt3A_693 = arith.cmpi slt, %xor3A_690, %lt3A_692 : vector<16xi32>
      %add3A_694 = arith.constant 16 : i32
      %add3A_695 = vector.broadcast %add3A_694 : i32 to vector<16xi32>
      %add3A_696 = arith.addi %xor3A_690, %add3A_695 : vector<16xi32>
      %select_n3A_697 = arith.select %lt3A_693, %add3A_696, %xor3A_690 : vector<16xi1>, vector<16xi32>
      %broadcast_in_dim3A_698 = vector.shape_cast %select_n3A_697 : vector<16xi32> to vector<16x1xi32>
      %gather3A_699 = vector.shape_cast %broadcast_in_dim3A_698 : vector<16x1xi32> to vector<16xi32>
      %gather3A_700 = tpu.dynamic_gather %min3A_687[%gather3A_699] in [0] : vector<16xf32>, vector<16xi32> -> vector<16xf32>
      %min3A_701 = arith.minimumf %min3A_687, %gather3A_700 : vector<16xf32>
      %xor3A_702 = arith.constant 1 : i32
      %xor3A_703 = vector.broadcast %xor3A_702 : i32 to vector<16xi32>
      %xor3A_704 = arith.xori %iota3A, %xor3A_703 : vector<16xi32>
      %lt3A_705 = arith.constant 0 : i32
      %lt3A_706 = vector.broadcast %lt3A_705 : i32 to vector<16xi32>
      %lt3A_707 = arith.cmpi slt, %xor3A_704, %lt3A_706 : vector<16xi32>
      %add3A_708 = arith.constant 16 : i32
      %add3A_709 = vector.broadcast %add3A_708 : i32 to vector<16xi32>
      %add3A_710 = arith.addi %xor3A_704, %add3A_709 : vector<16xi32>
      %select_n3A_711 = arith.select %lt3A_707, %add3A_710, %xor3A_704 : vector<16xi1>, vector<16xi32>
      %broadcast_in_dim3A_712 = vector.shape_cast %select_n3A_711 : vector<16xi32> to vector<16x1xi32>
      %gather3A_713 = vector.shape_cast %broadcast_in_dim3A_712 : vector<16x1xi32> to vector<16xi32>
      %gather3A_714 = tpu.dynamic_gather %min3A_701[%gather3A_713] in [0] : vector<16xf32>, vector<16xi32> -> vector<16xf32>
      %min3A_715 = arith.minimumf %min3A_701, %gather3A_714 : vector<16xf32>
      %eq3A_716 = arith.cmpf oeq, %scan3A_658#0, %min3A_715 : vector<16xf32>
      %jit3A_717 = arith.constant 2048 : i32
      %broadcast_in_dim3A_718 = vector.broadcast %jit3A_717 : i32 to vector<16xi32>
      %select_n3A_719 = arith.select %eq3A_716, %scan3A_658#4, %broadcast_in_dim3A_718 : vector<16xi1>, vector<16xi32>
      %xor3A_720 = arith.constant 8 : i32
      %xor3A_721 = vector.broadcast %xor3A_720 : i32 to vector<16xi32>
      %xor3A_722 = arith.xori %iota3A, %xor3A_721 : vector<16xi32>
      %lt3A_723 = arith.constant 0 : i32
      %lt3A_724 = vector.broadcast %lt3A_723 : i32 to vector<16xi32>
      %lt3A_725 = arith.cmpi slt, %xor3A_722, %lt3A_724 : vector<16xi32>
      %add3A_726 = arith.constant 16 : i32
      %add3A_727 = vector.broadcast %add3A_726 : i32 to vector<16xi32>
      %add3A_728 = arith.addi %xor3A_722, %add3A_727 : vector<16xi32>
      %select_n3A_729 = arith.select %lt3A_725, %add3A_728, %xor3A_722 : vector<16xi1>, vector<16xi32>
      %broadcast_in_dim3A_730 = vector.shape_cast %select_n3A_729 : vector<16xi32> to vector<16x1xi32>
      %gather3A_731 = vector.shape_cast %broadcast_in_dim3A_730 : vector<16x1xi32> to vector<16xi32>
      %gather3A_732 = tpu.dynamic_gather %select_n3A_719[%gather3A_731] in [0] : vector<16xi32>, vector<16xi32> -> vector<16xi32>
      %min3A_733 = arith.minsi %select_n3A_719, %gather3A_732 : vector<16xi32>
      %xor3A_734 = arith.constant 4 : i32
      %xor3A_735 = vector.broadcast %xor3A_734 : i32 to vector<16xi32>
      %xor3A_736 = arith.xori %iota3A, %xor3A_735 : vector<16xi32>
      %lt3A_737 = arith.constant 0 : i32
      %lt3A_738 = vector.broadcast %lt3A_737 : i32 to vector<16xi32>
      %lt3A_739 = arith.cmpi slt, %xor3A_736, %lt3A_738 : vector<16xi32>
      %add3A_740 = arith.constant 16 : i32
      %add3A_741 = vector.broadcast %add3A_740 : i32 to vector<16xi32>
      %add3A_742 = arith.addi %xor3A_736, %add3A_741 : vector<16xi32>
      %select_n3A_743 = arith.select %lt3A_739, %add3A_742, %xor3A_736 : vector<16xi1>, vector<16xi32>
      %broadcast_in_dim3A_744 = vector.shape_cast %select_n3A_743 : vector<16xi32> to vector<16x1xi32>
      %gather3A_745 = vector.shape_cast %broadcast_in_dim3A_744 : vector<16x1xi32> to vector<16xi32>
      %gather3A_746 = tpu.dynamic_gather %min3A_733[%gather3A_745] in [0] : vector<16xi32>, vector<16xi32> -> vector<16xi32>
      %min3A_747 = arith.minsi %min3A_733, %gather3A_746 : vector<16xi32>
      %xor3A_748 = arith.constant 2 : i32
      %xor3A_749 = vector.broadcast %xor3A_748 : i32 to vector<16xi32>
      %xor3A_750 = arith.xori %iota3A, %xor3A_749 : vector<16xi32>
      %lt3A_751 = arith.constant 0 : i32
      %lt3A_752 = vector.broadcast %lt3A_751 : i32 to vector<16xi32>
      %lt3A_753 = arith.cmpi slt, %xor3A_750, %lt3A_752 : vector<16xi32>
      %add3A_754 = arith.constant 16 : i32
      %add3A_755 = vector.broadcast %add3A_754 : i32 to vector<16xi32>
      %add3A_756 = arith.addi %xor3A_750, %add3A_755 : vector<16xi32>
      %select_n3A_757 = arith.select %lt3A_753, %add3A_756, %xor3A_750 : vector<16xi1>, vector<16xi32>
      %broadcast_in_dim3A_758 = vector.shape_cast %select_n3A_757 : vector<16xi32> to vector<16x1xi32>
      %gather3A_759 = vector.shape_cast %broadcast_in_dim3A_758 : vector<16x1xi32> to vector<16xi32>
      %gather3A_760 = tpu.dynamic_gather %min3A_747[%gather3A_759] in [0] : vector<16xi32>, vector<16xi32> -> vector<16xi32>
      %min3A_761 = arith.minsi %min3A_747, %gather3A_760 : vector<16xi32>
      %xor3A_762 = arith.constant 1 : i32
      %xor3A_763 = vector.broadcast %xor3A_762 : i32 to vector<16xi32>
      %xor3A_764 = arith.xori %iota3A, %xor3A_763 : vector<16xi32>
      %lt3A_765 = arith.constant 0 : i32
      %lt3A_766 = vector.broadcast %lt3A_765 : i32 to vector<16xi32>
      %lt3A_767 = arith.cmpi slt, %xor3A_764, %lt3A_766 : vector<16xi32>
      %add3A_768 = arith.constant 16 : i32
      %add3A_769 = vector.broadcast %add3A_768 : i32 to vector<16xi32>
      %add3A_770 = arith.addi %xor3A_764, %add3A_769 : vector<16xi32>
      %select_n3A_771 = arith.select %lt3A_767, %add3A_770, %xor3A_764 : vector<16xi1>, vector<16xi32>
      %broadcast_in_dim3A_772 = vector.shape_cast %select_n3A_771 : vector<16xi32> to vector<16x1xi32>
      %gather3A_773 = vector.shape_cast %broadcast_in_dim3A_772 : vector<16x1xi32> to vector<16xi32>
      %gather3A_774 = tpu.dynamic_gather %min3A_761[%gather3A_773] in [0] : vector<16xi32>, vector<16xi32> -> vector<16xi32>
      %min3A_775 = arith.minsi %min3A_761, %gather3A_774 : vector<16xi32>
      %eq3A_776 = arith.constant 4 : i32
      %eq3A_777 = vector.broadcast %eq3A_776 : i32 to vector<16xi32>
      %eq3A_778 = arith.cmpi eq, %iota3A, %eq3A_777 : vector<16xi32>
      %select_n3A_779 = arith.select %eq3A_778, %min3A_775, %select_n3A_605 : vector<16xi1>, vector<16xi32>
      %xor3A_780 = arith.constant 8 : i32
      %xor3A_781 = vector.broadcast %xor3A_780 : i32 to vector<16xi32>
      %xor3A_782 = arith.xori %iota3A, %xor3A_781 : vector<16xi32>
      %lt3A_783 = arith.constant 0 : i32
      %lt3A_784 = vector.broadcast %lt3A_783 : i32 to vector<16xi32>
      %lt3A_785 = arith.cmpi slt, %xor3A_782, %lt3A_784 : vector<16xi32>
      %add3A_786 = arith.constant 16 : i32
      %add3A_787 = vector.broadcast %add3A_786 : i32 to vector<16xi32>
      %add3A_788 = arith.addi %xor3A_782, %add3A_787 : vector<16xi32>
      %select_n3A_789 = arith.select %lt3A_785, %add3A_788, %xor3A_782 : vector<16xi1>, vector<16xi32>
      %broadcast_in_dim3A_790 = vector.shape_cast %select_n3A_789 : vector<16xi32> to vector<16x1xi32>
      %gather3A_791 = vector.shape_cast %broadcast_in_dim3A_790 : vector<16x1xi32> to vector<16xi32>
      %gather3A_792 = tpu.dynamic_gather %scan3A_658#1[%gather3A_791] in [0] : vector<16xf32>, vector<16xi32> -> vector<16xf32>
      %min3A_793 = arith.minimumf %scan3A_658#1, %gather3A_792 : vector<16xf32>
      %xor3A_794 = arith.constant 4 : i32
      %xor3A_795 = vector.broadcast %xor3A_794 : i32 to vector<16xi32>
      %xor3A_796 = arith.xori %iota3A, %xor3A_795 : vector<16xi32>
      %lt3A_797 = arith.constant 0 : i32
      %lt3A_798 = vector.broadcast %lt3A_797 : i32 to vector<16xi32>
      %lt3A_799 = arith.cmpi slt, %xor3A_796, %lt3A_798 : vector<16xi32>
      %add3A_800 = arith.constant 16 : i32
      %add3A_801 = vector.broadcast %add3A_800 : i32 to vector<16xi32>
      %add3A_802 = arith.addi %xor3A_796, %add3A_801 : vector<16xi32>
      %select_n3A_803 = arith.select %lt3A_799, %add3A_802, %xor3A_796 : vector<16xi1>, vector<16xi32>
      %broadcast_in_dim3A_804 = vector.shape_cast %select_n3A_803 : vector<16xi32> to vector<16x1xi32>
      %gather3A_805 = vector.shape_cast %broadcast_in_dim3A_804 : vector<16x1xi32> to vector<16xi32>
      %gather3A_806 = tpu.dynamic_gather %min3A_793[%gather3A_805] in [0] : vector<16xf32>, vector<16xi32> -> vector<16xf32>
      %min3A_807 = arith.minimumf %min3A_793, %gather3A_806 : vector<16xf32>
      %xor3A_808 = arith.constant 2 : i32
      %xor3A_809 = vector.broadcast %xor3A_808 : i32 to vector<16xi32>
      %xor3A_810 = arith.xori %iota3A, %xor3A_809 : vector<16xi32>
      %lt3A_811 = arith.constant 0 : i32
      %lt3A_812 = vector.broadcast %lt3A_811 : i32 to vector<16xi32>
      %lt3A_813 = arith.cmpi slt, %xor3A_810, %lt3A_812 : vector<16xi32>
      %add3A_814 = arith.constant 16 : i32
      %add3A_815 = vector.broadcast %add3A_814 : i32 to vector<16xi32>
      %add3A_816 = arith.addi %xor3A_810, %add3A_815 : vector<16xi32>
      %select_n3A_817 = arith.select %lt3A_813, %add3A_816, %xor3A_810 : vector<16xi1>, vector<16xi32>
      %broadcast_in_dim3A_818 = vector.shape_cast %select_n3A_817 : vector<16xi32> to vector<16x1xi32>
      %gather3A_819 = vector.shape_cast %broadcast_in_dim3A_818 : vector<16x1xi32> to vector<16xi32>
      %gather3A_820 = tpu.dynamic_gather %min3A_807[%gather3A_819] in [0] : vector<16xf32>, vector<16xi32> -> vector<16xf32>
      %min3A_821 = arith.minimumf %min3A_807, %gather3A_820 : vector<16xf32>
      %xor3A_822 = arith.constant 1 : i32
      %xor3A_823 = vector.broadcast %xor3A_822 : i32 to vector<16xi32>
      %xor3A_824 = arith.xori %iota3A, %xor3A_823 : vector<16xi32>
      %lt3A_825 = arith.constant 0 : i32
      %lt3A_826 = vector.broadcast %lt3A_825 : i32 to vector<16xi32>
      %lt3A_827 = arith.cmpi slt, %xor3A_824, %lt3A_826 : vector<16xi32>
      %add3A_828 = arith.constant 16 : i32
      %add3A_829 = vector.broadcast %add3A_828 : i32 to vector<16xi32>
      %add3A_830 = arith.addi %xor3A_824, %add3A_829 : vector<16xi32>
      %select_n3A_831 = arith.select %lt3A_827, %add3A_830, %xor3A_824 : vector<16xi1>, vector<16xi32>
      %broadcast_in_dim3A_832 = vector.shape_cast %select_n3A_831 : vector<16xi32> to vector<16x1xi32>
      %gather3A_833 = vector.shape_cast %broadcast_in_dim3A_832 : vector<16x1xi32> to vector<16xi32>
      %gather3A_834 = tpu.dynamic_gather %min3A_821[%gather3A_833] in [0] : vector<16xf32>, vector<16xi32> -> vector<16xf32>
      %min3A_835 = arith.minimumf %min3A_821, %gather3A_834 : vector<16xf32>
      %eq3A_836 = arith.cmpf oeq, %scan3A_658#1, %min3A_835 : vector<16xf32>
      %jit3A_837 = arith.constant 2048 : i32
      %broadcast_in_dim3A_838 = vector.broadcast %jit3A_837 : i32 to vector<16xi32>
      %select_n3A_839 = arith.select %eq3A_836, %scan3A_658#5, %broadcast_in_dim3A_838 : vector<16xi1>, vector<16xi32>
      %xor3A_840 = arith.constant 8 : i32
      %xor3A_841 = vector.broadcast %xor3A_840 : i32 to vector<16xi32>
      %xor3A_842 = arith.xori %iota3A, %xor3A_841 : vector<16xi32>
      %lt3A_843 = arith.constant 0 : i32
      %lt3A_844 = vector.broadcast %lt3A_843 : i32 to vector<16xi32>
      %lt3A_845 = arith.cmpi slt, %xor3A_842, %lt3A_844 : vector<16xi32>
      %add3A_846 = arith.constant 16 : i32
      %add3A_847 = vector.broadcast %add3A_846 : i32 to vector<16xi32>
      %add3A_848 = arith.addi %xor3A_842, %add3A_847 : vector<16xi32>
      %select_n3A_849 = arith.select %lt3A_845, %add3A_848, %xor3A_842 : vector<16xi1>, vector<16xi32>
      %broadcast_in_dim3A_850 = vector.shape_cast %select_n3A_849 : vector<16xi32> to vector<16x1xi32>
      %gather3A_851 = vector.shape_cast %broadcast_in_dim3A_850 : vector<16x1xi32> to vector<16xi32>
      %gather3A_852 = tpu.dynamic_gather %select_n3A_839[%gather3A_851] in [0] : vector<16xi32>, vector<16xi32> -> vector<16xi32>
      %min3A_853 = arith.minsi %select_n3A_839, %gather3A_852 : vector<16xi32>
      %xor3A_854 = arith.constant 4 : i32
      %xor3A_855 = vector.broadcast %xor3A_854 : i32 to vector<16xi32>
      %xor3A_856 = arith.xori %iota3A, %xor3A_855 : vector<16xi32>
      %lt3A_857 = arith.constant 0 : i32
      %lt3A_858 = vector.broadcast %lt3A_857 : i32 to vector<16xi32>
      %lt3A_859 = arith.cmpi slt, %xor3A_856, %lt3A_858 : vector<16xi32>
      %add3A_860 = arith.constant 16 : i32
      %add3A_861 = vector.broadcast %add3A_860 : i32 to vector<16xi32>
      %add3A_862 = arith.addi %xor3A_856, %add3A_861 : vector<16xi32>
      %select_n3A_863 = arith.select %lt3A_859, %add3A_862, %xor3A_856 : vector<16xi1>, vector<16xi32>
      %broadcast_in_dim3A_864 = vector.shape_cast %select_n3A_863 : vector<16xi32> to vector<16x1xi32>
      %gather3A_865 = vector.shape_cast %broadcast_in_dim3A_864 : vector<16x1xi32> to vector<16xi32>
      %gather3A_866 = tpu.dynamic_gather %min3A_853[%gather3A_865] in [0] : vector<16xi32>, vector<16xi32> -> vector<16xi32>
      %min3A_867 = arith.minsi %min3A_853, %gather3A_866 : vector<16xi32>
      %xor3A_868 = arith.constant 2 : i32
      %xor3A_869 = vector.broadcast %xor3A_868 : i32 to vector<16xi32>
      %xor3A_870 = arith.xori %iota3A, %xor3A_869 : vector<16xi32>
      %lt3A_871 = arith.constant 0 : i32
      %lt3A_872 = vector.broadcast %lt3A_871 : i32 to vector<16xi32>
      %lt3A_873 = arith.cmpi slt, %xor3A_870, %lt3A_872 : vector<16xi32>
      %add3A_874 = arith.constant 16 : i32
      %add3A_875 = vector.broadcast %add3A_874 : i32 to vector<16xi32>
      %add3A_876 = arith.addi %xor3A_870, %add3A_875 : vector<16xi32>
      %select_n3A_877 = arith.select %lt3A_873, %add3A_876, %xor3A_870 : vector<16xi1>, vector<16xi32>
      %broadcast_in_dim3A_878 = vector.shape_cast %select_n3A_877 : vector<16xi32> to vector<16x1xi32>
      %gather3A_879 = vector.shape_cast %broadcast_in_dim3A_878 : vector<16x1xi32> to vector<16xi32>
      %gather3A_880 = tpu.dynamic_gather %min3A_867[%gather3A_879] in [0] : vector<16xi32>, vector<16xi32> -> vector<16xi32>
      %min3A_881 = arith.minsi %min3A_867, %gather3A_880 : vector<16xi32>
      %xor3A_882 = arith.constant 1 : i32
      %xor3A_883 = vector.broadcast %xor3A_882 : i32 to vector<16xi32>
      %xor3A_884 = arith.xori %iota3A, %xor3A_883 : vector<16xi32>
      %lt3A_885 = arith.constant 0 : i32
      %lt3A_886 = vector.broadcast %lt3A_885 : i32 to vector<16xi32>
      %lt3A_887 = arith.cmpi slt, %xor3A_884, %lt3A_886 : vector<16xi32>
      %add3A_888 = arith.constant 16 : i32
      %add3A_889 = vector.broadcast %add3A_888 : i32 to vector<16xi32>
      %add3A_890 = arith.addi %xor3A_884, %add3A_889 : vector<16xi32>
      %select_n3A_891 = arith.select %lt3A_887, %add3A_890, %xor3A_884 : vector<16xi1>, vector<16xi32>
      %broadcast_in_dim3A_892 = vector.shape_cast %select_n3A_891 : vector<16xi32> to vector<16x1xi32>
      %gather3A_893 = vector.shape_cast %broadcast_in_dim3A_892 : vector<16x1xi32> to vector<16xi32>
      %gather3A_894 = tpu.dynamic_gather %min3A_881[%gather3A_893] in [0] : vector<16xi32>, vector<16xi32> -> vector<16xi32>
      %min3A_895 = arith.minsi %min3A_881, %gather3A_894 : vector<16xi32>
      %eq3A_896 = arith.constant 5 : i32
      %eq3A_897 = vector.broadcast %eq3A_896 : i32 to vector<16xi32>
      %eq3A_898 = arith.cmpi eq, %iota3A, %eq3A_897 : vector<16xi32>
      %select_n3A_899 = arith.select %eq3A_898, %min3A_895, %select_n3A_779 : vector<16xi1>, vector<16xi32>
      %xor3A_900 = arith.constant 8 : i32
      %xor3A_901 = vector.broadcast %xor3A_900 : i32 to vector<16xi32>
      %xor3A_902 = arith.xori %iota3A, %xor3A_901 : vector<16xi32>
      %lt3A_903 = arith.constant 0 : i32
      %lt3A_904 = vector.broadcast %lt3A_903 : i32 to vector<16xi32>
      %lt3A_905 = arith.cmpi slt, %xor3A_902, %lt3A_904 : vector<16xi32>
      %add3A_906 = arith.constant 16 : i32
      %add3A_907 = vector.broadcast %add3A_906 : i32 to vector<16xi32>
      %add3A_908 = arith.addi %xor3A_902, %add3A_907 : vector<16xi32>
      %select_n3A_909 = arith.select %lt3A_905, %add3A_908, %xor3A_902 : vector<16xi1>, vector<16xi32>
      %broadcast_in_dim3A_910 = vector.shape_cast %select_n3A_909 : vector<16xi32> to vector<16x1xi32>
      %gather3A_911 = vector.shape_cast %broadcast_in_dim3A_910 : vector<16x1xi32> to vector<16xi32>
      %gather3A_912 = tpu.dynamic_gather %scan3A_658#2[%gather3A_911] in [0] : vector<16xf32>, vector<16xi32> -> vector<16xf32>
      %min3A_913 = arith.minimumf %scan3A_658#2, %gather3A_912 : vector<16xf32>
      %xor3A_914 = arith.constant 4 : i32
      %xor3A_915 = vector.broadcast %xor3A_914 : i32 to vector<16xi32>
      %xor3A_916 = arith.xori %iota3A, %xor3A_915 : vector<16xi32>
      %lt3A_917 = arith.constant 0 : i32
      %lt3A_918 = vector.broadcast %lt3A_917 : i32 to vector<16xi32>
      %lt3A_919 = arith.cmpi slt, %xor3A_916, %lt3A_918 : vector<16xi32>
      %add3A_920 = arith.constant 16 : i32
      %add3A_921 = vector.broadcast %add3A_920 : i32 to vector<16xi32>
      %add3A_922 = arith.addi %xor3A_916, %add3A_921 : vector<16xi32>
      %select_n3A_923 = arith.select %lt3A_919, %add3A_922, %xor3A_916 : vector<16xi1>, vector<16xi32>
      %broadcast_in_dim3A_924 = vector.shape_cast %select_n3A_923 : vector<16xi32> to vector<16x1xi32>
      %gather3A_925 = vector.shape_cast %broadcast_in_dim3A_924 : vector<16x1xi32> to vector<16xi32>
      %gather3A_926 = tpu.dynamic_gather %min3A_913[%gather3A_925] in [0] : vector<16xf32>, vector<16xi32> -> vector<16xf32>
      %min3A_927 = arith.minimumf %min3A_913, %gather3A_926 : vector<16xf32>
      %xor3A_928 = arith.constant 2 : i32
      %xor3A_929 = vector.broadcast %xor3A_928 : i32 to vector<16xi32>
      %xor3A_930 = arith.xori %iota3A, %xor3A_929 : vector<16xi32>
      %lt3A_931 = arith.constant 0 : i32
      %lt3A_932 = vector.broadcast %lt3A_931 : i32 to vector<16xi32>
      %lt3A_933 = arith.cmpi slt, %xor3A_930, %lt3A_932 : vector<16xi32>
      %add3A_934 = arith.constant 16 : i32
      %add3A_935 = vector.broadcast %add3A_934 : i32 to vector<16xi32>
      %add3A_936 = arith.addi %xor3A_930, %add3A_935 : vector<16xi32>
      %select_n3A_937 = arith.select %lt3A_933, %add3A_936, %xor3A_930 : vector<16xi1>, vector<16xi32>
      %broadcast_in_dim3A_938 = vector.shape_cast %select_n3A_937 : vector<16xi32> to vector<16x1xi32>
      %gather3A_939 = vector.shape_cast %broadcast_in_dim3A_938 : vector<16x1xi32> to vector<16xi32>
      %gather3A_940 = tpu.dynamic_gather %min3A_927[%gather3A_939] in [0] : vector<16xf32>, vector<16xi32> -> vector<16xf32>
      %min3A_941 = arith.minimumf %min3A_927, %gather3A_940 : vector<16xf32>
      %xor3A_942 = arith.constant 1 : i32
      %xor3A_943 = vector.broadcast %xor3A_942 : i32 to vector<16xi32>
      %xor3A_944 = arith.xori %iota3A, %xor3A_943 : vector<16xi32>
      %lt3A_945 = arith.constant 0 : i32
      %lt3A_946 = vector.broadcast %lt3A_945 : i32 to vector<16xi32>
      %lt3A_947 = arith.cmpi slt, %xor3A_944, %lt3A_946 : vector<16xi32>
      %add3A_948 = arith.constant 16 : i32
      %add3A_949 = vector.broadcast %add3A_948 : i32 to vector<16xi32>
      %add3A_950 = arith.addi %xor3A_944, %add3A_949 : vector<16xi32>
      %select_n3A_951 = arith.select %lt3A_947, %add3A_950, %xor3A_944 : vector<16xi1>, vector<16xi32>
      %broadcast_in_dim3A_952 = vector.shape_cast %select_n3A_951 : vector<16xi32> to vector<16x1xi32>
      %gather3A_953 = vector.shape_cast %broadcast_in_dim3A_952 : vector<16x1xi32> to vector<16xi32>
      %gather3A_954 = tpu.dynamic_gather %min3A_941[%gather3A_953] in [0] : vector<16xf32>, vector<16xi32> -> vector<16xf32>
      %min3A_955 = arith.minimumf %min3A_941, %gather3A_954 : vector<16xf32>
      %eq3A_956 = arith.cmpf oeq, %scan3A_658#2, %min3A_955 : vector<16xf32>
      %jit3A_957 = arith.constant 2048 : i32
      %broadcast_in_dim3A_958 = vector.broadcast %jit3A_957 : i32 to vector<16xi32>
      %select_n3A_959 = arith.select %eq3A_956, %scan3A_658#6, %broadcast_in_dim3A_958 : vector<16xi1>, vector<16xi32>
      %xor3A_960 = arith.constant 8 : i32
      %xor3A_961 = vector.broadcast %xor3A_960 : i32 to vector<16xi32>
      %xor3A_962 = arith.xori %iota3A, %xor3A_961 : vector<16xi32>
      %lt3A_963 = arith.constant 0 : i32
      %lt3A_964 = vector.broadcast %lt3A_963 : i32 to vector<16xi32>
      %lt3A_965 = arith.cmpi slt, %xor3A_962, %lt3A_964 : vector<16xi32>
      %add3A_966 = arith.constant 16 : i32
      %add3A_967 = vector.broadcast %add3A_966 : i32 to vector<16xi32>
      %add3A_968 = arith.addi %xor3A_962, %add3A_967 : vector<16xi32>
      %select_n3A_969 = arith.select %lt3A_965, %add3A_968, %xor3A_962 : vector<16xi1>, vector<16xi32>
      %broadcast_in_dim3A_970 = vector.shape_cast %select_n3A_969 : vector<16xi32> to vector<16x1xi32>
      %gather3A_971 = vector.shape_cast %broadcast_in_dim3A_970 : vector<16x1xi32> to vector<16xi32>
      %gather3A_972 = tpu.dynamic_gather %select_n3A_959[%gather3A_971] in [0] : vector<16xi32>, vector<16xi32> -> vector<16xi32>
      %min3A_973 = arith.minsi %select_n3A_959, %gather3A_972 : vector<16xi32>
      %xor3A_974 = arith.constant 4 : i32
      %xor3A_975 = vector.broadcast %xor3A_974 : i32 to vector<16xi32>
      %xor3A_976 = arith.xori %iota3A, %xor3A_975 : vector<16xi32>
      %lt3A_977 = arith.constant 0 : i32
      %lt3A_978 = vector.broadcast %lt3A_977 : i32 to vector<16xi32>
      %lt3A_979 = arith.cmpi slt, %xor3A_976, %lt3A_978 : vector<16xi32>
      %add3A_980 = arith.constant 16 : i32
      %add3A_981 = vector.broadcast %add3A_980 : i32 to vector<16xi32>
      %add3A_982 = arith.addi %xor3A_976, %add3A_981 : vector<16xi32>
      %select_n3A_983 = arith.select %lt3A_979, %add3A_982, %xor3A_976 : vector<16xi1>, vector<16xi32>
      %broadcast_in_dim3A_984 = vector.shape_cast %select_n3A_983 : vector<16xi32> to vector<16x1xi32>
      %gather3A_985 = vector.shape_cast %broadcast_in_dim3A_984 : vector<16x1xi32> to vector<16xi32>
      %gather3A_986 = tpu.dynamic_gather %min3A_973[%gather3A_985] in [0] : vector<16xi32>, vector<16xi32> -> vector<16xi32>
      %min3A_987 = arith.minsi %min3A_973, %gather3A_986 : vector<16xi32>
      %xor3A_988 = arith.constant 2 : i32
      %xor3A_989 = vector.broadcast %xor3A_988 : i32 to vector<16xi32>
      %xor3A_990 = arith.xori %iota3A, %xor3A_989 : vector<16xi32>
      %lt3A_991 = arith.constant 0 : i32
      %lt3A_992 = vector.broadcast %lt3A_991 : i32 to vector<16xi32>
      %lt3A_993 = arith.cmpi slt, %xor3A_990, %lt3A_992 : vector<16xi32>
      %add3A_994 = arith.constant 16 : i32
      %add3A_995 = vector.broadcast %add3A_994 : i32 to vector<16xi32>
      %add3A_996 = arith.addi %xor3A_990, %add3A_995 : vector<16xi32>
      %select_n3A_997 = arith.select %lt3A_993, %add3A_996, %xor3A_990 : vector<16xi1>, vector<16xi32>
      %broadcast_in_dim3A_998 = vector.shape_cast %select_n3A_997 : vector<16xi32> to vector<16x1xi32>
      %gather3A_999 = vector.shape_cast %broadcast_in_dim3A_998 : vector<16x1xi32> to vector<16xi32>
      %gather3A_1000 = tpu.dynamic_gather %min3A_987[%gather3A_999] in [0] : vector<16xi32>, vector<16xi32> -> vector<16xi32>
      %min3A_1001 = arith.minsi %min3A_987, %gather3A_1000 : vector<16xi32>
      %xor3A_1002 = arith.constant 1 : i32
      %xor3A_1003 = vector.broadcast %xor3A_1002 : i32 to vector<16xi32>
      %xor3A_1004 = arith.xori %iota3A, %xor3A_1003 : vector<16xi32>
      %lt3A_1005 = arith.constant 0 : i32
      %lt3A_1006 = vector.broadcast %lt3A_1005 : i32 to vector<16xi32>
      %lt3A_1007 = arith.cmpi slt, %xor3A_1004, %lt3A_1006 : vector<16xi32>
      %add3A_1008 = arith.constant 16 : i32
      %add3A_1009 = vector.broadcast %add3A_1008 : i32 to vector<16xi32>
      %add3A_1010 = arith.addi %xor3A_1004, %add3A_1009 : vector<16xi32>
      %select_n3A_1011 = arith.select %lt3A_1007, %add3A_1010, %xor3A_1004 : vector<16xi1>, vector<16xi32>
      %broadcast_in_dim3A_1012 = vector.shape_cast %select_n3A_1011 : vector<16xi32> to vector<16x1xi32>
      %gather3A_1013 = vector.shape_cast %broadcast_in_dim3A_1012 : vector<16x1xi32> to vector<16xi32>
      %gather3A_1014 = tpu.dynamic_gather %min3A_1001[%gather3A_1013] in [0] : vector<16xi32>, vector<16xi32> -> vector<16xi32>
      %min3A_1015 = arith.minsi %min3A_1001, %gather3A_1014 : vector<16xi32>
      %eq3A_1016 = arith.constant 6 : i32
      %eq3A_1017 = vector.broadcast %eq3A_1016 : i32 to vector<16xi32>
      %eq3A_1018 = arith.cmpi eq, %iota3A, %eq3A_1017 : vector<16xi32>
      %select_n3A_1019 = arith.select %eq3A_1018, %min3A_1015, %select_n3A_899 : vector<16xi1>, vector<16xi32>
      %xor3A_1020 = arith.constant 8 : i32
      %xor3A_1021 = vector.broadcast %xor3A_1020 : i32 to vector<16xi32>
      %xor3A_1022 = arith.xori %iota3A, %xor3A_1021 : vector<16xi32>
      %lt3A_1023 = arith.constant 0 : i32
      %lt3A_1024 = vector.broadcast %lt3A_1023 : i32 to vector<16xi32>
      %lt3A_1025 = arith.cmpi slt, %xor3A_1022, %lt3A_1024 : vector<16xi32>
      %add3A_1026 = arith.constant 16 : i32
      %add3A_1027 = vector.broadcast %add3A_1026 : i32 to vector<16xi32>
      %add3A_1028 = arith.addi %xor3A_1022, %add3A_1027 : vector<16xi32>
      %select_n3A_1029 = arith.select %lt3A_1025, %add3A_1028, %xor3A_1022 : vector<16xi1>, vector<16xi32>
      %broadcast_in_dim3A_1030 = vector.shape_cast %select_n3A_1029 : vector<16xi32> to vector<16x1xi32>
      %gather3A_1031 = vector.shape_cast %broadcast_in_dim3A_1030 : vector<16x1xi32> to vector<16xi32>
      %gather3A_1032 = tpu.dynamic_gather %scan3A_658#3[%gather3A_1031] in [0] : vector<16xf32>, vector<16xi32> -> vector<16xf32>
      %min3A_1033 = arith.minimumf %scan3A_658#3, %gather3A_1032 : vector<16xf32>
      %xor3A_1034 = arith.constant 4 : i32
      %xor3A_1035 = vector.broadcast %xor3A_1034 : i32 to vector<16xi32>
      %xor3A_1036 = arith.xori %iota3A, %xor3A_1035 : vector<16xi32>
      %lt3A_1037 = arith.constant 0 : i32
      %lt3A_1038 = vector.broadcast %lt3A_1037 : i32 to vector<16xi32>
      %lt3A_1039 = arith.cmpi slt, %xor3A_1036, %lt3A_1038 : vector<16xi32>
      %add3A_1040 = arith.constant 16 : i32
      %add3A_1041 = vector.broadcast %add3A_1040 : i32 to vector<16xi32>
      %add3A_1042 = arith.addi %xor3A_1036, %add3A_1041 : vector<16xi32>
      %select_n3A_1043 = arith.select %lt3A_1039, %add3A_1042, %xor3A_1036 : vector<16xi1>, vector<16xi32>
      %broadcast_in_dim3A_1044 = vector.shape_cast %select_n3A_1043 : vector<16xi32> to vector<16x1xi32>
      %gather3A_1045 = vector.shape_cast %broadcast_in_dim3A_1044 : vector<16x1xi32> to vector<16xi32>
      %gather3A_1046 = tpu.dynamic_gather %min3A_1033[%gather3A_1045] in [0] : vector<16xf32>, vector<16xi32> -> vector<16xf32>
      %min3A_1047 = arith.minimumf %min3A_1033, %gather3A_1046 : vector<16xf32>
      %xor3A_1048 = arith.constant 2 : i32
      %xor3A_1049 = vector.broadcast %xor3A_1048 : i32 to vector<16xi32>
      %xor3A_1050 = arith.xori %iota3A, %xor3A_1049 : vector<16xi32>
      %lt3A_1051 = arith.constant 0 : i32
      %lt3A_1052 = vector.broadcast %lt3A_1051 : i32 to vector<16xi32>
      %lt3A_1053 = arith.cmpi slt, %xor3A_1050, %lt3A_1052 : vector<16xi32>
      %add3A_1054 = arith.constant 16 : i32
      %add3A_1055 = vector.broadcast %add3A_1054 : i32 to vector<16xi32>
      %add3A_1056 = arith.addi %xor3A_1050, %add3A_1055 : vector<16xi32>
      %select_n3A_1057 = arith.select %lt3A_1053, %add3A_1056, %xor3A_1050 : vector<16xi1>, vector<16xi32>
      %broadcast_in_dim3A_1058 = vector.shape_cast %select_n3A_1057 : vector<16xi32> to vector<16x1xi32>
      %gather3A_1059 = vector.shape_cast %broadcast_in_dim3A_1058 : vector<16x1xi32> to vector<16xi32>
      %gather3A_1060 = tpu.dynamic_gather %min3A_1047[%gather3A_1059] in [0] : vector<16xf32>, vector<16xi32> -> vector<16xf32>
      %min3A_1061 = arith.minimumf %min3A_1047, %gather3A_1060 : vector<16xf32>
      %xor3A_1062 = arith.constant 1 : i32
      %xor3A_1063 = vector.broadcast %xor3A_1062 : i32 to vector<16xi32>
      %xor3A_1064 = arith.xori %iota3A, %xor3A_1063 : vector<16xi32>
      %lt3A_1065 = arith.constant 0 : i32
      %lt3A_1066 = vector.broadcast %lt3A_1065 : i32 to vector<16xi32>
      %lt3A_1067 = arith.cmpi slt, %xor3A_1064, %lt3A_1066 : vector<16xi32>
      %add3A_1068 = arith.constant 16 : i32
      %add3A_1069 = vector.broadcast %add3A_1068 : i32 to vector<16xi32>
      %add3A_1070 = arith.addi %xor3A_1064, %add3A_1069 : vector<16xi32>
      %select_n3A_1071 = arith.select %lt3A_1067, %add3A_1070, %xor3A_1064 : vector<16xi1>, vector<16xi32>
      %broadcast_in_dim3A_1072 = vector.shape_cast %select_n3A_1071 : vector<16xi32> to vector<16x1xi32>
      %gather3A_1073 = vector.shape_cast %broadcast_in_dim3A_1072 : vector<16x1xi32> to vector<16xi32>
      %gather3A_1074 = tpu.dynamic_gather %min3A_1061[%gather3A_1073] in [0] : vector<16xf32>, vector<16xi32> -> vector<16xf32>
      %min3A_1075 = arith.minimumf %min3A_1061, %gather3A_1074 : vector<16xf32>
      %eq3A_1076 = arith.cmpf oeq, %scan3A_658#3, %min3A_1075 : vector<16xf32>
      %jit3A_1077 = arith.constant 2048 : i32
      %broadcast_in_dim3A_1078 = vector.broadcast %jit3A_1077 : i32 to vector<16xi32>
      %select_n3A_1079 = arith.select %eq3A_1076, %scan3A_658#7, %broadcast_in_dim3A_1078 : vector<16xi1>, vector<16xi32>
      %xor3A_1080 = arith.constant 8 : i32
      %xor3A_1081 = vector.broadcast %xor3A_1080 : i32 to vector<16xi32>
      %xor3A_1082 = arith.xori %iota3A, %xor3A_1081 : vector<16xi32>
      %lt3A_1083 = arith.constant 0 : i32
      %lt3A_1084 = vector.broadcast %lt3A_1083 : i32 to vector<16xi32>
      %lt3A_1085 = arith.cmpi slt, %xor3A_1082, %lt3A_1084 : vector<16xi32>
      %add3A_1086 = arith.constant 16 : i32
      %add3A_1087 = vector.broadcast %add3A_1086 : i32 to vector<16xi32>
      %add3A_1088 = arith.addi %xor3A_1082, %add3A_1087 : vector<16xi32>
      %select_n3A_1089 = arith.select %lt3A_1085, %add3A_1088, %xor3A_1082 : vector<16xi1>, vector<16xi32>
      %broadcast_in_dim3A_1090 = vector.shape_cast %select_n3A_1089 : vector<16xi32> to vector<16x1xi32>
      %gather3A_1091 = vector.shape_cast %broadcast_in_dim3A_1090 : vector<16x1xi32> to vector<16xi32>
      %gather3A_1092 = tpu.dynamic_gather %select_n3A_1079[%gather3A_1091] in [0] : vector<16xi32>, vector<16xi32> -> vector<16xi32>
      %min3A_1093 = arith.minsi %select_n3A_1079, %gather3A_1092 : vector<16xi32>
      %xor3A_1094 = arith.constant 4 : i32
      %xor3A_1095 = vector.broadcast %xor3A_1094 : i32 to vector<16xi32>
      %xor3A_1096 = arith.xori %iota3A, %xor3A_1095 : vector<16xi32>
      %lt3A_1097 = arith.constant 0 : i32
      %lt3A_1098 = vector.broadcast %lt3A_1097 : i32 to vector<16xi32>
      %lt3A_1099 = arith.cmpi slt, %xor3A_1096, %lt3A_1098 : vector<16xi32>
      %add3A_1100 = arith.constant 16 : i32
      %add3A_1101 = vector.broadcast %add3A_1100 : i32 to vector<16xi32>
      %add3A_1102 = arith.addi %xor3A_1096, %add3A_1101 : vector<16xi32>
      %select_n3A_1103 = arith.select %lt3A_1099, %add3A_1102, %xor3A_1096 : vector<16xi1>, vector<16xi32>
      %broadcast_in_dim3A_1104 = vector.shape_cast %select_n3A_1103 : vector<16xi32> to vector<16x1xi32>
      %gather3A_1105 = vector.shape_cast %broadcast_in_dim3A_1104 : vector<16x1xi32> to vector<16xi32>
      %gather3A_1106 = tpu.dynamic_gather %min3A_1093[%gather3A_1105] in [0] : vector<16xi32>, vector<16xi32> -> vector<16xi32>
      %min3A_1107 = arith.minsi %min3A_1093, %gather3A_1106 : vector<16xi32>
      %xor3A_1108 = arith.constant 2 : i32
      %xor3A_1109 = vector.broadcast %xor3A_1108 : i32 to vector<16xi32>
      %xor3A_1110 = arith.xori %iota3A, %xor3A_1109 : vector<16xi32>
      %lt3A_1111 = arith.constant 0 : i32
      %lt3A_1112 = vector.broadcast %lt3A_1111 : i32 to vector<16xi32>
      %lt3A_1113 = arith.cmpi slt, %xor3A_1110, %lt3A_1112 : vector<16xi32>
      %add3A_1114 = arith.constant 16 : i32
      %add3A_1115 = vector.broadcast %add3A_1114 : i32 to vector<16xi32>
      %add3A_1116 = arith.addi %xor3A_1110, %add3A_1115 : vector<16xi32>
      %select_n3A_1117 = arith.select %lt3A_1113, %add3A_1116, %xor3A_1110 : vector<16xi1>, vector<16xi32>
      %broadcast_in_dim3A_1118 = vector.shape_cast %select_n3A_1117 : vector<16xi32> to vector<16x1xi32>
      %gather3A_1119 = vector.shape_cast %broadcast_in_dim3A_1118 : vector<16x1xi32> to vector<16xi32>
      %gather3A_1120 = tpu.dynamic_gather %min3A_1107[%gather3A_1119] in [0] : vector<16xi32>, vector<16xi32> -> vector<16xi32>
      %min3A_1121 = arith.minsi %min3A_1107, %gather3A_1120 : vector<16xi32>
      %xor3A_1122 = arith.constant 1 : i32
      %xor3A_1123 = vector.broadcast %xor3A_1122 : i32 to vector<16xi32>
      %xor3A_1124 = arith.xori %iota3A, %xor3A_1123 : vector<16xi32>
      %lt3A_1125 = arith.constant 0 : i32
      %lt3A_1126 = vector.broadcast %lt3A_1125 : i32 to vector<16xi32>
      %lt3A_1127 = arith.cmpi slt, %xor3A_1124, %lt3A_1126 : vector<16xi32>
      %add3A_1128 = arith.constant 16 : i32
      %add3A_1129 = vector.broadcast %add3A_1128 : i32 to vector<16xi32>
      %add3A_1130 = arith.addi %xor3A_1124, %add3A_1129 : vector<16xi32>
      %select_n3A_1131 = arith.select %lt3A_1127, %add3A_1130, %xor3A_1124 : vector<16xi1>, vector<16xi32>
      %broadcast_in_dim3A_1132 = vector.shape_cast %select_n3A_1131 : vector<16xi32> to vector<16x1xi32>
      %gather3A_1133 = vector.shape_cast %broadcast_in_dim3A_1132 : vector<16x1xi32> to vector<16xi32>
      %gather3A_1134 = tpu.dynamic_gather %min3A_1121[%gather3A_1133] in [0] : vector<16xi32>, vector<16xi32> -> vector<16xi32>
      %min3A_1135 = arith.minsi %min3A_1121, %gather3A_1134 : vector<16xi32>
      %eq3A_1136 = arith.constant 7 : i32
      %eq3A_1137 = vector.broadcast %eq3A_1136 : i32 to vector<16xi32>
      %eq3A_1138 = arith.cmpi eq, %iota3A, %eq3A_1137 : vector<16xi32>
      %select_n3A_1139 = arith.select %eq3A_1138, %min3A_1135, %select_n3A_1019 : vector<16xi1>, vector<16xi32>
      %slice3A_1140 = vector.extract_strided_slice %get3A_62 {offsets = [8], sizes = [1], strides = [1]} : vector<16xf32> to vector<1xf32>
      %squeeze3A_1141 = vector.extract %slice3A_1140[0] : f32 from vector<1xf32>
      %slice3A_1142 = vector.extract_strided_slice %get3A_62 {offsets = [9], sizes = [1], strides = [1]} : vector<16xf32> to vector<1xf32>
      %squeeze3A_1143 = vector.extract %slice3A_1142[0] : f32 from vector<1xf32>
      %slice3A_1144 = vector.extract_strided_slice %get3A_62 {offsets = [10], sizes = [1], strides = [1]} : vector<16xf32> to vector<1xf32>
      %squeeze3A_1145 = vector.extract %slice3A_1144[0] : f32 from vector<1xf32>
      %slice3A_1146 = vector.extract_strided_slice %get3A_62 {offsets = [11], sizes = [1], strides = [1]} : vector<16xf32> to vector<1xf32>
      %squeeze3A_1147 = vector.extract %slice3A_1146[0] : f32 from vector<1xf32>
      %slice3A_1148 = vector.extract_strided_slice %get3A_67 {offsets = [8], sizes = [1], strides = [1]} : vector<16xf32> to vector<1xf32>
      %squeeze3A_1149 = vector.extract %slice3A_1148[0] : f32 from vector<1xf32>
      %slice3A_1150 = vector.extract_strided_slice %get3A_67 {offsets = [9], sizes = [1], strides = [1]} : vector<16xf32> to vector<1xf32>
      %squeeze3A_1151 = vector.extract %slice3A_1150[0] : f32 from vector<1xf32>
      %slice3A_1152 = vector.extract_strided_slice %get3A_67 {offsets = [10], sizes = [1], strides = [1]} : vector<16xf32> to vector<1xf32>
      %squeeze3A_1153 = vector.extract %slice3A_1152[0] : f32 from vector<1xf32>
      %slice3A_1154 = vector.extract_strided_slice %get3A_67 {offsets = [11], sizes = [1], strides = [1]} : vector<16xf32> to vector<1xf32>
      %squeeze3A_1155 = vector.extract %slice3A_1154[0] : f32 from vector<1xf32>
      %slice3A_1156 = vector.extract_strided_slice %get3A_72 {offsets = [8], sizes = [1], strides = [1]} : vector<16xf32> to vector<1xf32>
      %squeeze3A_1157 = vector.extract %slice3A_1156[0] : f32 from vector<1xf32>
      %slice3A_1158 = vector.extract_strided_slice %get3A_72 {offsets = [9], sizes = [1], strides = [1]} : vector<16xf32> to vector<1xf32>
      %squeeze3A_1159 = vector.extract %slice3A_1158[0] : f32 from vector<1xf32>
      %slice3A_1160 = vector.extract_strided_slice %get3A_72 {offsets = [10], sizes = [1], strides = [1]} : vector<16xf32> to vector<1xf32>
      %squeeze3A_1161 = vector.extract %slice3A_1160[0] : f32 from vector<1xf32>
      %slice3A_1162 = vector.extract_strided_slice %get3A_72 {offsets = [11], sizes = [1], strides = [1]} : vector<16xf32> to vector<1xf32>
      %squeeze3A_1163 = vector.extract %slice3A_1162[0] : f32 from vector<1xf32>
      %slice3A_1164 = vector.extract_strided_slice %get3A_75 {offsets = [8], sizes = [1], strides = [1]} : vector<16xf32> to vector<1xf32>
      %squeeze3A_1165 = vector.extract %slice3A_1164[0] : f32 from vector<1xf32>
      %slice3A_1166 = vector.extract_strided_slice %get3A_75 {offsets = [9], sizes = [1], strides = [1]} : vector<16xf32> to vector<1xf32>
      %squeeze3A_1167 = vector.extract %slice3A_1166[0] : f32 from vector<1xf32>
      %slice3A_1168 = vector.extract_strided_slice %get3A_75 {offsets = [10], sizes = [1], strides = [1]} : vector<16xf32> to vector<1xf32>
      %squeeze3A_1169 = vector.extract %slice3A_1168[0] : f32 from vector<1xf32>
      %slice3A_1170 = vector.extract_strided_slice %get3A_75 {offsets = [11], sizes = [1], strides = [1]} : vector<16xf32> to vector<1xf32>
      %squeeze3A_1171 = vector.extract %slice3A_1170[0] : f32 from vector<1xf32>
      %broadcast_in_dim3A_1172 = arith.constant 3.000000e+38 : f32
      %broadcast_in_dim3A_1173 = vector.broadcast %broadcast_in_dim3A_1172 : f32 to vector<16xf32>
      %broadcast_in_dim3A_1174 = arith.constant 3.000000e+38 : f32
      %broadcast_in_dim3A_1175 = vector.broadcast %broadcast_in_dim3A_1174 : f32 to vector<16xf32>
      %broadcast_in_dim3A_1176 = arith.constant 3.000000e+38 : f32
      %broadcast_in_dim3A_1177 = vector.broadcast %broadcast_in_dim3A_1176 : f32 to vector<16xf32>
      %broadcast_in_dim3A_1178 = arith.constant 3.000000e+38 : f32
      %broadcast_in_dim3A_1179 = vector.broadcast %broadcast_in_dim3A_1178 : f32 to vector<16xf32>
      %broadcast_in_dim3A_1180 = arith.constant 0 : i32
      %broadcast_in_dim3A_1181 = vector.broadcast %broadcast_in_dim3A_1180 : i32 to vector<16xi32>
      %broadcast_in_dim3A_1182 = arith.constant 0 : i32
      %broadcast_in_dim3A_1183 = vector.broadcast %broadcast_in_dim3A_1182 : i32 to vector<16xi32>
      %broadcast_in_dim3A_1184 = arith.constant 0 : i32
      %broadcast_in_dim3A_1185 = vector.broadcast %broadcast_in_dim3A_1184 : i32 to vector<16xi32>
      %broadcast_in_dim3A_1186 = arith.constant 0 : i32
      %broadcast_in_dim3A_1187 = vector.broadcast %broadcast_in_dim3A_1186 : i32 to vector<16xi32>
      %scan3A_1188 = arith.constant 0 : i32
      %scan3A_1189 = arith.constant 128 : i32
      %scan3A_1190 = arith.addi %scan3A_1188, %scan3A_1189 : i32
      %scan3A_1191 = arith.constant 2 : i32
      %scan3A_1192:9 = scf.for %scan3A_2212 = %scan3A_1188 to %scan3A_1190 step %scan3A_1191 iter_args(%scan3A_2213 = %broadcast_in_dim3A_1173, %scan3A_2214 = %broadcast_in_dim3A_1175, %scan3A_2215 = %broadcast_in_dim3A_1177, %scan3A_2216 = %broadcast_in_dim3A_1179, %scan3A_2217 = %broadcast_in_dim3A_1181, %scan3A_2218 = %broadcast_in_dim3A_1183, %scan3A_2219 = %broadcast_in_dim3A_1185, %scan3A_2220 = %broadcast_in_dim3A_1187, %scan3A_2221 = %iota3A) -> (vector<16xf32>, vector<16xf32>, vector<16xf32>, vector<16xf32>, vector<16xi32>, vector<16xi32>, vector<16xi32>, vector<16xi32>, vector<16xi32>)  : i32 {
        %mul3A_2222 = arith.constant 16 : i32
        %mul3A_2223 = arith.muli %scan3A_2212, %mul3A_2222 : i32
        %get3A_2224 = arith.constant 0 : i32
        %get3A_2225 = arith.index_cast %get3A_2224 : i32 to index
        %get3A_2226 = arith.index_cast %mul3A_2223 : i32 to index
        %get3A_2227 = tpu.vector_load %arg7[%get3A_2225, %get3A_2226] {strides = array<i32>} : memref<3x2048xf32, #tpu.memory_space<vmem>>, vector<1x16xf32>,
        %get3A_2228 = vector.shape_cast %get3A_2227 : vector<1x16xf32> to vector<16xf32>
        %mul3A_2229 = arith.constant 16 : i32
        %mul3A_2230 = arith.muli %scan3A_2212, %mul3A_2229 : i32
        %get3A_2231 = arith.constant 1 : i32
        %get3A_2232 = arith.index_cast %get3A_2231 : i32 to index
        %get3A_2233 = arith.index_cast %mul3A_2230 : i32 to index
        %get3A_2234 = tpu.vector_load %arg7[%get3A_2232, %get3A_2233] {strides = array<i32>} : memref<3x2048xf32, #tpu.memory_space<vmem>>, vector<1x16xf32>,
        %get3A_2235 = vector.shape_cast %get3A_2234 : vector<1x16xf32> to vector<16xf32>
        %mul3A_2236 = arith.constant 16 : i32
        %mul3A_2237 = arith.muli %scan3A_2212, %mul3A_2236 : i32
        %get3A_2238 = arith.constant 2 : i32
        %get3A_2239 = arith.index_cast %get3A_2238 : i32 to index
        %get3A_2240 = arith.index_cast %mul3A_2237 : i32 to index
        %get3A_2241 = tpu.vector_load %arg7[%get3A_2239, %get3A_2240] {strides = array<i32>} : memref<3x2048xf32, #tpu.memory_space<vmem>>, vector<1x16xf32>,
        %get3A_2242 = vector.shape_cast %get3A_2241 : vector<1x16xf32> to vector<16xf32>
        %mul3A_2243 = arith.constant 16 : i32
        %mul3A_2244 = arith.muli %scan3A_2212, %mul3A_2243 : i32
        %get3A_2245 = arith.index_cast %mul3A_2244 : i32 to index
        %get3A_2246 = tpu.vector_load %arg9[%get3A_2245] {strides = array<i32>} : memref<2048xf32, #tpu.memory_space<vmem>>, vector<16xf32>,
        %get3A_2247 = vector.shape_cast %get3A_2246 : vector<16xf32> to vector<16xf32>
        %mul3A_2248 = vector.broadcast %squeeze3A_1141 : f32 to vector<16xf32>
        %mul3A_2249 = arith.mulf %get3A_2228, %mul3A_2248 : vector<16xf32>
        %mul3A_2250 = vector.broadcast %squeeze3A_1149 : f32 to vector<16xf32>
        %mul3A_2251 = arith.mulf %get3A_2235, %mul3A_2250 : vector<16xf32>
        %add3A_2252 = arith.addf %mul3A_2249, %mul3A_2251 : vector<16xf32>
        %mul3A_2253 = vector.broadcast %squeeze3A_1157 : f32 to vector<16xf32>
        %mul3A_2254 = arith.mulf %get3A_2242, %mul3A_2253 : vector<16xf32>
        %add3A_2255 = arith.addf %add3A_2252, %mul3A_2254 : vector<16xf32>
        %add3A_2256 = vector.broadcast %squeeze3A_1165 : f32 to vector<16xf32>
        %add3A_2257 = arith.addf %add3A_2256, %get3A_2247 : vector<16xf32>
        %add3A_2258 = arith.addf %add3A_2257, %add3A_2255 : vector<16xf32>
        %lt3A_2259 = arith.cmpf olt, %add3A_2258, %scan3A_2213 : vector<16xf32>
        %select_n3A_2260 = arith.select %lt3A_2259, %add3A_2258, %scan3A_2213 : vector<16xi1>, vector<16xf32>
        %select_n3A_2261 = arith.select %lt3A_2259, %scan3A_2221, %scan3A_2217 : vector<16xi1>, vector<16xi32>
        %mul3A_2262 = vector.broadcast %squeeze3A_1143 : f32 to vector<16xf32>
        %mul3A_2263 = arith.mulf %get3A_2228, %mul3A_2262 : vector<16xf32>
        %mul3A_2264 = vector.broadcast %squeeze3A_1151 : f32 to vector<16xf32>
        %mul3A_2265 = arith.mulf %get3A_2235, %mul3A_2264 : vector<16xf32>
        %add3A_2266 = arith.addf %mul3A_2263, %mul3A_2265 : vector<16xf32>
        %mul3A_2267 = vector.broadcast %squeeze3A_1159 : f32 to vector<16xf32>
        %mul3A_2268 = arith.mulf %get3A_2242, %mul3A_2267 : vector<16xf32>
        %add3A_2269 = arith.addf %add3A_2266, %mul3A_2268 : vector<16xf32>
        %add3A_2270 = vector.broadcast %squeeze3A_1167 : f32 to vector<16xf32>
        %add3A_2271 = arith.addf %add3A_2270, %get3A_2247 : vector<16xf32>
        %add3A_2272 = arith.addf %add3A_2271, %add3A_2269 : vector<16xf32>
        %lt3A_2273 = arith.cmpf olt, %add3A_2272, %scan3A_2214 : vector<16xf32>
        %select_n3A_2274 = arith.select %lt3A_2273, %add3A_2272, %scan3A_2214 : vector<16xi1>, vector<16xf32>
        %select_n3A_2275 = arith.select %lt3A_2273, %scan3A_2221, %scan3A_2218 : vector<16xi1>, vector<16xi32>
        %mul3A_2276 = vector.broadcast %squeeze3A_1145 : f32 to vector<16xf32>
        %mul3A_2277 = arith.mulf %get3A_2228, %mul3A_2276 : vector<16xf32>
        %mul3A_2278 = vector.broadcast %squeeze3A_1153 : f32 to vector<16xf32>
        %mul3A_2279 = arith.mulf %get3A_2235, %mul3A_2278 : vector<16xf32>
        %add3A_2280 = arith.addf %mul3A_2277, %mul3A_2279 : vector<16xf32>
        %mul3A_2281 = vector.broadcast %squeeze3A_1161 : f32 to vector<16xf32>
        %mul3A_2282 = arith.mulf %get3A_2242, %mul3A_2281 : vector<16xf32>
        %add3A_2283 = arith.addf %add3A_2280, %mul3A_2282 : vector<16xf32>
        %add3A_2284 = vector.broadcast %squeeze3A_1169 : f32 to vector<16xf32>
        %add3A_2285 = arith.addf %add3A_2284, %get3A_2247 : vector<16xf32>
        %add3A_2286 = arith.addf %add3A_2285, %add3A_2283 : vector<16xf32>
        %lt3A_2287 = arith.cmpf olt, %add3A_2286, %scan3A_2215 : vector<16xf32>
        %select_n3A_2288 = arith.select %lt3A_2287, %add3A_2286, %scan3A_2215 : vector<16xi1>, vector<16xf32>
        %select_n3A_2289 = arith.select %lt3A_2287, %scan3A_2221, %scan3A_2219 : vector<16xi1>, vector<16xi32>
        %mul3A_2290 = vector.broadcast %squeeze3A_1147 : f32 to vector<16xf32>
        %mul3A_2291 = arith.mulf %get3A_2228, %mul3A_2290 : vector<16xf32>
        %mul3A_2292 = vector.broadcast %squeeze3A_1155 : f32 to vector<16xf32>
        %mul3A_2293 = arith.mulf %get3A_2235, %mul3A_2292 : vector<16xf32>
        %add3A_2294 = arith.addf %mul3A_2291, %mul3A_2293 : vector<16xf32>
        %mul3A_2295 = vector.broadcast %squeeze3A_1163 : f32 to vector<16xf32>
        %mul3A_2296 = arith.mulf %get3A_2242, %mul3A_2295 : vector<16xf32>
        %add3A_2297 = arith.addf %add3A_2294, %mul3A_2296 : vector<16xf32>
        %add3A_2298 = vector.broadcast %squeeze3A_1171 : f32 to vector<16xf32>
        %add3A_2299 = arith.addf %add3A_2298, %get3A_2247 : vector<16xf32>
        %add3A_2300 = arith.addf %add3A_2299, %add3A_2297 : vector<16xf32>
        %lt3A_2301 = arith.cmpf olt, %add3A_2300, %scan3A_2216 : vector<16xf32>
        %select_n3A_2302 = arith.select %lt3A_2301, %add3A_2300, %scan3A_2216 : vector<16xi1>, vector<16xf32>
        %select_n3A_2303 = arith.select %lt3A_2301, %scan3A_2221, %scan3A_2220 : vector<16xi1>, vector<16xi32>
        %add3A_2304 = arith.constant 16 : i32
        %add3A_2305 = vector.broadcast %add3A_2304 : i32 to vector<16xi32>
        %add3A_2306 = arith.addi %scan3A_2221, %add3A_2305 : vector<16xi32>
        %scan3A_2307 = arith.constant 1 : i32
        %scan3A_2308 = arith.addi %scan3A_2212, %scan3A_2307 : i32
        %mul3A_2309 = arith.constant 16 : i32
        %mul3A_2310 = arith.muli %scan3A_2308, %mul3A_2309 : i32
        %get3A_2311 = arith.constant 0 : i32
        %get3A_2312 = arith.index_cast %get3A_2311 : i32 to index
        %get3A_2313 = arith.index_cast %mul3A_2310 : i32 to index
        %get3A_2314 = tpu.vector_load %arg7[%get3A_2312, %get3A_2313] {strides = array<i32>} : memref<3x2048xf32, #tpu.memory_space<vmem>>, vector<1x16xf32>,
        %get3A_2315 = vector.shape_cast %get3A_2314 : vector<1x16xf32> to vector<16xf32>
        %mul3A_2316 = arith.constant 16 : i32
        %mul3A_2317 = arith.muli %scan3A_2308, %mul3A_2316 : i32
        %get3A_2318 = arith.constant 1 : i32
        %get3A_2319 = arith.index_cast %get3A_2318 : i32 to index
        %get3A_2320 = arith.index_cast %mul3A_2317 : i32 to index
        %get3A_2321 = tpu.vector_load %arg7[%get3A_2319, %get3A_2320] {strides = array<i32>} : memref<3x2048xf32, #tpu.memory_space<vmem>>, vector<1x16xf32>,
        %get3A_2322 = vector.shape_cast %get3A_2321 : vector<1x16xf32> to vector<16xf32>
        %mul3A_2323 = arith.constant 16 : i32
        %mul3A_2324 = arith.muli %scan3A_2308, %mul3A_2323 : i32
        %get3A_2325 = arith.constant 2 : i32
        %get3A_2326 = arith.index_cast %get3A_2325 : i32 to index
        %get3A_2327 = arith.index_cast %mul3A_2324 : i32 to index
        %get3A_2328 = tpu.vector_load %arg7[%get3A_2326, %get3A_2327] {strides = array<i32>} : memref<3x2048xf32, #tpu.memory_space<vmem>>, vector<1x16xf32>,
        %get3A_2329 = vector.shape_cast %get3A_2328 : vector<1x16xf32> to vector<16xf32>
        %mul3A_2330 = arith.constant 16 : i32
        %mul3A_2331 = arith.muli %scan3A_2308, %mul3A_2330 : i32
        %get3A_2332 = arith.index_cast %mul3A_2331 : i32 to index
        %get3A_2333 = tpu.vector_load %arg9[%get3A_2332] {strides = array<i32>} : memref<2048xf32, #tpu.memory_space<vmem>>, vector<16xf32>,
        %get3A_2334 = vector.shape_cast %get3A_2333 : vector<16xf32> to vector<16xf32>
        %mul3A_2335 = vector.broadcast %squeeze3A_1141 : f32 to vector<16xf32>
        %mul3A_2336 = arith.mulf %get3A_2315, %mul3A_2335 : vector<16xf32>
        %mul3A_2337 = vector.broadcast %squeeze3A_1149 : f32 to vector<16xf32>
        %mul3A_2338 = arith.mulf %get3A_2322, %mul3A_2337 : vector<16xf32>
        %add3A_2339 = arith.addf %mul3A_2336, %mul3A_2338 : vector<16xf32>
        %mul3A_2340 = vector.broadcast %squeeze3A_1157 : f32 to vector<16xf32>
        %mul3A_2341 = arith.mulf %get3A_2329, %mul3A_2340 : vector<16xf32>
        %add3A_2342 = arith.addf %add3A_2339, %mul3A_2341 : vector<16xf32>
        %add3A_2343 = vector.broadcast %squeeze3A_1165 : f32 to vector<16xf32>
        %add3A_2344 = arith.addf %add3A_2343, %get3A_2334 : vector<16xf32>
        %add3A_2345 = arith.addf %add3A_2344, %add3A_2342 : vector<16xf32>
        %lt3A_2346 = arith.cmpf olt, %add3A_2345, %select_n3A_2260 : vector<16xf32>
        %select_n3A_2347 = arith.select %lt3A_2346, %add3A_2345, %select_n3A_2260 : vector<16xi1>, vector<16xf32>
        %select_n3A_2348 = arith.select %lt3A_2346, %add3A_2306, %select_n3A_2261 : vector<16xi1>, vector<16xi32>
        %mul3A_2349 = vector.broadcast %squeeze3A_1143 : f32 to vector<16xf32>
        %mul3A_2350 = arith.mulf %get3A_2315, %mul3A_2349 : vector<16xf32>
        %mul3A_2351 = vector.broadcast %squeeze3A_1151 : f32 to vector<16xf32>
        %mul3A_2352 = arith.mulf %get3A_2322, %mul3A_2351 : vector<16xf32>
        %add3A_2353 = arith.addf %mul3A_2350, %mul3A_2352 : vector<16xf32>
        %mul3A_2354 = vector.broadcast %squeeze3A_1159 : f32 to vector<16xf32>
        %mul3A_2355 = arith.mulf %get3A_2329, %mul3A_2354 : vector<16xf32>
        %add3A_2356 = arith.addf %add3A_2353, %mul3A_2355 : vector<16xf32>
        %add3A_2357 = vector.broadcast %squeeze3A_1167 : f32 to vector<16xf32>
        %add3A_2358 = arith.addf %add3A_2357, %get3A_2334 : vector<16xf32>
        %add3A_2359 = arith.addf %add3A_2358, %add3A_2356 : vector<16xf32>
        %lt3A_2360 = arith.cmpf olt, %add3A_2359, %select_n3A_2274 : vector<16xf32>
        %select_n3A_2361 = arith.select %lt3A_2360, %add3A_2359, %select_n3A_2274 : vector<16xi1>, vector<16xf32>
        %select_n3A_2362 = arith.select %lt3A_2360, %add3A_2306, %select_n3A_2275 : vector<16xi1>, vector<16xi32>
        %mul3A_2363 = vector.broadcast %squeeze3A_1145 : f32 to vector<16xf32>
        %mul3A_2364 = arith.mulf %get3A_2315, %mul3A_2363 : vector<16xf32>
        %mul3A_2365 = vector.broadcast %squeeze3A_1153 : f32 to vector<16xf32>
        %mul3A_2366 = arith.mulf %get3A_2322, %mul3A_2365 : vector<16xf32>
        %add3A_2367 = arith.addf %mul3A_2364, %mul3A_2366 : vector<16xf32>
        %mul3A_2368 = vector.broadcast %squeeze3A_1161 : f32 to vector<16xf32>
        %mul3A_2369 = arith.mulf %get3A_2329, %mul3A_2368 : vector<16xf32>
        %add3A_2370 = arith.addf %add3A_2367, %mul3A_2369 : vector<16xf32>
        %add3A_2371 = vector.broadcast %squeeze3A_1169 : f32 to vector<16xf32>
        %add3A_2372 = arith.addf %add3A_2371, %get3A_2334 : vector<16xf32>
        %add3A_2373 = arith.addf %add3A_2372, %add3A_2370 : vector<16xf32>
        %lt3A_2374 = arith.cmpf olt, %add3A_2373, %select_n3A_2288 : vector<16xf32>
        %select_n3A_2375 = arith.select %lt3A_2374, %add3A_2373, %select_n3A_2288 : vector<16xi1>, vector<16xf32>
        %select_n3A_2376 = arith.select %lt3A_2374, %add3A_2306, %select_n3A_2289 : vector<16xi1>, vector<16xi32>
        %mul3A_2377 = vector.broadcast %squeeze3A_1147 : f32 to vector<16xf32>
        %mul3A_2378 = arith.mulf %get3A_2315, %mul3A_2377 : vector<16xf32>
        %mul3A_2379 = vector.broadcast %squeeze3A_1155 : f32 to vector<16xf32>
        %mul3A_2380 = arith.mulf %get3A_2322, %mul3A_2379 : vector<16xf32>
        %add3A_2381 = arith.addf %mul3A_2378, %mul3A_2380 : vector<16xf32>
        %mul3A_2382 = vector.broadcast %squeeze3A_1163 : f32 to vector<16xf32>
        %mul3A_2383 = arith.mulf %get3A_2329, %mul3A_2382 : vector<16xf32>
        %add3A_2384 = arith.addf %add3A_2381, %mul3A_2383 : vector<16xf32>
        %add3A_2385 = vector.broadcast %squeeze3A_1171 : f32 to vector<16xf32>
        %add3A_2386 = arith.addf %add3A_2385, %get3A_2334 : vector<16xf32>
        %add3A_2387 = arith.addf %add3A_2386, %add3A_2384 : vector<16xf32>
        %lt3A_2388 = arith.cmpf olt, %add3A_2387, %select_n3A_2302 : vector<16xf32>
        %select_n3A_2389 = arith.select %lt3A_2388, %add3A_2387, %select_n3A_2302 : vector<16xi1>, vector<16xf32>
        %select_n3A_2390 = arith.select %lt3A_2388, %add3A_2306, %select_n3A_2303 : vector<16xi1>, vector<16xi32>
        %add3A_2391 = arith.constant 16 : i32
        %add3A_2392 = vector.broadcast %add3A_2391 : i32 to vector<16xi32>
        %add3A_2393 = arith.addi %add3A_2306, %add3A_2392 : vector<16xi32>
        scf.yield %select_n3A_2347, %select_n3A_2361, %select_n3A_2375, %select_n3A_2389, %select_n3A_2348, %select_n3A_2362, %select_n3A_2376, %select_n3A_2390, %add3A_2393 : vector<16xf32>, vector<16xf32>, vector<16xf32>, vector<16xf32>, vector<16xi32>, vector<16xi32>, vector<16xi32>, vector<16xi32>, vector<16xi32>
      }
      %scan3A_1193 = arith.constant 128 : i32
      %xor3A_1194 = arith.constant 8 : i32
      %xor3A_1195 = vector.broadcast %xor3A_1194 : i32 to vector<16xi32>
      %xor3A_1196 = arith.xori %iota3A, %xor3A_1195 : vector<16xi32>
      %lt3A_1197 = arith.constant 0 : i32
      %lt3A_1198 = vector.broadcast %lt3A_1197 : i32 to vector<16xi32>
      %lt3A_1199 = arith.cmpi slt, %xor3A_1196, %lt3A_1198 : vector<16xi32>
      %add3A_1200 = arith.constant 16 : i32
      %add3A_1201 = vector.broadcast %add3A_1200 : i32 to vector<16xi32>
      %add3A_1202 = arith.addi %xor3A_1196, %add3A_1201 : vector<16xi32>
      %select_n3A_1203 = arith.select %lt3A_1199, %add3A_1202, %xor3A_1196 : vector<16xi1>, vector<16xi32>
      %broadcast_in_dim3A_1204 = vector.shape_cast %select_n3A_1203 : vector<16xi32> to vector<16x1xi32>
      %gather3A_1205 = vector.shape_cast %broadcast_in_dim3A_1204 : vector<16x1xi32> to vector<16xi32>
      %gather3A_1206 = tpu.dynamic_gather %scan3A_1192#0[%gather3A_1205] in [0] : vector<16xf32>, vector<16xi32> -> vector<16xf32>
      %min3A_1207 = arith.minimumf %scan3A_1192#0, %gather3A_1206 : vector<16xf32>
      %xor3A_1208 = arith.constant 4 : i32
      %xor3A_1209 = vector.broadcast %xor3A_1208 : i32 to vector<16xi32>
      %xor3A_1210 = arith.xori %iota3A, %xor3A_1209 : vector<16xi32>
      %lt3A_1211 = arith.constant 0 : i32
      %lt3A_1212 = vector.broadcast %lt3A_1211 : i32 to vector<16xi32>
      %lt3A_1213 = arith.cmpi slt, %xor3A_1210, %lt3A_1212 : vector<16xi32>
      %add3A_1214 = arith.constant 16 : i32
      %add3A_1215 = vector.broadcast %add3A_1214 : i32 to vector<16xi32>
      %add3A_1216 = arith.addi %xor3A_1210, %add3A_1215 : vector<16xi32>
      %select_n3A_1217 = arith.select %lt3A_1213, %add3A_1216, %xor3A_1210 : vector<16xi1>, vector<16xi32>
      %broadcast_in_dim3A_1218 = vector.shape_cast %select_n3A_1217 : vector<16xi32> to vector<16x1xi32>
      %gather3A_1219 = vector.shape_cast %broadcast_in_dim3A_1218 : vector<16x1xi32> to vector<16xi32>
      %gather3A_1220 = tpu.dynamic_gather %min3A_1207[%gather3A_1219] in [0] : vector<16xf32>, vector<16xi32> -> vector<16xf32>
      %min3A_1221 = arith.minimumf %min3A_1207, %gather3A_1220 : vector<16xf32>
      %xor3A_1222 = arith.constant 2 : i32
      %xor3A_1223 = vector.broadcast %xor3A_1222 : i32 to vector<16xi32>
      %xor3A_1224 = arith.xori %iota3A, %xor3A_1223 : vector<16xi32>
      %lt3A_1225 = arith.constant 0 : i32
      %lt3A_1226 = vector.broadcast %lt3A_1225 : i32 to vector<16xi32>
      %lt3A_1227 = arith.cmpi slt, %xor3A_1224, %lt3A_1226 : vector<16xi32>
      %add3A_1228 = arith.constant 16 : i32
      %add3A_1229 = vector.broadcast %add3A_1228 : i32 to vector<16xi32>
      %add3A_1230 = arith.addi %xor3A_1224, %add3A_1229 : vector<16xi32>
      %select_n3A_1231 = arith.select %lt3A_1227, %add3A_1230, %xor3A_1224 : vector<16xi1>, vector<16xi32>
      %broadcast_in_dim3A_1232 = vector.shape_cast %select_n3A_1231 : vector<16xi32> to vector<16x1xi32>
      %gather3A_1233 = vector.shape_cast %broadcast_in_dim3A_1232 : vector<16x1xi32> to vector<16xi32>
      %gather3A_1234 = tpu.dynamic_gather %min3A_1221[%gather3A_1233] in [0] : vector<16xf32>, vector<16xi32> -> vector<16xf32>
      %min3A_1235 = arith.minimumf %min3A_1221, %gather3A_1234 : vector<16xf32>
      %xor3A_1236 = arith.constant 1 : i32
      %xor3A_1237 = vector.broadcast %xor3A_1236 : i32 to vector<16xi32>
      %xor3A_1238 = arith.xori %iota3A, %xor3A_1237 : vector<16xi32>
      %lt3A_1239 = arith.constant 0 : i32
      %lt3A_1240 = vector.broadcast %lt3A_1239 : i32 to vector<16xi32>
      %lt3A_1241 = arith.cmpi slt, %xor3A_1238, %lt3A_1240 : vector<16xi32>
      %add3A_1242 = arith.constant 16 : i32
      %add3A_1243 = vector.broadcast %add3A_1242 : i32 to vector<16xi32>
      %add3A_1244 = arith.addi %xor3A_1238, %add3A_1243 : vector<16xi32>
      %select_n3A_1245 = arith.select %lt3A_1241, %add3A_1244, %xor3A_1238 : vector<16xi1>, vector<16xi32>
      %broadcast_in_dim3A_1246 = vector.shape_cast %select_n3A_1245 : vector<16xi32> to vector<16x1xi32>
      %gather3A_1247 = vector.shape_cast %broadcast_in_dim3A_1246 : vector<16x1xi32> to vector<16xi32>
      %gather3A_1248 = tpu.dynamic_gather %min3A_1235[%gather3A_1247] in [0] : vector<16xf32>, vector<16xi32> -> vector<16xf32>
      %min3A_1249 = arith.minimumf %min3A_1235, %gather3A_1248 : vector<16xf32>
      %eq3A_1250 = arith.cmpf oeq, %scan3A_1192#0, %min3A_1249 : vector<16xf32>
      %jit3A_1251 = arith.constant 2048 : i32
      %broadcast_in_dim3A_1252 = vector.broadcast %jit3A_1251 : i32 to vector<16xi32>
      %select_n3A_1253 = arith.select %eq3A_1250, %scan3A_1192#4, %broadcast_in_dim3A_1252 : vector<16xi1>, vector<16xi32>
      %xor3A_1254 = arith.constant 8 : i32
      %xor3A_1255 = vector.broadcast %xor3A_1254 : i32 to vector<16xi32>
      %xor3A_1256 = arith.xori %iota3A, %xor3A_1255 : vector<16xi32>
      %lt3A_1257 = arith.constant 0 : i32
      %lt3A_1258 = vector.broadcast %lt3A_1257 : i32 to vector<16xi32>
      %lt3A_1259 = arith.cmpi slt, %xor3A_1256, %lt3A_1258 : vector<16xi32>
      %add3A_1260 = arith.constant 16 : i32
      %add3A_1261 = vector.broadcast %add3A_1260 : i32 to vector<16xi32>
      %add3A_1262 = arith.addi %xor3A_1256, %add3A_1261 : vector<16xi32>
      %select_n3A_1263 = arith.select %lt3A_1259, %add3A_1262, %xor3A_1256 : vector<16xi1>, vector<16xi32>
      %broadcast_in_dim3A_1264 = vector.shape_cast %select_n3A_1263 : vector<16xi32> to vector<16x1xi32>
      %gather3A_1265 = vector.shape_cast %broadcast_in_dim3A_1264 : vector<16x1xi32> to vector<16xi32>
      %gather3A_1266 = tpu.dynamic_gather %select_n3A_1253[%gather3A_1265] in [0] : vector<16xi32>, vector<16xi32> -> vector<16xi32>
      %min3A_1267 = arith.minsi %select_n3A_1253, %gather3A_1266 : vector<16xi32>
      %xor3A_1268 = arith.constant 4 : i32
      %xor3A_1269 = vector.broadcast %xor3A_1268 : i32 to vector<16xi32>
      %xor3A_1270 = arith.xori %iota3A, %xor3A_1269 : vector<16xi32>
      %lt3A_1271 = arith.constant 0 : i32
      %lt3A_1272 = vector.broadcast %lt3A_1271 : i32 to vector<16xi32>
      %lt3A_1273 = arith.cmpi slt, %xor3A_1270, %lt3A_1272 : vector<16xi32>
      %add3A_1274 = arith.constant 16 : i32
      %add3A_1275 = vector.broadcast %add3A_1274 : i32 to vector<16xi32>
      %add3A_1276 = arith.addi %xor3A_1270, %add3A_1275 : vector<16xi32>
      %select_n3A_1277 = arith.select %lt3A_1273, %add3A_1276, %xor3A_1270 : vector<16xi1>, vector<16xi32>
      %broadcast_in_dim3A_1278 = vector.shape_cast %select_n3A_1277 : vector<16xi32> to vector<16x1xi32>
      %gather3A_1279 = vector.shape_cast %broadcast_in_dim3A_1278 : vector<16x1xi32> to vector<16xi32>
      %gather3A_1280 = tpu.dynamic_gather %min3A_1267[%gather3A_1279] in [0] : vector<16xi32>, vector<16xi32> -> vector<16xi32>
      %min3A_1281 = arith.minsi %min3A_1267, %gather3A_1280 : vector<16xi32>
      %xor3A_1282 = arith.constant 2 : i32
      %xor3A_1283 = vector.broadcast %xor3A_1282 : i32 to vector<16xi32>
      %xor3A_1284 = arith.xori %iota3A, %xor3A_1283 : vector<16xi32>
      %lt3A_1285 = arith.constant 0 : i32
      %lt3A_1286 = vector.broadcast %lt3A_1285 : i32 to vector<16xi32>
      %lt3A_1287 = arith.cmpi slt, %xor3A_1284, %lt3A_1286 : vector<16xi32>
      %add3A_1288 = arith.constant 16 : i32
      %add3A_1289 = vector.broadcast %add3A_1288 : i32 to vector<16xi32>
      %add3A_1290 = arith.addi %xor3A_1284, %add3A_1289 : vector<16xi32>
      %select_n3A_1291 = arith.select %lt3A_1287, %add3A_1290, %xor3A_1284 : vector<16xi1>, vector<16xi32>
      %broadcast_in_dim3A_1292 = vector.shape_cast %select_n3A_1291 : vector<16xi32> to vector<16x1xi32>
      %gather3A_1293 = vector.shape_cast %broadcast_in_dim3A_1292 : vector<16x1xi32> to vector<16xi32>
      %gather3A_1294 = tpu.dynamic_gather %min3A_1281[%gather3A_1293] in [0] : vector<16xi32>, vector<16xi32> -> vector<16xi32>
      %min3A_1295 = arith.minsi %min3A_1281, %gather3A_1294 : vector<16xi32>
      %xor3A_1296 = arith.constant 1 : i32
      %xor3A_1297 = vector.broadcast %xor3A_1296 : i32 to vector<16xi32>
      %xor3A_1298 = arith.xori %iota3A, %xor3A_1297 : vector<16xi32>
      %lt3A_1299 = arith.constant 0 : i32
      %lt3A_1300 = vector.broadcast %lt3A_1299 : i32 to vector<16xi32>
      %lt3A_1301 = arith.cmpi slt, %xor3A_1298, %lt3A_1300 : vector<16xi32>
      %add3A_1302 = arith.constant 16 : i32
      %add3A_1303 = vector.broadcast %add3A_1302 : i32 to vector<16xi32>
      %add3A_1304 = arith.addi %xor3A_1298, %add3A_1303 : vector<16xi32>
      %select_n3A_1305 = arith.select %lt3A_1301, %add3A_1304, %xor3A_1298 : vector<16xi1>, vector<16xi32>
      %broadcast_in_dim3A_1306 = vector.shape_cast %select_n3A_1305 : vector<16xi32> to vector<16x1xi32>
      %gather3A_1307 = vector.shape_cast %broadcast_in_dim3A_1306 : vector<16x1xi32> to vector<16xi32>
      %gather3A_1308 = tpu.dynamic_gather %min3A_1295[%gather3A_1307] in [0] : vector<16xi32>, vector<16xi32> -> vector<16xi32>
      %min3A_1309 = arith.minsi %min3A_1295, %gather3A_1308 : vector<16xi32>
      %eq3A_1310 = arith.constant 8 : i32
      %eq3A_1311 = vector.broadcast %eq3A_1310 : i32 to vector<16xi32>
      %eq3A_1312 = arith.cmpi eq, %iota3A, %eq3A_1311 : vector<16xi32>
      %select_n3A_1313 = arith.select %eq3A_1312, %min3A_1309, %select_n3A_1139 : vector<16xi1>, vector<16xi32>
      %xor3A_1314 = arith.constant 8 : i32
      %xor3A_1315 = vector.broadcast %xor3A_1314 : i32 to vector<16xi32>
      %xor3A_1316 = arith.xori %iota3A, %xor3A_1315 : vector<16xi32>
      %lt3A_1317 = arith.constant 0 : i32
      %lt3A_1318 = vector.broadcast %lt3A_1317 : i32 to vector<16xi32>
      %lt3A_1319 = arith.cmpi slt, %xor3A_1316, %lt3A_1318 : vector<16xi32>
      %add3A_1320 = arith.constant 16 : i32
      %add3A_1321 = vector.broadcast %add3A_1320 : i32 to vector<16xi32>
      %add3A_1322 = arith.addi %xor3A_1316, %add3A_1321 : vector<16xi32>
      %select_n3A_1323 = arith.select %lt3A_1319, %add3A_1322, %xor3A_1316 : vector<16xi1>, vector<16xi32>
      %broadcast_in_dim3A_1324 = vector.shape_cast %select_n3A_1323 : vector<16xi32> to vector<16x1xi32>
      %gather3A_1325 = vector.shape_cast %broadcast_in_dim3A_1324 : vector<16x1xi32> to vector<16xi32>
      %gather3A_1326 = tpu.dynamic_gather %scan3A_1192#1[%gather3A_1325] in [0] : vector<16xf32>, vector<16xi32> -> vector<16xf32>
      %min3A_1327 = arith.minimumf %scan3A_1192#1, %gather3A_1326 : vector<16xf32>
      %xor3A_1328 = arith.constant 4 : i32
      %xor3A_1329 = vector.broadcast %xor3A_1328 : i32 to vector<16xi32>
      %xor3A_1330 = arith.xori %iota3A, %xor3A_1329 : vector<16xi32>
      %lt3A_1331 = arith.constant 0 : i32
      %lt3A_1332 = vector.broadcast %lt3A_1331 : i32 to vector<16xi32>
      %lt3A_1333 = arith.cmpi slt, %xor3A_1330, %lt3A_1332 : vector<16xi32>
      %add3A_1334 = arith.constant 16 : i32
      %add3A_1335 = vector.broadcast %add3A_1334 : i32 to vector<16xi32>
      %add3A_1336 = arith.addi %xor3A_1330, %add3A_1335 : vector<16xi32>
      %select_n3A_1337 = arith.select %lt3A_1333, %add3A_1336, %xor3A_1330 : vector<16xi1>, vector<16xi32>
      %broadcast_in_dim3A_1338 = vector.shape_cast %select_n3A_1337 : vector<16xi32> to vector<16x1xi32>
      %gather3A_1339 = vector.shape_cast %broadcast_in_dim3A_1338 : vector<16x1xi32> to vector<16xi32>
      %gather3A_1340 = tpu.dynamic_gather %min3A_1327[%gather3A_1339] in [0] : vector<16xf32>, vector<16xi32> -> vector<16xf32>
      %min3A_1341 = arith.minimumf %min3A_1327, %gather3A_1340 : vector<16xf32>
      %xor3A_1342 = arith.constant 2 : i32
      %xor3A_1343 = vector.broadcast %xor3A_1342 : i32 to vector<16xi32>
      %xor3A_1344 = arith.xori %iota3A, %xor3A_1343 : vector<16xi32>
      %lt3A_1345 = arith.constant 0 : i32
      %lt3A_1346 = vector.broadcast %lt3A_1345 : i32 to vector<16xi32>
      %lt3A_1347 = arith.cmpi slt, %xor3A_1344, %lt3A_1346 : vector<16xi32>
      %add3A_1348 = arith.constant 16 : i32
      %add3A_1349 = vector.broadcast %add3A_1348 : i32 to vector<16xi32>
      %add3A_1350 = arith.addi %xor3A_1344, %add3A_1349 : vector<16xi32>
      %select_n3A_1351 = arith.select %lt3A_1347, %add3A_1350, %xor3A_1344 : vector<16xi1>, vector<16xi32>
      %broadcast_in_dim3A_1352 = vector.shape_cast %select_n3A_1351 : vector<16xi32> to vector<16x1xi32>
      %gather3A_1353 = vector.shape_cast %broadcast_in_dim3A_1352 : vector<16x1xi32> to vector<16xi32>
      %gather3A_1354 = tpu.dynamic_gather %min3A_1341[%gather3A_1353] in [0] : vector<16xf32>, vector<16xi32> -> vector<16xf32>
      %min3A_1355 = arith.minimumf %min3A_1341, %gather3A_1354 : vector<16xf32>
      %xor3A_1356 = arith.constant 1 : i32
      %xor3A_1357 = vector.broadcast %xor3A_1356 : i32 to vector<16xi32>
      %xor3A_1358 = arith.xori %iota3A, %xor3A_1357 : vector<16xi32>
      %lt3A_1359 = arith.constant 0 : i32
      %lt3A_1360 = vector.broadcast %lt3A_1359 : i32 to vector<16xi32>
      %lt3A_1361 = arith.cmpi slt, %xor3A_1358, %lt3A_1360 : vector<16xi32>
      %add3A_1362 = arith.constant 16 : i32
      %add3A_1363 = vector.broadcast %add3A_1362 : i32 to vector<16xi32>
      %add3A_1364 = arith.addi %xor3A_1358, %add3A_1363 : vector<16xi32>
      %select_n3A_1365 = arith.select %lt3A_1361, %add3A_1364, %xor3A_1358 : vector<16xi1>, vector<16xi32>
      %broadcast_in_dim3A_1366 = vector.shape_cast %select_n3A_1365 : vector<16xi32> to vector<16x1xi32>
      %gather3A_1367 = vector.shape_cast %broadcast_in_dim3A_1366 : vector<16x1xi32> to vector<16xi32>
      %gather3A_1368 = tpu.dynamic_gather %min3A_1355[%gather3A_1367] in [0] : vector<16xf32>, vector<16xi32> -> vector<16xf32>
      %min3A_1369 = arith.minimumf %min3A_1355, %gather3A_1368 : vector<16xf32>
      %eq3A_1370 = arith.cmpf oeq, %scan3A_1192#1, %min3A_1369 : vector<16xf32>
      %jit3A_1371 = arith.constant 2048 : i32
      %broadcast_in_dim3A_1372 = vector.broadcast %jit3A_1371 : i32 to vector<16xi32>
      %select_n3A_1373 = arith.select %eq3A_1370, %scan3A_1192#5, %broadcast_in_dim3A_1372 : vector<16xi1>, vector<16xi32>
      %xor3A_1374 = arith.constant 8 : i32
      %xor3A_1375 = vector.broadcast %xor3A_1374 : i32 to vector<16xi32>
      %xor3A_1376 = arith.xori %iota3A, %xor3A_1375 : vector<16xi32>
      %lt3A_1377 = arith.constant 0 : i32
      %lt3A_1378 = vector.broadcast %lt3A_1377 : i32 to vector<16xi32>
      %lt3A_1379 = arith.cmpi slt, %xor3A_1376, %lt3A_1378 : vector<16xi32>
      %add3A_1380 = arith.constant 16 : i32
      %add3A_1381 = vector.broadcast %add3A_1380 : i32 to vector<16xi32>
      %add3A_1382 = arith.addi %xor3A_1376, %add3A_1381 : vector<16xi32>
      %select_n3A_1383 = arith.select %lt3A_1379, %add3A_1382, %xor3A_1376 : vector<16xi1>, vector<16xi32>
      %broadcast_in_dim3A_1384 = vector.shape_cast %select_n3A_1383 : vector<16xi32> to vector<16x1xi32>
      %gather3A_1385 = vector.shape_cast %broadcast_in_dim3A_1384 : vector<16x1xi32> to vector<16xi32>
      %gather3A_1386 = tpu.dynamic_gather %select_n3A_1373[%gather3A_1385] in [0] : vector<16xi32>, vector<16xi32> -> vector<16xi32>
      %min3A_1387 = arith.minsi %select_n3A_1373, %gather3A_1386 : vector<16xi32>
      %xor3A_1388 = arith.constant 4 : i32
      %xor3A_1389 = vector.broadcast %xor3A_1388 : i32 to vector<16xi32>
      %xor3A_1390 = arith.xori %iota3A, %xor3A_1389 : vector<16xi32>
      %lt3A_1391 = arith.constant 0 : i32
      %lt3A_1392 = vector.broadcast %lt3A_1391 : i32 to vector<16xi32>
      %lt3A_1393 = arith.cmpi slt, %xor3A_1390, %lt3A_1392 : vector<16xi32>
      %add3A_1394 = arith.constant 16 : i32
      %add3A_1395 = vector.broadcast %add3A_1394 : i32 to vector<16xi32>
      %add3A_1396 = arith.addi %xor3A_1390, %add3A_1395 : vector<16xi32>
      %select_n3A_1397 = arith.select %lt3A_1393, %add3A_1396, %xor3A_1390 : vector<16xi1>, vector<16xi32>
      %broadcast_in_dim3A_1398 = vector.shape_cast %select_n3A_1397 : vector<16xi32> to vector<16x1xi32>
      %gather3A_1399 = vector.shape_cast %broadcast_in_dim3A_1398 : vector<16x1xi32> to vector<16xi32>
      %gather3A_1400 = tpu.dynamic_gather %min3A_1387[%gather3A_1399] in [0] : vector<16xi32>, vector<16xi32> -> vector<16xi32>
      %min3A_1401 = arith.minsi %min3A_1387, %gather3A_1400 : vector<16xi32>
      %xor3A_1402 = arith.constant 2 : i32
      %xor3A_1403 = vector.broadcast %xor3A_1402 : i32 to vector<16xi32>
      %xor3A_1404 = arith.xori %iota3A, %xor3A_1403 : vector<16xi32>
      %lt3A_1405 = arith.constant 0 : i32
      %lt3A_1406 = vector.broadcast %lt3A_1405 : i32 to vector<16xi32>
      %lt3A_1407 = arith.cmpi slt, %xor3A_1404, %lt3A_1406 : vector<16xi32>
      %add3A_1408 = arith.constant 16 : i32
      %add3A_1409 = vector.broadcast %add3A_1408 : i32 to vector<16xi32>
      %add3A_1410 = arith.addi %xor3A_1404, %add3A_1409 : vector<16xi32>
      %select_n3A_1411 = arith.select %lt3A_1407, %add3A_1410, %xor3A_1404 : vector<16xi1>, vector<16xi32>
      %broadcast_in_dim3A_1412 = vector.shape_cast %select_n3A_1411 : vector<16xi32> to vector<16x1xi32>
      %gather3A_1413 = vector.shape_cast %broadcast_in_dim3A_1412 : vector<16x1xi32> to vector<16xi32>
      %gather3A_1414 = tpu.dynamic_gather %min3A_1401[%gather3A_1413] in [0] : vector<16xi32>, vector<16xi32> -> vector<16xi32>
      %min3A_1415 = arith.minsi %min3A_1401, %gather3A_1414 : vector<16xi32>
      %xor3A_1416 = arith.constant 1 : i32
      %xor3A_1417 = vector.broadcast %xor3A_1416 : i32 to vector<16xi32>
      %xor3A_1418 = arith.xori %iota3A, %xor3A_1417 : vector<16xi32>
      %lt3A_1419 = arith.constant 0 : i32
      %lt3A_1420 = vector.broadcast %lt3A_1419 : i32 to vector<16xi32>
      %lt3A_1421 = arith.cmpi slt, %xor3A_1418, %lt3A_1420 : vector<16xi32>
      %add3A_1422 = arith.constant 16 : i32
      %add3A_1423 = vector.broadcast %add3A_1422 : i32 to vector<16xi32>
      %add3A_1424 = arith.addi %xor3A_1418, %add3A_1423 : vector<16xi32>
      %select_n3A_1425 = arith.select %lt3A_1421, %add3A_1424, %xor3A_1418 : vector<16xi1>, vector<16xi32>
      %broadcast_in_dim3A_1426 = vector.shape_cast %select_n3A_1425 : vector<16xi32> to vector<16x1xi32>
      %gather3A_1427 = vector.shape_cast %broadcast_in_dim3A_1426 : vector<16x1xi32> to vector<16xi32>
      %gather3A_1428 = tpu.dynamic_gather %min3A_1415[%gather3A_1427] in [0] : vector<16xi32>, vector<16xi32> -> vector<16xi32>
      %min3A_1429 = arith.minsi %min3A_1415, %gather3A_1428 : vector<16xi32>
      %eq3A_1430 = arith.constant 9 : i32
      %eq3A_1431 = vector.broadcast %eq3A_1430 : i32 to vector<16xi32>
      %eq3A_1432 = arith.cmpi eq, %iota3A, %eq3A_1431 : vector<16xi32>
      %select_n3A_1433 = arith.select %eq3A_1432, %min3A_1429, %select_n3A_1313 : vector<16xi1>, vector<16xi32>
      %xor3A_1434 = arith.constant 8 : i32
      %xor3A_1435 = vector.broadcast %xor3A_1434 : i32 to vector<16xi32>
      %xor3A_1436 = arith.xori %iota3A, %xor3A_1435 : vector<16xi32>
      %lt3A_1437 = arith.constant 0 : i32
      %lt3A_1438 = vector.broadcast %lt3A_1437 : i32 to vector<16xi32>
      %lt3A_1439 = arith.cmpi slt, %xor3A_1436, %lt3A_1438 : vector<16xi32>
      %add3A_1440 = arith.constant 16 : i32
      %add3A_1441 = vector.broadcast %add3A_1440 : i32 to vector<16xi32>
      %add3A_1442 = arith.addi %xor3A_1436, %add3A_1441 : vector<16xi32>
      %select_n3A_1443 = arith.select %lt3A_1439, %add3A_1442, %xor3A_1436 : vector<16xi1>, vector<16xi32>
      %broadcast_in_dim3A_1444 = vector.shape_cast %select_n3A_1443 : vector<16xi32> to vector<16x1xi32>
      %gather3A_1445 = vector.shape_cast %broadcast_in_dim3A_1444 : vector<16x1xi32> to vector<16xi32>
      %gather3A_1446 = tpu.dynamic_gather %scan3A_1192#2[%gather3A_1445] in [0] : vector<16xf32>, vector<16xi32> -> vector<16xf32>
      %min3A_1447 = arith.minimumf %scan3A_1192#2, %gather3A_1446 : vector<16xf32>
      %xor3A_1448 = arith.constant 4 : i32
      %xor3A_1449 = vector.broadcast %xor3A_1448 : i32 to vector<16xi32>
      %xor3A_1450 = arith.xori %iota3A, %xor3A_1449 : vector<16xi32>
      %lt3A_1451 = arith.constant 0 : i32
      %lt3A_1452 = vector.broadcast %lt3A_1451 : i32 to vector<16xi32>
      %lt3A_1453 = arith.cmpi slt, %xor3A_1450, %lt3A_1452 : vector<16xi32>
      %add3A_1454 = arith.constant 16 : i32
      %add3A_1455 = vector.broadcast %add3A_1454 : i32 to vector<16xi32>
      %add3A_1456 = arith.addi %xor3A_1450, %add3A_1455 : vector<16xi32>
      %select_n3A_1457 = arith.select %lt3A_1453, %add3A_1456, %xor3A_1450 : vector<16xi1>, vector<16xi32>
      %broadcast_in_dim3A_1458 = vector.shape_cast %select_n3A_1457 : vector<16xi32> to vector<16x1xi32>
      %gather3A_1459 = vector.shape_cast %broadcast_in_dim3A_1458 : vector<16x1xi32> to vector<16xi32>
      %gather3A_1460 = tpu.dynamic_gather %min3A_1447[%gather3A_1459] in [0] : vector<16xf32>, vector<16xi32> -> vector<16xf32>
      %min3A_1461 = arith.minimumf %min3A_1447, %gather3A_1460 : vector<16xf32>
      %xor3A_1462 = arith.constant 2 : i32
      %xor3A_1463 = vector.broadcast %xor3A_1462 : i32 to vector<16xi32>
      %xor3A_1464 = arith.xori %iota3A, %xor3A_1463 : vector<16xi32>
      %lt3A_1465 = arith.constant 0 : i32
      %lt3A_1466 = vector.broadcast %lt3A_1465 : i32 to vector<16xi32>
      %lt3A_1467 = arith.cmpi slt, %xor3A_1464, %lt3A_1466 : vector<16xi32>
      %add3A_1468 = arith.constant 16 : i32
      %add3A_1469 = vector.broadcast %add3A_1468 : i32 to vector<16xi32>
      %add3A_1470 = arith.addi %xor3A_1464, %add3A_1469 : vector<16xi32>
      %select_n3A_1471 = arith.select %lt3A_1467, %add3A_1470, %xor3A_1464 : vector<16xi1>, vector<16xi32>
      %broadcast_in_dim3A_1472 = vector.shape_cast %select_n3A_1471 : vector<16xi32> to vector<16x1xi32>
      %gather3A_1473 = vector.shape_cast %broadcast_in_dim3A_1472 : vector<16x1xi32> to vector<16xi32>
      %gather3A_1474 = tpu.dynamic_gather %min3A_1461[%gather3A_1473] in [0] : vector<16xf32>, vector<16xi32> -> vector<16xf32>
      %min3A_1475 = arith.minimumf %min3A_1461, %gather3A_1474 : vector<16xf32>
      %xor3A_1476 = arith.constant 1 : i32
      %xor3A_1477 = vector.broadcast %xor3A_1476 : i32 to vector<16xi32>
      %xor3A_1478 = arith.xori %iota3A, %xor3A_1477 : vector<16xi32>
      %lt3A_1479 = arith.constant 0 : i32
      %lt3A_1480 = vector.broadcast %lt3A_1479 : i32 to vector<16xi32>
      %lt3A_1481 = arith.cmpi slt, %xor3A_1478, %lt3A_1480 : vector<16xi32>
      %add3A_1482 = arith.constant 16 : i32
      %add3A_1483 = vector.broadcast %add3A_1482 : i32 to vector<16xi32>
      %add3A_1484 = arith.addi %xor3A_1478, %add3A_1483 : vector<16xi32>
      %select_n3A_1485 = arith.select %lt3A_1481, %add3A_1484, %xor3A_1478 : vector<16xi1>, vector<16xi32>
      %broadcast_in_dim3A_1486 = vector.shape_cast %select_n3A_1485 : vector<16xi32> to vector<16x1xi32>
      %gather3A_1487 = vector.shape_cast %broadcast_in_dim3A_1486 : vector<16x1xi32> to vector<16xi32>
      %gather3A_1488 = tpu.dynamic_gather %min3A_1475[%gather3A_1487] in [0] : vector<16xf32>, vector<16xi32> -> vector<16xf32>
      %min3A_1489 = arith.minimumf %min3A_1475, %gather3A_1488 : vector<16xf32>
      %eq3A_1490 = arith.cmpf oeq, %scan3A_1192#2, %min3A_1489 : vector<16xf32>
      %jit3A_1491 = arith.constant 2048 : i32
      %broadcast_in_dim3A_1492 = vector.broadcast %jit3A_1491 : i32 to vector<16xi32>
      %select_n3A_1493 = arith.select %eq3A_1490, %scan3A_1192#6, %broadcast_in_dim3A_1492 : vector<16xi1>, vector<16xi32>
      %xor3A_1494 = arith.constant 8 : i32
      %xor3A_1495 = vector.broadcast %xor3A_1494 : i32 to vector<16xi32>
      %xor3A_1496 = arith.xori %iota3A, %xor3A_1495 : vector<16xi32>
      %lt3A_1497 = arith.constant 0 : i32
      %lt3A_1498 = vector.broadcast %lt3A_1497 : i32 to vector<16xi32>
      %lt3A_1499 = arith.cmpi slt, %xor3A_1496, %lt3A_1498 : vector<16xi32>
      %add3A_1500 = arith.constant 16 : i32
      %add3A_1501 = vector.broadcast %add3A_1500 : i32 to vector<16xi32>
      %add3A_1502 = arith.addi %xor3A_1496, %add3A_1501 : vector<16xi32>
      %select_n3A_1503 = arith.select %lt3A_1499, %add3A_1502, %xor3A_1496 : vector<16xi1>, vector<16xi32>
      %broadcast_in_dim3A_1504 = vector.shape_cast %select_n3A_1503 : vector<16xi32> to vector<16x1xi32>
      %gather3A_1505 = vector.shape_cast %broadcast_in_dim3A_1504 : vector<16x1xi32> to vector<16xi32>
      %gather3A_1506 = tpu.dynamic_gather %select_n3A_1493[%gather3A_1505] in [0] : vector<16xi32>, vector<16xi32> -> vector<16xi32>
      %min3A_1507 = arith.minsi %select_n3A_1493, %gather3A_1506 : vector<16xi32>
      %xor3A_1508 = arith.constant 4 : i32
      %xor3A_1509 = vector.broadcast %xor3A_1508 : i32 to vector<16xi32>
      %xor3A_1510 = arith.xori %iota3A, %xor3A_1509 : vector<16xi32>
      %lt3A_1511 = arith.constant 0 : i32
      %lt3A_1512 = vector.broadcast %lt3A_1511 : i32 to vector<16xi32>
      %lt3A_1513 = arith.cmpi slt, %xor3A_1510, %lt3A_1512 : vector<16xi32>
      %add3A_1514 = arith.constant 16 : i32
      %add3A_1515 = vector.broadcast %add3A_1514 : i32 to vector<16xi32>
      %add3A_1516 = arith.addi %xor3A_1510, %add3A_1515 : vector<16xi32>
      %select_n3A_1517 = arith.select %lt3A_1513, %add3A_1516, %xor3A_1510 : vector<16xi1>, vector<16xi32>
      %broadcast_in_dim3A_1518 = vector.shape_cast %select_n3A_1517 : vector<16xi32> to vector<16x1xi32>
      %gather3A_1519 = vector.shape_cast %broadcast_in_dim3A_1518 : vector<16x1xi32> to vector<16xi32>
      %gather3A_1520 = tpu.dynamic_gather %min3A_1507[%gather3A_1519] in [0] : vector<16xi32>, vector<16xi32> -> vector<16xi32>
      %min3A_1521 = arith.minsi %min3A_1507, %gather3A_1520 : vector<16xi32>
      %xor3A_1522 = arith.constant 2 : i32
      %xor3A_1523 = vector.broadcast %xor3A_1522 : i32 to vector<16xi32>
      %xor3A_1524 = arith.xori %iota3A, %xor3A_1523 : vector<16xi32>
      %lt3A_1525 = arith.constant 0 : i32
      %lt3A_1526 = vector.broadcast %lt3A_1525 : i32 to vector<16xi32>
      %lt3A_1527 = arith.cmpi slt, %xor3A_1524, %lt3A_1526 : vector<16xi32>
      %add3A_1528 = arith.constant 16 : i32
      %add3A_1529 = vector.broadcast %add3A_1528 : i32 to vector<16xi32>
      %add3A_1530 = arith.addi %xor3A_1524, %add3A_1529 : vector<16xi32>
      %select_n3A_1531 = arith.select %lt3A_1527, %add3A_1530, %xor3A_1524 : vector<16xi1>, vector<16xi32>
      %broadcast_in_dim3A_1532 = vector.shape_cast %select_n3A_1531 : vector<16xi32> to vector<16x1xi32>
      %gather3A_1533 = vector.shape_cast %broadcast_in_dim3A_1532 : vector<16x1xi32> to vector<16xi32>
      %gather3A_1534 = tpu.dynamic_gather %min3A_1521[%gather3A_1533] in [0] : vector<16xi32>, vector<16xi32> -> vector<16xi32>
      %min3A_1535 = arith.minsi %min3A_1521, %gather3A_1534 : vector<16xi32>
      %xor3A_1536 = arith.constant 1 : i32
      %xor3A_1537 = vector.broadcast %xor3A_1536 : i32 to vector<16xi32>
      %xor3A_1538 = arith.xori %iota3A, %xor3A_1537 : vector<16xi32>
      %lt3A_1539 = arith.constant 0 : i32
      %lt3A_1540 = vector.broadcast %lt3A_1539 : i32 to vector<16xi32>
      %lt3A_1541 = arith.cmpi slt, %xor3A_1538, %lt3A_1540 : vector<16xi32>
      %add3A_1542 = arith.constant 16 : i32
      %add3A_1543 = vector.broadcast %add3A_1542 : i32 to vector<16xi32>
      %add3A_1544 = arith.addi %xor3A_1538, %add3A_1543 : vector<16xi32>
      %select_n3A_1545 = arith.select %lt3A_1541, %add3A_1544, %xor3A_1538 : vector<16xi1>, vector<16xi32>
      %broadcast_in_dim3A_1546 = vector.shape_cast %select_n3A_1545 : vector<16xi32> to vector<16x1xi32>
      %gather3A_1547 = vector.shape_cast %broadcast_in_dim3A_1546 : vector<16x1xi32> to vector<16xi32>
      %gather3A_1548 = tpu.dynamic_gather %min3A_1535[%gather3A_1547] in [0] : vector<16xi32>, vector<16xi32> -> vector<16xi32>
      %min3A_1549 = arith.minsi %min3A_1535, %gather3A_1548 : vector<16xi32>
      %eq3A_1550 = arith.constant 10 : i32
      %eq3A_1551 = vector.broadcast %eq3A_1550 : i32 to vector<16xi32>
      %eq3A_1552 = arith.cmpi eq, %iota3A, %eq3A_1551 : vector<16xi32>
      %select_n3A_1553 = arith.select %eq3A_1552, %min3A_1549, %select_n3A_1433 : vector<16xi1>, vector<16xi32>
      %xor3A_1554 = arith.constant 8 : i32
      %xor3A_1555 = vector.broadcast %xor3A_1554 : i32 to vector<16xi32>
      %xor3A_1556 = arith.xori %iota3A, %xor3A_1555 : vector<16xi32>
      %lt3A_1557 = arith.constant 0 : i32
      %lt3A_1558 = vector.broadcast %lt3A_1557 : i32 to vector<16xi32>
      %lt3A_1559 = arith.cmpi slt, %xor3A_1556, %lt3A_1558 : vector<16xi32>
      %add3A_1560 = arith.constant 16 : i32
      %add3A_1561 = vector.broadcast %add3A_1560 : i32 to vector<16xi32>
      %add3A_1562 = arith.addi %xor3A_1556, %add3A_1561 : vector<16xi32>
      %select_n3A_1563 = arith.select %lt3A_1559, %add3A_1562, %xor3A_1556 : vector<16xi1>, vector<16xi32>
      %broadcast_in_dim3A_1564 = vector.shape_cast %select_n3A_1563 : vector<16xi32> to vector<16x1xi32>
      %gather3A_1565 = vector.shape_cast %broadcast_in_dim3A_1564 : vector<16x1xi32> to vector<16xi32>
      %gather3A_1566 = tpu.dynamic_gather %scan3A_1192#3[%gather3A_1565] in [0] : vector<16xf32>, vector<16xi32> -> vector<16xf32>
      %min3A_1567 = arith.minimumf %scan3A_1192#3, %gather3A_1566 : vector<16xf32>
      %xor3A_1568 = arith.constant 4 : i32
      %xor3A_1569 = vector.broadcast %xor3A_1568 : i32 to vector<16xi32>
      %xor3A_1570 = arith.xori %iota3A, %xor3A_1569 : vector<16xi32>
      %lt3A_1571 = arith.constant 0 : i32
      %lt3A_1572 = vector.broadcast %lt3A_1571 : i32 to vector<16xi32>
      %lt3A_1573 = arith.cmpi slt, %xor3A_1570, %lt3A_1572 : vector<16xi32>
      %add3A_1574 = arith.constant 16 : i32
      %add3A_1575 = vector.broadcast %add3A_1574 : i32 to vector<16xi32>
      %add3A_1576 = arith.addi %xor3A_1570, %add3A_1575 : vector<16xi32>
      %select_n3A_1577 = arith.select %lt3A_1573, %add3A_1576, %xor3A_1570 : vector<16xi1>, vector<16xi32>
      %broadcast_in_dim3A_1578 = vector.shape_cast %select_n3A_1577 : vector<16xi32> to vector<16x1xi32>
      %gather3A_1579 = vector.shape_cast %broadcast_in_dim3A_1578 : vector<16x1xi32> to vector<16xi32>
      %gather3A_1580 = tpu.dynamic_gather %min3A_1567[%gather3A_1579] in [0] : vector<16xf32>, vector<16xi32> -> vector<16xf32>
      %min3A_1581 = arith.minimumf %min3A_1567, %gather3A_1580 : vector<16xf32>
      %xor3A_1582 = arith.constant 2 : i32
      %xor3A_1583 = vector.broadcast %xor3A_1582 : i32 to vector<16xi32>
      %xor3A_1584 = arith.xori %iota3A, %xor3A_1583 : vector<16xi32>
      %lt3A_1585 = arith.constant 0 : i32
      %lt3A_1586 = vector.broadcast %lt3A_1585 : i32 to vector<16xi32>
      %lt3A_1587 = arith.cmpi slt, %xor3A_1584, %lt3A_1586 : vector<16xi32>
      %add3A_1588 = arith.constant 16 : i32
      %add3A_1589 = vector.broadcast %add3A_1588 : i32 to vector<16xi32>
      %add3A_1590 = arith.addi %xor3A_1584, %add3A_1589 : vector<16xi32>
      %select_n3A_1591 = arith.select %lt3A_1587, %add3A_1590, %xor3A_1584 : vector<16xi1>, vector<16xi32>
      %broadcast_in_dim3A_1592 = vector.shape_cast %select_n3A_1591 : vector<16xi32> to vector<16x1xi32>
      %gather3A_1593 = vector.shape_cast %broadcast_in_dim3A_1592 : vector<16x1xi32> to vector<16xi32>
      %gather3A_1594 = tpu.dynamic_gather %min3A_1581[%gather3A_1593] in [0] : vector<16xf32>, vector<16xi32> -> vector<16xf32>
      %min3A_1595 = arith.minimumf %min3A_1581, %gather3A_1594 : vector<16xf32>
      %xor3A_1596 = arith.constant 1 : i32
      %xor3A_1597 = vector.broadcast %xor3A_1596 : i32 to vector<16xi32>
      %xor3A_1598 = arith.xori %iota3A, %xor3A_1597 : vector<16xi32>
      %lt3A_1599 = arith.constant 0 : i32
      %lt3A_1600 = vector.broadcast %lt3A_1599 : i32 to vector<16xi32>
      %lt3A_1601 = arith.cmpi slt, %xor3A_1598, %lt3A_1600 : vector<16xi32>
      %add3A_1602 = arith.constant 16 : i32
      %add3A_1603 = vector.broadcast %add3A_1602 : i32 to vector<16xi32>
      %add3A_1604 = arith.addi %xor3A_1598, %add3A_1603 : vector<16xi32>
      %select_n3A_1605 = arith.select %lt3A_1601, %add3A_1604, %xor3A_1598 : vector<16xi1>, vector<16xi32>
      %broadcast_in_dim3A_1606 = vector.shape_cast %select_n3A_1605 : vector<16xi32> to vector<16x1xi32>
      %gather3A_1607 = vector.shape_cast %broadcast_in_dim3A_1606 : vector<16x1xi32> to vector<16xi32>
      %gather3A_1608 = tpu.dynamic_gather %min3A_1595[%gather3A_1607] in [0] : vector<16xf32>, vector<16xi32> -> vector<16xf32>
      %min3A_1609 = arith.minimumf %min3A_1595, %gather3A_1608 : vector<16xf32>
      %eq3A_1610 = arith.cmpf oeq, %scan3A_1192#3, %min3A_1609 : vector<16xf32>
      %jit3A_1611 = arith.constant 2048 : i32
      %broadcast_in_dim3A_1612 = vector.broadcast %jit3A_1611 : i32 to vector<16xi32>
      %select_n3A_1613 = arith.select %eq3A_1610, %scan3A_1192#7, %broadcast_in_dim3A_1612 : vector<16xi1>, vector<16xi32>
      %xor3A_1614 = arith.constant 8 : i32
      %xor3A_1615 = vector.broadcast %xor3A_1614 : i32 to vector<16xi32>
      %xor3A_1616 = arith.xori %iota3A, %xor3A_1615 : vector<16xi32>
      %lt3A_1617 = arith.constant 0 : i32
      %lt3A_1618 = vector.broadcast %lt3A_1617 : i32 to vector<16xi32>
      %lt3A_1619 = arith.cmpi slt, %xor3A_1616, %lt3A_1618 : vector<16xi32>
      %add3A_1620 = arith.constant 16 : i32
      %add3A_1621 = vector.broadcast %add3A_1620 : i32 to vector<16xi32>
      %add3A_1622 = arith.addi %xor3A_1616, %add3A_1621 : vector<16xi32>
      %select_n3A_1623 = arith.select %lt3A_1619, %add3A_1622, %xor3A_1616 : vector<16xi1>, vector<16xi32>
      %broadcast_in_dim3A_1624 = vector.shape_cast %select_n3A_1623 : vector<16xi32> to vector<16x1xi32>
      %gather3A_1625 = vector.shape_cast %broadcast_in_dim3A_1624 : vector<16x1xi32> to vector<16xi32>
      %gather3A_1626 = tpu.dynamic_gather %select_n3A_1613[%gather3A_1625] in [0] : vector<16xi32>, vector<16xi32> -> vector<16xi32>
      %min3A_1627 = arith.minsi %select_n3A_1613, %gather3A_1626 : vector<16xi32>
      %xor3A_1628 = arith.constant 4 : i32
      %xor3A_1629 = vector.broadcast %xor3A_1628 : i32 to vector<16xi32>
      %xor3A_1630 = arith.xori %iota3A, %xor3A_1629 : vector<16xi32>
      %lt3A_1631 = arith.constant 0 : i32
      %lt3A_1632 = vector.broadcast %lt3A_1631 : i32 to vector<16xi32>
      %lt3A_1633 = arith.cmpi slt, %xor3A_1630, %lt3A_1632 : vector<16xi32>
      %add3A_1634 = arith.constant 16 : i32
      %add3A_1635 = vector.broadcast %add3A_1634 : i32 to vector<16xi32>
      %add3A_1636 = arith.addi %xor3A_1630, %add3A_1635 : vector<16xi32>
      %select_n3A_1637 = arith.select %lt3A_1633, %add3A_1636, %xor3A_1630 : vector<16xi1>, vector<16xi32>
      %broadcast_in_dim3A_1638 = vector.shape_cast %select_n3A_1637 : vector<16xi32> to vector<16x1xi32>
      %gather3A_1639 = vector.shape_cast %broadcast_in_dim3A_1638 : vector<16x1xi32> to vector<16xi32>
      %gather3A_1640 = tpu.dynamic_gather %min3A_1627[%gather3A_1639] in [0] : vector<16xi32>, vector<16xi32> -> vector<16xi32>
      %min3A_1641 = arith.minsi %min3A_1627, %gather3A_1640 : vector<16xi32>
      %xor3A_1642 = arith.constant 2 : i32
      %xor3A_1643 = vector.broadcast %xor3A_1642 : i32 to vector<16xi32>
      %xor3A_1644 = arith.xori %iota3A, %xor3A_1643 : vector<16xi32>
      %lt3A_1645 = arith.constant 0 : i32
      %lt3A_1646 = vector.broadcast %lt3A_1645 : i32 to vector<16xi32>
      %lt3A_1647 = arith.cmpi slt, %xor3A_1644, %lt3A_1646 : vector<16xi32>
      %add3A_1648 = arith.constant 16 : i32
      %add3A_1649 = vector.broadcast %add3A_1648 : i32 to vector<16xi32>
      %add3A_1650 = arith.addi %xor3A_1644, %add3A_1649 : vector<16xi32>
      %select_n3A_1651 = arith.select %lt3A_1647, %add3A_1650, %xor3A_1644 : vector<16xi1>, vector<16xi32>
      %broadcast_in_dim3A_1652 = vector.shape_cast %select_n3A_1651 : vector<16xi32> to vector<16x1xi32>
      %gather3A_1653 = vector.shape_cast %broadcast_in_dim3A_1652 : vector<16x1xi32> to vector<16xi32>
      %gather3A_1654 = tpu.dynamic_gather %min3A_1641[%gather3A_1653] in [0] : vector<16xi32>, vector<16xi32> -> vector<16xi32>
      %min3A_1655 = arith.minsi %min3A_1641, %gather3A_1654 : vector<16xi32>
      %xor3A_1656 = arith.constant 1 : i32
      %xor3A_1657 = vector.broadcast %xor3A_1656 : i32 to vector<16xi32>
      %xor3A_1658 = arith.xori %iota3A, %xor3A_1657 : vector<16xi32>
      %lt3A_1659 = arith.constant 0 : i32
      %lt3A_1660 = vector.broadcast %lt3A_1659 : i32 to vector<16xi32>
      %lt3A_1661 = arith.cmpi slt, %xor3A_1658, %lt3A_1660 : vector<16xi32>
      %add3A_1662 = arith.constant 16 : i32
      %add3A_1663 = vector.broadcast %add3A_1662 : i32 to vector<16xi32>
      %add3A_1664 = arith.addi %xor3A_1658, %add3A_1663 : vector<16xi32>
      %select_n3A_1665 = arith.select %lt3A_1661, %add3A_1664, %xor3A_1658 : vector<16xi1>, vector<16xi32>
      %broadcast_in_dim3A_1666 = vector.shape_cast %select_n3A_1665 : vector<16xi32> to vector<16x1xi32>
      %gather3A_1667 = vector.shape_cast %broadcast_in_dim3A_1666 : vector<16x1xi32> to vector<16xi32>
      %gather3A_1668 = tpu.dynamic_gather %min3A_1655[%gather3A_1667] in [0] : vector<16xi32>, vector<16xi32> -> vector<16xi32>
      %min3A_1669 = arith.minsi %min3A_1655, %gather3A_1668 : vector<16xi32>
      %eq3A_1670 = arith.constant 11 : i32
      %eq3A_1671 = vector.broadcast %eq3A_1670 : i32 to vector<16xi32>
      %eq3A_1672 = arith.cmpi eq, %iota3A, %eq3A_1671 : vector<16xi32>
      %select_n3A_1673 = arith.select %eq3A_1672, %min3A_1669, %select_n3A_1553 : vector<16xi1>, vector<16xi32>
      %slice3A_1674 = vector.extract_strided_slice %get3A_62 {offsets = [12], sizes = [1], strides = [1]} : vector<16xf32> to vector<1xf32>
      %squeeze3A_1675 = vector.extract %slice3A_1674[0] : f32 from vector<1xf32>
      %slice3A_1676 = vector.extract_strided_slice %get3A_62 {offsets = [13], sizes = [1], strides = [1]} : vector<16xf32> to vector<1xf32>
      %squeeze3A_1677 = vector.extract %slice3A_1676[0] : f32 from vector<1xf32>
      %slice3A_1678 = vector.extract_strided_slice %get3A_62 {offsets = [14], sizes = [1], strides = [1]} : vector<16xf32> to vector<1xf32>
      %squeeze3A_1679 = vector.extract %slice3A_1678[0] : f32 from vector<1xf32>
      %slice3A_1680 = vector.extract_strided_slice %get3A_62 {offsets = [15], sizes = [1], strides = [1]} : vector<16xf32> to vector<1xf32>
      %squeeze3A_1681 = vector.extract %slice3A_1680[0] : f32 from vector<1xf32>
      %slice3A_1682 = vector.extract_strided_slice %get3A_67 {offsets = [12], sizes = [1], strides = [1]} : vector<16xf32> to vector<1xf32>
      %squeeze3A_1683 = vector.extract %slice3A_1682[0] : f32 from vector<1xf32>
      %slice3A_1684 = vector.extract_strided_slice %get3A_67 {offsets = [13], sizes = [1], strides = [1]} : vector<16xf32> to vector<1xf32>
      %squeeze3A_1685 = vector.extract %slice3A_1684[0] : f32 from vector<1xf32>
      %slice3A_1686 = vector.extract_strided_slice %get3A_67 {offsets = [14], sizes = [1], strides = [1]} : vector<16xf32> to vector<1xf32>
      %squeeze3A_1687 = vector.extract %slice3A_1686[0] : f32 from vector<1xf32>
      %slice3A_1688 = vector.extract_strided_slice %get3A_67 {offsets = [15], sizes = [1], strides = [1]} : vector<16xf32> to vector<1xf32>
      %squeeze3A_1689 = vector.extract %slice3A_1688[0] : f32 from vector<1xf32>
      %slice3A_1690 = vector.extract_strided_slice %get3A_72 {offsets = [12], sizes = [1], strides = [1]} : vector<16xf32> to vector<1xf32>
      %squeeze3A_1691 = vector.extract %slice3A_1690[0] : f32 from vector<1xf32>
      %slice3A_1692 = vector.extract_strided_slice %get3A_72 {offsets = [13], sizes = [1], strides = [1]} : vector<16xf32> to vector<1xf32>
      %squeeze3A_1693 = vector.extract %slice3A_1692[0] : f32 from vector<1xf32>
      %slice3A_1694 = vector.extract_strided_slice %get3A_72 {offsets = [14], sizes = [1], strides = [1]} : vector<16xf32> to vector<1xf32>
      %squeeze3A_1695 = vector.extract %slice3A_1694[0] : f32 from vector<1xf32>
      %slice3A_1696 = vector.extract_strided_slice %get3A_72 {offsets = [15], sizes = [1], strides = [1]} : vector<16xf32> to vector<1xf32>
      %squeeze3A_1697 = vector.extract %slice3A_1696[0] : f32 from vector<1xf32>
      %slice3A_1698 = vector.extract_strided_slice %get3A_75 {offsets = [12], sizes = [1], strides = [1]} : vector<16xf32> to vector<1xf32>
      %squeeze3A_1699 = vector.extract %slice3A_1698[0] : f32 from vector<1xf32>
      %slice3A_1700 = vector.extract_strided_slice %get3A_75 {offsets = [13], sizes = [1], strides = [1]} : vector<16xf32> to vector<1xf32>
      %squeeze3A_1701 = vector.extract %slice3A_1700[0] : f32 from vector<1xf32>
      %slice3A_1702 = vector.extract_strided_slice %get3A_75 {offsets = [14], sizes = [1], strides = [1]} : vector<16xf32> to vector<1xf32>
      %squeeze3A_1703 = vector.extract %slice3A_1702[0] : f32 from vector<1xf32>
      %slice3A_1704 = vector.extract_strided_slice %get3A_75 {offsets = [15], sizes = [1], strides = [1]} : vector<16xf32> to vector<1xf32>
      %squeeze3A_1705 = vector.extract %slice3A_1704[0] : f32 from vector<1xf32>
      %broadcast_in_dim3A_1706 = arith.constant 3.000000e+38 : f32
      %broadcast_in_dim3A_1707 = vector.broadcast %broadcast_in_dim3A_1706 : f32 to vector<16xf32>
      %broadcast_in_dim3A_1708 = arith.constant 3.000000e+38 : f32
      %broadcast_in_dim3A_1709 = vector.broadcast %broadcast_in_dim3A_1708 : f32 to vector<16xf32>
      %broadcast_in_dim3A_1710 = arith.constant 3.000000e+38 : f32
      %broadcast_in_dim3A_1711 = vector.broadcast %broadcast_in_dim3A_1710 : f32 to vector<16xf32>
      %broadcast_in_dim3A_1712 = arith.constant 3.000000e+38 : f32
      %broadcast_in_dim3A_1713 = vector.broadcast %broadcast_in_dim3A_1712 : f32 to vector<16xf32>
      %broadcast_in_dim3A_1714 = arith.constant 0 : i32
      %broadcast_in_dim3A_1715 = vector.broadcast %broadcast_in_dim3A_1714 : i32 to vector<16xi32>
      %broadcast_in_dim3A_1716 = arith.constant 0 : i32
      %broadcast_in_dim3A_1717 = vector.broadcast %broadcast_in_dim3A_1716 : i32 to vector<16xi32>
      %broadcast_in_dim3A_1718 = arith.constant 0 : i32
      %broadcast_in_dim3A_1719 = vector.broadcast %broadcast_in_dim3A_1718 : i32 to vector<16xi32>
      %broadcast_in_dim3A_1720 = arith.constant 0 : i32
      %broadcast_in_dim3A_1721 = vector.broadcast %broadcast_in_dim3A_1720 : i32 to vector<16xi32>
      %scan3A_1722 = arith.constant 0 : i32
      %scan3A_1723 = arith.constant 128 : i32
      %scan3A_1724 = arith.addi %scan3A_1722, %scan3A_1723 : i32
      %scan3A_1725 = arith.constant 2 : i32
      %scan3A_1726:9 = scf.for %scan3A_2212 = %scan3A_1722 to %scan3A_1724 step %scan3A_1725 iter_args(%scan3A_2213 = %broadcast_in_dim3A_1707, %scan3A_2214 = %broadcast_in_dim3A_1709, %scan3A_2215 = %broadcast_in_dim3A_1711, %scan3A_2216 = %broadcast_in_dim3A_1713, %scan3A_2217 = %broadcast_in_dim3A_1715, %scan3A_2218 = %broadcast_in_dim3A_1717, %scan3A_2219 = %broadcast_in_dim3A_1719, %scan3A_2220 = %broadcast_in_dim3A_1721, %scan3A_2221 = %iota3A) -> (vector<16xf32>, vector<16xf32>, vector<16xf32>, vector<16xf32>, vector<16xi32>, vector<16xi32>, vector<16xi32>, vector<16xi32>, vector<16xi32>)  : i32 {
        %mul3A_2222 = arith.constant 16 : i32
        %mul3A_2223 = arith.muli %scan3A_2212, %mul3A_2222 : i32
        %get3A_2224 = arith.constant 0 : i32
        %get3A_2225 = arith.index_cast %get3A_2224 : i32 to index
        %get3A_2226 = arith.index_cast %mul3A_2223 : i32 to index
        %get3A_2227 = tpu.vector_load %arg7[%get3A_2225, %get3A_2226] {strides = array<i32>} : memref<3x2048xf32, #tpu.memory_space<vmem>>, vector<1x16xf32>,
        %get3A_2228 = vector.shape_cast %get3A_2227 : vector<1x16xf32> to vector<16xf32>
        %mul3A_2229 = arith.constant 16 : i32
        %mul3A_2230 = arith.muli %scan3A_2212, %mul3A_2229 : i32
        %get3A_2231 = arith.constant 1 : i32
        %get3A_2232 = arith.index_cast %get3A_2231 : i32 to index
        %get3A_2233 = arith.index_cast %mul3A_2230 : i32 to index
        %get3A_2234 = tpu.vector_load %arg7[%get3A_2232, %get3A_2233] {strides = array<i32>} : memref<3x2048xf32, #tpu.memory_space<vmem>>, vector<1x16xf32>,
        %get3A_2235 = vector.shape_cast %get3A_2234 : vector<1x16xf32> to vector<16xf32>
        %mul3A_2236 = arith.constant 16 : i32
        %mul3A_2237 = arith.muli %scan3A_2212, %mul3A_2236 : i32
        %get3A_2238 = arith.constant 2 : i32
        %get3A_2239 = arith.index_cast %get3A_2238 : i32 to index
        %get3A_2240 = arith.index_cast %mul3A_2237 : i32 to index
        %get3A_2241 = tpu.vector_load %arg7[%get3A_2239, %get3A_2240] {strides = array<i32>} : memref<3x2048xf32, #tpu.memory_space<vmem>>, vector<1x16xf32>,
        %get3A_2242 = vector.shape_cast %get3A_2241 : vector<1x16xf32> to vector<16xf32>
        %mul3A_2243 = arith.constant 16 : i32
        %mul3A_2244 = arith.muli %scan3A_2212, %mul3A_2243 : i32
        %get3A_2245 = arith.index_cast %mul3A_2244 : i32 to index
        %get3A_2246 = tpu.vector_load %arg9[%get3A_2245] {strides = array<i32>} : memref<2048xf32, #tpu.memory_space<vmem>>, vector<16xf32>,
        %get3A_2247 = vector.shape_cast %get3A_2246 : vector<16xf32> to vector<16xf32>
        %mul3A_2248 = vector.broadcast %squeeze3A_1675 : f32 to vector<16xf32>
        %mul3A_2249 = arith.mulf %get3A_2228, %mul3A_2248 : vector<16xf32>
        %mul3A_2250 = vector.broadcast %squeeze3A_1683 : f32 to vector<16xf32>
        %mul3A_2251 = arith.mulf %get3A_2235, %mul3A_2250 : vector<16xf32>
        %add3A_2252 = arith.addf %mul3A_2249, %mul3A_2251 : vector<16xf32>
        %mul3A_2253 = vector.broadcast %squeeze3A_1691 : f32 to vector<16xf32>
        %mul3A_2254 = arith.mulf %get3A_2242, %mul3A_2253 : vector<16xf32>
        %add3A_2255 = arith.addf %add3A_2252, %mul3A_2254 : vector<16xf32>
        %add3A_2256 = vector.broadcast %squeeze3A_1699 : f32 to vector<16xf32>
        %add3A_2257 = arith.addf %add3A_2256, %get3A_2247 : vector<16xf32>
        %add3A_2258 = arith.addf %add3A_2257, %add3A_2255 : vector<16xf32>
        %lt3A_2259 = arith.cmpf olt, %add3A_2258, %scan3A_2213 : vector<16xf32>
        %select_n3A_2260 = arith.select %lt3A_2259, %add3A_2258, %scan3A_2213 : vector<16xi1>, vector<16xf32>
        %select_n3A_2261 = arith.select %lt3A_2259, %scan3A_2221, %scan3A_2217 : vector<16xi1>, vector<16xi32>
        %mul3A_2262 = vector.broadcast %squeeze3A_1677 : f32 to vector<16xf32>
        %mul3A_2263 = arith.mulf %get3A_2228, %mul3A_2262 : vector<16xf32>
        %mul3A_2264 = vector.broadcast %squeeze3A_1685 : f32 to vector<16xf32>
        %mul3A_2265 = arith.mulf %get3A_2235, %mul3A_2264 : vector<16xf32>
        %add3A_2266 = arith.addf %mul3A_2263, %mul3A_2265 : vector<16xf32>
        %mul3A_2267 = vector.broadcast %squeeze3A_1693 : f32 to vector<16xf32>
        %mul3A_2268 = arith.mulf %get3A_2242, %mul3A_2267 : vector<16xf32>
        %add3A_2269 = arith.addf %add3A_2266, %mul3A_2268 : vector<16xf32>
        %add3A_2270 = vector.broadcast %squeeze3A_1701 : f32 to vector<16xf32>
        %add3A_2271 = arith.addf %add3A_2270, %get3A_2247 : vector<16xf32>
        %add3A_2272 = arith.addf %add3A_2271, %add3A_2269 : vector<16xf32>
        %lt3A_2273 = arith.cmpf olt, %add3A_2272, %scan3A_2214 : vector<16xf32>
        %select_n3A_2274 = arith.select %lt3A_2273, %add3A_2272, %scan3A_2214 : vector<16xi1>, vector<16xf32>
        %select_n3A_2275 = arith.select %lt3A_2273, %scan3A_2221, %scan3A_2218 : vector<16xi1>, vector<16xi32>
        %mul3A_2276 = vector.broadcast %squeeze3A_1679 : f32 to vector<16xf32>
        %mul3A_2277 = arith.mulf %get3A_2228, %mul3A_2276 : vector<16xf32>
        %mul3A_2278 = vector.broadcast %squeeze3A_1687 : f32 to vector<16xf32>
        %mul3A_2279 = arith.mulf %get3A_2235, %mul3A_2278 : vector<16xf32>
        %add3A_2280 = arith.addf %mul3A_2277, %mul3A_2279 : vector<16xf32>
        %mul3A_2281 = vector.broadcast %squeeze3A_1695 : f32 to vector<16xf32>
        %mul3A_2282 = arith.mulf %get3A_2242, %mul3A_2281 : vector<16xf32>
        %add3A_2283 = arith.addf %add3A_2280, %mul3A_2282 : vector<16xf32>
        %add3A_2284 = vector.broadcast %squeeze3A_1703 : f32 to vector<16xf32>
        %add3A_2285 = arith.addf %add3A_2284, %get3A_2247 : vector<16xf32>
        %add3A_2286 = arith.addf %add3A_2285, %add3A_2283 : vector<16xf32>
        %lt3A_2287 = arith.cmpf olt, %add3A_2286, %scan3A_2215 : vector<16xf32>
        %select_n3A_2288 = arith.select %lt3A_2287, %add3A_2286, %scan3A_2215 : vector<16xi1>, vector<16xf32>
        %select_n3A_2289 = arith.select %lt3A_2287, %scan3A_2221, %scan3A_2219 : vector<16xi1>, vector<16xi32>
        %mul3A_2290 = vector.broadcast %squeeze3A_1681 : f32 to vector<16xf32>
        %mul3A_2291 = arith.mulf %get3A_2228, %mul3A_2290 : vector<16xf32>
        %mul3A_2292 = vector.broadcast %squeeze3A_1689 : f32 to vector<16xf32>
        %mul3A_2293 = arith.mulf %get3A_2235, %mul3A_2292 : vector<16xf32>
        %add3A_2294 = arith.addf %mul3A_2291, %mul3A_2293 : vector<16xf32>
        %mul3A_2295 = vector.broadcast %squeeze3A_1697 : f32 to vector<16xf32>
        %mul3A_2296 = arith.mulf %get3A_2242, %mul3A_2295 : vector<16xf32>
        %add3A_2297 = arith.addf %add3A_2294, %mul3A_2296 : vector<16xf32>
        %add3A_2298 = vector.broadcast %squeeze3A_1705 : f32 to vector<16xf32>
        %add3A_2299 = arith.addf %add3A_2298, %get3A_2247 : vector<16xf32>
        %add3A_2300 = arith.addf %add3A_2299, %add3A_2297 : vector<16xf32>
        %lt3A_2301 = arith.cmpf olt, %add3A_2300, %scan3A_2216 : vector<16xf32>
        %select_n3A_2302 = arith.select %lt3A_2301, %add3A_2300, %scan3A_2216 : vector<16xi1>, vector<16xf32>
        %select_n3A_2303 = arith.select %lt3A_2301, %scan3A_2221, %scan3A_2220 : vector<16xi1>, vector<16xi32>
        %add3A_2304 = arith.constant 16 : i32
        %add3A_2305 = vector.broadcast %add3A_2304 : i32 to vector<16xi32>
        %add3A_2306 = arith.addi %scan3A_2221, %add3A_2305 : vector<16xi32>
        %scan3A_2307 = arith.constant 1 : i32
        %scan3A_2308 = arith.addi %scan3A_2212, %scan3A_2307 : i32
        %mul3A_2309 = arith.constant 16 : i32
        %mul3A_2310 = arith.muli %scan3A_2308, %mul3A_2309 : i32
        %get3A_2311 = arith.constant 0 : i32
        %get3A_2312 = arith.index_cast %get3A_2311 : i32 to index
        %get3A_2313 = arith.index_cast %mul3A_2310 : i32 to index
        %get3A_2314 = tpu.vector_load %arg7[%get3A_2312, %get3A_2313] {strides = array<i32>} : memref<3x2048xf32, #tpu.memory_space<vmem>>, vector<1x16xf32>,
        %get3A_2315 = vector.shape_cast %get3A_2314 : vector<1x16xf32> to vector<16xf32>
        %mul3A_2316 = arith.constant 16 : i32
        %mul3A_2317 = arith.muli %scan3A_2308, %mul3A_2316 : i32
        %get3A_2318 = arith.constant 1 : i32
        %get3A_2319 = arith.index_cast %get3A_2318 : i32 to index
        %get3A_2320 = arith.index_cast %mul3A_2317 : i32 to index
        %get3A_2321 = tpu.vector_load %arg7[%get3A_2319, %get3A_2320] {strides = array<i32>} : memref<3x2048xf32, #tpu.memory_space<vmem>>, vector<1x16xf32>,
        %get3A_2322 = vector.shape_cast %get3A_2321 : vector<1x16xf32> to vector<16xf32>
        %mul3A_2323 = arith.constant 16 : i32
        %mul3A_2324 = arith.muli %scan3A_2308, %mul3A_2323 : i32
        %get3A_2325 = arith.constant 2 : i32
        %get3A_2326 = arith.index_cast %get3A_2325 : i32 to index
        %get3A_2327 = arith.index_cast %mul3A_2324 : i32 to index
        %get3A_2328 = tpu.vector_load %arg7[%get3A_2326, %get3A_2327] {strides = array<i32>} : memref<3x2048xf32, #tpu.memory_space<vmem>>, vector<1x16xf32>,
        %get3A_2329 = vector.shape_cast %get3A_2328 : vector<1x16xf32> to vector<16xf32>
        %mul3A_2330 = arith.constant 16 : i32
        %mul3A_2331 = arith.muli %scan3A_2308, %mul3A_2330 : i32
        %get3A_2332 = arith.index_cast %mul3A_2331 : i32 to index
        %get3A_2333 = tpu.vector_load %arg9[%get3A_2332] {strides = array<i32>} : memref<2048xf32, #tpu.memory_space<vmem>>, vector<16xf32>,
        %get3A_2334 = vector.shape_cast %get3A_2333 : vector<16xf32> to vector<16xf32>
        %mul3A_2335 = vector.broadcast %squeeze3A_1675 : f32 to vector<16xf32>
        %mul3A_2336 = arith.mulf %get3A_2315, %mul3A_2335 : vector<16xf32>
        %mul3A_2337 = vector.broadcast %squeeze3A_1683 : f32 to vector<16xf32>
        %mul3A_2338 = arith.mulf %get3A_2322, %mul3A_2337 : vector<16xf32>
        %add3A_2339 = arith.addf %mul3A_2336, %mul3A_2338 : vector<16xf32>
        %mul3A_2340 = vector.broadcast %squeeze3A_1691 : f32 to vector<16xf32>
        %mul3A_2341 = arith.mulf %get3A_2329, %mul3A_2340 : vector<16xf32>
        %add3A_2342 = arith.addf %add3A_2339, %mul3A_2341 : vector<16xf32>
        %add3A_2343 = vector.broadcast %squeeze3A_1699 : f32 to vector<16xf32>
        %add3A_2344 = arith.addf %add3A_2343, %get3A_2334 : vector<16xf32>
        %add3A_2345 = arith.addf %add3A_2344, %add3A_2342 : vector<16xf32>
        %lt3A_2346 = arith.cmpf olt, %add3A_2345, %select_n3A_2260 : vector<16xf32>
        %select_n3A_2347 = arith.select %lt3A_2346, %add3A_2345, %select_n3A_2260 : vector<16xi1>, vector<16xf32>
        %select_n3A_2348 = arith.select %lt3A_2346, %add3A_2306, %select_n3A_2261 : vector<16xi1>, vector<16xi32>
        %mul3A_2349 = vector.broadcast %squeeze3A_1677 : f32 to vector<16xf32>
        %mul3A_2350 = arith.mulf %get3A_2315, %mul3A_2349 : vector<16xf32>
        %mul3A_2351 = vector.broadcast %squeeze3A_1685 : f32 to vector<16xf32>
        %mul3A_2352 = arith.mulf %get3A_2322, %mul3A_2351 : vector<16xf32>
        %add3A_2353 = arith.addf %mul3A_2350, %mul3A_2352 : vector<16xf32>
        %mul3A_2354 = vector.broadcast %squeeze3A_1693 : f32 to vector<16xf32>
        %mul3A_2355 = arith.mulf %get3A_2329, %mul3A_2354 : vector<16xf32>
        %add3A_2356 = arith.addf %add3A_2353, %mul3A_2355 : vector<16xf32>
        %add3A_2357 = vector.broadcast %squeeze3A_1701 : f32 to vector<16xf32>
        %add3A_2358 = arith.addf %add3A_2357, %get3A_2334 : vector<16xf32>
        %add3A_2359 = arith.addf %add3A_2358, %add3A_2356 : vector<16xf32>
        %lt3A_2360 = arith.cmpf olt, %add3A_2359, %select_n3A_2274 : vector<16xf32>
        %select_n3A_2361 = arith.select %lt3A_2360, %add3A_2359, %select_n3A_2274 : vector<16xi1>, vector<16xf32>
        %select_n3A_2362 = arith.select %lt3A_2360, %add3A_2306, %select_n3A_2275 : vector<16xi1>, vector<16xi32>
        %mul3A_2363 = vector.broadcast %squeeze3A_1679 : f32 to vector<16xf32>
        %mul3A_2364 = arith.mulf %get3A_2315, %mul3A_2363 : vector<16xf32>
        %mul3A_2365 = vector.broadcast %squeeze3A_1687 : f32 to vector<16xf32>
        %mul3A_2366 = arith.mulf %get3A_2322, %mul3A_2365 : vector<16xf32>
        %add3A_2367 = arith.addf %mul3A_2364, %mul3A_2366 : vector<16xf32>
        %mul3A_2368 = vector.broadcast %squeeze3A_1695 : f32 to vector<16xf32>
        %mul3A_2369 = arith.mulf %get3A_2329, %mul3A_2368 : vector<16xf32>
        %add3A_2370 = arith.addf %add3A_2367, %mul3A_2369 : vector<16xf32>
        %add3A_2371 = vector.broadcast %squeeze3A_1703 : f32 to vector<16xf32>
        %add3A_2372 = arith.addf %add3A_2371, %get3A_2334 : vector<16xf32>
        %add3A_2373 = arith.addf %add3A_2372, %add3A_2370 : vector<16xf32>
        %lt3A_2374 = arith.cmpf olt, %add3A_2373, %select_n3A_2288 : vector<16xf32>
        %select_n3A_2375 = arith.select %lt3A_2374, %add3A_2373, %select_n3A_2288 : vector<16xi1>, vector<16xf32>
        %select_n3A_2376 = arith.select %lt3A_2374, %add3A_2306, %select_n3A_2289 : vector<16xi1>, vector<16xi32>
        %mul3A_2377 = vector.broadcast %squeeze3A_1681 : f32 to vector<16xf32>
        %mul3A_2378 = arith.mulf %get3A_2315, %mul3A_2377 : vector<16xf32>
        %mul3A_2379 = vector.broadcast %squeeze3A_1689 : f32 to vector<16xf32>
        %mul3A_2380 = arith.mulf %get3A_2322, %mul3A_2379 : vector<16xf32>
        %add3A_2381 = arith.addf %mul3A_2378, %mul3A_2380 : vector<16xf32>
        %mul3A_2382 = vector.broadcast %squeeze3A_1697 : f32 to vector<16xf32>
        %mul3A_2383 = arith.mulf %get3A_2329, %mul3A_2382 : vector<16xf32>
        %add3A_2384 = arith.addf %add3A_2381, %mul3A_2383 : vector<16xf32>
        %add3A_2385 = vector.broadcast %squeeze3A_1705 : f32 to vector<16xf32>
        %add3A_2386 = arith.addf %add3A_2385, %get3A_2334 : vector<16xf32>
        %add3A_2387 = arith.addf %add3A_2386, %add3A_2384 : vector<16xf32>
        %lt3A_2388 = arith.cmpf olt, %add3A_2387, %select_n3A_2302 : vector<16xf32>
        %select_n3A_2389 = arith.select %lt3A_2388, %add3A_2387, %select_n3A_2302 : vector<16xi1>, vector<16xf32>
        %select_n3A_2390 = arith.select %lt3A_2388, %add3A_2306, %select_n3A_2303 : vector<16xi1>, vector<16xi32>
        %add3A_2391 = arith.constant 16 : i32
        %add3A_2392 = vector.broadcast %add3A_2391 : i32 to vector<16xi32>
        %add3A_2393 = arith.addi %add3A_2306, %add3A_2392 : vector<16xi32>
        scf.yield %select_n3A_2347, %select_n3A_2361, %select_n3A_2375, %select_n3A_2389, %select_n3A_2348, %select_n3A_2362, %select_n3A_2376, %select_n3A_2390, %add3A_2393 : vector<16xf32>, vector<16xf32>, vector<16xf32>, vector<16xf32>, vector<16xi32>, vector<16xi32>, vector<16xi32>, vector<16xi32>, vector<16xi32>
      }
      %scan3A_1727 = arith.constant 128 : i32
      %xor3A_1728 = arith.constant 8 : i32
      %xor3A_1729 = vector.broadcast %xor3A_1728 : i32 to vector<16xi32>
      %xor3A_1730 = arith.xori %iota3A, %xor3A_1729 : vector<16xi32>
      %lt3A_1731 = arith.constant 0 : i32
      %lt3A_1732 = vector.broadcast %lt3A_1731 : i32 to vector<16xi32>
      %lt3A_1733 = arith.cmpi slt, %xor3A_1730, %lt3A_1732 : vector<16xi32>
      %add3A_1734 = arith.constant 16 : i32
      %add3A_1735 = vector.broadcast %add3A_1734 : i32 to vector<16xi32>
      %add3A_1736 = arith.addi %xor3A_1730, %add3A_1735 : vector<16xi32>
      %select_n3A_1737 = arith.select %lt3A_1733, %add3A_1736, %xor3A_1730 : vector<16xi1>, vector<16xi32>
      %broadcast_in_dim3A_1738 = vector.shape_cast %select_n3A_1737 : vector<16xi32> to vector<16x1xi32>
      %gather3A_1739 = vector.shape_cast %broadcast_in_dim3A_1738 : vector<16x1xi32> to vector<16xi32>
      %gather3A_1740 = tpu.dynamic_gather %scan3A_1726#0[%gather3A_1739] in [0] : vector<16xf32>, vector<16xi32> -> vector<16xf32>
      %min3A_1741 = arith.minimumf %scan3A_1726#0, %gather3A_1740 : vector<16xf32>
      %xor3A_1742 = arith.constant 4 : i32
      %xor3A_1743 = vector.broadcast %xor3A_1742 : i32 to vector<16xi32>
      %xor3A_1744 = arith.xori %iota3A, %xor3A_1743 : vector<16xi32>
      %lt3A_1745 = arith.constant 0 : i32
      %lt3A_1746 = vector.broadcast %lt3A_1745 : i32 to vector<16xi32>
      %lt3A_1747 = arith.cmpi slt, %xor3A_1744, %lt3A_1746 : vector<16xi32>
      %add3A_1748 = arith.constant 16 : i32
      %add3A_1749 = vector.broadcast %add3A_1748 : i32 to vector<16xi32>
      %add3A_1750 = arith.addi %xor3A_1744, %add3A_1749 : vector<16xi32>
      %select_n3A_1751 = arith.select %lt3A_1747, %add3A_1750, %xor3A_1744 : vector<16xi1>, vector<16xi32>
      %broadcast_in_dim3A_1752 = vector.shape_cast %select_n3A_1751 : vector<16xi32> to vector<16x1xi32>
      %gather3A_1753 = vector.shape_cast %broadcast_in_dim3A_1752 : vector<16x1xi32> to vector<16xi32>
      %gather3A_1754 = tpu.dynamic_gather %min3A_1741[%gather3A_1753] in [0] : vector<16xf32>, vector<16xi32> -> vector<16xf32>
      %min3A_1755 = arith.minimumf %min3A_1741, %gather3A_1754 : vector<16xf32>
      %xor3A_1756 = arith.constant 2 : i32
      %xor3A_1757 = vector.broadcast %xor3A_1756 : i32 to vector<16xi32>
      %xor3A_1758 = arith.xori %iota3A, %xor3A_1757 : vector<16xi32>
      %lt3A_1759 = arith.constant 0 : i32
      %lt3A_1760 = vector.broadcast %lt3A_1759 : i32 to vector<16xi32>
      %lt3A_1761 = arith.cmpi slt, %xor3A_1758, %lt3A_1760 : vector<16xi32>
      %add3A_1762 = arith.constant 16 : i32
      %add3A_1763 = vector.broadcast %add3A_1762 : i32 to vector<16xi32>
      %add3A_1764 = arith.addi %xor3A_1758, %add3A_1763 : vector<16xi32>
      %select_n3A_1765 = arith.select %lt3A_1761, %add3A_1764, %xor3A_1758 : vector<16xi1>, vector<16xi32>
      %broadcast_in_dim3A_1766 = vector.shape_cast %select_n3A_1765 : vector<16xi32> to vector<16x1xi32>
      %gather3A_1767 = vector.shape_cast %broadcast_in_dim3A_1766 : vector<16x1xi32> to vector<16xi32>
      %gather3A_1768 = tpu.dynamic_gather %min3A_1755[%gather3A_1767] in [0] : vector<16xf32>, vector<16xi32> -> vector<16xf32>
      %min3A_1769 = arith.minimumf %min3A_1755, %gather3A_1768 : vector<16xf32>
      %xor3A_1770 = arith.constant 1 : i32
      %xor3A_1771 = vector.broadcast %xor3A_1770 : i32 to vector<16xi32>
      %xor3A_1772 = arith.xori %iota3A, %xor3A_1771 : vector<16xi32>
      %lt3A_1773 = arith.constant 0 : i32
      %lt3A_1774 = vector.broadcast %lt3A_1773 : i32 to vector<16xi32>
      %lt3A_1775 = arith.cmpi slt, %xor3A_1772, %lt3A_1774 : vector<16xi32>
      %add3A_1776 = arith.constant 16 : i32
      %add3A_1777 = vector.broadcast %add3A_1776 : i32 to vector<16xi32>
      %add3A_1778 = arith.addi %xor3A_1772, %add3A_1777 : vector<16xi32>
      %select_n3A_1779 = arith.select %lt3A_1775, %add3A_1778, %xor3A_1772 : vector<16xi1>, vector<16xi32>
      %broadcast_in_dim3A_1780 = vector.shape_cast %select_n3A_1779 : vector<16xi32> to vector<16x1xi32>
      %gather3A_1781 = vector.shape_cast %broadcast_in_dim3A_1780 : vector<16x1xi32> to vector<16xi32>
      %gather3A_1782 = tpu.dynamic_gather %min3A_1769[%gather3A_1781] in [0] : vector<16xf32>, vector<16xi32> -> vector<16xf32>
      %min3A_1783 = arith.minimumf %min3A_1769, %gather3A_1782 : vector<16xf32>
      %eq3A_1784 = arith.cmpf oeq, %scan3A_1726#0, %min3A_1783 : vector<16xf32>
      %jit3A_1785 = arith.constant 2048 : i32
      %broadcast_in_dim3A_1786 = vector.broadcast %jit3A_1785 : i32 to vector<16xi32>
      %select_n3A_1787 = arith.select %eq3A_1784, %scan3A_1726#4, %broadcast_in_dim3A_1786 : vector<16xi1>, vector<16xi32>
      %xor3A_1788 = arith.constant 8 : i32
      %xor3A_1789 = vector.broadcast %xor3A_1788 : i32 to vector<16xi32>
      %xor3A_1790 = arith.xori %iota3A, %xor3A_1789 : vector<16xi32>
      %lt3A_1791 = arith.constant 0 : i32
      %lt3A_1792 = vector.broadcast %lt3A_1791 : i32 to vector<16xi32>
      %lt3A_1793 = arith.cmpi slt, %xor3A_1790, %lt3A_1792 : vector<16xi32>
      %add3A_1794 = arith.constant 16 : i32
      %add3A_1795 = vector.broadcast %add3A_1794 : i32 to vector<16xi32>
      %add3A_1796 = arith.addi %xor3A_1790, %add3A_1795 : vector<16xi32>
      %select_n3A_1797 = arith.select %lt3A_1793, %add3A_1796, %xor3A_1790 : vector<16xi1>, vector<16xi32>
      %broadcast_in_dim3A_1798 = vector.shape_cast %select_n3A_1797 : vector<16xi32> to vector<16x1xi32>
      %gather3A_1799 = vector.shape_cast %broadcast_in_dim3A_1798 : vector<16x1xi32> to vector<16xi32>
      %gather3A_1800 = tpu.dynamic_gather %select_n3A_1787[%gather3A_1799] in [0] : vector<16xi32>, vector<16xi32> -> vector<16xi32>
      %min3A_1801 = arith.minsi %select_n3A_1787, %gather3A_1800 : vector<16xi32>
      %xor3A_1802 = arith.constant 4 : i32
      %xor3A_1803 = vector.broadcast %xor3A_1802 : i32 to vector<16xi32>
      %xor3A_1804 = arith.xori %iota3A, %xor3A_1803 : vector<16xi32>
      %lt3A_1805 = arith.constant 0 : i32
      %lt3A_1806 = vector.broadcast %lt3A_1805 : i32 to vector<16xi32>
      %lt3A_1807 = arith.cmpi slt, %xor3A_1804, %lt3A_1806 : vector<16xi32>
      %add3A_1808 = arith.constant 16 : i32
      %add3A_1809 = vector.broadcast %add3A_1808 : i32 to vector<16xi32>
      %add3A_1810 = arith.addi %xor3A_1804, %add3A_1809 : vector<16xi32>
      %select_n3A_1811 = arith.select %lt3A_1807, %add3A_1810, %xor3A_1804 : vector<16xi1>, vector<16xi32>
      %broadcast_in_dim3A_1812 = vector.shape_cast %select_n3A_1811 : vector<16xi32> to vector<16x1xi32>
      %gather3A_1813 = vector.shape_cast %broadcast_in_dim3A_1812 : vector<16x1xi32> to vector<16xi32>
      %gather3A_1814 = tpu.dynamic_gather %min3A_1801[%gather3A_1813] in [0] : vector<16xi32>, vector<16xi32> -> vector<16xi32>
      %min3A_1815 = arith.minsi %min3A_1801, %gather3A_1814 : vector<16xi32>
      %xor3A_1816 = arith.constant 2 : i32
      %xor3A_1817 = vector.broadcast %xor3A_1816 : i32 to vector<16xi32>
      %xor3A_1818 = arith.xori %iota3A, %xor3A_1817 : vector<16xi32>
      %lt3A_1819 = arith.constant 0 : i32
      %lt3A_1820 = vector.broadcast %lt3A_1819 : i32 to vector<16xi32>
      %lt3A_1821 = arith.cmpi slt, %xor3A_1818, %lt3A_1820 : vector<16xi32>
      %add3A_1822 = arith.constant 16 : i32
      %add3A_1823 = vector.broadcast %add3A_1822 : i32 to vector<16xi32>
      %add3A_1824 = arith.addi %xor3A_1818, %add3A_1823 : vector<16xi32>
      %select_n3A_1825 = arith.select %lt3A_1821, %add3A_1824, %xor3A_1818 : vector<16xi1>, vector<16xi32>
      %broadcast_in_dim3A_1826 = vector.shape_cast %select_n3A_1825 : vector<16xi32> to vector<16x1xi32>
      %gather3A_1827 = vector.shape_cast %broadcast_in_dim3A_1826 : vector<16x1xi32> to vector<16xi32>
      %gather3A_1828 = tpu.dynamic_gather %min3A_1815[%gather3A_1827] in [0] : vector<16xi32>, vector<16xi32> -> vector<16xi32>
      %min3A_1829 = arith.minsi %min3A_1815, %gather3A_1828 : vector<16xi32>
      %xor3A_1830 = arith.constant 1 : i32
      %xor3A_1831 = vector.broadcast %xor3A_1830 : i32 to vector<16xi32>
      %xor3A_1832 = arith.xori %iota3A, %xor3A_1831 : vector<16xi32>
      %lt3A_1833 = arith.constant 0 : i32
      %lt3A_1834 = vector.broadcast %lt3A_1833 : i32 to vector<16xi32>
      %lt3A_1835 = arith.cmpi slt, %xor3A_1832, %lt3A_1834 : vector<16xi32>
      %add3A_1836 = arith.constant 16 : i32
      %add3A_1837 = vector.broadcast %add3A_1836 : i32 to vector<16xi32>
      %add3A_1838 = arith.addi %xor3A_1832, %add3A_1837 : vector<16xi32>
      %select_n3A_1839 = arith.select %lt3A_1835, %add3A_1838, %xor3A_1832 : vector<16xi1>, vector<16xi32>
      %broadcast_in_dim3A_1840 = vector.shape_cast %select_n3A_1839 : vector<16xi32> to vector<16x1xi32>
      %gather3A_1841 = vector.shape_cast %broadcast_in_dim3A_1840 : vector<16x1xi32> to vector<16xi32>
      %gather3A_1842 = tpu.dynamic_gather %min3A_1829[%gather3A_1841] in [0] : vector<16xi32>, vector<16xi32> -> vector<16xi32>
      %min3A_1843 = arith.minsi %min3A_1829, %gather3A_1842 : vector<16xi32>
      %eq3A_1844 = arith.constant 12 : i32
      %eq3A_1845 = vector.broadcast %eq3A_1844 : i32 to vector<16xi32>
      %eq3A_1846 = arith.cmpi eq, %iota3A, %eq3A_1845 : vector<16xi32>
      %select_n3A_1847 = arith.select %eq3A_1846, %min3A_1843, %select_n3A_1673 : vector<16xi1>, vector<16xi32>
      %xor3A_1848 = arith.constant 8 : i32
      %xor3A_1849 = vector.broadcast %xor3A_1848 : i32 to vector<16xi32>
      %xor3A_1850 = arith.xori %iota3A, %xor3A_1849 : vector<16xi32>
      %lt3A_1851 = arith.constant 0 : i32
      %lt3A_1852 = vector.broadcast %lt3A_1851 : i32 to vector<16xi32>
      %lt3A_1853 = arith.cmpi slt, %xor3A_1850, %lt3A_1852 : vector<16xi32>
      %add3A_1854 = arith.constant 16 : i32
      %add3A_1855 = vector.broadcast %add3A_1854 : i32 to vector<16xi32>
      %add3A_1856 = arith.addi %xor3A_1850, %add3A_1855 : vector<16xi32>
      %select_n3A_1857 = arith.select %lt3A_1853, %add3A_1856, %xor3A_1850 : vector<16xi1>, vector<16xi32>
      %broadcast_in_dim3A_1858 = vector.shape_cast %select_n3A_1857 : vector<16xi32> to vector<16x1xi32>
      %gather3A_1859 = vector.shape_cast %broadcast_in_dim3A_1858 : vector<16x1xi32> to vector<16xi32>
      %gather3A_1860 = tpu.dynamic_gather %scan3A_1726#1[%gather3A_1859] in [0] : vector<16xf32>, vector<16xi32> -> vector<16xf32>
      %min3A_1861 = arith.minimumf %scan3A_1726#1, %gather3A_1860 : vector<16xf32>
      %xor3A_1862 = arith.constant 4 : i32
      %xor3A_1863 = vector.broadcast %xor3A_1862 : i32 to vector<16xi32>
      %xor3A_1864 = arith.xori %iota3A, %xor3A_1863 : vector<16xi32>
      %lt3A_1865 = arith.constant 0 : i32
      %lt3A_1866 = vector.broadcast %lt3A_1865 : i32 to vector<16xi32>
      %lt3A_1867 = arith.cmpi slt, %xor3A_1864, %lt3A_1866 : vector<16xi32>
      %add3A_1868 = arith.constant 16 : i32
      %add3A_1869 = vector.broadcast %add3A_1868 : i32 to vector<16xi32>
      %add3A_1870 = arith.addi %xor3A_1864, %add3A_1869 : vector<16xi32>
      %select_n3A_1871 = arith.select %lt3A_1867, %add3A_1870, %xor3A_1864 : vector<16xi1>, vector<16xi32>
      %broadcast_in_dim3A_1872 = vector.shape_cast %select_n3A_1871 : vector<16xi32> to vector<16x1xi32>
      %gather3A_1873 = vector.shape_cast %broadcast_in_dim3A_1872 : vector<16x1xi32> to vector<16xi32>
      %gather3A_1874 = tpu.dynamic_gather %min3A_1861[%gather3A_1873] in [0] : vector<16xf32>, vector<16xi32> -> vector<16xf32>
      %min3A_1875 = arith.minimumf %min3A_1861, %gather3A_1874 : vector<16xf32>
      %xor3A_1876 = arith.constant 2 : i32
      %xor3A_1877 = vector.broadcast %xor3A_1876 : i32 to vector<16xi32>
      %xor3A_1878 = arith.xori %iota3A, %xor3A_1877 : vector<16xi32>
      %lt3A_1879 = arith.constant 0 : i32
      %lt3A_1880 = vector.broadcast %lt3A_1879 : i32 to vector<16xi32>
      %lt3A_1881 = arith.cmpi slt, %xor3A_1878, %lt3A_1880 : vector<16xi32>
      %add3A_1882 = arith.constant 16 : i32
      %add3A_1883 = vector.broadcast %add3A_1882 : i32 to vector<16xi32>
      %add3A_1884 = arith.addi %xor3A_1878, %add3A_1883 : vector<16xi32>
      %select_n3A_1885 = arith.select %lt3A_1881, %add3A_1884, %xor3A_1878 : vector<16xi1>, vector<16xi32>
      %broadcast_in_dim3A_1886 = vector.shape_cast %select_n3A_1885 : vector<16xi32> to vector<16x1xi32>
      %gather3A_1887 = vector.shape_cast %broadcast_in_dim3A_1886 : vector<16x1xi32> to vector<16xi32>
      %gather3A_1888 = tpu.dynamic_gather %min3A_1875[%gather3A_1887] in [0] : vector<16xf32>, vector<16xi32> -> vector<16xf32>
      %min3A_1889 = arith.minimumf %min3A_1875, %gather3A_1888 : vector<16xf32>
      %xor3A_1890 = arith.constant 1 : i32
      %xor3A_1891 = vector.broadcast %xor3A_1890 : i32 to vector<16xi32>
      %xor3A_1892 = arith.xori %iota3A, %xor3A_1891 : vector<16xi32>
      %lt3A_1893 = arith.constant 0 : i32
      %lt3A_1894 = vector.broadcast %lt3A_1893 : i32 to vector<16xi32>
      %lt3A_1895 = arith.cmpi slt, %xor3A_1892, %lt3A_1894 : vector<16xi32>
      %add3A_1896 = arith.constant 16 : i32
      %add3A_1897 = vector.broadcast %add3A_1896 : i32 to vector<16xi32>
      %add3A_1898 = arith.addi %xor3A_1892, %add3A_1897 : vector<16xi32>
      %select_n3A_1899 = arith.select %lt3A_1895, %add3A_1898, %xor3A_1892 : vector<16xi1>, vector<16xi32>
      %broadcast_in_dim3A_1900 = vector.shape_cast %select_n3A_1899 : vector<16xi32> to vector<16x1xi32>
      %gather3A_1901 = vector.shape_cast %broadcast_in_dim3A_1900 : vector<16x1xi32> to vector<16xi32>
      %gather3A_1902 = tpu.dynamic_gather %min3A_1889[%gather3A_1901] in [0] : vector<16xf32>, vector<16xi32> -> vector<16xf32>
      %min3A_1903 = arith.minimumf %min3A_1889, %gather3A_1902 : vector<16xf32>
      %eq3A_1904 = arith.cmpf oeq, %scan3A_1726#1, %min3A_1903 : vector<16xf32>
      %jit3A_1905 = arith.constant 2048 : i32
      %broadcast_in_dim3A_1906 = vector.broadcast %jit3A_1905 : i32 to vector<16xi32>
      %select_n3A_1907 = arith.select %eq3A_1904, %scan3A_1726#5, %broadcast_in_dim3A_1906 : vector<16xi1>, vector<16xi32>
      %xor3A_1908 = arith.constant 8 : i32
      %xor3A_1909 = vector.broadcast %xor3A_1908 : i32 to vector<16xi32>
      %xor3A_1910 = arith.xori %iota3A, %xor3A_1909 : vector<16xi32>
      %lt3A_1911 = arith.constant 0 : i32
      %lt3A_1912 = vector.broadcast %lt3A_1911 : i32 to vector<16xi32>
      %lt3A_1913 = arith.cmpi slt, %xor3A_1910, %lt3A_1912 : vector<16xi32>
      %add3A_1914 = arith.constant 16 : i32
      %add3A_1915 = vector.broadcast %add3A_1914 : i32 to vector<16xi32>
      %add3A_1916 = arith.addi %xor3A_1910, %add3A_1915 : vector<16xi32>
      %select_n3A_1917 = arith.select %lt3A_1913, %add3A_1916, %xor3A_1910 : vector<16xi1>, vector<16xi32>
      %broadcast_in_dim3A_1918 = vector.shape_cast %select_n3A_1917 : vector<16xi32> to vector<16x1xi32>
      %gather3A_1919 = vector.shape_cast %broadcast_in_dim3A_1918 : vector<16x1xi32> to vector<16xi32>
      %gather3A_1920 = tpu.dynamic_gather %select_n3A_1907[%gather3A_1919] in [0] : vector<16xi32>, vector<16xi32> -> vector<16xi32>
      %min3A_1921 = arith.minsi %select_n3A_1907, %gather3A_1920 : vector<16xi32>
      %xor3A_1922 = arith.constant 4 : i32
      %xor3A_1923 = vector.broadcast %xor3A_1922 : i32 to vector<16xi32>
      %xor3A_1924 = arith.xori %iota3A, %xor3A_1923 : vector<16xi32>
      %lt3A_1925 = arith.constant 0 : i32
      %lt3A_1926 = vector.broadcast %lt3A_1925 : i32 to vector<16xi32>
      %lt3A_1927 = arith.cmpi slt, %xor3A_1924, %lt3A_1926 : vector<16xi32>
      %add3A_1928 = arith.constant 16 : i32
      %add3A_1929 = vector.broadcast %add3A_1928 : i32 to vector<16xi32>
      %add3A_1930 = arith.addi %xor3A_1924, %add3A_1929 : vector<16xi32>
      %select_n3A_1931 = arith.select %lt3A_1927, %add3A_1930, %xor3A_1924 : vector<16xi1>, vector<16xi32>
      %broadcast_in_dim3A_1932 = vector.shape_cast %select_n3A_1931 : vector<16xi32> to vector<16x1xi32>
      %gather3A_1933 = vector.shape_cast %broadcast_in_dim3A_1932 : vector<16x1xi32> to vector<16xi32>
      %gather3A_1934 = tpu.dynamic_gather %min3A_1921[%gather3A_1933] in [0] : vector<16xi32>, vector<16xi32> -> vector<16xi32>
      %min3A_1935 = arith.minsi %min3A_1921, %gather3A_1934 : vector<16xi32>
      %xor3A_1936 = arith.constant 2 : i32
      %xor3A_1937 = vector.broadcast %xor3A_1936 : i32 to vector<16xi32>
      %xor3A_1938 = arith.xori %iota3A, %xor3A_1937 : vector<16xi32>
      %lt3A_1939 = arith.constant 0 : i32
      %lt3A_1940 = vector.broadcast %lt3A_1939 : i32 to vector<16xi32>
      %lt3A_1941 = arith.cmpi slt, %xor3A_1938, %lt3A_1940 : vector<16xi32>
      %add3A_1942 = arith.constant 16 : i32
      %add3A_1943 = vector.broadcast %add3A_1942 : i32 to vector<16xi32>
      %add3A_1944 = arith.addi %xor3A_1938, %add3A_1943 : vector<16xi32>
      %select_n3A_1945 = arith.select %lt3A_1941, %add3A_1944, %xor3A_1938 : vector<16xi1>, vector<16xi32>
      %broadcast_in_dim3A_1946 = vector.shape_cast %select_n3A_1945 : vector<16xi32> to vector<16x1xi32>
      %gather3A_1947 = vector.shape_cast %broadcast_in_dim3A_1946 : vector<16x1xi32> to vector<16xi32>
      %gather3A_1948 = tpu.dynamic_gather %min3A_1935[%gather3A_1947] in [0] : vector<16xi32>, vector<16xi32> -> vector<16xi32>
      %min3A_1949 = arith.minsi %min3A_1935, %gather3A_1948 : vector<16xi32>
      %xor3A_1950 = arith.constant 1 : i32
      %xor3A_1951 = vector.broadcast %xor3A_1950 : i32 to vector<16xi32>
      %xor3A_1952 = arith.xori %iota3A, %xor3A_1951 : vector<16xi32>
      %lt3A_1953 = arith.constant 0 : i32
      %lt3A_1954 = vector.broadcast %lt3A_1953 : i32 to vector<16xi32>
      %lt3A_1955 = arith.cmpi slt, %xor3A_1952, %lt3A_1954 : vector<16xi32>
      %add3A_1956 = arith.constant 16 : i32
      %add3A_1957 = vector.broadcast %add3A_1956 : i32 to vector<16xi32>
      %add3A_1958 = arith.addi %xor3A_1952, %add3A_1957 : vector<16xi32>
      %select_n3A_1959 = arith.select %lt3A_1955, %add3A_1958, %xor3A_1952 : vector<16xi1>, vector<16xi32>
      %broadcast_in_dim3A_1960 = vector.shape_cast %select_n3A_1959 : vector<16xi32> to vector<16x1xi32>
      %gather3A_1961 = vector.shape_cast %broadcast_in_dim3A_1960 : vector<16x1xi32> to vector<16xi32>
      %gather3A_1962 = tpu.dynamic_gather %min3A_1949[%gather3A_1961] in [0] : vector<16xi32>, vector<16xi32> -> vector<16xi32>
      %min3A_1963 = arith.minsi %min3A_1949, %gather3A_1962 : vector<16xi32>
      %eq3A_1964 = arith.constant 13 : i32
      %eq3A_1965 = vector.broadcast %eq3A_1964 : i32 to vector<16xi32>
      %eq3A_1966 = arith.cmpi eq, %iota3A, %eq3A_1965 : vector<16xi32>
      %select_n3A_1967 = arith.select %eq3A_1966, %min3A_1963, %select_n3A_1847 : vector<16xi1>, vector<16xi32>
      %xor3A_1968 = arith.constant 8 : i32
      %xor3A_1969 = vector.broadcast %xor3A_1968 : i32 to vector<16xi32>
      %xor3A_1970 = arith.xori %iota3A, %xor3A_1969 : vector<16xi32>
      %lt3A_1971 = arith.constant 0 : i32
      %lt3A_1972 = vector.broadcast %lt3A_1971 : i32 to vector<16xi32>
      %lt3A_1973 = arith.cmpi slt, %xor3A_1970, %lt3A_1972 : vector<16xi32>
      %add3A_1974 = arith.constant 16 : i32
      %add3A_1975 = vector.broadcast %add3A_1974 : i32 to vector<16xi32>
      %add3A_1976 = arith.addi %xor3A_1970, %add3A_1975 : vector<16xi32>
      %select_n3A_1977 = arith.select %lt3A_1973, %add3A_1976, %xor3A_1970 : vector<16xi1>, vector<16xi32>
      %broadcast_in_dim3A_1978 = vector.shape_cast %select_n3A_1977 : vector<16xi32> to vector<16x1xi32>
      %gather3A_1979 = vector.shape_cast %broadcast_in_dim3A_1978 : vector<16x1xi32> to vector<16xi32>
      %gather3A_1980 = tpu.dynamic_gather %scan3A_1726#2[%gather3A_1979] in [0] : vector<16xf32>, vector<16xi32> -> vector<16xf32>
      %min3A_1981 = arith.minimumf %scan3A_1726#2, %gather3A_1980 : vector<16xf32>
      %xor3A_1982 = arith.constant 4 : i32
      %xor3A_1983 = vector.broadcast %xor3A_1982 : i32 to vector<16xi32>
      %xor3A_1984 = arith.xori %iota3A, %xor3A_1983 : vector<16xi32>
      %lt3A_1985 = arith.constant 0 : i32
      %lt3A_1986 = vector.broadcast %lt3A_1985 : i32 to vector<16xi32>
      %lt3A_1987 = arith.cmpi slt, %xor3A_1984, %lt3A_1986 : vector<16xi32>
      %add3A_1988 = arith.constant 16 : i32
      %add3A_1989 = vector.broadcast %add3A_1988 : i32 to vector<16xi32>
      %add3A_1990 = arith.addi %xor3A_1984, %add3A_1989 : vector<16xi32>
      %select_n3A_1991 = arith.select %lt3A_1987, %add3A_1990, %xor3A_1984 : vector<16xi1>, vector<16xi32>
      %broadcast_in_dim3A_1992 = vector.shape_cast %select_n3A_1991 : vector<16xi32> to vector<16x1xi32>
      %gather3A_1993 = vector.shape_cast %broadcast_in_dim3A_1992 : vector<16x1xi32> to vector<16xi32>
      %gather3A_1994 = tpu.dynamic_gather %min3A_1981[%gather3A_1993] in [0] : vector<16xf32>, vector<16xi32> -> vector<16xf32>
      %min3A_1995 = arith.minimumf %min3A_1981, %gather3A_1994 : vector<16xf32>
      %xor3A_1996 = arith.constant 2 : i32
      %xor3A_1997 = vector.broadcast %xor3A_1996 : i32 to vector<16xi32>
      %xor3A_1998 = arith.xori %iota3A, %xor3A_1997 : vector<16xi32>
      %lt3A_1999 = arith.constant 0 : i32
      %lt3A_2000 = vector.broadcast %lt3A_1999 : i32 to vector<16xi32>
      %lt3A_2001 = arith.cmpi slt, %xor3A_1998, %lt3A_2000 : vector<16xi32>
      %add3A_2002 = arith.constant 16 : i32
      %add3A_2003 = vector.broadcast %add3A_2002 : i32 to vector<16xi32>
      %add3A_2004 = arith.addi %xor3A_1998, %add3A_2003 : vector<16xi32>
      %select_n3A_2005 = arith.select %lt3A_2001, %add3A_2004, %xor3A_1998 : vector<16xi1>, vector<16xi32>
      %broadcast_in_dim3A_2006 = vector.shape_cast %select_n3A_2005 : vector<16xi32> to vector<16x1xi32>
      %gather3A_2007 = vector.shape_cast %broadcast_in_dim3A_2006 : vector<16x1xi32> to vector<16xi32>
      %gather3A_2008 = tpu.dynamic_gather %min3A_1995[%gather3A_2007] in [0] : vector<16xf32>, vector<16xi32> -> vector<16xf32>
      %min3A_2009 = arith.minimumf %min3A_1995, %gather3A_2008 : vector<16xf32>
      %xor3A_2010 = arith.constant 1 : i32
      %xor3A_2011 = vector.broadcast %xor3A_2010 : i32 to vector<16xi32>
      %xor3A_2012 = arith.xori %iota3A, %xor3A_2011 : vector<16xi32>
      %lt3A_2013 = arith.constant 0 : i32
      %lt3A_2014 = vector.broadcast %lt3A_2013 : i32 to vector<16xi32>
      %lt3A_2015 = arith.cmpi slt, %xor3A_2012, %lt3A_2014 : vector<16xi32>
      %add3A_2016 = arith.constant 16 : i32
      %add3A_2017 = vector.broadcast %add3A_2016 : i32 to vector<16xi32>
      %add3A_2018 = arith.addi %xor3A_2012, %add3A_2017 : vector<16xi32>
      %select_n3A_2019 = arith.select %lt3A_2015, %add3A_2018, %xor3A_2012 : vector<16xi1>, vector<16xi32>
      %broadcast_in_dim3A_2020 = vector.shape_cast %select_n3A_2019 : vector<16xi32> to vector<16x1xi32>
      %gather3A_2021 = vector.shape_cast %broadcast_in_dim3A_2020 : vector<16x1xi32> to vector<16xi32>
      %gather3A_2022 = tpu.dynamic_gather %min3A_2009[%gather3A_2021] in [0] : vector<16xf32>, vector<16xi32> -> vector<16xf32>
      %min3A_2023 = arith.minimumf %min3A_2009, %gather3A_2022 : vector<16xf32>
      %eq3A_2024 = arith.cmpf oeq, %scan3A_1726#2, %min3A_2023 : vector<16xf32>
      %jit3A_2025 = arith.constant 2048 : i32
      %broadcast_in_dim3A_2026 = vector.broadcast %jit3A_2025 : i32 to vector<16xi32>
      %select_n3A_2027 = arith.select %eq3A_2024, %scan3A_1726#6, %broadcast_in_dim3A_2026 : vector<16xi1>, vector<16xi32>
      %xor3A_2028 = arith.constant 8 : i32
      %xor3A_2029 = vector.broadcast %xor3A_2028 : i32 to vector<16xi32>
      %xor3A_2030 = arith.xori %iota3A, %xor3A_2029 : vector<16xi32>
      %lt3A_2031 = arith.constant 0 : i32
      %lt3A_2032 = vector.broadcast %lt3A_2031 : i32 to vector<16xi32>
      %lt3A_2033 = arith.cmpi slt, %xor3A_2030, %lt3A_2032 : vector<16xi32>
      %add3A_2034 = arith.constant 16 : i32
      %add3A_2035 = vector.broadcast %add3A_2034 : i32 to vector<16xi32>
      %add3A_2036 = arith.addi %xor3A_2030, %add3A_2035 : vector<16xi32>
      %select_n3A_2037 = arith.select %lt3A_2033, %add3A_2036, %xor3A_2030 : vector<16xi1>, vector<16xi32>
      %broadcast_in_dim3A_2038 = vector.shape_cast %select_n3A_2037 : vector<16xi32> to vector<16x1xi32>
      %gather3A_2039 = vector.shape_cast %broadcast_in_dim3A_2038 : vector<16x1xi32> to vector<16xi32>
      %gather3A_2040 = tpu.dynamic_gather %select_n3A_2027[%gather3A_2039] in [0] : vector<16xi32>, vector<16xi32> -> vector<16xi32>
      %min3A_2041 = arith.minsi %select_n3A_2027, %gather3A_2040 : vector<16xi32>
      %xor3A_2042 = arith.constant 4 : i32
      %xor3A_2043 = vector.broadcast %xor3A_2042 : i32 to vector<16xi32>
      %xor3A_2044 = arith.xori %iota3A, %xor3A_2043 : vector<16xi32>
      %lt3A_2045 = arith.constant 0 : i32
      %lt3A_2046 = vector.broadcast %lt3A_2045 : i32 to vector<16xi32>
      %lt3A_2047 = arith.cmpi slt, %xor3A_2044, %lt3A_2046 : vector<16xi32>
      %add3A_2048 = arith.constant 16 : i32
      %add3A_2049 = vector.broadcast %add3A_2048 : i32 to vector<16xi32>
      %add3A_2050 = arith.addi %xor3A_2044, %add3A_2049 : vector<16xi32>
      %select_n3A_2051 = arith.select %lt3A_2047, %add3A_2050, %xor3A_2044 : vector<16xi1>, vector<16xi32>
      %broadcast_in_dim3A_2052 = vector.shape_cast %select_n3A_2051 : vector<16xi32> to vector<16x1xi32>
      %gather3A_2053 = vector.shape_cast %broadcast_in_dim3A_2052 : vector<16x1xi32> to vector<16xi32>
      %gather3A_2054 = tpu.dynamic_gather %min3A_2041[%gather3A_2053] in [0] : vector<16xi32>, vector<16xi32> -> vector<16xi32>
      %min3A_2055 = arith.minsi %min3A_2041, %gather3A_2054 : vector<16xi32>
      %xor3A_2056 = arith.constant 2 : i32
      %xor3A_2057 = vector.broadcast %xor3A_2056 : i32 to vector<16xi32>
      %xor3A_2058 = arith.xori %iota3A, %xor3A_2057 : vector<16xi32>
      %lt3A_2059 = arith.constant 0 : i32
      %lt3A_2060 = vector.broadcast %lt3A_2059 : i32 to vector<16xi32>
      %lt3A_2061 = arith.cmpi slt, %xor3A_2058, %lt3A_2060 : vector<16xi32>
      %add3A_2062 = arith.constant 16 : i32
      %add3A_2063 = vector.broadcast %add3A_2062 : i32 to vector<16xi32>
      %add3A_2064 = arith.addi %xor3A_2058, %add3A_2063 : vector<16xi32>
      %select_n3A_2065 = arith.select %lt3A_2061, %add3A_2064, %xor3A_2058 : vector<16xi1>, vector<16xi32>
      %broadcast_in_dim3A_2066 = vector.shape_cast %select_n3A_2065 : vector<16xi32> to vector<16x1xi32>
      %gather3A_2067 = vector.shape_cast %broadcast_in_dim3A_2066 : vector<16x1xi32> to vector<16xi32>
      %gather3A_2068 = tpu.dynamic_gather %min3A_2055[%gather3A_2067] in [0] : vector<16xi32>, vector<16xi32> -> vector<16xi32>
      %min3A_2069 = arith.minsi %min3A_2055, %gather3A_2068 : vector<16xi32>
      %xor3A_2070 = arith.constant 1 : i32
      %xor3A_2071 = vector.broadcast %xor3A_2070 : i32 to vector<16xi32>
      %xor3A_2072 = arith.xori %iota3A, %xor3A_2071 : vector<16xi32>
      %lt3A_2073 = arith.constant 0 : i32
      %lt3A_2074 = vector.broadcast %lt3A_2073 : i32 to vector<16xi32>
      %lt3A_2075 = arith.cmpi slt, %xor3A_2072, %lt3A_2074 : vector<16xi32>
      %add3A_2076 = arith.constant 16 : i32
      %add3A_2077 = vector.broadcast %add3A_2076 : i32 to vector<16xi32>
      %add3A_2078 = arith.addi %xor3A_2072, %add3A_2077 : vector<16xi32>
      %select_n3A_2079 = arith.select %lt3A_2075, %add3A_2078, %xor3A_2072 : vector<16xi1>, vector<16xi32>
      %broadcast_in_dim3A_2080 = vector.shape_cast %select_n3A_2079 : vector<16xi32> to vector<16x1xi32>
      %gather3A_2081 = vector.shape_cast %broadcast_in_dim3A_2080 : vector<16x1xi32> to vector<16xi32>
      %gather3A_2082 = tpu.dynamic_gather %min3A_2069[%gather3A_2081] in [0] : vector<16xi32>, vector<16xi32> -> vector<16xi32>
      %min3A_2083 = arith.minsi %min3A_2069, %gather3A_2082 : vector<16xi32>
      %eq3A_2084 = arith.constant 14 : i32
      %eq3A_2085 = vector.broadcast %eq3A_2084 : i32 to vector<16xi32>
      %eq3A_2086 = arith.cmpi eq, %iota3A, %eq3A_2085 : vector<16xi32>
      %select_n3A_2087 = arith.select %eq3A_2086, %min3A_2083, %select_n3A_1967 : vector<16xi1>, vector<16xi32>
      %xor3A_2088 = arith.constant 8 : i32
      %xor3A_2089 = vector.broadcast %xor3A_2088 : i32 to vector<16xi32>
      %xor3A_2090 = arith.xori %iota3A, %xor3A_2089 : vector<16xi32>
      %lt3A_2091 = arith.constant 0 : i32
      %lt3A_2092 = vector.broadcast %lt3A_2091 : i32 to vector<16xi32>
      %lt3A_2093 = arith.cmpi slt, %xor3A_2090, %lt3A_2092 : vector<16xi32>
      %add3A_2094 = arith.constant 16 : i32
      %add3A_2095 = vector.broadcast %add3A_2094 : i32 to vector<16xi32>
      %add3A_2096 = arith.addi %xor3A_2090, %add3A_2095 : vector<16xi32>
      %select_n3A_2097 = arith.select %lt3A_2093, %add3A_2096, %xor3A_2090 : vector<16xi1>, vector<16xi32>
      %broadcast_in_dim3A_2098 = vector.shape_cast %select_n3A_2097 : vector<16xi32> to vector<16x1xi32>
      %gather3A_2099 = vector.shape_cast %broadcast_in_dim3A_2098 : vector<16x1xi32> to vector<16xi32>
      %gather3A_2100 = tpu.dynamic_gather %scan3A_1726#3[%gather3A_2099] in [0] : vector<16xf32>, vector<16xi32> -> vector<16xf32>
      %min3A_2101 = arith.minimumf %scan3A_1726#3, %gather3A_2100 : vector<16xf32>
      %xor3A_2102 = arith.constant 4 : i32
      %xor3A_2103 = vector.broadcast %xor3A_2102 : i32 to vector<16xi32>
      %xor3A_2104 = arith.xori %iota3A, %xor3A_2103 : vector<16xi32>
      %lt3A_2105 = arith.constant 0 : i32
      %lt3A_2106 = vector.broadcast %lt3A_2105 : i32 to vector<16xi32>
      %lt3A_2107 = arith.cmpi slt, %xor3A_2104, %lt3A_2106 : vector<16xi32>
      %add3A_2108 = arith.constant 16 : i32
      %add3A_2109 = vector.broadcast %add3A_2108 : i32 to vector<16xi32>
      %add3A_2110 = arith.addi %xor3A_2104, %add3A_2109 : vector<16xi32>
      %select_n3A_2111 = arith.select %lt3A_2107, %add3A_2110, %xor3A_2104 : vector<16xi1>, vector<16xi32>
      %broadcast_in_dim3A_2112 = vector.shape_cast %select_n3A_2111 : vector<16xi32> to vector<16x1xi32>
      %gather3A_2113 = vector.shape_cast %broadcast_in_dim3A_2112 : vector<16x1xi32> to vector<16xi32>
      %gather3A_2114 = tpu.dynamic_gather %min3A_2101[%gather3A_2113] in [0] : vector<16xf32>, vector<16xi32> -> vector<16xf32>
      %min3A_2115 = arith.minimumf %min3A_2101, %gather3A_2114 : vector<16xf32>
      %xor3A_2116 = arith.constant 2 : i32
      %xor3A_2117 = vector.broadcast %xor3A_2116 : i32 to vector<16xi32>
      %xor3A_2118 = arith.xori %iota3A, %xor3A_2117 : vector<16xi32>
      %lt3A_2119 = arith.constant 0 : i32
      %lt3A_2120 = vector.broadcast %lt3A_2119 : i32 to vector<16xi32>
      %lt3A_2121 = arith.cmpi slt, %xor3A_2118, %lt3A_2120 : vector<16xi32>
      %add3A_2122 = arith.constant 16 : i32
      %add3A_2123 = vector.broadcast %add3A_2122 : i32 to vector<16xi32>
      %add3A_2124 = arith.addi %xor3A_2118, %add3A_2123 : vector<16xi32>
      %select_n3A_2125 = arith.select %lt3A_2121, %add3A_2124, %xor3A_2118 : vector<16xi1>, vector<16xi32>
      %broadcast_in_dim3A_2126 = vector.shape_cast %select_n3A_2125 : vector<16xi32> to vector<16x1xi32>
      %gather3A_2127 = vector.shape_cast %broadcast_in_dim3A_2126 : vector<16x1xi32> to vector<16xi32>
      %gather3A_2128 = tpu.dynamic_gather %min3A_2115[%gather3A_2127] in [0] : vector<16xf32>, vector<16xi32> -> vector<16xf32>
      %min3A_2129 = arith.minimumf %min3A_2115, %gather3A_2128 : vector<16xf32>
      %xor3A_2130 = arith.constant 1 : i32
      %xor3A_2131 = vector.broadcast %xor3A_2130 : i32 to vector<16xi32>
      %xor3A_2132 = arith.xori %iota3A, %xor3A_2131 : vector<16xi32>
      %lt3A_2133 = arith.constant 0 : i32
      %lt3A_2134 = vector.broadcast %lt3A_2133 : i32 to vector<16xi32>
      %lt3A_2135 = arith.cmpi slt, %xor3A_2132, %lt3A_2134 : vector<16xi32>
      %add3A_2136 = arith.constant 16 : i32
      %add3A_2137 = vector.broadcast %add3A_2136 : i32 to vector<16xi32>
      %add3A_2138 = arith.addi %xor3A_2132, %add3A_2137 : vector<16xi32>
      %select_n3A_2139 = arith.select %lt3A_2135, %add3A_2138, %xor3A_2132 : vector<16xi1>, vector<16xi32>
      %broadcast_in_dim3A_2140 = vector.shape_cast %select_n3A_2139 : vector<16xi32> to vector<16x1xi32>
      %gather3A_2141 = vector.shape_cast %broadcast_in_dim3A_2140 : vector<16x1xi32> to vector<16xi32>
      %gather3A_2142 = tpu.dynamic_gather %min3A_2129[%gather3A_2141] in [0] : vector<16xf32>, vector<16xi32> -> vector<16xf32>
      %min3A_2143 = arith.minimumf %min3A_2129, %gather3A_2142 : vector<16xf32>
      %eq3A_2144 = arith.cmpf oeq, %scan3A_1726#3, %min3A_2143 : vector<16xf32>
      %jit3A_2145 = arith.constant 2048 : i32
      %broadcast_in_dim3A_2146 = vector.broadcast %jit3A_2145 : i32 to vector<16xi32>
      %select_n3A_2147 = arith.select %eq3A_2144, %scan3A_1726#7, %broadcast_in_dim3A_2146 : vector<16xi1>, vector<16xi32>
      %xor3A_2148 = arith.constant 8 : i32
      %xor3A_2149 = vector.broadcast %xor3A_2148 : i32 to vector<16xi32>
      %xor3A_2150 = arith.xori %iota3A, %xor3A_2149 : vector<16xi32>
      %lt3A_2151 = arith.constant 0 : i32
      %lt3A_2152 = vector.broadcast %lt3A_2151 : i32 to vector<16xi32>
      %lt3A_2153 = arith.cmpi slt, %xor3A_2150, %lt3A_2152 : vector<16xi32>
      %add3A_2154 = arith.constant 16 : i32
      %add3A_2155 = vector.broadcast %add3A_2154 : i32 to vector<16xi32>
      %add3A_2156 = arith.addi %xor3A_2150, %add3A_2155 : vector<16xi32>
      %select_n3A_2157 = arith.select %lt3A_2153, %add3A_2156, %xor3A_2150 : vector<16xi1>, vector<16xi32>
      %broadcast_in_dim3A_2158 = vector.shape_cast %select_n3A_2157 : vector<16xi32> to vector<16x1xi32>
      %gather3A_2159 = vector.shape_cast %broadcast_in_dim3A_2158 : vector<16x1xi32> to vector<16xi32>
      %gather3A_2160 = tpu.dynamic_gather %select_n3A_2147[%gather3A_2159] in [0] : vector<16xi32>, vector<16xi32> -> vector<16xi32>
      %min3A_2161 = arith.minsi %select_n3A_2147, %gather3A_2160 : vector<16xi32>
      %xor3A_2162 = arith.constant 4 : i32
      %xor3A_2163 = vector.broadcast %xor3A_2162 : i32 to vector<16xi32>
      %xor3A_2164 = arith.xori %iota3A, %xor3A_2163 : vector<16xi32>
      %lt3A_2165 = arith.constant 0 : i32
      %lt3A_2166 = vector.broadcast %lt3A_2165 : i32 to vector<16xi32>
      %lt3A_2167 = arith.cmpi slt, %xor3A_2164, %lt3A_2166 : vector<16xi32>
      %add3A_2168 = arith.constant 16 : i32
      %add3A_2169 = vector.broadcast %add3A_2168 : i32 to vector<16xi32>
      %add3A_2170 = arith.addi %xor3A_2164, %add3A_2169 : vector<16xi32>
      %select_n3A_2171 = arith.select %lt3A_2167, %add3A_2170, %xor3A_2164 : vector<16xi1>, vector<16xi32>
      %broadcast_in_dim3A_2172 = vector.shape_cast %select_n3A_2171 : vector<16xi32> to vector<16x1xi32>
      %gather3A_2173 = vector.shape_cast %broadcast_in_dim3A_2172 : vector<16x1xi32> to vector<16xi32>
      %gather3A_2174 = tpu.dynamic_gather %min3A_2161[%gather3A_2173] in [0] : vector<16xi32>, vector<16xi32> -> vector<16xi32>
      %min3A_2175 = arith.minsi %min3A_2161, %gather3A_2174 : vector<16xi32>
      %xor3A_2176 = arith.constant 2 : i32
      %xor3A_2177 = vector.broadcast %xor3A_2176 : i32 to vector<16xi32>
      %xor3A_2178 = arith.xori %iota3A, %xor3A_2177 : vector<16xi32>
      %lt3A_2179 = arith.constant 0 : i32
      %lt3A_2180 = vector.broadcast %lt3A_2179 : i32 to vector<16xi32>
      %lt3A_2181 = arith.cmpi slt, %xor3A_2178, %lt3A_2180 : vector<16xi32>
      %add3A_2182 = arith.constant 16 : i32
      %add3A_2183 = vector.broadcast %add3A_2182 : i32 to vector<16xi32>
      %add3A_2184 = arith.addi %xor3A_2178, %add3A_2183 : vector<16xi32>
      %select_n3A_2185 = arith.select %lt3A_2181, %add3A_2184, %xor3A_2178 : vector<16xi1>, vector<16xi32>
      %broadcast_in_dim3A_2186 = vector.shape_cast %select_n3A_2185 : vector<16xi32> to vector<16x1xi32>
      %gather3A_2187 = vector.shape_cast %broadcast_in_dim3A_2186 : vector<16x1xi32> to vector<16xi32>
      %gather3A_2188 = tpu.dynamic_gather %min3A_2175[%gather3A_2187] in [0] : vector<16xi32>, vector<16xi32> -> vector<16xi32>
      %min3A_2189 = arith.minsi %min3A_2175, %gather3A_2188 : vector<16xi32>
      %xor3A_2190 = arith.constant 1 : i32
      %xor3A_2191 = vector.broadcast %xor3A_2190 : i32 to vector<16xi32>
      %xor3A_2192 = arith.xori %iota3A, %xor3A_2191 : vector<16xi32>
      %lt3A_2193 = arith.constant 0 : i32
      %lt3A_2194 = vector.broadcast %lt3A_2193 : i32 to vector<16xi32>
      %lt3A_2195 = arith.cmpi slt, %xor3A_2192, %lt3A_2194 : vector<16xi32>
      %add3A_2196 = arith.constant 16 : i32
      %add3A_2197 = vector.broadcast %add3A_2196 : i32 to vector<16xi32>
      %add3A_2198 = arith.addi %xor3A_2192, %add3A_2197 : vector<16xi32>
      %select_n3A_2199 = arith.select %lt3A_2195, %add3A_2198, %xor3A_2192 : vector<16xi1>, vector<16xi32>
      %broadcast_in_dim3A_2200 = vector.shape_cast %select_n3A_2199 : vector<16xi32> to vector<16x1xi32>
      %gather3A_2201 = vector.shape_cast %broadcast_in_dim3A_2200 : vector<16x1xi32> to vector<16xi32>
      %gather3A_2202 = tpu.dynamic_gather %min3A_2189[%gather3A_2201] in [0] : vector<16xi32>, vector<16xi32> -> vector<16xi32>
      %min3A_2203 = arith.minsi %min3A_2189, %gather3A_2202 : vector<16xi32>
      %eq3A_2204 = arith.constant 15 : i32
      %eq3A_2205 = vector.broadcast %eq3A_2204 : i32 to vector<16xi32>
      %eq3A_2206 = arith.cmpi eq, %iota3A, %eq3A_2205 : vector<16xi32>
      %select_n3A_2207 = arith.select %eq3A_2206, %min3A_2203, %select_n3A_2087 : vector<16xi1>, vector<16xi32>
      %swap3A = arith.index_cast %mul3A_58 : i32 to index
      %swap3A_2208 = tpu.vector_load %arg11[%swap3A] {strides = array<i32>} : memref<128xi32, #tpu.memory_space<vmem>>, vector<16xi32>,
      %swap3A_2209 = vector.shape_cast %swap3A_2208 : vector<16xi32> to vector<16xi32>
      %swap3A_2210 = vector.shape_cast %select_n3A_2207 : vector<16xi32> to vector<16xi32>
      tpu.vector_store %arg11[%swap3A], %swap3A_2210 {strides = array<i32>} : memref<128xi32, #tpu.memory_space<vmem>>, vector<16xi32>,
      %scan3A_2211 = arith.constant 0 : i32
      scf.yield %scan3A_2211 : i32
    }
    %scan3A_54 = arith.constant 8 : i32
    "tpu.region"() ({
      %run_scoped3A = tpu.sem_alloc : memref<!tpu.dma_semaphore, #tpu.memory_space<semaphore_mem>>
      %dma_start3A = arith.constant 0 : i32
      %dma_start3A_55 = tpu.memref_slice %arg4[%add3A, %dma_start3A] : memref<32x128xi32, #tpu.memory_space<hbm>> -> memref<1x128xi32, #tpu.memory_space<hbm>>
      %dma_start3A_56 = tpu.memref_squeeze %dma_start3A_55 : memref<1x128xi32, #tpu.memory_space<hbm>> -> memref<128xi32, #tpu.memory_space<hbm>>
      %dma_start3A_57 = arith.constant 0 : i32
      %dma_start3A_58 = tpu.memref_slice %arg4[%add3A, %dma_start3A_57] : memref<32x128xi32, #tpu.memory_space<hbm>> -> memref<1x128xi32, #tpu.memory_space<hbm>>
      %dma_start3A_59 = tpu.memref_squeeze %dma_start3A_58 : memref<1x128xi32, #tpu.memory_space<hbm>> -> memref<128xi32, #tpu.memory_space<hbm>>
      tpu.enqueue_dma source(%arg11 : memref<128xi32, #tpu.memory_space<vmem>>) target(%dma_start3A_59 : memref<128xi32, #tpu.memory_space<hbm>>) target_semaphore(%run_scoped3A : memref<!tpu.dma_semaphore, #tpu.memory_space<semaphore_mem>>)
      %dma_wait3A = arith.constant 0 : i32
      %dma_wait3A_60 = tpu.memref_slice %arg4[%add3A, %dma_wait3A] : memref<32x128xi32, #tpu.memory_space<hbm>> -> memref<1x128xi32, #tpu.memory_space<hbm>>
      %dma_wait3A_61 = tpu.memref_squeeze %dma_wait3A_60 : memref<1x128xi32, #tpu.memory_space<hbm>> -> memref<128xi32, #tpu.memory_space<hbm>>
      %dma_wait3A_62 = arith.constant 0 : i32
      %dma_wait3A_63 = tpu.memref_slice %arg4[%add3A, %dma_wait3A_62] : memref<32x128xi32, #tpu.memory_space<hbm>> -> memref<1x128xi32, #tpu.memory_space<hbm>>
      %dma_wait3A_64 = tpu.memref_squeeze %dma_wait3A_63 : memref<1x128xi32, #tpu.memory_space<hbm>> -> memref<128xi32, #tpu.memory_space<hbm>>
      tpu.wait_dma2 semaphore(%run_scoped3A : memref<!tpu.dma_semaphore, #tpu.memory_space<semaphore_mem>>) src(%arg11 : memref<128xi32, #tpu.memory_space<vmem>>) dst(%dma_wait3A_64 : memref<128xi32, #tpu.memory_space<hbm>>)
      tpu.yield
    }) : () -> ()
    return
  }
}

module attributes {stable_mosaic.version = 14 : i64} {
  func.func @_nn_tc_kernel(%arg0: i32, %arg1: i32, %arg2: memref<1x2048x3xf32, #tpu.memory_space<vmem>>, %arg3: memref<1x3x896xf32, #tpu.memory_space<vmem>>, %arg4: memref<1x2048x1xf32, #tpu.memory_space<vmem>>, %arg5: memref<1x1x896xi32, #tpu.memory_space<vmem>>) attributes {dimension_semantics = [#tpu.dimension_semantics<arbitrary>, #tpu.dimension_semantics<arbitrary>], iteration_bounds = array<i64: 8, 4>, scalar_prefetch = 0 : i64, scratch_operands = 0 : i64, tpu.core_type = #tpu.core_type<tc>, window_params = [{transform_indices = @transform_0, window_bounds = array<i64: 1, 2048, 3>}, {transform_indices = @transform_1, window_bounds = array<i64: 1, 3, 896>}, {pipeline_mode = #tpu.pipeline_mode<synchronous>, transform_indices = @transform_2, window_bounds = array<i64: 1, 2048, 1>}, {transform_indices = @transform_3, window_bounds = array<i64: 1, 1, 896>}]} {
    %get3A = arith.constant 0 : index
    %get3A_0 = arith.constant 0 : index
    %get3A_1 = arith.constant 0 : index
    %get3A_2 = vector.load %arg2[%get3A, %get3A_0, %get3A_1] : memref<1x2048x3xf32, #tpu.memory_space<vmem>>, vector<1x2048x3xf32>
    %get3A_3 = vector.shape_cast %get3A_2 : vector<1x2048x3xf32> to vector<2048x3xf32>
    %get3A_4 = arith.constant 0 : index
    %get3A_5 = arith.constant 0 : index
    %get3A_6 = arith.constant 0 : index
    %get3A_7 = vector.load %arg3[%get3A_4, %get3A_5, %get3A_6] : memref<1x3x896xf32, #tpu.memory_space<vmem>>, vector<1x3x896xf32>
    %get3A_8 = vector.shape_cast %get3A_7 : vector<1x3x896xf32> to vector<3x896xf32>
    %convert_element_type3A = arith.truncf %get3A_3 : vector<2048x3xf32> to vector<2048x3xbf16>
    %convert_element_type3A_9 = arith.truncf %get3A_8 : vector<3x896xf32> to vector<3x896xbf16>
    %dot_general3A = arith.constant dense<0.000000e+00> : vector<2048x896xf32>
    %dot_general3A_10 = tpu.matmul %convert_element_type3A, %convert_element_type3A_9, %dot_general3A {dimension_numbers = #tpu.dot_dimension_numbers<[1], [0], [0], [1], [0, 0, 1, 1], [], []>, transpose_lhs_hint = false} : vector<2048x3xbf16>, vector<3x896xbf16>, vector<2048x896xf32> -> vector<2048x896xf32>
    %mul3A = arith.mulf %get3A_3, %get3A_3 : vector<2048x3xf32>
    %reduce_sum3A = arith.constant dense<0.000000e+00> : vector<2048xf32>
    %reduce_sum3A_11 = vector.multi_reduction <add>, %mul3A, %reduce_sum3A [1] : vector<2048x3xf32> to vector<2048xf32>
    %broadcast_in_dim3A = vector.shape_cast %reduce_sum3A_11 : vector<2048xf32> to vector<2048x1xf32>
    %mul3A_12 = arith.constant 2.500000e-01 : f32
    %mul3A_13 = vector.broadcast %mul3A_12 : f32 to vector<2048x1xf32>
    %mul3A_14 = arith.mulf %mul3A_13, %broadcast_in_dim3A : vector<2048x1xf32>
    %mul3A_15 = arith.mulf %get3A_8, %get3A_8 : vector<3x896xf32>
    %reduce_sum3A_16 = arith.constant dense<0.000000e+00> : vector<896xf32>
    %reduce_sum3A_17 = vector.multi_reduction <add>, %mul3A_15, %reduce_sum3A_16 [0] : vector<3x896xf32> to vector<896xf32>
    %broadcast_in_dim3A_18 = vector.shape_cast %reduce_sum3A_17 : vector<896xf32> to vector<1x896xf32>
    %add3A = vector.broadcast %broadcast_in_dim3A_18 : vector<1x896xf32> to vector<2048x896xf32>
    %add3A_19 = vector.broadcast %mul3A_14 : vector<2048x1xf32> to vector<2048x896xf32>
    %add3A_20 = arith.addf %add3A, %add3A_19 : vector<2048x896xf32>
    %add3A_21 = arith.addf %add3A_20, %dot_general3A_10 : vector<2048x896xf32>
    %reduce_min3A = arith.constant dense<0x7F800000> : vector<896xf32>
    %reduce_min3A_22 = vector.multi_reduction <minimumf>, %add3A_21, %reduce_min3A [0] : vector<2048x896xf32> to vector<896xf32>
    %broadcast_in_dim3A_23 = vector.shape_cast %reduce_min3A_22 : vector<896xf32> to vector<1x896xf32>
    %get3A_24 = arith.constant 0 : index
    %get3A_25 = arith.constant 0 : index
    %get3A_26 = arith.constant 0 : index
    %get3A_27 = vector.load %arg4[%get3A_24, %get3A_25, %get3A_26] : memref<1x2048x1xf32, #tpu.memory_space<vmem>>, vector<1x2048x1xf32>
    %get3A_28 = vector.shape_cast %get3A_27 : vector<1x2048x1xf32> to vector<2048x1xf32>
    %le3A = vector.broadcast %broadcast_in_dim3A_23 : vector<1x896xf32> to vector<2048x896xf32>
    %le3A_29 = arith.cmpf ole, %add3A_21, %le3A : vector<2048x896xf32>
    %jit3A = arith.constant 2.048000e+03 : f32
    %broadcast_in_dim3A_30 = vector.shape_cast %get3A_28 : vector<2048x1xf32> to vector<2048x1xf32>
    %broadcast_in_dim3A_31 = vector.broadcast %broadcast_in_dim3A_30 : vector<2048x1xf32> to vector<2048x896xf32>
    %broadcast_in_dim3A_32 = vector.broadcast %jit3A : f32 to vector<2048x896xf32>
    %select_n3A = arith.select %le3A_29, %broadcast_in_dim3A_31, %broadcast_in_dim3A_32 : vector<2048x896xi1>, vector<2048x896xf32>
    %reduce_min3A_33 = arith.constant dense<0x7F800000> : vector<896xf32>
    %reduce_min3A_34 = vector.multi_reduction <minimumf>, %select_n3A, %reduce_min3A_33 [0] : vector<2048x896xf32> to vector<896xf32>
    %convert_element_type3A_35 = arith.fptosi %reduce_min3A_34 : vector<896xf32> to vector<896xi32>
    %swap3A = arith.constant 0 : index
    %swap3A_36 = arith.constant 0 : index
    %swap3A_37 = arith.constant 0 : index
    %swap3A_38 = vector.load %arg5[%swap3A, %swap3A_36, %swap3A_37] : memref<1x1x896xi32, #tpu.memory_space<vmem>>, vector<1x1x896xi32>
    %swap3A_39 = vector.shape_cast %swap3A_38 : vector<1x1x896xi32> to vector<896xi32>
    %swap3A_40 = vector.shape_cast %convert_element_type3A_35 : vector<896xi32> to vector<1x1x896xi32>
    tpu.vector_store %arg5[%swap3A, %swap3A_36, %swap3A_37], %swap3A_40 {strides = array<i32>} : memref<1x1x896xi32, #tpu.memory_space<vmem>>, vector<1x1x896xi32>,
    return
  }
  func.func @transform_0(%arg0: i32, %arg1: i32) -> (i32, i32, i32) {
    %c0_i32 = arith.constant 0 : i32
    %c0_i32_0 = arith.constant 0 : i32
    %c0_i32_1 = arith.constant 0 : i32
    return %arg0, %c0_i32, %c0_i32_0 : i32, i32, i32
  }
  func.func @transform_1(%arg0: i32, %arg1: i32) -> (i32, i32, i32) {
    %c0_i32 = arith.constant 0 : i32
    %c0_i32_0 = arith.constant 0 : i32
    return %arg0, %c0_i32, %arg1 : i32, i32, i32
  }
  func.func @transform_2(%arg0: i32, %arg1: i32) -> (i32, i32, i32) {
    %c0_i32 = arith.constant 0 : i32
    %c0_i32_0 = arith.constant 0 : i32
    %c0_i32_1 = arith.constant 0 : i32
    %c0_i32_2 = arith.constant 0 : i32
    return %c0_i32, %c0_i32_0, %c0_i32_1 : i32, i32, i32
  }
  func.func @transform_3(%arg0: i32, %arg1: i32) -> (i32, i32, i32) {
    %c0_i32 = arith.constant 0 : i32
    %c0_i32_0 = arith.constant 0 : i32
    return %arg0, %c0_i32, %arg1 : i32, i32, i32
  }
}

</mosaic_0001>

<sc_bundles>
// kernel: kernel.4.cloned.1.call-start
scs
__scs_entry_jumppad:
0x0: {  	(pc) =	sbr.rel $0x88, $3  }
0x1: {  	(tag) =	ssettag $0x0;
	lr =	simm.s32 $0x1  }
0x2: {  	[smem:$0x3F9F] =	sst lr;
	_ =	strace $0xD0000000  }
0x3: {  	_ = 	snop  }
0x4: {  	_ = 	snop  }
0x5: {  	_ = 	snop  }
0x6: {  	_ = 	snop  }
0x7: {  	_ = 	snop  }
__scs_overlays_trampoline_lowered:
0x8: {  	[smem:$0x3FAE] =	sst s0  }
0x9: {  	[smem:$0x3FAF] =	sst s1  }
0xa: {  	[smem:$0x3FB0] =	sst s2  }
0xb: {  	[smem:$0x3FB1] =	sst s3  }
0xc: {  	[smem:$0x3FB2] =	sst s4  }
0xd: {  	[smem:$0x3FB3] =	sst s5  }
0xe: {  	[smem:$0x3FB4] =	sst s6  }
0xf: {  	[smem:$0x3FB5] =	sst s7  }
0x10: {  	[smem:$0x3FB6] =	sst s8  }
0x11: {  	[smem:$0x3FB7] =	sst s9;
	s0 =	simm.s32 @!p0 $0x0  }
0x12: {  	s1 =	sld [smem:$0x3F9D];
	s0 =	simm.s32 @p0 $0x1  }
0x13: {  	[smem:$0x3FB8] =	sst s0;
	s0 =	simm.s32 @!p1 $0x0  }
0x14: {  	s2 =	sld [smem:$0x3F9C];
	s0 =	simm.s32 @p1 $0x1  }
0x15: {  	[smem:$0x3FB9] =	sst s0;
	s0 =	simm.s32 @!p2 $0x0  }
0x16: {  	s3 =	sld [smem:$0x3FDB];
	s0 =	simm.s32 @p2 $0x1  }
0x17: {  	s4 =	simm.s32 $0x1BF5;
	[smem:$0x3FBB] =	sst s0  }
0x18: {  	s0 =	sld [smem:$0x3F9E];
	_ =	swait.ge [sflag:s4], $0x0  }
0x19: {  	s7 =	sld [smem:$0x3F9F]  }
0x1a: {  	s8 =	sadd.s32 $0xFFFFE003, lr  }
0x1b: {  	s9 =	sadd.s32 $0xFFFFFEF7, lr;
	s5 =	simm.s32 $0xFFFFFFFF;
	p2 =	slt.u32 s8, $0xFFFFF086  }
0x1c: {  	p1 =	slt.u32 s9, $0xF7A;
	s5 =	simm.s32 @!p2 $0x0  }
0x1d: {  	s5 =	simm.s32 @p1 $0x1;
	p0 =	seq.s32 s7, s2  }
0x1e: {  	s7 =	smul.u32 @!p0 $0xF7A, s2;
	p2 =	seq.s32 @!p0 s5, $0x0  }
0x1f: {  	s9 =	smul.u32 $0xF7A, s1;
	s8 =	simm.s32 @!p0 $0x1BF5;
	p2 =	por !p2, p0  }
0x20: {  	[sflag:s8] =	ssyncset.s32 @!p0 $0xFFFFF086;
	s6 =	sadd.s32 @!p0 s3, s7;
	s7 =	simm.s32 @!p0 $0x108  }
0x21: {  	s3 =	sadd.s32 s3, s9;
	s6 =	sadd.s32 @!p0 $0x88, s6;
	s7 =	simm.s32 @p2 $0x1082  }
0x22: {  	[simem:s7], [sflag:s8] =	dma.local @!p0 [hbm:s6], $0xF7A  }
0x23: {  	s9 =	sor.u32 $0xD0000000, s2;
	s6 =	simm.s32 $0x108;
	_ =	swait.ge @!p0 [sflag:s8], $0x0  }
0x24: {  	s3 =	sadd.s32 $0x88, s3;
	s6 =	simm.s32 @!p1 $0x1082;
	[sflag:s4] =	ssyncset.s32 $0xFFFFF086  }
0x25: {  	[simem:s6], [sflag:s4] =	dma.local [hbm:s3], $0xF7A  }
0x26: {  	[smem:$0x3F9F] =	sst s1;
	(tag) =	ssettag s2;
	_ =	strace s9  }
0x27: {  	s1 =	sld [smem:$0x3FAF]  }
0x28: {  	s2 =	sld [smem:$0x3FB0]  }
0x29: {  	s4 =	sld [smem:$0x3FB2]  }
0x2a: {  	p0 =	seq.s32 s5, $0x0;
	s5 =	sld [smem:$0x3FB3]  }
0x2b: {  	s6 =	sld [smem:$0x3FB4]  }
0x2c: {  	s7 =	sld [smem:$0x3FB5]  }
0x2d: {  	s3 =	simm.s32 $0x108;
	s8 =	sld [smem:$0x3FB6]  }
0x2e: {  	s3 =	simm.s32 @!p0 $0x1082;
	s9 =	sld [smem:$0x3FB7]  }
0x2f: {  	lr =	sadd.s32 s0, s3;
	s0 =	sld [smem:$0x3FAE]  }
0x30: {  	s3 =	sld [smem:$0x3FB1]  }
0x31: {  	[smem:$0x3FBA] =	sst s10  }
0x32: {  	s10 =	sld [smem:$0x3FB8];
	_ =	sdelay $0x3  }
0x33: {  	p0 =	seq.s32 s10, $0x1;
	s10 =	sld [smem:$0x3FBA];
	_ =	sdelay $0x3  }
0x34: {  	[smem:$0x3FBA] =	sst s10  }
0x35: {  	s10 =	sld [smem:$0x3FB9];
	_ =	sdelay $0x3  }
0x36: {  	p1 =	seq.s32 s10, $0x1;
	s10 =	sld [smem:$0x3FBA];
	_ =	sdelay $0x3  }
0x37: {  	[smem:$0x3FBA] =	sst s10  }
0x38: {  	s10 =	sld [smem:$0x3FBB]  }
0x39: {  	_ = 	snop;
	(pc) =	sbr.ind lr, $3  }
0x3a: {  	_ = 	snop  }
0x3b: {  	_ = 	snop  }
0x3c: {  	p2 =	seq.s32 s10, $0x1;
	s10 =	sld [smem:$0x3FBA]  }
0x3d: {  	_ =	shalt  }
0x3e: {  	_ =	shalt  }
0x3f: {  	_ =	shalt  }
0x40: {  	_ =	shalt  }
0x41: {  	_ =	shalt  }
0x42: {  	_ =	shalt  }
0x43: {  	_ =	shalt  }
0x44: {  	_ =	shalt  }
0x45: {  	_ =	shalt  }
0x46: {  	_ =	shalt  }
0x47: {  	_ =	shalt  }
0x48: {  	_ =	shalt  }
0x49: {  	_ =	shalt  }
0x4a: {  	_ =	shalt  }
0x4b: {  	_ =	shalt  }
0x4c: {  	_ =	shalt  }
0x4d: {  	_ =	shalt  }
0x4e: {  	_ =	shalt  }
0x4f: {  	_ =	shalt  }
0x50: {  	_ =	shalt  }
0x51: {  	_ =	shalt  }
0x52: {  	_ =	shalt  }
0x53: {  	_ =	shalt  }
0x54: {  	_ =	shalt  }
0x55: {  	_ =	shalt  }
0x56: {  	_ =	shalt  }
0x57: {  	_ =	shalt  }
0x58: {  	_ =	shalt  }
0x59: {  	_ =	shalt  }
0x5a: {  	_ =	shalt  }
0x5b: {  	_ =	shalt  }
0x5c: {  	_ =	shalt  }
0x5d: {  	_ =	shalt  }
0x5e: {  	_ =	shalt  }
0x5f: {  	_ =	shalt  }
0x60: {  	_ =	shalt  }
0x61: {  	_ =	shalt  }
0x62: {  	_ =	shalt  }
0x63: {  	_ =	shalt  }
0x64: {  	_ =	shalt  }
0x65: {  	_ =	shalt  }
0x66: {  	_ =	shalt  }
0x67: {  	_ =	shalt  }
0x68: {  	_ =	shalt  }
0x69: {  	_ =	shalt  }
0x6a: {  	_ =	shalt  }
0x6b: {  	_ =	shalt  }
0x6c: {  	_ =	shalt  }
0x6d: {  	_ =	shalt  }
0x6e: {  	_ =	shalt  }
0x6f: {  	_ =	shalt  }
0x70: {  	_ =	shalt  }
0x71: {  	_ =	shalt  }
0x72: {  	_ =	shalt  }
0x73: {  	_ =	shalt  }
0x74: {  	_ =	shalt  }
0x75: {  	_ =	shalt  }
0x76: {  	_ =	shalt  }
0x77: {  	_ =	shalt  }
0x78: {  	_ =	shalt  }
0x79: {  	_ =	shalt  }
0x7a: {  	_ =	shalt  }
0x7b: {  	_ =	shalt  }
0x7c: {  	_ =	shalt  }
0x7d: {  	_ =	shalt  }
0x7e: {  	_ =	shalt  }
0x7f: {  	_ =	shalt  }
0x80: {  	_ =	shalt  }
0x81: {  	_ =	shalt  }
0x82: {  	_ =	shalt  }
0x83: {  	_ =	shalt  }
0x84: {  	_ =	shalt  }
0x85: {  	_ =	shalt  }
0x86: {  	_ =	shalt  }
0x87: {  	_ =	shalt  }
.Lfunc_end0:
.L_simem_size_0:
called_computation_lowered:
.L_overlay_start_0:
0x88: {  	s2 =	sld [smem:$0x3FD9]  }
0x89: {  	s3 =	sld [smem:$0x3FFE];
	_ =	sdelay $0x1  }
0x8a: {  	s1 =	srdreg.scid  }
0x8b: {  	s0 =	sand.u32 $0x1, s1  }
0x8c: {  	s14 =	sshll.u32 s0, $0xA;
	s2 =	sadd.s32 s3, s2  }
0x8d: {  	s2 =	sadd.s32 s2, s14  }
0x8e: {  	[smem:$0x3FC6] =	sst s2  }
0x8f: {  	_ = 	snop  }
0x90: {  	s2 =	sld [smem:$0x3FD0];
	_ =	sdelay $0x2  }
0x91: {  	s15 =	simm.s32 $0xA;
	s4 =	simm.s32 $0x10  }
0x92: {  	[smem:s4], [sflag:s15] =	dma.local [hbm:s2], $0x1  }
0x93: {  	_ =	swait.eq [sflag:s15], $0x1  }
0x94: {  	[sflag:s15] =	ssyncset.done $0x0  }
0x95: {  	[sflag:s15] =	ssyncadd.s32 $0xFFFFFFFF  }
0x96: {  	s16 =	sld [smem:$0x10];
	(tm) =	ssettm $0x1  }
0x97: {  	s17 =	sld [smem:$0x3FFB];
	_ =	sdelay $0x3  }
0x98: {  	_ =	strace s17  }
0x99: {  	s3 =	sld [smem:$0x3FFC];
	_ =	sdelay $0x3  }
0x9a: {  	_ =	strace s3  }
0x9b: {  	s3 =	sld [smem:$0x3FFD];
	_ =	sdelay $0x3  }
0x9c: {  	_ =	strace s3  }
0x9d: {  	_ =	strace $0x8FFFFFFF  }
0x9e: {  	s18 =	sld [smem:$0x3FDB];
	_ =	sdelay $0x1  }
0x9f: {  	s19 =	simm.s32 $_scs_section_size  }
0xa0: {  	s5 =	simm.s32 $_size__tile_overlayer_lowered;
	s6 =	simm.s32 $_tile_overlayer_lowered  }
0xa1: {  	s22 =	simm.s32 $0x1BFF;
	s21 =	sshll.u32 s6, $0x1;
	s3 =	sadd.s32 s19, s18  }
0xa2: {  	s7 =	simm.s32 $0x0;
	s20 =	sshll.u32 s5, $0x1;
	s5 =	sadd.s32 s21, s3  }
0xa3: {  	[timem:s7], [sflag:s22] =	dma.local [hbm:s5], s20  }
0xa4: {  	_ =	swait.ge [sflag:s22], s20  }
0xa5: {  	s4 =	ssub.s32 $0x0, s20;
	[sflag:s22] =	ssyncset.done $0x0  }
0xa6: {  	[sflag:s22] =	ssyncadd.s32 s4;
	_ =	sdelay $0x1  }
0xa7: {  	s23 =	simm.s32 $0x1B8B  }
0xa8: {  	_ =	swait.ge [sflag:s23], $0x1  }
0xa9: {  	[sflag:s23] =	ssyncset.done $0x0  }
0xaa: {  	s25 =	simm.s32 $0x1B8E;
	s24 =	sld [smem:$0x3FFE];
	[sflag:s23] =	ssyncadd.s32 $0xFFFFFFFF  }
0xab: {  	s26 =	simm.s32 $execute0_lowered;
	[smem:$0x3FD2] =	sst s25  }
0xac: {  	s5 =	sshll.u32 s26, $0x1;
	_ =	strace $0x80000046;
	[dreg:$0x1] =	wrdreg $0xFFFFFFFF  }
0xad: {  	s28 =	simm.s32 $_size_execute0_lowered;
	s3 =	sadd.s32 s3, s5;
	[dreg:$0x0] =	wrdreg $0x0  }
0xae: {  	s5 =	sshll.u32 s28, $0x1;
	[dreg:$0x2] =	wrdreg s3  }
0xaf: {  	[dreg:$0x3] =	wrdreg s5  }
0xb0: {  	[dreg:$0x4] =	wrdreg $0xC0  }
0xb1: {  	_ =	task [dreg:s7], $0x5FFFF  }
0xb2: {  	[dreg:$0x1] =	wrdreg $0xFFFFFFFF  }
0xb3: {  	[dreg:$0x0] =	wrdreg $0x60  }
0xb4: {  	[dreg:$0x2] =	wrdreg s24  }
0xb5: {  	[dreg:$0x3] =	wrdreg s16  }
0xb6: {  	[dreg:$0x4] =	wrdreg $0x9  }
0xb7: {  	_ =	task.clear_ibuf [dreg:s7], $0x5FFFF;
	_ =	strace $0x90000046  }
0xb8: {  	s29 =	simm.s32 $0x9;
	_ =	strace $0x80000048  }
0xb9: {  	_ =	swait.ge [sflag:s29], $0x1  }
0xba: {  	[sflag:s29] =	ssyncadd.s32 $0xFFFFFFFF  }
0xbb: {  	_ =	strace $0x90000048  }
0xbc: {  	_ =	sfence  }
0xbd: {  	s30 =	sld [smem:$0x0];
	_ =	sdelay $0x2  }
0xbe: {  	s31 =	sshll.u32 s1, $0xD;
	s1 =	sshrl.u32 s1, $0x2  }
0xbf: {  	s3 =	sand.u32 $0x4000, s31;
	s1 =	sadd.s32 s1, s30  }
0xc0: {  	s0 =	sor.u32 s3, s0;
	s1 =	sshll.u32 s1, $0x11  }
0xc1: {  	s0 =	sor.u32 s1, s0  }
0xc2: {  	s0 =	sadd.s32 $0x8F2B, s0  }
0xc3: {  	[sflag:s0] =	ssyncadd.remote.s32 $0x1  }
0xc4: {  	_ =	sfence.sel $0xFFFF  }
0xc5: {  	[dreg:$0x0] =	wrdreg $0xFFFFFFFF;
	(pc) =	sbr.abs _section_cstart, $3  }
0xc6: {  	[dreg:$0x1] =	wrdreg $0xFFFFFFFF  }
0xc7: {  	_ =	task.clear_ibuf [dreg:s7], $0x2FFFF;
	_ =	strace $0x9FFFFFFF  }
0xc8: {  	(tm) =	ssettm $0x7FFFFFFF  }
0xc9: {  	_ =	shalt  }
tec
execute0_lowered:
.L_overlay_start_1:
0x0: {  	(tag) =	ssettag $0x1  }
0x1: {  	s0 =	srdreg.scid;
	s5 =	rddreg [dreg:$0x0]  }
0x2: {  	s7 =	rddreg [dreg:$0x1];
	s2 =	simm.s32 $0x0;
	s4 =	sand.u32 $0x1, s0  }
0x3: {  	s3 =	simm.s32 $0x1;
	s0 =	stileid.u32;
	s1 =	sshll.u32 s4, $0x4  }
0x4: {  	s11 =	simm.s32 $0x4C80;
	s30 =	sand.u32 $0x3, s0;
	s6 =	sor.u32 s0, s1  }
0x5: {  	v0 =	vimm.s32 $0xFEDCBA98;
	v1 =	vimm.s32 $0x76543210;
	v2 =	vimm.s32 $0xBA98FEDC;
	s12 =	simm.s32 $0x0;
	p1 =	sne.s32 s30, $0x0;
	p0 =	seq.s32 s6, $0x0  }
0x6: {  	v3 =	vimm.s32 $0x32107654;
	v4 =	vimm.s32 $0xDCFE98BA;
	[smem:$0x7FF] =	sst s2;
	s9 =	sshll.u32 s0, $0x9;
	p0 =	por !p1, !p0  }
0x7: {  	v5 =	vimm.s32 $0x54761032;
	v6 =	vimm.s32 $0xEFCDAB89;
	v7 =	vimm.s32 $0x67452301;
	s4 =	ssub.s32 $0x2, s4;
	s31 =	sshll.u32 s0, $0x4;
	p0 =	por !p0, !p0  }
0x8: {  	v0 =	vunpack.c.l.s4.s8 v0;
	v1 =	vunpack.c.l.s4.s8 v1;
	v2 =	vunpack.c.l.s4.s8 v2;
	s1 =	rddreg [dreg:$0x2];
	s8 =	sshrl.u32 s6, $0x2;
	s3 =	simm.s32 @!p0 $0x0  }
0x9: {  	v3 =	vunpack.c.l.s4.s8 v3;
	v4 =	vunpack.c.l.s4.s8 v4;
	v5 =	vunpack.c.l.s4.s8 v5;
	_ =	strace $0x80000047;
	s10 =	sshrl.u32 s4, $0x1;
	s3 =	ssub.s32 s8, s3  }
0xa: {  	v6 =	vunpack.c.l.s4.s8 v6;
	v7 =	vunpack.c.l.s4.s8 v7;
	v0 =	vunpack.c.0.s8.s32 v0;
	s6 =	sshll.u32 s6, $0x4;
	s8 =	sshll.u32 s3, $0xA;
	s3 =	sshll.u32 s3, $0xE  }
0xb: {  	v2 =	vunpack.c.0.s8.s32 v2;
	v3 =	vunpack.c.0.s8.s32 v3;
	v4 =	vunpack.c.0.s8.s32 v4;
	s10 =	ssub.s32 s4, s10;
	s3 =	sor.u32 s3, s9;
	s8 =	sand.u32 $0x1FFFFC00, s8  }
0xc: {  	v5 =	vunpack.c.0.s8.s32 v5;
	v6 =	vunpack.c.0.s8.s32 v6;
	v7 =	vunpack.c.0.s8.s32 v7;
	s6 =	sand.u32 $0x180, s6;
	s9 =	sor.u32 $0x3800, s3;
	s8 =	sadd.s32 s8, s5  }
0xd: {  	v1 =	vunpack.c.0.s8.s32 v1;
	v2 =	vcombine.low v3, v2;
	s3 =	simm.s32 $0x1;
	s9 =	sshrl.u32 s9, $0x3;
	s4 =	sadd.s32 $0x800, s8  }
0xe: {  	v3 =	vcombine.low v5, v4;
	v4 =	vcombine.low v7, v6;
	v0 =	vand.u32 $0xF, v0;
	s8 =	simm.s32 $0x200;
	s5 =	sadd.s32 s9, s5;
	s9 =	sand.u32 $0x70, s31  }
0xf: {  	v0 =	vcombine.low v0, v1;
	s7 =	sadd.s32 s7, s9;
	s5 =	sadd.s32 $0x2800, s5;
	s9 =	simm.s32 $0x4000  }
0x10: {  	v1 =	vand.u32 $0xF, v2;
	v2 =	vand.u32 $0xF, v3;
	v3 =	vand.u32 $0xF, v4;
	s6 =	sadd.s32 s6, s7;
	s7 =	smax.u32 s10, $0x1;
	s10 =	simm.s32 $0x2000  }
.LBB2_1:
0x11: {  	[tilespmem:s2], [sflag:$0x1] =	stream.linear.gather [hbm4b:s4+s2], $0x2000, $0x38;
	[tilespmem:$0x4D00] =	vst v63  }
0x12: {  	_ =	swait.ge [sflag:s3], $0x2000  }
0x13: {  	[sflag:s3] =	ssyncset.done $0x0  }
0x14: {  	[sflag:s3] =	ssyncadd.s32 $0xFFFFE000  }
0x15: {  	[tilespmem:s10], [sflag:$0x1] =	stream.strided.gather [hbm4b:s5+s8], $0x0, s9, s8, $0x38;
	[tilespmem:$0x4D00] =	vst v63  }
0x16: {  	_ = 	snop  }
0x17: {  	[tilespmem:s10], [sflag:$0x1] =	stream.linear.gather [hbm4b:s5+s2], $0x180, $0x38;
	[tilespmem:$0x4D00] =	vst v63  }
0x18: {  	_ =	swait.ge [sflag:s3], $0x180  }
0x19: {  	s13 =	sand.u32 $0x70, s2;
	s14 =	sand.u32 $0x1E00, s2;
	[sflag:s3] =	ssyncset.done $0x0  }
0x1a: {  	s13 =	sor.u32 s13, s14;
	[sflag:s3] =	ssyncadd.s32 $0xFFFFFE80  }
0x1b: {  	v4 =	vld [tilespmem:s13+$0x100]  }
0x1c: {  	v5 =	vld [tilespmem:s13+$0x80]  }
0x1d: {  	v6 =	vld [tilespmem:s13+$0x0];
	_ =	sdelay $0x3  }
0x1e: {  	v7 =	vshrl.u32 v4, $0x10;
	v8 =	vmul.f32 v4, v4  }
0x1f: {  	v9 =	vshrl.u32 v5, $0x10;
	v10 =	vmul.f32 v5, v5;
	v11 =	vshrl.u32 v6, $0x10  }
0x20: {  	v63 =	vmul.f32 v6, v6;
	v7 =	vand.u32 $0x1, v7;
	v9 =	vand.u32 $0x1, v9  }
0x21: {  	v4 =	vadd.s32 v7, v4;
	v7 =	vand.u32 $0x1, v11;
	v5 =	vadd.s32 v9, v5  }
0x22: {  	v9 =	vadd.f32 v10, v63;
	v6 =	vadd.s32 v7, v6;
	v5 =	vadd.s32 $0x7FFF, v5  }
0x23: {  	v4 =	vadd.s32 $0x7FFF, v4;
	v6 =	vadd.s32 $0x7FFF, v6;
	v5 =	vand.u32 $0xFFFF0000, v5  }
0x24: {  	v4 =	vand.u32 $0xFFFF0000, v4;
	v7 =	vand.u32 $0xFFFF0000, v6;
	v6 =	vmul.f32 $-2.000000000e+00, v5  }
0x25: {  	s16 =	simm.s32 $0x0;
	s15 =	simm.s32 $0x0;
	s14 =	simm.s32 $0x10;
	v5 =	vmul.f32 $-2.000000000e+00, v4;
	v4 =	vadd.f32 v8, v9;
	v7 =	vmul.f32 $-2.000000000e+00, v7  }
.LBB2_2:
0x26: {  	p0 =	sne.s32 s14, $0x7F0  }
0x27: {  	[tilespmem:s13+$0x2280] =	vst v6;
	s16 =	sadd.s32 $0x40, s16;
	s17 =	smov.u32 s14;
	s14 =	sadd.s32 $0x10, s14  }
0x28: {  	s18 =	sshra.s32 s15, $0x2;
	[tilespmem:s13+$0x2200] =	vst v7;
	s15 =	smov.u32 s16  }
0x29: {  	s17 =	sand.u32 $0x70, s17;
	s19 =	sand.u32 $0x1E00, s16;
	[tilespmem:s13+$0x2300] =	vst v5  }
0x2a: {  	s13 =	sor.u32 s17, s19;
	[tilespmem:s18+$0x4400] =	vst v4  }
0x2b: {  	v4 =	vld [tilespmem:s13+$0x100]  }
0x2c: {  	v5 =	vld [tilespmem:s13+$0x80]  }
0x2d: {  	v6 =	vld [tilespmem:s13+$0x0];
	_ =	sdelay $0x2  }
0x2e: {  	v7 =	vshrl.u32 v4, $0x10;
	v8 =	vmul.f32 v4, v4  }
0x2f: {  	v9 =	vshrl.u32 v5, $0x10;
	v7 =	vand.u32 $0x1, v7;
	v10 =	vmul.f32 v5, v5  }
0x30: {  	v11 =	vshrl.u32 v6, $0x10;
	v9 =	vand.u32 $0x1, v9;
	v4 =	vadd.s32 v7, v4  }
.Ltmp0:
0x31: {  	v7 =	vand.u32 $0x1, v11;
	v5 =	vadd.s32 v9, v5;
	v9 =	vmul.f32 v6, v6;
	(pc) =	sbr.rel @p0 .LBB2_2-.Ltmp0, $4  }
0x32: {  	v4 =	vadd.s32 $0x7FFF, v4;
	v6 =	vadd.s32 v7, v6;
	v5 =	vadd.s32 $0x7FFF, v5  }
0x33: {  	v6 =	vadd.s32 $0x7FFF, v6;
	v5 =	vand.u32 $0xFFFF0000, v5;
	v9 =	vadd.f32 v10, v9  }
0x34: {  	v4 =	vand.u32 $0xFFFF0000, v4;
	v7 =	vand.u32 $0xFFFF0000, v6;
	v6 =	vmul.f32 $-2.000000000e+00, v5  }
0x35: {  	v5 =	vmul.f32 $-2.000000000e+00, v4;
	v7 =	vmul.f32 $-2.000000000e+00, v7;
	v4 =	vadd.f32 v8, v9  }
0x36: {  	[tilespmem:s13+$0x2280] =	vst v6  }
0x37: {  	[tilespmem:s13+$0x2200] =	vst v7  }
0x38: {  	s14 =	sshra.s32 s15, $0x2;
	[tilespmem:s13+$0x2300] =	vst v5  }
0x39: {  	[tilespmem:s14+$0x4400] =	vst v4  }
0x3a: {  	v4 =	vld [tilespmem:$0x2000]  }
0x3b: {  	v5 =	vld [tilespmem:$0x2080]  }
0x3c: {  	v6 =	vld [tilespmem:$0x2100]  }
0x3d: {  	v9 =	vld [tilespmem:$0x2010]  }
0x3e: {  	v10 =	vld [tilespmem:$0x2090]  }
0x3f: {  	v12 =	vld [tilespmem:$0x2110]  }
0x40: {  	v33 =	vld [tilespmem:$0x2020]  }
0x41: {  	v15 =	vld [tilespmem:$0x20A0]  }
0x42: {  	v16 =	vld [tilespmem:$0x2120]  }
0x43: {  	v18 =	vld [tilespmem:$0x2030]  }
0x44: {  	v38 =	vld [tilespmem:$0x20B0]  }
0x45: {  	v20 =	vld [tilespmem:$0x2130]  }
0x46: {  	v22 =	vld [tilespmem:$0x2040]  }
0x47: {  	v43 =	vld [tilespmem:$0x20C0]  }
0x48: {  	v47 =	vld [tilespmem:$0x2140]  }
0x49: {  	v55 =	vld [tilespmem:$0x2050];
	v29 =	vshrl.u32 v4, $0x10;
	v8 =	vshrl.u32 v5, $0x10;
	v11 =	vshrl.u32 v6, $0x10  }
0x4a: {  	v58 =	vld [tilespmem:$0x20D0];
	v31 =	vshrl.u32 v9, $0x10;
	v13 =	vshrl.u32 v10, $0x10;
	v14 =	vshrl.u32 v12, $0x10  }
0x4b: {  	v62 =	vld [tilespmem:$0x2150];
	v34 =	vmul.f32 v12, v12;
	v35 =	vshrl.u32 v33, $0x10;
	v17 =	vshrl.u32 v15, $0x10  }
0x4c: {  	v19 =	vshrl.u32 v16, $0x10;
	v39 =	vmul.f32 v16, v16;
	v40 =	vshrl.u32 v18, $0x10  }
0x4d: {  	v21 =	vshrl.u32 v38, $0x10;
	v23 =	vshrl.u32 v20, $0x10;
	v50 =	vshrl.u32 v22, $0x10  }
0x4e: {  	v51 =	vmul.f32 v20, v20;
	v52 =	vshrl.u32 v43, $0x10;
	v60 =	vmul.f32 v22, v22  }
0x4f: {  	v59 =	vshrl.u32 v47, $0x10;
	v61 =	vmul.f32 v43, v43;
	v24 =	vmul.f32 v55, v55  }
0x50: {  	v25 =	vmul.f32 v58, v58;
	v27 =	vshrl.u32 v62, $0x10;
	v7 =	vand.u32 $0x1, v29  }
0x51: {  	v8 =	vand.u32 $0x1, v8;
	v11 =	vand.u32 $0x1, v11;
	v32 =	vand.u32 $0x1, v13  }
0x52: {  	v14 =	vand.u32 $0x1, v14;
	v37 =	vand.u32 $0x1, v17;
	v19 =	vand.u32 $0x1, v19  }
0x53: {  	v13 =	vmul.f32 v33, v33;
	v21 =	vand.u32 $0x1, v21;
	v23 =	vand.u32 $0x1, v23  }
0x54: {  	v17 =	vmul.f32 v38, v38;
	v54 =	vand.u32 $0x1, v52;
	v7 =	vadd.s32 v7, v4  }
0x55: {  	v8 =	vadd.s32 v8, v5;
	v4 =	vmul.f32 v4, v4;
	v5 =	vmul.f32 v5, v5  }
0x56: {  	v11 =	vadd.s32 v11, v6;
	v14 =	vadd.s32 v14, v12;
	v12 =	vand.u32 $0x1, v35  }
0x57: {  	v19 =	vadd.s32 v19, v16;
	v16 =	vand.u32 $0x1, v40;
	v42 =	vadd.s32 v21, v38  }
0x58: {  	v46 =	vadd.s32 v23, v20;
	v57 =	vadd.s32 v54, v43;
	v20 =	vadd.f32 v61, v60  }
0x59: {  	v21 =	vmul.f32 v47, v47;
	v23 =	vshrl.u32 v58, $0x10;
	v7 =	vadd.s32 $0x7FFF, v7  }
0x5a: {  	v8 =	vadd.s32 $0x7FFF, v8;
	v11 =	vadd.s32 $0x7FFF, v11;
	v14 =	vadd.s32 $0x7FFF, v14  }
0x5b: {  	v36 =	vadd.s32 v12, v33;
	v12 =	vadd.s32 v37, v15;
	v15 =	vmul.f32 v15, v15  }
0x5c: {  	v19 =	vadd.s32 $0x7FFF, v19;
	v41 =	vadd.s32 v16, v18;
	v16 =	vadd.s32 $0x7FFF, v42  }
0x5d: {  	v18 =	vmul.f32 v18, v18;
	v48 =	vadd.s32 $0x7FFF, v46;
	v33 =	vmul.f32 v62, v62  }
0x5e: {  	v7 =	vand.u32 $0xFFFF0000, v7;
	v8 =	vand.u32 $0xFFFF0000, v8;
	v4 =	vadd.f32 v5, v4  }
0x5f: {  	v28 =	vld [tilespmem:$0x20E0];
	v5 =	vmul.f32 v6, v6;
	v30 =	vand.u32 $0xFFFF0000, v11;
	v11 =	vadd.s32 v32, v10  }
0x60: {  	v10 =	vmul.f32 v10, v10;
	v14 =	vand.u32 $0xFFFF0000, v14;
	v12 =	vadd.s32 $0x7FFF, v12  }
0x61: {  	v19 =	vand.u32 $0xFFFF0000, v19;
	v45 =	vand.u32 $0xFFFF0000, v16;
	v11 =	vadd.s32 $0x7FFF, v11;
	[tilespmem:$0x4200] =	vst v7  }
0x62: {  	v12 =	vand.u32 $0xFFFF0000, v12;
	v13 =	vadd.f32 v15, v13;
	v15 =	vadd.s32 $0x7FFF, v41;
	[tilespmem:$0x4280] =	vst v8  }
0x63: {  	v49 =	vadd.f32 v17, v18;
	[tilespmem:$0x4300] =	vst v30;
	v17 =	vand.u32 $0x1, v50;
	v8 =	vadd.s32 $0x7FFF, v57  }
0x64: {  	v26 =	vld [tilespmem:$0x2060];
	v30 =	vand.u32 $0x1, v27;
	[tilespmem:$0x42B0] =	vst v45;
	v45 =	vmul.f32 v28, v28;
	v4 =	vadd.f32 v5, v4  }
0x65: {  	v43 =	vld [tilespmem:$0x20F0];
	[tilespmem:$0x4310] =	vst v14;
	v5 =	vand.u32 $0x1, v31;
	v11 =	vand.u32 $0xFFFF0000, v11;
	v44 =	vand.u32 $0xFFFF0000, v15  }
0x66: {  	[tilespmem:$0x4320] =	vst v19;
	v53 =	vadd.s32 v17, v22;
	v8 =	vand.u32 $0xFFFF0000, v8;
	v22 =	vshrl.u32 v55, $0x10  }
0x67: {  	v37 =	vld [tilespmem:$0x2070];
	[tilespmem:$0x42A0] =	vst v12;
	v12 =	vand.u32 $0x1, v23;
	v31 =	vadd.f32 v25, v24;
	v5 =	vadd.s32 v5, v9  }
0x68: {  	v9 =	vmul.f32 v9, v9;
	v13 =	vadd.f32 v39, v13;
	v56 =	vadd.s32 $0x7FFF, v53;
	[tilespmem:$0x4290] =	vst v11  }
0x69: {  	v32 =	vld [tilespmem:$0x2160];
	v11 =	vand.u32 $0x1, v59;
	v12 =	vadd.s32 v12, v58;
	[tilespmem:$0x4230] =	vst v44;
	v44 =	vmul.f32 v26, v26  }
0x6a: {  	v58 =	vmul.f32 v43, v43;
	v5 =	vadd.s32 $0x7FFF, v5;
	[tilespmem:$0x4C00] =	vst v4;
	v4 =	vand.u32 $0xFFFF0000, v48  }
0x6b: {  	[tilespmem:$0x42C0] =	vst v8;
	v6 =	vand.u32 $0xFFFF0000, v56;
	v63 =	vadd.s32 v11, v47;
	v11 =	vadd.f32 v21, v20  }
0x6c: {  	v35 =	vadd.f32 v33, v31;
	v57 =	vmul.f32 v37, v37;
	v5 =	vand.u32 $0xFFFF0000, v5;
	[tilespmem:$0x4C20] =	vst v13  }
0x6d: {  	v9 =	vadd.f32 v10, v9;
	v10 =	vadd.s32 $0x7FFF, v36;
	[tilespmem:$0x4330] =	vst v4;
	v4 =	vadd.s32 $0x7FFF, v12  }
0x6e: {  	[tilespmem:$0x4240] =	vst v6;
	v36 =	vshrl.u32 v28, $0x10;
	v40 =	vshrl.u32 v32, $0x10;
	v50 =	vmul.f32 v32, v32  }
0x6f: {  	v10 =	vand.u32 $0xFFFF0000, v10;
	[tilespmem:$0x4210] =	vst v5;
	v5 =	vadd.f32 v51, v49;
	v4 =	vand.u32 $0xFFFF0000, v4  }
0x70: {  	v39 =	vand.u32 $0x1, v36;
	v42 =	vand.u32 $0x1, v40;
	[tilespmem:$0x4C40] =	vst v11;
	v51 =	vshrl.u32 v37, $0x10  }
0x71: {  	v61 =	vadd.f32 v58, v57;
	v9 =	vadd.f32 v34, v9;
	[tilespmem:$0x4220] =	vst v10;
	v10 =	vand.u32 $0x1, v22  }
0x72: {  	v34 =	vshrl.u32 v26, $0x10;
	v41 =	vadd.s32 v39, v28;
	[tilespmem:$0x42D0] =	vst v4;
	v4 =	vadd.f32 v45, v44  }
0x73: {  	v49 =	vld [tilespmem:$0x2170];
	[tilespmem:$0x4C50] =	vst v35;
	v53 =	vand.u32 $0x1, v51;
	v10 =	vadd.s32 v10, v55;
	v47 =	vadd.s32 $0x7FFF, v41  }
0x74: {  	v55 =	vshrl.u32 v43, $0x10;
	[tilespmem:$0x4C10] =	vst v9;
	v9 =	vadd.s32 $0x7FFF, v63;
	v29 =	vadd.s32 $0x7FFF, v10  }
0x75: {  	[tilespmem:$0x4C30] =	vst v5;
	v10 =	vadd.s32 v30, v62;
	v4 =	vadd.f32 v50, v4;
	v9 =	vand.u32 $0xFFFF0000, v9  }
0x76: {  	v56 =	vand.u32 $0x1, v55;
	v7 =	vand.u32 $0xFFFF0000, v29;
	v10 =	vadd.s32 $0x7FFF, v10;
	[tilespmem:$0x4340] =	vst v9  }
0x77: {  	v54 =	vadd.s32 v53, v37;
	v59 =	vadd.s32 v56, v43;
	v5 =	vand.u32 $0xFFFF0000, v10;
	[tilespmem:$0x4250] =	vst v7  }
0x78: {  	v10 =	vand.u32 $0x1, v34;
	v60 =	vshrl.u32 v49, $0x10;
	[tilespmem:$0x4C60] =	vst v4;
	v4 =	vadd.s32 $0x7FFF, v59  }
0x79: {  	v63 =	vmul.f32 v49, v49;
	v38 =	vadd.s32 v10, v26;
	[tilespmem:$0x4350] =	vst v5;
	v5 =	vand.u32 $0xFFFF0000, v47  }
0x7a: {  	v10 =	vadd.s32 v42, v32;
	v4 =	vand.u32 $0xFFFF0000, v4;
	v8 =	vadd.s32 $0x7FFF, v38;
	[tilespmem:$0x42E0] =	vst v5  }
0x7b: {  	v7 =	vand.u32 $0x1, v60;
	v5 =	vadd.s32 $0x7FFF, v54;
	[tilespmem:$0x42F0] =	vst v4;
	v46 =	vand.u32 $0xFFFF0000, v8  }
0x7c: {  	v48 =	vadd.s32 $0x7FFF, v10;
	v62 =	vadd.s32 v7, v49;
	v5 =	vand.u32 $0xFFFF0000, v5;
	[tilespmem:$0x4260] =	vst v46  }
0x7d: {  	v52 =	vand.u32 $0xFFFF0000, v48;
	[tilespmem:$0x4270] =	vst v5;
	v5 =	vadd.s32 $0x7FFF, v62  }
0x7e: {  	[tilespmem:$0x4360] =	vst v52;
	v4 =	vand.u32 $0xFFFF0000, v5;
	v5 =	vadd.f32 v63, v61  }
0x7f: {  	[tilespmem:$0x4370] =	vst v4  }
0x80: {  	s13 =	simm.s32 $0x0;
	s14 =	simm.s32 $0x0;
	[tilespmem:$0x4C70] =	vst v5  }
.LBB2_4:
0x81: {  	s15 =	sshll.u32 s14, $0x4  }
0x82: {  	v7 =	vld [tilespmem:s15+$0x4200]  }
0x83: {  	v5 =	vld [tilespmem:s15+$0x4280]  }
0x84: {  	v6 =	vld [tilespmem:s15+$0x4300]  }
0x85: {  	v4 =	vld [tilespmem:s15+$0x4C00];
	_ =	sdelay $0x2  }
0x86: {  	s16 =	sand.u32 $0x60, s13;
	s17 =	sand.u32 $0x1E00, s13;
	v8 =	vbroadcast v7, $0x0  }
0x87: {  	s18 =	simm.s32 $0x0;
	s17 =	sadd.s32 $0x2200, s17;
	s19 =	sor.u32 $0x10, s16;
	v9 =	vbroadcast v5, $0x0;
	v10 =	vbroadcast v6, $0x0  }
0x88: {  	v25 =	vld [tilespmem:s18+$0x4400];
	s30 =	sor.u32 s19, s17;
	v11 =	vbroadcast v4, $0x0;
	v12 =	vbroadcast v7, $0x1  }
0x89: {  	v26 =	vld [tilespmem:s30+$0x100];
	v13 =	vbroadcast v5, $0x1;
	v14 =	vbroadcast v6, $0x1  }
0x8a: {  	v27 =	vld [tilespmem:s30+$0x0];
	v15 =	vbroadcast v4, $0x1;
	v16 =	vbroadcast v7, $0x2  }
0x8b: {  	s31 =	sand.u32 $0x780, s13;
	v28 =	vld [tilespmem:s30+$0x80];
	v17 =	vbroadcast v5, $0x2;
	v18 =	vbroadcast v6, $0x2  }
0x8c: {  	s18 =	sor.u32 s19, s31;
	v19 =	vbroadcast v4, $0x2;
	v20 =	vbroadcast v7, $0x3  }
0x8d: {  	s16 =	sor.u32 s16, s17;
	v29 =	vld [tilespmem:s18+$0x4400];
	v21 =	vbroadcast v5, $0x3;
	v22 =	vbroadcast v6, $0x3  }
0x8e: {  	v30 =	vld [tilespmem:s16+$0x0];
	v24 =	vbroadcast v4, $0x3;
	v33 =	vmul.f32 v26, v10  }
0x8f: {  	v35 =	vld [tilespmem:s16+$0x80];
	v36 =	vmul.f32 v26, v14;
	v37 =	vmul.f32 v26, v18;
	v38 =	vadd.f32 v25, v11  }
0x90: {  	v39 =	vmul.f32 v27, v8;
	v40 =	vmul.f32 v28, v9;
	v44 =	vadd.f32 v25, v15  }
0x91: {  	v41 =	vmul.f32 v27, v12;
	v42 =	vmul.f32 v28, v13;
	v31 =	vadd.f32 v25, v19  }
0x92: {  	v43 =	vmul.f32 v27, v16;
	v45 =	vmul.f32 v28, v17;
	v32 =	vadd.f32 v25, v24  }
0x93: {  	v49 =	vld [tilespmem:s16+$0x100];
	v25 =	vmul.f32 v27, v20;
	v27 =	vmul.f32 v28, v21;
	v28 =	vadd.f32 v29, v11  }
0x94: {  	v46 =	vmul.f32 v30, v8;
	v47 =	vmul.f32 v35, v9;
	v48 =	vadd.f32 v29, v15  }
0x95: {  	v50 =	vmul.f32 v30, v12;
	v51 =	vmul.f32 v35, v13;
	v52 =	vadd.f32 v29, v19  }
0x96: {  	v53 =	vmul.f32 v30, v16;
	v34 =	vadd.f32 v29, v24;
	v29 =	vmul.f32 v35, v17  }
0x97: {  	v23 =	vimm.f32 $3.000000010e+38;
	v30 =	vmul.f32 v30, v20;
	v58 =	vmul.f32 v26, v22  }
0x98: {  	v26 =	vmul.f32 v49, v10;
	v39 =	vadd.f32 v40, v39;
	v54 =	vadd.f32 v42, v41  }
0x99: {  	v55 =	vadd.f32 v45, v43;
	v25 =	vadd.f32 v27, v25;
	v27 =	vmul.f32 v35, v21  }
0x9a: {  	v61 =	vmul.f32 v49, v18;
	v56 =	vadd.f32 v47, v46;
	v57 =	vadd.f32 v51, v50  }
0x9b: {  	v63 =	vmul.f32 v49, v22;
	v29 =	vadd.f32 v29, v53;
	v27 =	vadd.f32 v27, v30  }
0x9c: {  	v30 =	vmul.f32 v49, v14;
	v59 =	vadd.f32 v33, v39;
	v36 =	vadd.f32 v36, v54  }
0x9d: {  	v60 =	vadd.f32 v26, v56;
	v62 =	vadd.f32 v37, v55;
	v26 =	vimm.s32 $0x0  }
0x9e: {  	v37 =	vadd.f32 v58, v25;
	v25 =	vlaneseq.u32;
	v39 =	vadd.f32 v61, v29  }
0x9f: {  	v29 =	vimm.f32 $3.000000010e+38;
	v30 =	vadd.f32 v30, v57;
	v38 =	vadd.f32 v60, v38  }
0xa0: {  	v33 =	vadd.s32 $0x10, v25;
	v40 =	vadd.f32 v63, v27;
	v41 =	vadd.f32 v59, v28  }
0xa1: {  	v35 =	vadd.f32 v36, v48;
	v36 =	vadd.f32 v62, v52;
	vm0 =	vlt.f32 v38, v23  }
0xa2: {  	v27 =	vimm.s32 $0x0;
	v28 =	vimm.s32 $0x0;
	v43 =	vsel vm0, v38, v23  }
0xa3: {  	s17 =	simm.s32 $0x80;
	s16 =	simm.s32 $0x0;
	s18 =	simm.s32 $0x20;
	v42 =	vsel vm0, v25, v26;
	v38 =	vadd.f32 v30, v44;
	v30 =	vimm.f32 $3.000000010e+38  }
.LBB2_5:
0xa4: {  	s19 =	sand.u32 $0x60, s18;
	s20 =	sand.u32 $0x1E00, s17;
	v31 =	vadd.f32 v39, v31;
	v32 =	vadd.f32 v40, v32;
	vm0 =	vlt.f32 v41, v43  }
0xa5: {  	s21 =	sshra.s32 s17, $0x2;
	v34 =	vadd.f32 v37, v34;
	s20 =	sadd.s32 $0x2200, s20;
	s22 =	sor.u32 $0x10, s19;
	v43 =	vsel vm0, v41, v43;
	v42 =	vsel vm0, v33, v42  }
0xa6: {  	vm0 =	vlt.f32 v38, v23;
	v37 =	vld [tilespmem:s21+$0x4400];
	s21 =	sor.u32 s22, s20;
	vm1 =	vlt.f32 v31, v29;
	vm2 =	vlt.f32 v32, v30  }
0xa7: {  	v23 =	vsel vm0, v38, v23;
	v39 =	vld [tilespmem:s21+$0x100];
	v29 =	vsel vm1, v31, v29;
	v30 =	vsel vm2, v32, v30  }
0xa8: {  	vm3 =	vlt.f32 v35, v23;
	v38 =	vld [tilespmem:s21+$0x0];
	vm4 =	vlt.f32 v36, v29;
	vm5 =	vlt.f32 v34, v30  }
0xa9: {  	v23 =	vsel vm3, v35, v23;
	v40 =	vld [tilespmem:s21+$0x80];
	s21 =	sand.u32 $0x780, s18;
	v29 =	vsel vm4, v36, v29;
	v30 =	vsel vm5, v34, v30  }
0xaa: {  	v26 =	vsel vm0, v25, v26;
	v27 =	vsel vm1, v25, v27;
	v28 =	vsel vm2, v25, v28;
	s21 =	sor.u32 s22, s21  }
0xab: {  	s19 =	sor.u32 s19, s20;
	v26 =	vsel vm3, v33, v26;
	v27 =	vsel vm4, v33, v27;
	v28 =	vsel vm5, v33, v28;
	v34 =	vld [tilespmem:s21+$0x4400]  }
0xac: {  	v33 =	vld [tilespmem:s19+$0x0];
	v35 =	vmul.f32 v39, v10  }
0xad: {  	v41 =	vadd.f32 v37, v11;
	v44 =	vmul.f32 v39, v14;
	v45 =	vmul.f32 v39, v18;
	v36 =	vld [tilespmem:s19+$0x80]  }
0xae: {  	v46 =	vadd.f32 v37, v15;
	v47 =	vmul.f32 v38, v8;
	v48 =	vmul.f32 v40, v9  }
0xaf: {  	v31 =	vadd.f32 v37, v19;
	v49 =	vmul.f32 v38, v12;
	v50 =	vmul.f32 v40, v13  }
0xb0: {  	v32 =	vadd.f32 v37, v24;
	v37 =	vmul.f32 v38, v16;
	v51 =	vmul.f32 v40, v17  }
0xb1: {  	v38 =	vmul.f32 v38, v20;
	v40 =	vmul.f32 v40, v21;
	v52 =	vadd.f32 v34, v11  }
0xb2: {  	s16 =	sadd.s32 $0x2, s16;
	v55 =	vadd.f32 v34, v15;
	v53 =	vmul.f32 v33, v8;
	v54 =	vmul.f32 v36, v9  }
0xb3: {  	p0 =	slt.u32 s16, $0x7E;
	v59 =	vadd.f32 v34, v19;
	v57 =	vmul.f32 v33, v12;
	v58 =	vmul.f32 v36, v13;
	v56 =	vld [tilespmem:s19+$0x100]  }
0xb4: {  	v34 =	vadd.f32 v34, v24;
	v60 =	vmul.f32 v33, v16;
	v61 =	vmul.f32 v36, v17  }
0xb5: {  	v47 =	vadd.f32 v48, v47;
	v48 =	vadd.f32 v50, v49;
	v33 =	vmul.f32 v33, v20  }
0xb6: {  	v37 =	vadd.f32 v51, v37;
	v38 =	vadd.f32 v40, v38;
	v36 =	vmul.f32 v36, v21  }
0xb7: {  	v39 =	vmul.f32 v39, v22;
	v40 =	vadd.f32 v54, v53;
	v49 =	vadd.f32 v58, v57  }
0xb8: {  	v51 =	vadd.f32 v61, v60;
	v33 =	vadd.f32 v36, v33;
	v50 =	vmul.f32 v56, v10  }
0xb9: {  	v35 =	vadd.f32 v35, v47;
	v44 =	vadd.f32 v44, v48;
	v36 =	vmul.f32 v56, v14  }
0xba: {  	v45 =	vadd.f32 v45, v37;
	v47 =	vmul.f32 v56, v18;
	v40 =	vadd.f32 v50, v40  }
.Ltmp1:
0xbb: {  	v37 =	vadd.f32 v39, v38;
	v48 =	vadd.f32 v36, v49;
	v36 =	vmul.f32 v56, v22;
	(pc) =	sbr.rel @p0 .LBB2_5-.Ltmp1, $4  }
0xbc: {  	v25 =	vadd.s32 $0x20, v25;
	v39 =	vadd.f32 v47, v51;
	v38 =	vadd.f32 v40, v41  }
0xbd: {  	v40 =	vadd.f32 v36, v33;
	v33 =	vadd.s32 $0x10, v25;
	v41 =	vadd.f32 v35, v52  }
0xbe: {  	v35 =	vadd.f32 v44, v55;
	v36 =	vadd.f32 v45, v59;
	vm0 =	vlt.f32 v38, v43  }
0xbf: {  	s17 =	sadd.s32 $0x80, s17;
	s18 =	sadd.s32 $0x20, s18;
	v43 =	vsel vm0, v38, v43;
	v42 =	vsel vm0, v25, v42;
	v38 =	vadd.f32 v48, v46  }
0xc0: {  	vm0 =	vlt.f32 v41, v43  }
0xc1: {  	v11 =	vadd.f32 v39, v31;
	v12 =	vadd.f32 v40, v32;
	v22 =	vbroadcast v6, $0x5  }
0xc2: {  	v13 =	vadd.f32 v37, v34;
	v24 =	vbroadcast v7, $0x6;
	v32 =	vbroadcast v4, $0x7  }
0xc3: {  	v31 =	vimm.f32 $3.000000010e+38;
	v8 =	vsel vm0, v41, v43;
	v48 =	vsel vm0, v33, v42  }
0xc4: {  	vm2 =	vlt.f32 v38, v23;
	v9 =	vperm.xlane v8, v0;
	vm3 =	vlt.f32 v11, v29  }
0xc5: {  	vm4 =	vlt.f32 v12, v30;
	v15 =	vsel vm2, v38, v23;
	v50 =	vsel vm2, v25, v26  }
0xc6: {  	s16 =	simm.s32 $0x0;
	v23 =	vbroadcast v4, $0x5;
	v26 =	vbroadcast v6, $0x6;
	v9 =	vmin.f32 v8, v9  }
0xc7: {  	s17 =	sand.u32 $0x60, s16;
	s18 =	sand.u32 $0x1E00, s16;
	v11 =	vsel vm3, v11, v29;
	v12 =	vsel vm4, v12, v30;
	v10 =	vperm.xlane v9, v1  }
0xc8: {  	s19 =	simm.s32 $0x0;
	s18 =	sadd.s32 $0x2200, s18;
	s20 =	sor.u32 $0x10, s17;
	v19 =	vsel vm3, v25, v27;
	v20 =	vsel vm4, v25, v28;
	v25 =	vbroadcast v5, $0x6  }
0xc9: {  	v61 =	vld [tilespmem:s19+$0x4400];
	s31 =	sor.u32 s20, s18;
	v27 =	vbroadcast v4, $0x6;
	v28 =	vbroadcast v7, $0x7;
	v9 =	vmin.f32 v9, v10  }
0xca: {  	vm5 =	vlt.f32 v35, v15;
	v29 =	vbroadcast v5, $0x7;
	v34 =	vld [tilespmem:s31+$0x100];
	v14 =	vperm.xlane v9, v2  }
0xcb: {  	v30 =	vbroadcast v6, $0x7;
	vm11 =	vlt.f32 v36, v11;
	vm1 =	vlt.f32 v13, v12  }
0xcc: {  	v15 =	vsel vm5, v35, v15;
	v11 =	vsel vm11, v36, v11;
	v9 =	vmin.f32 v9, v14  }
0xcd: {  	v12 =	vsel vm1, v13, v12;
	v13 =	vsel vm5, v33, v50;
	v14 =	vperm.xlane v9, v3  }
0xce: {  	v49 =	vperm.xlane v11, v0;
	v51 =	vperm.xlane v12, v0;
	v39 =	vadd.f32 v61, v27  }
0xcf: {  	v40 =	vadd.f32 v61, v32;
	v44 =	vmul.f32 v34, v22;
	v9 =	vmin.f32 v9, v14  }
0xd0: {  	vm6 =	veq.f32 v8, v9;
	v8 =	vperm.xlane v15, v0;
	v9 =	vmin.f32 v11, v49  }
0xd1: {  	v14 =	vmin.f32 v12, v51;
	v10 =	vnsel vm6, $0x800, v48;
	v18 =	vperm.xlane v9, v1  }
0xd2: {  	v21 =	vperm.xlane v14, v1;
	v16 =	vperm.xlane v10, v0;
	v8 =	vmin.f32 v15, v8  }
0xd3: {  	v45 =	vmul.f32 v34, v26;
	v17 =	vperm.xlane v8, v1;
	v9 =	vmin.f32 v9, v18  }
0xd4: {  	v14 =	vmin.f32 v14, v21;
	vm12 =	vlt.s32 v10, v16;
	v18 =	vperm.xlane v9, v2  }
0xd5: {  	v8 =	vmin.f32 v8, v17;
	v10 =	vsel vm12, v10, v16;
	v16 =	vperm.xlane v14, v2  }
0xd6: {  	v62 =	vld [tilespmem:s31+$0x0];
	v17 =	vperm.xlane v8, v2;
	v21 =	vperm.xlane v10, v1;
	v9 =	vmin.f32 v9, v18  }
0xd7: {  	v63 =	vld [tilespmem:s31+$0x80];
	v18 =	vperm.xlane v9, v3;
	v14 =	vmin.f32 v14, v16;
	v16 =	vsel vm11, v33, v19  }
0xd8: {  	v19 =	vsel vm1, v33, v20;
	v8 =	vmin.f32 v8, v17;
	v20 =	vperm.xlane v14, v3  }
0xd9: {  	vm13 =	vlt.s32 v10, v21;
	v17 =	vperm.xlane v8, v3;
	v9 =	vmin.f32 v9, v18  }
0xda: {  	v10 =	vsel vm13, v10, v21;
	v21 =	vbroadcast v5, $0x5;
	vm15 =	veq.f32 v11, v9  }
0xdb: {  	v51 =	vmul.f32 v62, v24;
	v8 =	vmin.f32 v8, v17;
	v11 =	vnsel vm15, $0x800, v16  }
0xdc: {  	v50 =	vmul.f32 v63, v21;
	vm14 =	veq.f32 v15, v8;
	v8 =	vmin.f32 v14, v20  }
0xdd: {  	v53 =	vperm.xlane v11, v0;
	v15 =	vperm.xlane v10, v2;
	v52 =	vnsel vm14, $0x800, v13  }
0xde: {  	v20 =	vbroadcast v7, $0x5;
	vm4 =	veq.f32 v12, v8;
	v8 =	vperm.xlane v52, v0  }
0xdf: {  	v54 =	vnsel vm4, $0x800, v19;
	vm6 =	vlt.s32 v11, v53;
	vm8 =	vlt.s32 v10, v15  }
0xe0: {  	v55 =	vperm.xlane v54, v0;
	v56 =	vsel vm6, v11, v53;
	vm5 =	vlt.s32 v52, v8  }
0xe1: {  	v19 =	vbroadcast v4, $0x4;
	v12 =	vperm.xlane v56, v1;
	v8 =	vsel vm5, v52, v8  }
0xe2: {  	v49 =	vmul.f32 v62, v20;
	vm7 =	vlt.s32 v54, v55;
	v57 =	vperm.xlane v8, v1  }
0xe3: {  	v53 =	vmul.f32 v63, v25;
	v13 =	vsel vm7, v54, v55;
	vm10 =	vlt.s32 v56, v12  }
0xe4: {  	v14 =	vperm.xlane v13, v1;
	v9 =	vsel vm10, v56, v12;
	vm9 =	vlt.s32 v8, v57  }
0xe5: {  	v12 =	vmul.f32 v62, v28;
	v17 =	vperm.xlane v9, v2;
	v16 =	vsel vm9, v8, v57  }
0xe6: {  	s17 =	sor.u32 s17, s18;
	vm11 =	vlt.s32 v13, v14;
	v8 =	vsel vm8, v10, v15;
	v58 =	vperm.xlane v16, v2  }
0xe7: {  	v10 =	vld [tilespmem:s17+$0x0];
	v18 =	vsel vm11, v13, v14;
	[tilespmem:$0x1FF80] =	vst v8;
	v8 =	vperm.xlane v8, v3;
	v13 =	vmul.f32 v63, v29  }
0xe8: {  	vm13 =	vlt.s32 v9, v17;
	v59 =	vperm.xlane v18, v2;
	vm12 =	vlt.s32 v16, v58  }
0xe9: {  	s16 =	sand.u32 $0x780, s16;
	[tilespmem:$0x1FF90] =	vst v8;
	v8 =	vsel vm13, v9, v17;
	v17 =	vbroadcast v5, $0x4;
	v33 =	vadd.f32 v13, v12  }
0xea: {  	s16 =	sor.u32 s20, s16;
	v12 =	vmul.f32 v34, v30;
	v11 =	vsel vm12, v16, v58;
	[tilespmem:$0x1FFC0] =	vst v8;
	v8 =	vperm.xlane v8, v3  }
0xeb: {  	v46 =	vadd.f32 v61, v19;
	v9 =	vld [tilespmem:s16+$0x4400];
	v16 =	vbroadcast v7, $0x4;
	v60 =	vperm.xlane v11, v3  }
0xec: {  	v52 =	vadd.f32 v61, v23;
	v48 =	vmul.f32 v63, v17;
	v58 =	vmul.f32 v10, v20  }
0xed: {  	v57 =	vld [tilespmem:s17+$0x100];
	vm14 =	vlt.s32 v18, v59;
	[tilespmem:$0x1FFA0] =	vst v11;
	v61 =	vmul.f32 v10, v24;
	v38 =	vmul.f32 v10, v28  }
0xee: {  	v11 =	vld [tilespmem:s17+$0x80];
	v63 =	vadd.f32 v53, v51;
	[tilespmem:$0x1FFD0] =	vst v8;
	v8 =	vsel vm14, v18, v59;
	v18 =	vbroadcast v6, $0x4  }
0xef: {  	v47 =	vmul.f32 v62, v16;
	v54 =	vmul.f32 v10, v16;
	v62 =	vadd.f32 v50, v49  }
0xf0: {  	[tilespmem:$0x1FFE0] =	vst v8;
	v8 =	vperm.xlane v8, v3;
	v36 =	vadd.f32 v9, v19;
	v56 =	vadd.f32 v9, v23  }
0xf1: {  	[tilespmem:$0x1FFB0] =	vst v60;
	v41 =	vmul.f32 v34, v18;
	v60 =	vadd.f32 v9, v27;
	v42 =	vadd.f32 v9, v32  }
0xf2: {  	v47 =	vadd.f32 v48, v47;
	v13 =	vmul.f32 v57, v18;
	v44 =	vadd.f32 v44, v62  }
0xf3: {  	v62 =	vadd.f32 v45, v63;
	v63 =	vmul.f32 v57, v30;
	v55 =	vmul.f32 v11, v17  }
0xf4: {  	v34 =	vimm.s32 $0x0;
	v45 =	vadd.f32 v12, v33;
	v59 =	vmul.f32 v11, v21  }
0xf5: {  	v14 =	vmul.f32 v11, v25;
	v43 =	vadd.f32 v44, v56;
	v10 =	vadd.f32 v55, v54  }
0xf6: {  	v9 =	vmul.f32 v11, v29;
	v44 =	vadd.f32 v62, v60;
	v11 =	vadd.f32 v59, v58  }
0xf7: {  	v37 =	vadd.f32 v14, v61;
	v14 =	vmul.f32 v57, v22;
	v59 =	vadd.f32 v13, v10  }
0xf8: {  	v35 =	vadd.f32 v9, v38;
	v58 =	vadd.f32 v41, v47;
	v61 =	vmul.f32 v57, v26  }
0xf9: {  	v33 =	vlaneseq.u32;
	v38 =	vadd.f32 v14, v11;
	v46 =	vadd.f32 v59, v46  }
0xfa: {  	v41 =	vadd.s32 $0x10, v33;
	v47 =	vadd.f32 v61, v37;
	v48 =	vadd.f32 v63, v35  }
0xfb: {  	v49 =	vadd.f32 v58, v36;
	v37 =	vimm.f32 $3.000000010e+38;
	vm15 =	vlt.f32 v46, v31  }
0xfc: {  	v35 =	vimm.s32 $0x0;
	v36 =	vimm.s32 $0x0;
	v51 =	vsel vm15, v46, v31  }
0xfd: {  	s18 =	simm.s32 $0x20;
	s16 =	simm.s32 $0x0;
	s17 =	simm.s32 $0x80;
	[tilespmem:$0x1FFF0] =	vst v8;
	v50 =	vsel vm15, v33, v34;
	v46 =	vadd.f32 v38, v52;
	v38 =	vimm.f32 $3.000000010e+38  }
.LBB2_7:
0xfe: {  	s19 =	sand.u32 $0x60, s18;
	s20 =	sand.u32 $0x1E00, s17;
	v39 =	vadd.f32 v47, v39;
	v40 =	vadd.f32 v48, v40;
	vm0 =	vlt.f32 v49, v51  }
0xff: {  	s21 =	sshra.s32 s17, $0x2;
	v42 =	vadd.f32 v45, v42;
	s20 =	sadd.s32 $0x2200, s20;
	s22 =	sor.u32 $0x10, s19;
	v51 =	vsel vm0, v49, v51;
	v50 =	vsel vm0, v41, v50  }
0x100: {  	vm0 =	vlt.f32 v46, v31;
	v45 =	vld [tilespmem:s21+$0x4400];
	s21 =	sor.u32 s22, s20;
	vm1 =	vlt.f32 v39, v37;
	vm2 =	vlt.f32 v40, v38  }
0x101: {  	v31 =	vsel vm0, v46, v31;
	v47 =	vld [tilespmem:s21+$0x100];
	v37 =	vsel vm1, v39, v37;
	v38 =	vsel vm2, v40, v38  }
0x102: {  	vm3 =	vlt.f32 v43, v31;
	v46 =	vld [tilespmem:s21+$0x0];
	vm4 =	vlt.f32 v44, v37;
	vm5 =	vlt.f32 v42, v38  }
0x103: {  	v31 =	vsel vm3, v43, v31;
	v48 =	vld [tilespmem:s21+$0x80];
	s21 =	sand.u32 $0x780, s18;
	v37 =	vsel vm4, v44, v37;
	v38 =	vsel vm5, v42, v38  }
0x104: {  	v34 =	vsel vm0, v33, v34;
	v35 =	vsel vm1, v33, v35;
	v36 =	vsel vm2, v33, v36;
	s21 =	sor.u32 s22, s21  }
0x105: {  	s19 =	sor.u32 s19, s20;
	v34 =	vsel vm3, v41, v34;
	v35 =	vsel vm4, v41, v35;
	v36 =	vsel vm5, v41, v36;
	v42 =	vld [tilespmem:s21+$0x4400]  }
0x106: {  	v41 =	vld [tilespmem:s19+$0x0];
	v43 =	vmul.f32 v47, v18  }
0x107: {  	v49 =	vadd.f32 v45, v19;
	v52 =	vmul.f32 v47, v22;
	v53 =	vmul.f32 v47, v26;
	v44 =	vld [tilespmem:s19+$0x80]  }
0x108: {  	v54 =	vadd.f32 v45, v23;
	v55 =	vmul.f32 v46, v16;
	v56 =	vmul.f32 v48, v17  }
0x109: {  	v39 =	vadd.f32 v45, v27;
	v57 =	vmul.f32 v46, v20;
	v58 =	vmul.f32 v48, v21  }
0x10a: {  	v40 =	vadd.f32 v45, v32;
	v45 =	vmul.f32 v46, v24;
	v59 =	vmul.f32 v48, v25  }
0x10b: {  	v46 =	vmul.f32 v46, v28;
	v48 =	vmul.f32 v48, v29;
	v60 =	vadd.f32 v42, v19  }
0x10c: {  	s16 =	sadd.s32 $0x2, s16;
	v63 =	vadd.f32 v42, v23;
	v61 =	vmul.f32 v41, v16;
	v62 =	vmul.f32 v44, v17  }
0x10d: {  	p0 =	slt.u32 s16, $0x7E;
	v15 =	vadd.f32 v42, v27;
	v12 =	vmul.f32 v41, v20;
	v13 =	vmul.f32 v44, v21;
	v11 =	vld [tilespmem:s19+$0x100]  }
0x10e: {  	v42 =	vadd.f32 v42, v32;
	v8 =	vmul.f32 v41, v24;
	v9 =	vmul.f32 v44, v25  }
0x10f: {  	v55 =	vadd.f32 v56, v55;
	v56 =	vadd.f32 v58, v57;
	v41 =	vmul.f32 v41, v28  }
0x110: {  	v45 =	vadd.f32 v59, v45;
	v46 =	vadd.f32 v48, v46;
	v44 =	vmul.f32 v44, v29  }
0x111: {  	v48 =	vadd.f32 v62, v61;
	v12 =	vadd.f32 v13, v12;
	v13 =	vmul.f32 v47, v30  }
0x112: {  	v8 =	vadd.f32 v9, v8;
	v9 =	vadd.f32 v44, v41;
	v47 =	vmul.f32 v11, v18  }
0x113: {  	v43 =	vadd.f32 v43, v55;
	v44 =	vadd.f32 v52, v56;
	v41 =	vmul.f32 v11, v22  }
0x114: {  	v52 =	vadd.f32 v53, v45;
	v47 =	vadd.f32 v47, v48;
	v48 =	vmul.f32 v11, v26  }
.Ltmp2:
0x115: {  	v45 =	vadd.f32 v13, v46;
	v12 =	vadd.f32 v41, v12;
	v11 =	vmul.f32 v11, v30;
	(pc) =	sbr.rel @p0 .LBB2_7-.Ltmp2, $4  }
0x116: {  	v33 =	vadd.s32 $0x20, v33;
	v13 =	vadd.f32 v47, v49;
	v47 =	vadd.f32 v48, v8  }
0x117: {  	v41 =	vadd.s32 $0x10, v33;
	v48 =	vadd.f32 v11, v9;
	v49 =	vadd.f32 v43, v60  }
0x118: {  	v43 =	vadd.f32 v44, v63;
	v44 =	vadd.f32 v52, v15;
	vm0 =	vlt.f32 v13, v51  }
0x119: {  	s17 =	sadd.s32 $0x80, s17;
	s18 =	sadd.s32 $0x20, s18;
	v46 =	vadd.f32 v12, v54;
	v51 =	vsel vm0, v13, v51;
	v50 =	vsel vm0, v33, v50  }
0x11a: {  	vm0 =	vlt.f32 v49, v51;
	v12 =	vadd.f32 v47, v39;
	v24 =	vbroadcast v7, $0x8  }
0x11b: {  	v13 =	vadd.f32 v48, v40;
	v25 =	vbroadcast v5, $0x8;
	v26 =	vbroadcast v6, $0x8  }
0x11c: {  	v27 =	vbroadcast v4, $0x8;
	v28 =	vbroadcast v7, $0x9;
	v8 =	vsel vm0, v49, v51  }
0x11d: {  	v15 =	vadd.f32 v45, v42;
	v29 =	vbroadcast v5, $0x9;
	v9 =	vperm.xlane v8, v0  }
0x11e: {  	v30 =	vbroadcast v6, $0x9;
	v32 =	vbroadcast v7, $0xA;
	v40 =	vsel vm0, v41, v50  }
0x11f: {  	vm2 =	vlt.f32 v46, v31;
	vm3 =	vlt.f32 v12, v37;
	v9 =	vmin.f32 v8, v9  }
0x120: {  	vm4 =	vlt.f32 v13, v38;
	v17 =	vsel vm2, v46, v31;
	v11 =	vperm.xlane v9, v1  }
0x121: {  	v46 =	vsel vm2, v33, v34;
	v31 =	vbroadcast v4, $0x9;
	v34 =	vbroadcast v6, $0xA  }
0x122: {  	v12 =	vsel vm3, v12, v37;
	v13 =	vsel vm4, v13, v38;
	v9 =	vmin.f32 v9, v11  }
0x123: {  	vm5 =	vlt.f32 v43, v17;
	v21 =	vsel vm3, v33, v35;
	v16 =	vperm.xlane v9, v2  }
0x124: {  	v22 =	vsel vm4, v33, v36;
	v33 =	vbroadcast v5, $0xA;
	v35 =	vbroadcast v4, $0xA  }
0x125: {  	s16 =	simm.s32 $0x0;
	v36 =	vbroadcast v7, $0xB;
	v37 =	vbroadcast v5, $0xB;
	v9 =	vmin.f32 v9, v16  }
0x126: {  	s17 =	sand.u32 $0x60, s16;
	s18 =	sand.u32 $0x1E00, s16;
	v38 =	vbroadcast v6, $0xB;
	vm11 =	vlt.f32 v44, v12;
	v16 =	vperm.xlane v9, v3  }
0x127: {  	s18 =	sadd.s32 $0x2200, s18;
	s20 =	sor.u32 $0x10, s17;
	vm1 =	vlt.f32 v15, v13;
	v17 =	vsel vm5, v43, v17;
	v12 =	vsel vm11, v44, v12  }
0x128: {  	s31 =	sor.u32 s20, s18;
	v13 =	vsel vm1, v15, v13;
	v45 =	vperm.xlane v12, v0;
	v9 =	vmin.f32 v9, v16  }
0x129: {  	v63 =	vld [tilespmem:s31+$0x0];
	v15 =	vsel vm5, v41, v46;
	vm6 =	veq.f32 v8, v9;
	v8 =	vperm.xlane v17, v0  }
0x12a: {  	v50 =	vsel vm11, v41, v21;
	v47 =	vperm.xlane v13, v0;
	v9 =	vmin.f32 v12, v45  }
0x12b: {  	v51 =	vsel vm1, v41, v22;
	v20 =	vperm.xlane v9, v1;
	v8 =	vmin.f32 v17, v8  }
0x12c: {  	v16 =	vmin.f32 v13, v47;
	v11 =	vnsel vm6, $0x800, v40;
	v19 =	vperm.xlane v8, v1  }
0x12d: {  	v23 =	vperm.xlane v16, v1;
	v18 =	vperm.xlane v11, v0;
	v9 =	vmin.f32 v9, v20  }
0x12e: {  	v22 =	vmul.f32 v63, v28;
	v20 =	vperm.xlane v9, v2;
	v8 =	vmin.f32 v8, v19  }
0x12f: {  	v16 =	vmin.f32 v16, v23;
	vm12 =	vlt.s32 v11, v18;
	v19 =	vperm.xlane v8, v2  }
0x130: {  	v48 =	vperm.xlane v16, v2;
	v11 =	vsel vm12, v11, v18;
	v9 =	vmin.f32 v9, v20  }
0x131: {  	v49 =	vperm.xlane v11, v1;
	v20 =	vperm.xlane v9, v3;
	v8 =	vmin.f32 v8, v19  }
0x132: {  	v40 =	vbroadcast v4, $0xB;
	v16 =	vmin.f32 v16, v48;
	v19 =	vperm.xlane v8, v3  }
0x133: {  	v18 =	vld [tilespmem:s31+$0x80];
	v52 =	vperm.xlane v16, v3;
	vm13 =	vlt.s32 v11, v49;
	v9 =	vmin.f32 v9, v20  }
0x134: {  	v11 =	vsel vm13, v11, v49;
	v20 =	vmul.f32 v63, v24;
	v8 =	vmin.f32 v8, v19  }
0x135: {  	vm15 =	veq.f32 v12, v9;
	v57 =	vperm.xlane v11, v2;
	vm14 =	veq.f32 v17, v8  }
0x136: {  	v12 =	vnsel vm15, $0x800, v50;
	v8 =	vmin.f32 v16, v52;
	v53 =	vnsel vm14, $0x800, v15  }
0x137: {  	v54 =	vperm.xlane v12, v0;
	vm4 =	veq.f32 v13, v8;
	v8 =	vperm.xlane v53, v0  }
0x138: {  	v21 =	vmul.f32 v18, v25;
	v23 =	vmul.f32 v18, v37  }
0x139: {  	v55 =	vnsel vm4, $0x800, v51;
	vm6 =	vlt.s32 v12, v54;
	vm5 =	vlt.s32 v53, v8  }
0x13a: {  	s17 =	sor.u32 s17, s18;
	v56 =	vperm.xlane v55, v0;
	v58 =	vsel vm6, v12, v54;
	v8 =	vsel vm5, v53, v8  }
0x13b: {  	v42 =	vld [tilespmem:s17+$0x80];
	v13 =	vperm.xlane v58, v1;
	v59 =	vperm.xlane v8, v1  }
0x13c: {  	vm8 =	vlt.s32 v11, v57;
	v52 =	vmul.f32 v18, v29;
	vm7 =	vlt.s32 v55, v56  }
0x13d: {  	v15 =	vsel vm7, v55, v56;
	vm10 =	vlt.s32 v58, v13;
	vm9 =	vlt.s32 v8, v59  }
0x13e: {  	v16 =	vperm.xlane v15, v1;
	v9 =	vsel vm10, v58, v13;
	v8 =	vsel vm9, v8, v59  }
0x13f: {  	s16 =	sand.u32 $0x780, s16;
	v46 =	vadd.f32 v21, v20;
	v13 =	vperm.xlane v9, v2;
	v12 =	vperm.xlane v8, v2  }
0x140: {  	s16 =	sor.u32 s20, s16;
	v21 =	vmul.f32 v42, v37;
	v10 =	vsel vm8, v11, v57;
	vm11 =	vlt.s32 v15, v16  }
0x141: {  	v19 =	vld [tilespmem:s16+$0x4400];
	v15 =	vsel vm11, v15, v16;
	vm13 =	vlt.s32 v9, v13;
	vm12 =	vlt.s32 v8, v12  }
0x142: {  	[tilespmem:$0x1FF00] =	vst v10;
	v60 =	vperm.xlane v15, v2;
	v61 =	vsel vm12, v8, v12;
	v8 =	vsel vm13, v9, v13  }
0x143: {  	v39 =	vimm.f32 $3.000000010e+38;
	v57 =	vmul.f32 v42, v25;
	v9 =	vld [tilespmem:s31+$0x100];
	[tilespmem:$0x1FF40] =	vst v8;
	v8 =	vperm.xlane v8, v3  }
0x144: {  	v10 =	vperm.xlane v10, v3;
	v53 =	vmul.f32 v63, v32;
	vm14 =	vlt.s32 v15, v60;
	[tilespmem:$0x1FF20] =	vst v61  }
0x145: {  	v55 =	vmul.f32 v18, v33;
	v62 =	vperm.xlane v61, v3;
	[tilespmem:$0x1FF50] =	vst v8;
	v8 =	vsel vm14, v15, v60  }
0x146: {  	v50 =	vadd.f32 v19, v40;
	v18 =	vmul.f32 v42, v33;
	[tilespmem:$0x1FF60] =	vst v8;
	v8 =	vperm.xlane v8, v3  }
0x147: {  	s19 =	simm.s32 $0x0;
	v58 =	vadd.f32 v19, v31;
	v12 =	vadd.f32 v19, v27;
	v61 =	vmul.f32 v42, v29;
	[tilespmem:$0x1FF30] =	vst v62;
	v15 =	vld [tilespmem:s17+$0x0]  }
0x148: {  	v62 =	vadd.f32 v19, v35;
	v19 =	vadd.f32 v52, v22;
	v43 =	vmul.f32 v9, v30;
	[tilespmem:$0x1FF70] =	vst v8;
	v8 =	vld [tilespmem:s19+$0x4400]  }
0x149: {  	v20 =	vadd.f32 v55, v53;
	v41 =	vmul.f32 v9, v26;
	v44 =	vmul.f32 v9, v34  }
0x14a: {  	v42 =	vimm.s32 $0x0;
	v9 =	vmul.f32 v9, v38;
	v43 =	vadd.f32 v43, v19  }
0x14b: {  	v59 =	vld [tilespmem:s17+$0x100];
	v46 =	vadd.f32 v41, v46;
	v44 =	vadd.f32 v44, v20;
	v41 =	vlaneseq.u32  }
0x14c: {  	v56 =	vmul.f32 v15, v24;
	v60 =	vmul.f32 v15, v28;
	v51 =	vadd.f32 v43, v58  }
0x14d: {  	v49 =	vadd.s32 $0x10, v41;
	v45 =	vadd.f32 v8, v27;
	v54 =	vadd.f32 v8, v31  }
0x14e: {  	v47 =	vadd.f32 v8, v35;
	v48 =	vadd.f32 v8, v40;
	v8 =	vmul.f32 v63, v36  }
0x14f: {  	v52 =	vadd.f32 v44, v62;
	v22 =	vadd.f32 v57, v56;
	v63 =	vmul.f32 v15, v32  }
0x150: {  	v56 =	vmul.f32 v59, v26;
	v15 =	vmul.f32 v15, v36;
	v8 =	vadd.f32 v23, v8  }
0x151: {  	v57 =	vmul.f32 v59, v30;
	v23 =	vadd.f32 v61, v60;
	v13 =	vadd.f32 v18, v63  }
0x152: {  	v11 =	vadd.f32 v21, v15;
	v60 =	vadd.f32 v56, v22;
	v61 =	vmul.f32 v59, v34  }
0x153: {  	v63 =	vmul.f32 v59, v38;
	v15 =	vadd.f32 v57, v23;
	v53 =	vadd.f32 v9, v8  }
0x154: {  	v43 =	vimm.s32 $0x0;
	v8 =	vadd.f32 v60, v45;
	v55 =	vadd.f32 v61, v13  }
0x155: {  	v44 =	vimm.s32 $0x0;
	v56 =	vadd.f32 v63, v11;
	v57 =	vadd.f32 v46, v12  }
0x156: {  	v45 =	vimm.f32 $3.000000010e+38;
	v46 =	vimm.f32 $3.000000010e+38;
	vm15 =	vlt.f32 v8, v39  }
0x157: {  	s18 =	simm.s32 $0x20;
	s16 =	simm.s32 $0x0;
	[tilespmem:$0x1FF10] =	vst v10;
	s17 =	simm.s32 $0x80;
	v54 =	vadd.f32 v15, v54;
	v59 =	vsel vm15, v8, v39;
	v58 =	vsel vm15, v41, v42  }
.LBB2_9:
0x158: {  	s19 =	sand.u32 $0x60, s18;
	s20 =	sand.u32 $0x1E00, s17;
	v8 =	vadd.f32 v55, v47;
	v9 =	vadd.f32 v56, v48;
	vm0 =	vlt.f32 v57, v59  }
0x159: {  	s21 =	sshra.s32 s17, $0x2;
	v13 =	vadd.f32 v53, v50;
	s20 =	sadd.s32 $0x2200, s20;
	s22 =	sor.u32 $0x10, s19;
	v11 =	vsel vm0, v57, v59;
	v12 =	vsel vm0, v49, v58  }
0x15a: {  	vm0 =	vlt.f32 v54, v39;
	v15 =	vld [tilespmem:s21+$0x4400];
	s21 =	sor.u32 s22, s20;
	vm1 =	vlt.f32 v8, v45;
	vm2 =	vlt.f32 v9, v46  }
0x15b: {  	v39 =	vsel vm0, v54, v39;
	v53 =	vld [tilespmem:s21+$0x100];
	v8 =	vsel vm1, v8, v45;
	v9 =	vsel vm2, v9, v46  }
0x15c: {  	vm3 =	vlt.f32 v51, v39;
	v50 =	vld [tilespmem:s21+$0x0];
	vm4 =	vlt.f32 v52, v8;
	vm5 =	vlt.f32 v13, v9  }
0x15d: {  	v39 =	vsel vm3, v51, v39;
	v54 =	vld [tilespmem:s21+$0x80];
	s21 =	sand.u32 $0x780, s18;
	v45 =	vsel vm4, v52, v8;
	v46 =	vsel vm5, v13, v9  }
0x15e: {  	v8 =	vsel vm0, v41, v42;
	v9 =	vsel vm1, v41, v43;
	v13 =	vsel vm2, v41, v44;
	s21 =	sor.u32 s22, s21  }
0x15f: {  	s19 =	sor.u32 s19, s20;
	v42 =	vsel vm3, v49, v8;
	v43 =	vsel vm4, v49, v9;
	v44 =	vsel vm5, v49, v13;
	v51 =	vld [tilespmem:s21+$0x4400]  }
0x160: {  	v8 =	vld [tilespmem:s19+$0x0];
	v9 =	vmul.f32 v53, v26  }
0x161: {  	v49 =	vadd.f32 v15, v27;
	v52 =	vmul.f32 v53, v30;
	v55 =	vmul.f32 v53, v34;
	v13 =	vld [tilespmem:s19+$0x80]  }
0x162: {  	v60 =	vadd.f32 v15, v31;
	v56 =	vmul.f32 v50, v24;
	v57 =	vmul.f32 v54, v25  }
0x163: {  	v47 =	vadd.f32 v15, v35;
	v58 =	vmul.f32 v50, v28;
	v59 =	vmul.f32 v54, v29  }
0x164: {  	v48 =	vadd.f32 v15, v40;
	v15 =	vmul.f32 v50, v32;
	v61 =	vmul.f32 v54, v33  }
0x165: {  	v63 =	vmul.f32 v50, v36;
	v54 =	vmul.f32 v54, v37;
	v62 =	vadd.f32 v51, v27  }
0x166: {  	s16 =	sadd.s32 $0x2, s16;
	v18 =	vadd.f32 v51, v31;
	v10 =	vmul.f32 v8, v24;
	v14 =	vmul.f32 v13, v25  }
0x167: {  	p0 =	slt.u32 s16, $0x7E;
	v16 =	vadd.f32 v51, v35;
	v22 =	vmul.f32 v8, v28;
	v23 =	vmul.f32 v13, v29;
	v19 =	vld [tilespmem:s19+$0x100]  }
0x168: {  	v50 =	vadd.f32 v51, v40;
	v17 =	vmul.f32 v8, v32;
	v20 =	vmul.f32 v13, v33  }
0x169: {  	v51 =	vadd.f32 v57, v56;
	v56 =	vadd.f32 v59, v58;
	v8 =	vmul.f32 v8, v36  }
0x16a: {  	v15 =	vadd.f32 v61, v15;
	v54 =	vadd.f32 v54, v63;
	v13 =	vmul.f32 v13, v37  }
0x16b: {  	v10 =	vadd.f32 v14, v10;
	v14 =	vadd.f32 v23, v22;
	v22 =	vmul.f32 v53, v38  }
0x16c: {  	v17 =	vadd.f32 v20, v17;
	v8 =	vadd.f32 v13, v8;
	v23 =	vmul.f32 v19, v26  }
0x16d: {  	v9 =	vadd.f32 v9, v51;
	v20 =	vadd.f32 v52, v56;
	v13 =	vmul.f32 v19, v30  }
0x16e: {  	v15 =	vadd.f32 v55, v15;
	v10 =	vadd.f32 v23, v10;
	v23 =	vmul.f32 v19, v34  }
.Ltmp3:
0x16f: {  	v53 =	vadd.f32 v22, v54;
	v13 =	vadd.f32 v13, v14;
	v14 =	vmul.f32 v19, v38;
	(pc) =	sbr.rel @p0 .LBB2_9-.Ltmp3, $4  }
0x170: {  	v41 =	vadd.s32 $0x20, v41;
	v10 =	vadd.f32 v10, v49;
	v55 =	vadd.f32 v23, v17  }
0x171: {  	v57 =	vadd.f32 v9, v62;
	v56 =	vadd.f32 v14, v8;
	v49 =	vadd.s32 $0x10, v41  }
0x172: {  	v52 =	vadd.f32 v15, v16;
	v51 =	vadd.f32 v20, v18;
	vm0 =	vlt.f32 v10, v11  }
0x173: {  	s17 =	sadd.s32 $0x80, s17;
	s18 =	sadd.s32 $0x20, s18;
	v54 =	vadd.f32 v13, v60;
	v59 =	vsel vm0, v10, v11;
	v58 =	vsel vm0, v41, v12  }
0x174: {  	vm0 =	vlt.f32 v57, v59  }
0x175: {  	v11 =	vadd.f32 v55, v47;
	v12 =	vadd.f32 v56, v48;
	v32 =	vbroadcast v7, $0xC  }
0x176: {  	v13 =	vadd.f32 v53, v50;
	v33 =	vbroadcast v5, $0xC;
	v34 =	vbroadcast v6, $0xC  }
0x177: {  	v35 =	vbroadcast v4, $0xC;
	v36 =	vbroadcast v7, $0xD;
	v8 =	vsel vm0, v57, v59  }
0x178: {  	v37 =	vbroadcast v5, $0xD;
	v38 =	vsel vm0, v49, v58;
	v9 =	vperm.xlane v8, v0  }
0x179: {  	vm2 =	vlt.f32 v54, v39;
	vm3 =	vlt.f32 v11, v45;
	vm4 =	vlt.f32 v12, v46  }
0x17a: {  	v15 =	vsel vm2, v54, v39;
	v39 =	vbroadcast v4, $0xD;
	v9 =	vmin.f32 v8, v9  }
0x17b: {  	v11 =	vsel vm3, v11, v45;
	v12 =	vsel vm4, v12, v46;
	v10 =	vperm.xlane v9, v1  }
0x17c: {  	s16 =	simm.s32 $0x0;
	v45 =	vsel vm2, v41, v42;
	v19 =	vsel vm3, v41, v43;
	v20 =	vsel vm4, v41, v44  }
0x17d: {  	s17 =	sand.u32 $0x60, s16;
	s18 =	sand.u32 $0x1E00, s16;
	v41 =	vbroadcast v5, $0xE;
	v42 =	vbroadcast v6, $0xE;
	v9 =	vmin.f32 v9, v10  }
0x17e: {  	s18 =	sadd.s32 $0x2200, s18;
	s20 =	sor.u32 $0x10, s17;
	vm5 =	vlt.f32 v51, v15;
	v43 =	vbroadcast v4, $0xE;
	v14 =	vperm.xlane v9, v2  }
0x17f: {  	s31 =	sor.u32 s20, s18;
	v5 =	vbroadcast v5, $0xF;
	v4 =	vbroadcast v4, $0xF;
	v44 =	vimm.f32 $3.000000010e+38  }
0x180: {  	vm11 =	vlt.f32 v52, v11;
	vm1 =	vlt.f32 v13, v12;
	v62 =	vld [tilespmem:s31+$0x0];
	v9 =	vmin.f32 v9, v14  }
0x181: {  	v15 =	vsel vm5, v51, v15;
	v63 =	vld [tilespmem:s31+$0x80];
	v11 =	vsel vm11, v52, v11;
	v14 =	vperm.xlane v9, v3  }
0x182: {  	v12 =	vsel vm1, v13, v12;
	v13 =	vsel vm5, v49, v45;
	v50 =	vsel vm11, v49, v19  }
0x183: {  	v51 =	vsel vm1, v49, v20;
	v40 =	vperm.xlane v11, v0;
	v9 =	vmin.f32 v9, v14  }
0x184: {  	v45 =	vlaneseq.u32;
	vm6 =	veq.f32 v8, v9;
	v8 =	vperm.xlane v15, v0  }
0x185: {  	v46 =	vperm.xlane v12, v0;
	v19 =	vmul.f32 v62, v32;
	v9 =	vmin.f32 v11, v40  }
0x186: {  	v20 =	vmul.f32 v63, v33;
	v18 =	vperm.xlane v9, v1;
	v8 =	vmin.f32 v15, v8  }
0x187: {  	v23 =	vmul.f32 v62, v36;
	v14 =	vmin.f32 v12, v46;
	v17 =	vperm.xlane v8, v1  }
0x188: {  	v21 =	vmul.f32 v63, v37;
	v22 =	vperm.xlane v14, v1;
	v9 =	vmin.f32 v9, v18  }
0x189: {  	v40 =	vbroadcast v7, $0xE;
	v18 =	vperm.xlane v9, v2;
	v8 =	vmin.f32 v8, v17  }
0x18a: {  	v7 =	vbroadcast v7, $0xF;
	v14 =	vmin.f32 v14, v22;
	v17 =	vperm.xlane v8, v2  }
0x18b: {  	v10 =	vnsel vm6, $0x800, v38;
	v47 =	vperm.xlane v14, v2;
	v9 =	vmin.f32 v9, v18  }
0x18c: {  	v38 =	vbroadcast v6, $0xD;
	v18 =	vperm.xlane v9, v3;
	v8 =	vmin.f32 v8, v17  }
0x18d: {  	v6 =	vbroadcast v6, $0xF;
	v14 =	vmin.f32 v14, v47;
	v17 =	vperm.xlane v8, v3  }
0x18e: {  	v16 =	vperm.xlane v10, v0;
	v52 =	vperm.xlane v14, v3;
	v9 =	vmin.f32 v9, v18  }
0x18f: {  	v46 =	vmul.f32 v62, v40;
	vm15 =	veq.f32 v11, v9;
	v8 =	vmin.f32 v8, v17  }
0x190: {  	v11 =	vnsel vm15, $0x800, v50;
	vm14 =	veq.f32 v15, v8;
	v8 =	vmin.f32 v14, v52  }
0x191: {  	v54 =	vperm.xlane v11, v0;
	v53 =	vnsel vm14, $0x800, v13;
	vm4 =	veq.f32 v12, v8  }
0x192: {  	vm12 =	vlt.s32 v10, v16;
	v8 =	vperm.xlane v53, v0;
	v55 =	vnsel vm4, $0x800, v51  }
0x193: {  	v10 =	vsel vm12, v10, v16;
	vm6 =	vlt.s32 v11, v54;
	v56 =	vperm.xlane v55, v0  }
0x194: {  	v48 =	vperm.xlane v10, v1;
	v58 =	vsel vm6, v11, v54;
	vm5 =	vlt.s32 v53, v8  }
0x195: {  	v12 =	vperm.xlane v58, v1;
	v8 =	vsel vm5, v53, v8;
	vm7 =	vlt.s32 v55, v56  }
0x196: {  	vm13 =	vlt.s32 v10, v48;
	v59 =	vperm.xlane v8, v1;
	v13 =	vsel vm7, v55, v56  }
0x197: {  	v10 =	vsel vm13, v10, v48;
	vm10 =	vlt.s32 v58, v12;
	v14 =	vperm.xlane v13, v1  }
0x198: {  	s17 =	sor.u32 s17, s18;
	v57 =	vperm.xlane v10, v2;
	v9 =	vsel vm10, v58, v12;
	vm9 =	vlt.s32 v8, v59  }
0x199: {  	v52 =	vld [tilespmem:s17+$0x100];
	v12 =	vperm.xlane v9, v2;
	v8 =	vsel vm9, v8, v59;
	vm11 =	vlt.s32 v13, v14  }
0x19a: {  	vm8 =	vlt.s32 v10, v57;
	v11 =	vperm.xlane v8, v2;
	v13 =	vsel vm11, v13, v14  }
0x19b: {  	s16 =	sand.u32 $0x780, s16;
	v15 =	vld [tilespmem:s17+$0x80];
	v28 =	vsel vm8, v10, v57;
	vm13 =	vlt.s32 v9, v12;
	v60 =	vperm.xlane v13, v2  }
0x19c: {  	s16 =	sor.u32 s20, s16;
	v61 =	vperm.xlane v28, v3;
	v26 =	vsel vm13, v9, v12;
	v9 =	vld [tilespmem:s31+$0x100];
	vm12 =	vlt.s32 v8, v11  }
0x19d: {  	v12 =	vld [tilespmem:s16+$0x4400];
	v29 =	vsel vm12, v8, v11;
	vm14 =	vlt.s32 v13, v60;
	v8 =	vperm.xlane v26, v3  }
0x19e: {  	[tilespmem:$0x1FED0] =	vst v61;
	v61 =	vmul.f32 v63, v5;
	v49 =	vmul.f32 v52, v42;
	v24 =	vsel vm14, v13, v60  }
0x19f: {  	v59 =	vadd.f32 v21, v23;
	v21 =	vmul.f32 v52, v34;
	[tilespmem:$0x1FEE0] =	vst v8;
	v8 =	vperm.xlane v24, v3  }
0x1a0: {  	s19 =	simm.s32 $0x0;
	v19 =	vadd.f32 v20, v19;
	v31 =	vperm.xlane v29, v3;
	v13 =	vld [tilespmem:s17+$0x0];
	v60 =	vmul.f32 v63, v41  }
0x1a1: {  	v47 =	vimm.s32 $0x0;
	v63 =	vmul.f32 v15, v37;
	v14 =	vmul.f32 v9, v34;
	[tilespmem:$0x1FEF0] =	vst v8;
	v8 =	vld [tilespmem:s19+$0x4400]  }
0x1a2: {  	v16 =	vmul.f32 v9, v38;
	v11 =	vadd.f32 v12, v35;
	v51 =	vadd.f32 v12, v39  }
0x1a3: {  	v17 =	vmul.f32 v9, v42;
	v58 =	vadd.f32 v12, v43;
	v60 =	vadd.f32 v60, v46  }
0x1a4: {  	v54 =	vadd.f32 v12, v4;
	v12 =	vmul.f32 v15, v41;
	v14 =	vadd.f32 v14, v19  }
0x1a5: {  	v16 =	vadd.f32 v16, v59;
	v17 =	vadd.f32 v17, v60;
	v48 =	vmul.f32 v13, v32  }
0x1a6: {  	v55 =	vmul.f32 v13, v36;
	v59 =	vadd.f32 v14, v11;
	v18 =	vadd.f32 v8, v35  }
0x1a7: {  	v57 =	vmul.f32 v13, v40;
	v22 =	vadd.f32 v8, v39;
	v50 =	vadd.f32 v8, v43  }
0x1a8: {  	v53 =	vadd.f32 v8, v4;
	v8 =	vmul.f32 v62, v7;
	v62 =	vmul.f32 v15, v33  }
0x1a9: {  	v9 =	vmul.f32 v9, v6;
	v56 =	vadd.f32 v17, v58;
	v63 =	vadd.f32 v63, v55  }
0x1aa: {  	v13 =	vmul.f32 v13, v7;
	v12 =	vadd.f32 v12, v57;
	v62 =	vadd.f32 v62, v48  }
0x1ab: {  	v8 =	vadd.f32 v61, v8;
	v61 =	vmul.f32 v15, v5;
	v48 =	vmul.f32 v52, v38  }
0x1ac: {  	v46 =	vimm.s32 $0x0;
	v60 =	vadd.f32 v49, v12;
	v15 =	vadd.f32 v21, v62  }
0x1ad: {  	v55 =	vmul.f32 v52, v6;
	v10 =	vadd.f32 v61, v13;
	v13 =	vadd.f32 v48, v63  }
0x1ae: {  	v49 =	vimm.f32 $3.000000010e+38;
	v57 =	vadd.f32 v9, v8;
	v8 =	vadd.f32 v15, v18  }
0x1af: {  	v52 =	vadd.s32 $0x10, v45;
	v48 =	vimm.s32 $0x0;
	v61 =	vadd.f32 v55, v10  }
0x1b0: {  	v55 =	vadd.f32 v16, v51;
	v58 =	vadd.f32 v13, v22;
	vm15 =	vlt.f32 v8, v44  }
0x1b1: {  	s18 =	simm.s32 $0x20;
	s16 =	simm.s32 $0x0;
	s17 =	simm.s32 $0x80;
	v51 =	vimm.f32 $3.000000010e+38;
	v62 =	vsel vm15, v8, v44;
	v63 =	vsel vm15, v45, v46  }
.LBB2_11:
0x1b2: {  	s19 =	sand.u32 $0x60, s18;
	s20 =	sand.u32 $0x1E00, s17;
	v8 =	vadd.f32 v60, v50;
	v9 =	vadd.f32 v61, v53;
	vm0 =	vlt.f32 v59, v62  }
0x1b3: {  	s21 =	sshra.s32 s17, $0x2;
	v12 =	vadd.f32 v57, v54;
	s20 =	sadd.s32 $0x2200, s20;
	s22 =	sor.u32 $0x10, s19;
	v10 =	vsel vm0, v59, v62;
	v11 =	vsel vm0, v52, v63  }
0x1b4: {  	vm0 =	vlt.f32 v58, v44;
	v13 =	vld [tilespmem:s21+$0x4400];
	s21 =	sor.u32 s22, s20;
	vm1 =	vlt.f32 v8, v49;
	vm2 =	vlt.f32 v9, v51  }
0x1b5: {  	v15 =	vsel vm0, v58, v44;
	v14 =	vld [tilespmem:s21+$0x100];
	v8 =	vsel vm1, v8, v49;
	v9 =	vsel vm2, v9, v51  }
0x1b6: {  	vm3 =	vlt.f32 v55, v15;
	v16 =	vld [tilespmem:s21+$0x0];
	vm4 =	vlt.f32 v56, v8;
	vm5 =	vlt.f32 v12, v9  }
0x1b7: {  	v44 =	vsel vm3, v55, v15;
	v17 =	vld [tilespmem:s21+$0x80];
	s21 =	sand.u32 $0x780, s18;
	v49 =	vsel vm4, v56, v8;
	v51 =	vsel vm5, v12, v9  }
0x1b8: {  	v8 =	vsel vm0, v45, v46;
	v9 =	vsel vm1, v45, v48;
	v12 =	vsel vm2, v45, v47;
	s21 =	sor.u32 s22, s21  }
0x1b9: {  	s19 =	sor.u32 s19, s20;
	v46 =	vsel vm3, v52, v8;
	v48 =	vsel vm4, v52, v9;
	v47 =	vsel vm5, v52, v12;
	v15 =	vld [tilespmem:s21+$0x4400]  }
0x1ba: {  	v8 =	vld [tilespmem:s19+$0x0];
	v9 =	vmul.f32 v14, v34  }
0x1bb: {  	v18 =	vadd.f32 v13, v35;
	v19 =	vmul.f32 v14, v38;
	v20 =	vmul.f32 v14, v42;
	v12 =	vld [tilespmem:s19+$0x80]  }
0x1bc: {  	v22 =	vadd.f32 v13, v39;
	v23 =	vmul.f32 v16, v32;
	v52 =	vmul.f32 v17, v33  }
0x1bd: {  	v50 =	vadd.f32 v13, v43;
	v55 =	vmul.f32 v16, v36;
	v56 =	vmul.f32 v17, v37  }
0x1be: {  	v53 =	vadd.f32 v13, v4;
	v13 =	vmul.f32 v16, v40;
	v57 =	vmul.f32 v17, v41  }
0x1bf: {  	v16 =	vmul.f32 v16, v7;
	v17 =	vmul.f32 v17, v5;
	v58 =	vadd.f32 v15, v35  }
0x1c0: {  	s16 =	sadd.s32 $0x2, s16;
	v62 =	vadd.f32 v15, v39;
	v59 =	vmul.f32 v8, v32;
	v60 =	vmul.f32 v12, v33  }
0x1c1: {  	p0 =	slt.u32 s16, $0x7E;
	v25 =	vadd.f32 v15, v43;
	v63 =	vmul.f32 v8, v36;
	v21 =	vmul.f32 v12, v37;
	v61 =	vld [tilespmem:s19+$0x100]  }
0x1c2: {  	v54 =	vadd.f32 v15, v4;
	v27 =	vmul.f32 v8, v40;
	v30 =	vmul.f32 v12, v41  }
0x1c3: {  	v15 =	vadd.f32 v52, v23;
	v23 =	vadd.f32 v56, v55;
	v8 =	vmul.f32 v8, v7  }
0x1c4: {  	v13 =	vadd.f32 v57, v13;
	v16 =	vadd.f32 v17, v16;
	v12 =	vmul.f32 v12, v5  }
0x1c5: {  	v14 =	vmul.f32 v14, v6;
	v17 =	vadd.f32 v60, v59;
	v21 =	vadd.f32 v21, v63  }
0x1c6: {  	v27 =	vadd.f32 v30, v27;
	v8 =	vadd.f32 v12, v8;
	v52 =	vmul.f32 v61, v34  }
0x1c7: {  	v9 =	vadd.f32 v9, v15;
	v15 =	vadd.f32 v19, v23;
	v12 =	vmul.f32 v61, v38  }
0x1c8: {  	v13 =	vadd.f32 v20, v13;
	v19 =	vmul.f32 v61, v42;
	v17 =	vadd.f32 v52, v17  }
.Ltmp4:
0x1c9: {  	v57 =	vadd.f32 v14, v16;
	v20 =	vmul.f32 v61, v6;
	v12 =	vadd.f32 v12, v21;
	(pc) =	sbr.rel @p0 .LBB2_11-.Ltmp4, $4  }
0x1ca: {  	v45 =	vadd.s32 $0x20, v45;
	v60 =	vadd.f32 v19, v27;
	v14 =	vadd.f32 v17, v18  }
0x1cb: {  	v59 =	vadd.f32 v9, v58;
	v61 =	vadd.f32 v20, v8;
	v52 =	vadd.s32 $0x10, v45  }
0x1cc: {  	v55 =	vadd.f32 v15, v62;
	v56 =	vadd.f32 v13, v25;
	vm0 =	vlt.f32 v14, v10  }
0x1cd: {  	s17 =	sadd.s32 $0x80, s17;
	s18 =	sadd.s32 $0x20, s18;
	v58 =	vadd.f32 v12, v22;
	v62 =	vsel vm0, v14, v10;
	v63 =	vsel vm0, v45, v11  }
0x1ce: {  	v11 =	vld [tilespmem:$0x1FF80]  }
0x1cf: {  	v12 =	vld [tilespmem:$0x1FF90]  }
0x1d0: {  	v13 =	vld [tilespmem:$0x1FFA0]  }
0x1d1: {  	v14 =	vld [tilespmem:$0x1FFB0]  }
0x1d2: {  	v17 =	vld [tilespmem:$0x1FFC0]  }
0x1d3: {  	v18 =	vld [tilespmem:$0x1FFD0]  }
0x1d4: {  	v19 =	vld [tilespmem:$0x1FFE0]  }
0x1d5: {  	vm0 =	vlt.f32 v59, v62;
	v4 =	vadd.f32 v60, v50;
	v5 =	vadd.f32 v61, v53;
	v15 =	vld [tilespmem:$0x1FFF0]  }
0x1d6: {  	v8 =	vadd.f32 v57, v54;
	vm9 =	vmmov $0x1;
	vm11 =	vmmov $0x3;
	v21 =	vld [tilespmem:$0x1FF00]  }
0x1d7: {  	vm13 =	vmmov $0x7;
	v22 =	vld [tilespmem:$0x1FF10];
	vm15 =	vmmov $0xf;
	v6 =	vsel vm0, v59, v62  }
0x1d8: {  	v25 =	vld [tilespmem:$0x1FF20];
	v7 =	vsel vm0, v52, v63;
	vm1 =	vlt.f32 v58, v44;
	vm2 =	vlt.f32 v4, v49  }
0x1d9: {  	v27 =	vld [tilespmem:$0x1FF30];
	vm3 =	vlt.f32 v5, v51;
	v9 =	vsel vm1, v58, v44;
	v61 =	vsel vm1, v45, v46  }
0x1da: {  	v30 =	vld [tilespmem:$0x1FF40];
	v23 =	vperm.xlane v6, v0;
	v4 =	vsel vm2, v4, v49;
	v5 =	vsel vm3, v5, v51  }
0x1db: {  	v16 =	vld [tilespmem:$0x1FF50];
	vm4 =	vlt.f32 v55, v9;
	v10 =	vsel vm2, v45, v48;
	v63 =	vsel vm3, v45, v47  }
0x1dc: {  	vm5 =	vlt.f32 v56, v4;
	vm0 =	vlt.f32 v8, v5;
	v9 =	vsel vm4, v55, v9  }
0x1dd: {  	v4 =	vsel vm5, v56, v4;
	v5 =	vsel vm0, v8, v5;
	vm7 =	vlt.s32 v11, v12  }
0x1de: {  	v35 =	vld [tilespmem:$0x1FED0];
	vm8 =	vlt.s32 v13, v14;
	vm10 =	vlt.s32 v17, v18;
	vm12 =	vlt.s32 v19, v15  }
0x1df: {  	v8 =	vsel vm4, v52, v61;
	vm14 =	vlt.s32 v21, v22;
	v10 =	vsel vm5, v52, v10  }
0x1e0: {  	vm4 =	vlt.s32 v25, v27;
	vm5 =	vmmov $0x1f;
	vm6 =	vlt.s32 v30, v16  }
0x1e1: {  	v40 =	vperm.xlane v9, v0;
	v11 =	vsel vm7, v11, v12;
	v62 =	vsel vm8, v13, v14  }
0x1e2: {  	v12 =	vsel vm10, v17, v18;
	v20 =	vsel vm12, v19, v15;
	v14 =	vmin.f32 v6, v23  }
0x1e3: {  	v15 =	vsel vm6, v30, v16;
	vm7 =	vmmov $0x3f;
	vm10 =	vlt.s32 v28, v35  }
0x1e4: {  	v13 =	vsel vm0, v52, v63;
	vm12 =	vlt.s32 v29, v31;
	v11 =	vsel vm9, v11, v62  }
0x1e5: {  	v39 =	vld [tilespmem:$0x1FEE0];
	v43 =	vperm.xlane v4, v0;
	v45 =	vperm.xlane v5, v0;
	v11 =	vsel vm11, v11, v12  }
0x1e6: {  	v33 =	vld [tilespmem:$0x1FF60];
	v32 =	vperm.xlane v14, v1;
	v12 =	vsel vm14, v21, v22;
	v11 =	vsel vm13, v11, v20  }
0x1e7: {  	v17 =	vld [tilespmem:$0x1FF70];
	vm9 =	vmmov $0x7f;
	v11 =	vsel vm15, v11, v12;
	v12 =	vsel vm4, v25, v27  }
0x1e8: {  	v19 =	vld [tilespmem:$0x1FEF0];
	v36 =	vsel vm10, v28, v35;
	v11 =	vsel vm5, v11, v12;
	v12 =	vmin.f32 v14, v32  }
0x1e9: {  	v37 =	vsel vm12, v29, v31;
	v42 =	vmin.f32 v9, v40;
	v14 =	vperm.xlane v12, v2  }
0x1ea: {  	vm11 =	vmmov $0xff;
	vm14 =	vlt.s32 v26, v39;
	v44 =	vperm.xlane v42, v1  }
0x1eb: {  	v16 =	vmin.f32 v5, v45;
	vm13 =	vmmov $0x1ff;
	v12 =	vmin.f32 v12, v14  }
0x1ec: {  	v41 =	vsel vm14, v26, v39;
	v18 =	vperm.xlane v16, v1;
	v38 =	vperm.xlane v12, v3  }
0x1ed: {  	vm4 =	vmmov $0x3ff;
	vm8 =	vlt.s32 v33, v17;
	vm5 =	vlt.s32 v24, v19  }
0x1ee: {  	v50 =	vmin.f32 v16, v18;
	v11 =	vsel vm7, v11, v15;
	v12 =	vmin.f32 v12, v38  }
0x1ef: {  	v34 =	vsel vm8, v33, v17;
	vm15 =	veq.f32 v6, v12;
	v12 =	vmin.f32 v4, v43  }
0x1f0: {  	v52 =	vperm.xlane v50, v2;
	v11 =	vsel vm9, v11, v34;
	v47 =	vperm.xlane v12, v1  }
0x1f1: {  	v53 =	vsel vm5, v24, v19;
	v11 =	vsel vm11, v11, v36;
	v6 =	vmin.f32 v42, v44  }
0x1f2: {  	v15 =	vmin.f32 v50, v52;
	v48 =	vperm.xlane v6, v2;
	v12 =	vmin.f32 v12, v47  }
0x1f3: {  	vm11 =	vmmov $0x7ff;
	v7 =	vnsel vm15, $0x800, v7;
	v49 =	vperm.xlane v12, v2  }
0x1f4: {  	v11 =	vsel vm13, v11, v37;
	v46 =	vperm.xlane v7, v0;
	v6 =	vmin.f32 v6, v48  }
0x1f5: {  	v55 =	vperm.xlane v15, v3;
	v51 =	vperm.xlane v6, v3;
	v12 =	vmin.f32 v12, v49  }
0x1f6: {  	v11 =	vsel vm4, v11, v41;
	vm6 =	vlt.s32 v7, v46;
	v14 =	vperm.xlane v12, v3  }
0x1f7: {  	v11 =	vsel vm11, v11, v53;
	v7 =	vsel vm6, v7, v46;
	v6 =	vmin.f32 v6, v51  }
0x1f8: {  	v54 =	vperm.xlane v7, v1;
	vm8 =	veq.f32 v9, v6;
	v56 =	vmin.f32 v12, v14  }
0x1f9: {  	v8 =	vnsel vm8, $0x800, v8;
	vm9 =	veq.f32 v4, v56;
	v4 =	vmin.f32 v15, v55  }
0x1fa: {  	v57 =	vperm.xlane v8, v0;
	v9 =	vnsel vm9, $0x800, v10;
	vm10 =	veq.f32 v5, v4  }
0x1fb: {  	vm11 =	vmmov $0x1fff;
	v4 =	vperm.xlane v9, v0;
	v5 =	vnsel vm10, $0x800, v13  }
0x1fc: {  	vm7 =	vlt.s32 v7, v54;
	vm1 =	vlt.s32 v8, v57;
	v59 =	vperm.xlane v5, v0  }
0x1fd: {  	v7 =	vsel vm7, v7, v54;
	v8 =	vsel vm1, v8, v57;
	vm13 =	vlt.s32 v9, v4  }
0x1fe: {  	v12 =	vperm.xlane v8, v1;
	v4 =	vsel vm13, v9, v4;
	vm14 =	vlt.s32 v5, v59  }
0x1ff: {  	v58 =	vperm.xlane v7, v2;
	v60 =	vperm.xlane v4, v1;
	v5 =	vsel vm14, v5, v59  }
0x200: {  	vm7 =	vmmov $0xfff;
	vm15 =	vlt.s32 v8, v12;
	v10 =	vperm.xlane v5, v1  }
0x201: {  	vm12 =	vlt.s32 v7, v58;
	v8 =	vsel vm15, v8, v12;
	vm4 =	vlt.s32 v4, v60  }
0x202: {  	v12 =	vperm.xlane v8, v2;
	v4 =	vsel vm4, v4, v60;
	vm6 =	vlt.s32 v5, v10  }
0x203: {  	v6 =	vsel vm12, v7, v58;
	v7 =	vperm.xlane v4, v2;
	v5 =	vsel vm6, v5, v10  }
0x204: {  	v61 =	vperm.xlane v6, v3;
	vm2 =	vlt.s32 v8, v12;
	v62 =	vperm.xlane v5, v2  }
0x205: {  	vm13 =	vmmov $0x3fff;
	v8 =	vsel vm2, v8, v12;
	vm8 =	vlt.s32 v4, v7  }
0x206: {  	v63 =	vperm.xlane v8, v3;
	v4 =	vsel vm8, v4, v7;
	vm9 =	vlt.s32 v5, v62  }
0x207: {  	s14 =	sadd.s32 $0x1, s14;
	vm5 =	vlt.s32 v6, v61;
	v7 =	vperm.xlane v4, v3;
	v5 =	vsel vm9, v5, v62  }
0x208: {  	p0 =	sne.s32 s14, $0x8;
	v6 =	vsel vm5, v6, v61;
	vm10 =	vlt.s32 v8, v63;
	v9 =	vperm.xlane v5, v3  }
.Ltmp5:
0x209: {  	v6 =	vsel vm7, v11, v6;
	v8 =	vsel vm10, v8, v63;
	vm12 =	vlt.s32 v4, v7;
	(pc) =	sbr.rel @p0 .LBB2_4-.Ltmp5, $4  }
0x20a: {  	v6 =	vsel vm11, v6, v8;
	v4 =	vsel vm12, v4, v7;
	vm14 =	vlt.s32 v5, v9  }
0x20b: {  	vm15 =	vmmov $0x7fff;
	v4 =	vsel vm13, v6, v4;
	v5 =	vsel vm14, v5, v9  }
0x20c: {  	v4 =	vsel vm15, v4, v5  }
0x20d: {  	[tilespmem:s15+$0x4C80] =	vst v4  }
0x20e: {  	s12 =	sadd.s32 $0x1, s12  }
0x20f: {  	p0 =	sne.s32 s12, s7  }
.Ltmp6:
0x210: {  	_ = 	snop;
	(pc) =	sbr.rel @p0 .LBB2_1-.Ltmp6, $4  }
0x211: {  	[hbm4b:s6+s2] =	stream.linear.scatter [tilespmem:s11], [sflag:$0x1], $0x80, $0x38;
	[tilespmem:$0x4D00] =	vst v63  }
0x212: {  	_ =	swait.ge [sflag:s3], $0x80  }
0x213: {  	[sflag:s3] =	ssyncset.done $0x0  }
0x214: {  	[sflag:s3] =	ssyncadd.s32 $0xFFFFFF80  }
0x215: {  	_ =	sfence.sel $0x180000  }
0x216: {  	[bflag:$0x0] =	sbarrier.arrive $0xFFFF  }
0x217: {  	p0 =	sne.s32 s0, $0x0;
	_ =	strace $0x90000047  }
0x218: {  	s0 =	sadd.s32 @!p0 $0x100000, s1;
	[bflag:$0x2] =	sbarrier.arrive $0xFFFF  }
0x219: {  	[sflag:s0] =	ssyncadd.tile.s32 @!p0 $0x1;
	_ =	shalt  }
.Lfunc_end2:
_tile_overlayer_lowered:
.L_overlay_start_2:
0x21a: {  	(tag) =	ssettag $0x2  }
0x21b: {  	s0 =	rddreg [dreg:$0x0];
	s2 =	stileid.u32  }
0x21c: {  	s1 =	rddreg [dreg:$0x1];
	p0 =	sne.s32 s2, $0x0  }
0x21d: {  	s3 =	rddreg [dreg:$0x2];
	[bflag:$0x3] =	sbarrier.arrive $0xFFFF;
	s2 =	simm.s32 @!p0 $0x1C01  }
0x21e: {  	[timem:s3], [sflag:s2] =	dma.local @!p0 [hbm:s0], s1  }
0x21f: {  	s0 =	simm.s32 @!p0 $0x1  }
0x220: {  	_ =	swait.ge @!p0 [sflag:s0], s1  }
0x221: {  	s1 =	ssub.s32 @!p0 $0x0, s1;
	[sflag:s0] =	ssyncset.done @!p0 $0x0  }
0x222: {  	[sflag:s0] =	ssyncadd.s32 @!p0 s1  }
0x223: {  	[bflag:$0x3] =	sbarrier.arrive $0xFFFF  }
0x224: {  	_ =	shalt  }

</sc_bundles>
